<compile_context>
chip_gen: v7x
topology: tpu7x:2x2x1
jax: 0.10.2.dev20260603
libtpu: 0.0.44.dev20260713+nightly
codegen_flags: <defaults>
</compile_context>

<pallas_src>
import functools
import jax
import jax.numpy as jnp
from jax import lax
from jax.experimental import pallas as pl
from jax.experimental.pallas import tpu as pltpu
from jax.experimental.pallas import tpu_sc as plsc

N_BINS = 15
NSTREAM = 4
BLOCK_ROWS = 2000

N_TOTAL = 1000000
SC_ROWS = 128000
NTC = N_TOTAL - SC_ROWS
SC_WORKERS = 32
SC_RPW = SC_ROWS // SC_WORKERS
SC_CH = 400


def _recip_bounds():
    lane = lax.broadcasted_iota(jnp.int32, (1, 128), 1)
    lane_f = lane.astype(jnp.float32)
    b = jnp.where(lane == 0, jnp.float32(3.0e38), 15.0 / lane_f)
    return jnp.where(lane <= N_BINS, b, jnp.float32(-1.0))



def _tc_kernel(l0, l1, l2, l3, labT_ref, out_ref, acc_ref, *, nsteps):
    i = pl.program_id(0)

    @pl.when(i == 0)
    def _init():
        acc_ref[...] = jnp.zeros_like(acc_ref)

    bounds = _recip_bounds()
    nblocks = NSTREAM * nsteps
    row = lax.broadcasted_iota(jnp.int32, (nblocks, NSTREAM), 0)
    col = lax.broadcasted_iota(jnp.int32, (nblocks, NSTREAM), 1)
    sel = (row == NSTREAM * i + col).astype(jnp.float32)
    lab4 = lax.dot_general(labT_ref[...], sel, (((1,), (0,)), ((), ())),
                           preferred_element_type=jnp.float32)

    for k, ref in enumerate((l0, l1, l2, l3)):
        x = ref[...]
        r = x.shape[0]
        m = jnp.max(x, axis=1, keepdims=True)
        e = jnp.exp(x - m)
        s = jnp.sum(e, axis=1, keepdims=True)
        conf = 1.0 / s
        pred = jnp.argmax(x, axis=1).reshape(r, 1)
        lab = lab4[:, k:k + 1]
        acc = (pred.astype(jnp.float32) == lab).astype(jnp.float32)

        gt = (s < bounds).astype(jnp.float32)
        acc_ref[0:1, :] += jnp.sum(gt, axis=0, keepdims=True)
        acc_ref[1:2, :] += jnp.sum(gt * acc, axis=0, keepdims=True)
        acc_ref[2:3, :] += jnp.sum(gt * conf, axis=0, keepdims=True)

    @pl.when(i == nsteps - 1)
    def _finish():
        out_ref[...] = acc_ref[...]


def _tc_partial(logits, labels):
    nblocks = NTC // BLOCK_ROWS
    nsteps = nblocks // NSTREAM
    c = logits.shape[1]
    labT = labels[:NTC].astype(jnp.float32).reshape(nblocks, BLOCK_ROWS).T

    return pl.pallas_call(
        functools.partial(_tc_kernel, nsteps=nsteps),
        grid=(nsteps,),
        in_specs=[
            pl.BlockSpec((BLOCK_ROWS, c), lambda i: (NSTREAM * i, 0)),
            pl.BlockSpec((BLOCK_ROWS, c), lambda i: (NSTREAM * i + 1, 0)),
            pl.BlockSpec((BLOCK_ROWS, c), lambda i: (NSTREAM * i + 2, 0)),
            pl.BlockSpec((BLOCK_ROWS, c), lambda i: (NSTREAM * i + 3, 0)),
            pl.BlockSpec((BLOCK_ROWS, nblocks), lambda i: (0, 0)),
        ],
        out_specs=pl.BlockSpec((8, 128), lambda i: (0, 0)),
        out_shape=jax.ShapeDtypeStruct((8, 128), jnp.float32),
        scratch_shapes=[pltpu.VMEM((8, 128), jnp.float32)],
    )(logits, logits, logits, logits, labT)



def _sc_body(logits_hbm, labels_hbm, out_hbm,
             xbuf0, xbuf1, lbuf0, lbuf1, bins, sem0, sem1):
    cc = lax.axis_index("c")
    ss = lax.axis_index("s")
    wid = ss * 2 + cc
    base = NTC + wid * SC_RPW

    zero16 = jnp.zeros((16,), jnp.float32)
    for j in range(3):
        bins[pl.ds(j * 16, 16)] = zero16

    lane = lax.broadcasted_iota(jnp.int32, (16,), 0)
    ones16 = jnp.ones((16,), jnp.float32)
    neg_inf = jnp.full((16,), -3.0e38, jnp.float32)

    def start_copy(t, xb, lb, sem):
        r0 = base + t * SC_CH
        pltpu.make_async_copy(logits_hbm.at[pl.ds(r0, SC_CH)], xb, sem).start()
        pltpu.make_async_copy(labels_hbm.at[pl.ds(r0, SC_CH)], lb, sem).start()

    def wait_copy(xb, lb, sem):
        pltpu.make_async_copy(logits_hbm.at[pl.ds(base, SC_CH)], xb, sem).wait()
        pltpu.make_async_copy(labels_hbm.at[pl.ds(base, SC_CH)], lb, sem).wait()

    def process(xb, lb):
        def group(g, __):
            rows16 = g * 16 + lane

            mv = [neg_inf] * 4
            pr = [jnp.full((16,), 0, jnp.int32)] * 4
            sa = [zero16] * 4
            for cidx in range(100):
                k = cidx % 4
                v = plsc.load_gather(xb, [rows16, jnp.full((16,), cidx, jnp.int32)])
                bigger = v > mv[k]
                pr[k] = jnp.where(bigger, jnp.full((16,), cidx, jnp.int32), pr[k])
                mv[k] = jnp.maximum(mv[k], v)
                sa[k] = sa[k] + jnp.exp(v)

            def merge(m0, p0, m1, p1):
                take1 = (m1 > m0) | ((m1 == m0) & (p1 < p0))
                return jnp.where(take1, m1, m0), jnp.where(take1, p1, p0)

            ma, pa = merge(mv[0], pr[0], mv[1], pr[1])
            mb, pb = merge(mv[2], pr[2], mv[3], pr[3])
            mval, prd = merge(ma, pa, mb, pb)
            sacc = (sa[0] + sa[1]) + (sa[2] + sa[3])

            conf = jnp.exp(mval) / sacc
            lab = lb[pl.ds(g * 16, 16)]
            accv = jnp.where(prd == lab, 1.0, 0.0).astype(jnp.float32)
            t15 = conf * 15.0
            ti = t15.astype(jnp.int32)
            tf = ti.astype(jnp.float32)
            b = jnp.where(tf == t15, ti - 1, ti)
            plsc.addupdate_scatter(bins, [b], ones16)
            plsc.addupdate_scatter(bins, [b + 16], accv)
            plsc.addupdate_scatter(bins, [b + 32], conf)
            return __

        lax.fori_loop(0, SC_CH // 16, group, 0)

    nchunks = SC_RPW // SC_CH
    start_copy(0, xbuf0, lbuf0, sem0)

    def pipelined(t, _):
        start_copy(2 * t + 1, xbuf1, lbuf1, sem1)
        wait_copy(xbuf0, lbuf0, sem0)
        process(xbuf0, lbuf0)

        @pl.when(t < nchunks // 2 - 1)
        def _refill():
            start_copy(2 * t + 2, xbuf0, lbuf0, sem0)

        wait_copy(xbuf1, lbuf1, sem1)
        process(xbuf1, lbuf1)
        return _

    lax.fori_loop(0, nchunks // 2, pipelined, 0)
    pltpu.sync_copy(bins, out_hbm.at[wid])


def _sc_partial(logits, labels):
    mesh = plsc.VectorSubcoreMesh(core_axis_name="c", subcore_axis_name="s")
    return pl.kernel(
        _sc_body,
        mesh=mesh,
        compiler_params=pltpu.CompilerParams(needs_layout_passes=False),
        out_type=jax.ShapeDtypeStruct((SC_WORKERS, 48), jnp.float32),
        scratch_types=[
            pltpu.VMEM((SC_CH, 100), jnp.float32),
            pltpu.VMEM((SC_CH, 100), jnp.float32),
            pltpu.VMEM((SC_CH,), jnp.int32),
            pltpu.VMEM((SC_CH,), jnp.int32),
            pltpu.VMEM((48,), jnp.float32),
            pltpu.SemaphoreType.DMA,
            pltpu.SemaphoreType.DMA,
        ],
    )(logits, labels)



def _combine_kernel(tc_ref, sc_ref, out_ref):
    cum = tc_ref[...]
    cnt = cum[0:1, 0:N_BINS] - cum[0:1, 1:N_BINS + 1]
    asum = cum[1:2, 0:N_BINS] - cum[1:2, 1:N_BINS + 1]
    csum = cum[2:3, 0:N_BINS] - cum[2:3, 1:N_BINS + 1]

    scs = jnp.sum(sc_ref[...], axis=0, keepdims=True)
    cnt = cnt + scs[0:1, 0:N_BINS]
    asum = asum + scs[0:1, 16:16 + N_BINS]
    csum = csum + scs[0:1, 32:32 + N_BINS]

    prop = cnt / jnp.float32(N_TOTAL)
    safe = jnp.maximum(cnt, 1.0)
    per_bin = jnp.where(cnt > 0.0, jnp.abs(csum / safe - asum / safe) * prop, 0.0)
    out_ref[...] = jnp.sum(per_bin).reshape(1, 1)


def _combine(tc_cum, sc_part):
    return pl.pallas_call(
        _combine_kernel,
        out_shape=jax.ShapeDtypeStruct((1, 1), jnp.float32),
    )(tc_cum, sc_part)


def kernel(logits, labels):
    sc_part = _sc_partial(logits, labels)
    tc_cum = _tc_partial(logits, labels)
    return _combine(tc_cum, sc_part).reshape(1)

# --- scband reference (transcript-rebuilt; emitter-appended) ---
"""Pipeline reference for scband-eceloss-88673894793878 (READ-ONLY COPY).

The authoritative reference and input builder live on the scoring server;
editing this copy changes nothing except your own understanding.
"""

import jax, jax.numpy as jnp
import numpy as np

N_BINS = 15

def setup_inputs(seed: int = 0) -> dict:
    key = jax.random.key(seed)
    k1, k2 = jax.random.split(key)
    logits = jax.random.normal(k1, (1000000, 100), dtype=jnp.float32)
    labels = jax.random.randint(k2, (1000000,), 0, 100, dtype=jnp.int64 if jax.config.jax_enable_x64 else jnp.int32).astype(jnp.int32)
    return {"logits": logits, "labels": labels}

def reference(logits, labels):
    softmaxes = jax.nn.softmax(logits, axis=1)
    confidences = jnp.max(softmaxes, axis=1)
    predictions = jnp.argmax(softmaxes, axis=1)
    accuracies = (predictions == labels.astype(predictions.dtype)).astype(jnp.float32)
    bin_boundaries = jnp.linspace(0.0, 1.0, N_BINS + 1)
    bin_lowers = bin_boundaries[:-1]
    bin_uppers = bin_boundaries[1:]
    # [n_bins, N] membership masks (vectorized form of the torch loop)
    in_bin = (confidences[None, :] > bin_lowers[:, None]) & (confidences[None, :] <= bin_uppers[:, None])
    in_bin_f = in_bin.astype(jnp.float32)
    n = jnp.float32(confidences.shape[0])
    cnt = in_bin_f.sum(axis=1)
    prop_in_bin = cnt / n
    safe_cnt = jnp.maximum(cnt, 1.0)
    accuracy_in_bin = (in_bin_f * accuracies[None, :]).sum(axis=1) / safe_cnt
    avg_confidence_in_bin = (in_bin_f * confidences[None, :]).sum(axis=1) / safe_cnt
    per_bin = jnp.where(prop_in_bin > 0, jnp.abs(avg_confidence_in_bin - accuracy_in_bin) * prop_in_bin, 0.0)
    ece = jnp.sum(per_bin)
    return jnp.reshape(ece, (1,))

if __name__ == "__main__":
    import jax
    _d = setup_inputs()
    print(jax.jit(kernel)(*tuple(_d.values())))

</pallas_src>

<mosaic_0001>
#map = affine_map<(d0, d1) -> (0, 0)>
#map1 = affine_map<(d0, d1) -> (0)>
module attributes {stable_mosaic.version = 14 : i64} {
  func.func @_sc_body(%arg0: i32, %arg1: i32, %arg2: memref<1000000x100xf32, #tpu.memory_space<hbm>>, %arg3: memref<1000000xi32, #tpu.memory_space<hbm>>, %arg4: memref<32x48xf32, #tpu.memory_space<hbm>>, %arg5: memref<400x100xf32, #tpu.memory_space<vmem>>, %arg6: memref<400x100xf32, #tpu.memory_space<vmem>>, %arg7: memref<400xi32, #tpu.memory_space<vmem>>, %arg8: memref<400xi32, #tpu.memory_space<vmem>>, %arg9: memref<48xf32, #tpu.memory_space<vmem>>, %arg10: memref<!tpu.dma_semaphore, #tpu.memory_space<semaphore_mem>>, %arg11: memref<!tpu.dma_semaphore, #tpu.memory_space<semaphore_mem>>) attributes {dimension_semantics = [#tpu.dimension_semantics<core_parallel>, #tpu.dimension_semantics<subcore_parallel>], iteration_bounds = array<i64: 2, 16>, scalar_prefetch = 0 : i64, scratch_operands = 7 : i64, tpu.core_type = #tpu.core_type<sc_vector_subcore>, window_params = [{transform_indices = #map}, {transform_indices = #map1}, {transform_indices = #map}]} {
    %mul3A = arith.constant 2 : i32
    %mul3A_0 = arith.muli %arg1, %mul3A : i32
    %add3A = arith.addi %mul3A_0, %arg0 : i32
    %mul3A_1 = arith.constant 4000 : i32
    %mul3A_2 = arith.muli %add3A, %mul3A_1 : i32
    %add3A_3 = arith.constant 872000 : i32
    %add3A_4 = arith.addi %add3A_3, %mul3A_2 : i32
    %broadcast_in_dim3A = arith.constant 0.000000e+00 : f32
    %broadcast_in_dim3A_5 = vector.broadcast %broadcast_in_dim3A : f32 to vector<16xf32>
    %swap3A = arith.constant 0 : index
    %swap3A_6 = tpu.vector_load %arg9[%swap3A] {strides = array<i32>} : memref<48xf32, #tpu.memory_space<vmem>>, vector<16xf32>,
    tpu.vector_store %arg9[%swap3A], %broadcast_in_dim3A_5 {strides = array<i32>} : memref<48xf32, #tpu.memory_space<vmem>>, vector<16xf32>,
    %swap3A_7 = arith.constant 16 : index
    %swap3A_8 = tpu.vector_load %arg9[%swap3A_7] {strides = array<i32>} : memref<48xf32, #tpu.memory_space<vmem>>, vector<16xf32>,
    tpu.vector_store %arg9[%swap3A_7], %broadcast_in_dim3A_5 {strides = array<i32>} : memref<48xf32, #tpu.memory_space<vmem>>, vector<16xf32>,
    %swap3A_9 = arith.constant 32 : index
    %swap3A_10 = tpu.vector_load %arg9[%swap3A_9] {strides = array<i32>} : memref<48xf32, #tpu.memory_space<vmem>>, vector<16xf32>,
    tpu.vector_store %arg9[%swap3A_9], %broadcast_in_dim3A_5 {strides = array<i32>} : memref<48xf32, #tpu.memory_space<vmem>>, vector<16xf32>,
    %iota3A = tpu.iota {dimensions = array<i32: 0>} : vector<16xi32>
    %broadcast_in_dim3A_11 = arith.constant 1.000000e+00 : f32
    %broadcast_in_dim3A_12 = vector.broadcast %broadcast_in_dim3A_11 : f32 to vector<16xf32>
    %broadcast_in_dim3A_13 = arith.constant -3.000000e+38 : f32
    %broadcast_in_dim3A_14 = vector.broadcast %broadcast_in_dim3A_13 : f32 to vector<16xf32>
    %add3A_15 = arith.constant 0 : i32
    %add3A_16 = arith.addi %add3A_4, %add3A_15 : i32
    %dma_start3A = arith.constant 0 : i32
    %dma_start3A_17 = tpu.memref_slice %arg2[%add3A_16, %dma_start3A] : memref<1000000x100xf32, #tpu.memory_space<hbm>> -> memref<400x100xf32, #tpu.memory_space<hbm>>
    %dma_start3A_18 = arith.constant 0 : i32
    %dma_start3A_19 = tpu.memref_slice %arg2[%add3A_16, %dma_start3A_18] : memref<1000000x100xf32, #tpu.memory_space<hbm>> -> memref<400x100xf32, #tpu.memory_space<hbm>>
    tpu.enqueue_dma source(%dma_start3A_19 : memref<400x100xf32, #tpu.memory_space<hbm>>) target(%arg5 : memref<400x100xf32, #tpu.memory_space<vmem>>) target_semaphore(%arg10 : memref<!tpu.dma_semaphore, #tpu.memory_space<semaphore_mem>>)
    %dma_start3A_20 = tpu.memref_slice %arg3[%add3A_16] : memref<1000000xi32, #tpu.memory_space<hbm>> -> memref<400xi32, #tpu.memory_space<hbm>>
    %dma_start3A_21 = tpu.memref_slice %arg3[%add3A_16] : memref<1000000xi32, #tpu.memory_space<hbm>> -> memref<400xi32, #tpu.memory_space<hbm>>
    tpu.enqueue_dma source(%dma_start3A_21 : memref<400xi32, #tpu.memory_space<hbm>>) target(%arg7 : memref<400xi32, #tpu.memory_space<vmem>>) target_semaphore(%arg10 : memref<!tpu.dma_semaphore, #tpu.memory_space<semaphore_mem>>)
    %scan3A = arith.constant 0 : i32
    %scan3A_22 = arith.constant 0 : i32
    %scan3A_23 = arith.constant 5 : i32
    %scan3A_24 = arith.addi %scan3A_22, %scan3A_23 : i32
    %scan3A_25 = arith.constant 1 : i32
    scf.for %scan3A_27 = %scan3A_22 to %scan3A_24 step %scan3A_25  : i32 {
      %mul3A_28 = arith.constant 2 : i32
      %mul3A_29 = arith.muli %mul3A_28, %scan3A_27 : i32
      %add3A_30 = arith.constant 1 : i32
      %add3A_31 = arith.addi %mul3A_29, %add3A_30 : i32
      %mul3A_32 = arith.constant 400 : i32
      %mul3A_33 = arith.muli %add3A_31, %mul3A_32 : i32
      %add3A_34 = arith.addi %add3A_4, %mul3A_33 : i32
      %dma_start3A_35 = arith.constant 0 : i32
      %dma_start3A_36 = tpu.memref_slice %arg2[%add3A_34, %dma_start3A_35] : memref<1000000x100xf32, #tpu.memory_space<hbm>> -> memref<400x100xf32, #tpu.memory_space<hbm>>
      %dma_start3A_37 = arith.constant 0 : i32
      %dma_start3A_38 = tpu.memref_slice %arg2[%add3A_34, %dma_start3A_37] : memref<1000000x100xf32, #tpu.memory_space<hbm>> -> memref<400x100xf32, #tpu.memory_space<hbm>>
      tpu.enqueue_dma source(%dma_start3A_38 : memref<400x100xf32, #tpu.memory_space<hbm>>) target(%arg6 : memref<400x100xf32, #tpu.memory_space<vmem>>) target_semaphore(%arg11 : memref<!tpu.dma_semaphore, #tpu.memory_space<semaphore_mem>>)
      %dma_start3A_39 = tpu.memref_slice %arg3[%add3A_34] : memref<1000000xi32, #tpu.memory_space<hbm>> -> memref<400xi32, #tpu.memory_space<hbm>>
      %dma_start3A_40 = tpu.memref_slice %arg3[%add3A_34] : memref<1000000xi32, #tpu.memory_space<hbm>> -> memref<400xi32, #tpu.memory_space<hbm>>
      tpu.enqueue_dma source(%dma_start3A_40 : memref<400xi32, #tpu.memory_space<hbm>>) target(%arg8 : memref<400xi32, #tpu.memory_space<vmem>>) target_semaphore(%arg11 : memref<!tpu.dma_semaphore, #tpu.memory_space<semaphore_mem>>)
      %dma_wait3A = arith.constant 0 : i32
      %dma_wait3A_41 = tpu.memref_slice %arg2[%add3A_4, %dma_wait3A] : memref<1000000x100xf32, #tpu.memory_space<hbm>> -> memref<400x100xf32, #tpu.memory_space<hbm>>
      %dma_wait3A_42 = arith.constant 0 : i32
      %dma_wait3A_43 = tpu.memref_slice %arg2[%add3A_4, %dma_wait3A_42] : memref<1000000x100xf32, #tpu.memory_space<hbm>> -> memref<400x100xf32, #tpu.memory_space<hbm>>
      tpu.wait_dma2 semaphore(%arg10 : memref<!tpu.dma_semaphore, #tpu.memory_space<semaphore_mem>>) src(%dma_wait3A_43 : memref<400x100xf32, #tpu.memory_space<hbm>>) dst(%arg5 : memref<400x100xf32, #tpu.memory_space<vmem>>)
      %dma_wait3A_44 = tpu.memref_slice %arg3[%add3A_4] : memref<1000000xi32, #tpu.memory_space<hbm>> -> memref<400xi32, #tpu.memory_space<hbm>>
      %dma_wait3A_45 = tpu.memref_slice %arg3[%add3A_4] : memref<1000000xi32, #tpu.memory_space<hbm>> -> memref<400xi32, #tpu.memory_space<hbm>>
      tpu.wait_dma2 semaphore(%arg10 : memref<!tpu.dma_semaphore, #tpu.memory_space<semaphore_mem>>) src(%dma_wait3A_45 : memref<400xi32, #tpu.memory_space<hbm>>) dst(%arg7 : memref<400xi32, #tpu.memory_space<vmem>>)
      %scan3A_46 = arith.constant 0 : i32
      %scan3A_47 = arith.constant 0 : i32
      %scan3A_48 = arith.constant 25 : i32
      %scan3A_49 = arith.addi %scan3A_47, %scan3A_48 : i32
      %scan3A_50 = arith.constant 1 : i32
      scf.for %scan3A_66 = %scan3A_47 to %scan3A_49 step %scan3A_50  : i32 {
        %mul3A_67 = arith.constant 16 : i32
        %mul3A_68 = arith.muli %scan3A_66, %mul3A_67 : i32
        %add3A_69 = vector.broadcast %mul3A_68 : i32 to vector<16xi32>
        %add3A_70 = arith.addi %add3A_69, %iota3A : vector<16xi32>
        %broadcast_in_dim3A_71 = arith.constant 0 : i32
        %broadcast_in_dim3A_72 = vector.broadcast %broadcast_in_dim3A_71 : i32 to vector<16xi32>
        %broadcast_in_dim3A_73 = arith.constant 0 : i32
        %broadcast_in_dim3A_74 = vector.broadcast %broadcast_in_dim3A_73 : i32 to vector<16xi32>
        %gather3A = tpu.vector_load_idx %arg5[%add3A_70, %broadcast_in_dim3A_74] : memref<400x100xf32, #tpu.memory_space<vmem>>[vector<16xi32>, vector<16xi32>], vector<16xf32>,
        %gt3A = arith.cmpf ogt, %gather3A, %broadcast_in_dim3A_14 : vector<16xf32>
        %broadcast_in_dim3A_75 = arith.constant 0 : i32
        %broadcast_in_dim3A_76 = vector.broadcast %broadcast_in_dim3A_75 : i32 to vector<16xi32>
        %select_n3A = arith.select %gt3A, %broadcast_in_dim3A_76, %broadcast_in_dim3A_72 : vector<16xi1>, vector<16xi32>
        %max3A = arith.maximumf %broadcast_in_dim3A_14, %gather3A : vector<16xf32>
        %exp3A = math.exp %gather3A : vector<16xf32>
        %add3A_77 = arith.addf %broadcast_in_dim3A_5, %exp3A : vector<16xf32>
        %broadcast_in_dim3A_78 = arith.constant 1 : i32
        %broadcast_in_dim3A_79 = vector.broadcast %broadcast_in_dim3A_78 : i32 to vector<16xi32>
        %gather3A_80 = tpu.vector_load_idx %arg5[%add3A_70, %broadcast_in_dim3A_79] : memref<400x100xf32, #tpu.memory_space<vmem>>[vector<16xi32>, vector<16xi32>], vector<16xf32>,
        %gt3A_81 = arith.cmpf ogt, %gather3A_80, %broadcast_in_dim3A_14 : vector<16xf32>
        %broadcast_in_dim3A_82 = arith.constant 1 : i32
        %broadcast_in_dim3A_83 = vector.broadcast %broadcast_in_dim3A_82 : i32 to vector<16xi32>
        %select_n3A_84 = arith.select %gt3A_81, %broadcast_in_dim3A_83, %broadcast_in_dim3A_72 : vector<16xi1>, vector<16xi32>
        %max3A_85 = arith.maximumf %broadcast_in_dim3A_14, %gather3A_80 : vector<16xf32>
        %exp3A_86 = math.exp %gather3A_80 : vector<16xf32>
        %add3A_87 = arith.addf %broadcast_in_dim3A_5, %exp3A_86 : vector<16xf32>
        %broadcast_in_dim3A_88 = arith.constant 2 : i32
        %broadcast_in_dim3A_89 = vector.broadcast %broadcast_in_dim3A_88 : i32 to vector<16xi32>
        %gather3A_90 = tpu.vector_load_idx %arg5[%add3A_70, %broadcast_in_dim3A_89] : memref<400x100xf32, #tpu.memory_space<vmem>>[vector<16xi32>, vector<16xi32>], vector<16xf32>,
        %gt3A_91 = arith.cmpf ogt, %gather3A_90, %broadcast_in_dim3A_14 : vector<16xf32>
        %broadcast_in_dim3A_92 = arith.constant 2 : i32
        %broadcast_in_dim3A_93 = vector.broadcast %broadcast_in_dim3A_92 : i32 to vector<16xi32>
        %select_n3A_94 = arith.select %gt3A_91, %broadcast_in_dim3A_93, %broadcast_in_dim3A_72 : vector<16xi1>, vector<16xi32>
        %max3A_95 = arith.maximumf %broadcast_in_dim3A_14, %gather3A_90 : vector<16xf32>
        %exp3A_96 = math.exp %gather3A_90 : vector<16xf32>
        %add3A_97 = arith.addf %broadcast_in_dim3A_5, %exp3A_96 : vector<16xf32>
        %broadcast_in_dim3A_98 = arith.constant 3 : i32
        %broadcast_in_dim3A_99 = vector.broadcast %broadcast_in_dim3A_98 : i32 to vector<16xi32>
        %gather3A_100 = tpu.vector_load_idx %arg5[%add3A_70, %broadcast_in_dim3A_99] : memref<400x100xf32, #tpu.memory_space<vmem>>[vector<16xi32>, vector<16xi32>], vector<16xf32>,
        %gt3A_101 = arith.cmpf ogt, %gather3A_100, %broadcast_in_dim3A_14 : vector<16xf32>
        %broadcast_in_dim3A_102 = arith.constant 3 : i32
        %broadcast_in_dim3A_103 = vector.broadcast %broadcast_in_dim3A_102 : i32 to vector<16xi32>
        %select_n3A_104 = arith.select %gt3A_101, %broadcast_in_dim3A_103, %broadcast_in_dim3A_72 : vector<16xi1>, vector<16xi32>
        %max3A_105 = arith.maximumf %broadcast_in_dim3A_14, %gather3A_100 : vector<16xf32>
        %exp3A_106 = math.exp %gather3A_100 : vector<16xf32>
        %add3A_107 = arith.addf %broadcast_in_dim3A_5, %exp3A_106 : vector<16xf32>
        %broadcast_in_dim3A_108 = arith.constant 4 : i32
        %broadcast_in_dim3A_109 = vector.broadcast %broadcast_in_dim3A_108 : i32 to vector<16xi32>
        %gather3A_110 = tpu.vector_load_idx %arg5[%add3A_70, %broadcast_in_dim3A_109] : memref<400x100xf32, #tpu.memory_space<vmem>>[vector<16xi32>, vector<16xi32>], vector<16xf32>,
        %gt3A_111 = arith.cmpf ogt, %gather3A_110, %max3A : vector<16xf32>
        %broadcast_in_dim3A_112 = arith.constant 4 : i32
        %broadcast_in_dim3A_113 = vector.broadcast %broadcast_in_dim3A_112 : i32 to vector<16xi32>
        %select_n3A_114 = arith.select %gt3A_111, %broadcast_in_dim3A_113, %select_n3A : vector<16xi1>, vector<16xi32>
        %max3A_115 = arith.maximumf %max3A, %gather3A_110 : vector<16xf32>
        %exp3A_116 = math.exp %gather3A_110 : vector<16xf32>
        %add3A_117 = arith.addf %add3A_77, %exp3A_116 : vector<16xf32>
        %broadcast_in_dim3A_118 = arith.constant 5 : i32
        %broadcast_in_dim3A_119 = vector.broadcast %broadcast_in_dim3A_118 : i32 to vector<16xi32>
        %gather3A_120 = tpu.vector_load_idx %arg5[%add3A_70, %broadcast_in_dim3A_119] : memref<400x100xf32, #tpu.memory_space<vmem>>[vector<16xi32>, vector<16xi32>], vector<16xf32>,
        %gt3A_121 = arith.cmpf ogt, %gather3A_120, %max3A_85 : vector<16xf32>
        %broadcast_in_dim3A_122 = arith.constant 5 : i32
        %broadcast_in_dim3A_123 = vector.broadcast %broadcast_in_dim3A_122 : i32 to vector<16xi32>
        %select_n3A_124 = arith.select %gt3A_121, %broadcast_in_dim3A_123, %select_n3A_84 : vector<16xi1>, vector<16xi32>
        %max3A_125 = arith.maximumf %max3A_85, %gather3A_120 : vector<16xf32>
        %exp3A_126 = math.exp %gather3A_120 : vector<16xf32>
        %add3A_127 = arith.addf %add3A_87, %exp3A_126 : vector<16xf32>
        %broadcast_in_dim3A_128 = arith.constant 6 : i32
        %broadcast_in_dim3A_129 = vector.broadcast %broadcast_in_dim3A_128 : i32 to vector<16xi32>
        %gather3A_130 = tpu.vector_load_idx %arg5[%add3A_70, %broadcast_in_dim3A_129] : memref<400x100xf32, #tpu.memory_space<vmem>>[vector<16xi32>, vector<16xi32>], vector<16xf32>,
        %gt3A_131 = arith.cmpf ogt, %gather3A_130, %max3A_95 : vector<16xf32>
        %broadcast_in_dim3A_132 = arith.constant 6 : i32
        %broadcast_in_dim3A_133 = vector.broadcast %broadcast_in_dim3A_132 : i32 to vector<16xi32>
        %select_n3A_134 = arith.select %gt3A_131, %broadcast_in_dim3A_133, %select_n3A_94 : vector<16xi1>, vector<16xi32>
        %max3A_135 = arith.maximumf %max3A_95, %gather3A_130 : vector<16xf32>
        %exp3A_136 = math.exp %gather3A_130 : vector<16xf32>
        %add3A_137 = arith.addf %add3A_97, %exp3A_136 : vector<16xf32>
        %broadcast_in_dim3A_138 = arith.constant 7 : i32
        %broadcast_in_dim3A_139 = vector.broadcast %broadcast_in_dim3A_138 : i32 to vector<16xi32>
        %gather3A_140 = tpu.vector_load_idx %arg5[%add3A_70, %broadcast_in_dim3A_139] : memref<400x100xf32, #tpu.memory_space<vmem>>[vector<16xi32>, vector<16xi32>], vector<16xf32>,
        %gt3A_141 = arith.cmpf ogt, %gather3A_140, %max3A_105 : vector<16xf32>
        %broadcast_in_dim3A_142 = arith.constant 7 : i32
        %broadcast_in_dim3A_143 = vector.broadcast %broadcast_in_dim3A_142 : i32 to vector<16xi32>
        %select_n3A_144 = arith.select %gt3A_141, %broadcast_in_dim3A_143, %select_n3A_104 : vector<16xi1>, vector<16xi32>
        %max3A_145 = arith.maximumf %max3A_105, %gather3A_140 : vector<16xf32>
        %exp3A_146 = math.exp %gather3A_140 : vector<16xf32>
        %add3A_147 = arith.addf %add3A_107, %exp3A_146 : vector<16xf32>
        %broadcast_in_dim3A_148 = arith.constant 8 : i32
        %broadcast_in_dim3A_149 = vector.broadcast %broadcast_in_dim3A_148 : i32 to vector<16xi32>
        %gather3A_150 = tpu.vector_load_idx %arg5[%add3A_70, %broadcast_in_dim3A_149] : memref<400x100xf32, #tpu.memory_space<vmem>>[vector<16xi32>, vector<16xi32>], vector<16xf32>,
        %gt3A_151 = arith.cmpf ogt, %gather3A_150, %max3A_115 : vector<16xf32>
        %broadcast_in_dim3A_152 = arith.constant 8 : i32
        %broadcast_in_dim3A_153 = vector.broadcast %broadcast_in_dim3A_152 : i32 to vector<16xi32>
        %select_n3A_154 = arith.select %gt3A_151, %broadcast_in_dim3A_153, %select_n3A_114 : vector<16xi1>, vector<16xi32>
        %max3A_155 = arith.maximumf %max3A_115, %gather3A_150 : vector<16xf32>
        %exp3A_156 = math.exp %gather3A_150 : vector<16xf32>
        %add3A_157 = arith.addf %add3A_117, %exp3A_156 : vector<16xf32>
        %broadcast_in_dim3A_158 = arith.constant 9 : i32
        %broadcast_in_dim3A_159 = vector.broadcast %broadcast_in_dim3A_158 : i32 to vector<16xi32>
        %gather3A_160 = tpu.vector_load_idx %arg5[%add3A_70, %broadcast_in_dim3A_159] : memref<400x100xf32, #tpu.memory_space<vmem>>[vector<16xi32>, vector<16xi32>], vector<16xf32>,
        %gt3A_161 = arith.cmpf ogt, %gather3A_160, %max3A_125 : vector<16xf32>
        %broadcast_in_dim3A_162 = arith.constant 9 : i32
        %broadcast_in_dim3A_163 = vector.broadcast %broadcast_in_dim3A_162 : i32 to vector<16xi32>
        %select_n3A_164 = arith.select %gt3A_161, %broadcast_in_dim3A_163, %select_n3A_124 : vector<16xi1>, vector<16xi32>
        %max3A_165 = arith.maximumf %max3A_125, %gather3A_160 : vector<16xf32>
        %exp3A_166 = math.exp %gather3A_160 : vector<16xf32>
        %add3A_167 = arith.addf %add3A_127, %exp3A_166 : vector<16xf32>
        %broadcast_in_dim3A_168 = arith.constant 10 : i32
        %broadcast_in_dim3A_169 = vector.broadcast %broadcast_in_dim3A_168 : i32 to vector<16xi32>
        %gather3A_170 = tpu.vector_load_idx %arg5[%add3A_70, %broadcast_in_dim3A_169] : memref<400x100xf32, #tpu.memory_space<vmem>>[vector<16xi32>, vector<16xi32>], vector<16xf32>,
        %gt3A_171 = arith.cmpf ogt, %gather3A_170, %max3A_135 : vector<16xf32>
        %broadcast_in_dim3A_172 = arith.constant 10 : i32
        %broadcast_in_dim3A_173 = vector.broadcast %broadcast_in_dim3A_172 : i32 to vector<16xi32>
        %select_n3A_174 = arith.select %gt3A_171, %broadcast_in_dim3A_173, %select_n3A_134 : vector<16xi1>, vector<16xi32>
        %max3A_175 = arith.maximumf %max3A_135, %gather3A_170 : vector<16xf32>
        %exp3A_176 = math.exp %gather3A_170 : vector<16xf32>
        %add3A_177 = arith.addf %add3A_137, %exp3A_176 : vector<16xf32>
        %broadcast_in_dim3A_178 = arith.constant 11 : i32
        %broadcast_in_dim3A_179 = vector.broadcast %broadcast_in_dim3A_178 : i32 to vector<16xi32>
        %gather3A_180 = tpu.vector_load_idx %arg5[%add3A_70, %broadcast_in_dim3A_179] : memref<400x100xf32, #tpu.memory_space<vmem>>[vector<16xi32>, vector<16xi32>], vector<16xf32>,
        %gt3A_181 = arith.cmpf ogt, %gather3A_180, %max3A_145 : vector<16xf32>
        %broadcast_in_dim3A_182 = arith.constant 11 : i32
        %broadcast_in_dim3A_183 = vector.broadcast %broadcast_in_dim3A_182 : i32 to vector<16xi32>
        %select_n3A_184 = arith.select %gt3A_181, %broadcast_in_dim3A_183, %select_n3A_144 : vector<16xi1>, vector<16xi32>
        %max3A_185 = arith.maximumf %max3A_145, %gather3A_180 : vector<16xf32>
        %exp3A_186 = math.exp %gather3A_180 : vector<16xf32>
        %add3A_187 = arith.addf %add3A_147, %exp3A_186 : vector<16xf32>
        %broadcast_in_dim3A_188 = arith.constant 12 : i32
        %broadcast_in_dim3A_189 = vector.broadcast %broadcast_in_dim3A_188 : i32 to vector<16xi32>
        %gather3A_190 = tpu.vector_load_idx %arg5[%add3A_70, %broadcast_in_dim3A_189] : memref<400x100xf32, #tpu.memory_space<vmem>>[vector<16xi32>, vector<16xi32>], vector<16xf32>,
        %gt3A_191 = arith.cmpf ogt, %gather3A_190, %max3A_155 : vector<16xf32>
        %broadcast_in_dim3A_192 = arith.constant 12 : i32
        %broadcast_in_dim3A_193 = vector.broadcast %broadcast_in_dim3A_192 : i32 to vector<16xi32>
        %select_n3A_194 = arith.select %gt3A_191, %broadcast_in_dim3A_193, %select_n3A_154 : vector<16xi1>, vector<16xi32>
        %max3A_195 = arith.maximumf %max3A_155, %gather3A_190 : vector<16xf32>
        %exp3A_196 = math.exp %gather3A_190 : vector<16xf32>
        %add3A_197 = arith.addf %add3A_157, %exp3A_196 : vector<16xf32>
        %broadcast_in_dim3A_198 = arith.constant 13 : i32
        %broadcast_in_dim3A_199 = vector.broadcast %broadcast_in_dim3A_198 : i32 to vector<16xi32>
        %gather3A_200 = tpu.vector_load_idx %arg5[%add3A_70, %broadcast_in_dim3A_199] : memref<400x100xf32, #tpu.memory_space<vmem>>[vector<16xi32>, vector<16xi32>], vector<16xf32>,
        %gt3A_201 = arith.cmpf ogt, %gather3A_200, %max3A_165 : vector<16xf32>
        %broadcast_in_dim3A_202 = arith.constant 13 : i32
        %broadcast_in_dim3A_203 = vector.broadcast %broadcast_in_dim3A_202 : i32 to vector<16xi32>
        %select_n3A_204 = arith.select %gt3A_201, %broadcast_in_dim3A_203, %select_n3A_164 : vector<16xi1>, vector<16xi32>
        %max3A_205 = arith.maximumf %max3A_165, %gather3A_200 : vector<16xf32>
        %exp3A_206 = math.exp %gather3A_200 : vector<16xf32>
        %add3A_207 = arith.addf %add3A_167, %exp3A_206 : vector<16xf32>
        %broadcast_in_dim3A_208 = arith.constant 14 : i32
        %broadcast_in_dim3A_209 = vector.broadcast %broadcast_in_dim3A_208 : i32 to vector<16xi32>
        %gather3A_210 = tpu.vector_load_idx %arg5[%add3A_70, %broadcast_in_dim3A_209] : memref<400x100xf32, #tpu.memory_space<vmem>>[vector<16xi32>, vector<16xi32>], vector<16xf32>,
        %gt3A_211 = arith.cmpf ogt, %gather3A_210, %max3A_175 : vector<16xf32>
        %broadcast_in_dim3A_212 = arith.constant 14 : i32
        %broadcast_in_dim3A_213 = vector.broadcast %broadcast_in_dim3A_212 : i32 to vector<16xi32>
        %select_n3A_214 = arith.select %gt3A_211, %broadcast_in_dim3A_213, %select_n3A_174 : vector<16xi1>, vector<16xi32>
        %max3A_215 = arith.maximumf %max3A_175, %gather3A_210 : vector<16xf32>
        %exp3A_216 = math.exp %gather3A_210 : vector<16xf32>
        %add3A_217 = arith.addf %add3A_177, %exp3A_216 : vector<16xf32>
        %broadcast_in_dim3A_218 = arith.constant 15 : i32
        %broadcast_in_dim3A_219 = vector.broadcast %broadcast_in_dim3A_218 : i32 to vector<16xi32>
        %gather3A_220 = tpu.vector_load_idx %arg5[%add3A_70, %broadcast_in_dim3A_219] : memref<400x100xf32, #tpu.memory_space<vmem>>[vector<16xi32>, vector<16xi32>], vector<16xf32>,
        %gt3A_221 = arith.cmpf ogt, %gather3A_220, %max3A_185 : vector<16xf32>
        %broadcast_in_dim3A_222 = arith.constant 15 : i32
        %broadcast_in_dim3A_223 = vector.broadcast %broadcast_in_dim3A_222 : i32 to vector<16xi32>
        %select_n3A_224 = arith.select %gt3A_221, %broadcast_in_dim3A_223, %select_n3A_184 : vector<16xi1>, vector<16xi32>
        %max3A_225 = arith.maximumf %max3A_185, %gather3A_220 : vector<16xf32>
        %exp3A_226 = math.exp %gather3A_220 : vector<16xf32>
        %add3A_227 = arith.addf %add3A_187, %exp3A_226 : vector<16xf32>
        %broadcast_in_dim3A_228 = arith.constant 16 : i32
        %broadcast_in_dim3A_229 = vector.broadcast %broadcast_in_dim3A_228 : i32 to vector<16xi32>
        %gather3A_230 = tpu.vector_load_idx %arg5[%add3A_70, %broadcast_in_dim3A_229] : memref<400x100xf32, #tpu.memory_space<vmem>>[vector<16xi32>, vector<16xi32>], vector<16xf32>,
        %gt3A_231 = arith.cmpf ogt, %gather3A_230, %max3A_195 : vector<16xf32>
        %broadcast_in_dim3A_232 = arith.constant 16 : i32
        %broadcast_in_dim3A_233 = vector.broadcast %broadcast_in_dim3A_232 : i32 to vector<16xi32>
        %select_n3A_234 = arith.select %gt3A_231, %broadcast_in_dim3A_233, %select_n3A_194 : vector<16xi1>, vector<16xi32>
        %max3A_235 = arith.maximumf %max3A_195, %gather3A_230 : vector<16xf32>
        %exp3A_236 = math.exp %gather3A_230 : vector<16xf32>
        %add3A_237 = arith.addf %add3A_197, %exp3A_236 : vector<16xf32>
        %broadcast_in_dim3A_238 = arith.constant 17 : i32
        %broadcast_in_dim3A_239 = vector.broadcast %broadcast_in_dim3A_238 : i32 to vector<16xi32>
        %gather3A_240 = tpu.vector_load_idx %arg5[%add3A_70, %broadcast_in_dim3A_239] : memref<400x100xf32, #tpu.memory_space<vmem>>[vector<16xi32>, vector<16xi32>], vector<16xf32>,
        %gt3A_241 = arith.cmpf ogt, %gather3A_240, %max3A_205 : vector<16xf32>
        %broadcast_in_dim3A_242 = arith.constant 17 : i32
        %broadcast_in_dim3A_243 = vector.broadcast %broadcast_in_dim3A_242 : i32 to vector<16xi32>
        %select_n3A_244 = arith.select %gt3A_241, %broadcast_in_dim3A_243, %select_n3A_204 : vector<16xi1>, vector<16xi32>
        %max3A_245 = arith.maximumf %max3A_205, %gather3A_240 : vector<16xf32>
        %exp3A_246 = math.exp %gather3A_240 : vector<16xf32>
        %add3A_247 = arith.addf %add3A_207, %exp3A_246 : vector<16xf32>
        %broadcast_in_dim3A_248 = arith.constant 18 : i32
        %broadcast_in_dim3A_249 = vector.broadcast %broadcast_in_dim3A_248 : i32 to vector<16xi32>
        %gather3A_250 = tpu.vector_load_idx %arg5[%add3A_70, %broadcast_in_dim3A_249] : memref<400x100xf32, #tpu.memory_space<vmem>>[vector<16xi32>, vector<16xi32>], vector<16xf32>,
        %gt3A_251 = arith.cmpf ogt, %gather3A_250, %max3A_215 : vector<16xf32>
        %broadcast_in_dim3A_252 = arith.constant 18 : i32
        %broadcast_in_dim3A_253 = vector.broadcast %broadcast_in_dim3A_252 : i32 to vector<16xi32>
        %select_n3A_254 = arith.select %gt3A_251, %broadcast_in_dim3A_253, %select_n3A_214 : vector<16xi1>, vector<16xi32>
        %max3A_255 = arith.maximumf %max3A_215, %gather3A_250 : vector<16xf32>
        %exp3A_256 = math.exp %gather3A_250 : vector<16xf32>
        %add3A_257 = arith.addf %add3A_217, %exp3A_256 : vector<16xf32>
        %broadcast_in_dim3A_258 = arith.constant 19 : i32
        %broadcast_in_dim3A_259 = vector.broadcast %broadcast_in_dim3A_258 : i32 to vector<16xi32>
        %gather3A_260 = tpu.vector_load_idx %arg5[%add3A_70, %broadcast_in_dim3A_259] : memref<400x100xf32, #tpu.memory_space<vmem>>[vector<16xi32>, vector<16xi32>], vector<16xf32>,
        %gt3A_261 = arith.cmpf ogt, %gather3A_260, %max3A_225 : vector<16xf32>
        %broadcast_in_dim3A_262 = arith.constant 19 : i32
        %broadcast_in_dim3A_263 = vector.broadcast %broadcast_in_dim3A_262 : i32 to vector<16xi32>
        %select_n3A_264 = arith.select %gt3A_261, %broadcast_in_dim3A_263, %select_n3A_224 : vector<16xi1>, vector<16xi32>
        %max3A_265 = arith.maximumf %max3A_225, %gather3A_260 : vector<16xf32>
        %exp3A_266 = math.exp %gather3A_260 : vector<16xf32>
        %add3A_267 = arith.addf %add3A_227, %exp3A_266 : vector<16xf32>
        %broadcast_in_dim3A_268 = arith.constant 20 : i32
        %broadcast_in_dim3A_269 = vector.broadcast %broadcast_in_dim3A_268 : i32 to vector<16xi32>
        %gather3A_270 = tpu.vector_load_idx %arg5[%add3A_70, %broadcast_in_dim3A_269] : memref<400x100xf32, #tpu.memory_space<vmem>>[vector<16xi32>, vector<16xi32>], vector<16xf32>,
        %gt3A_271 = arith.cmpf ogt, %gather3A_270, %max3A_235 : vector<16xf32>
        %broadcast_in_dim3A_272 = arith.constant 20 : i32
        %broadcast_in_dim3A_273 = vector.broadcast %broadcast_in_dim3A_272 : i32 to vector<16xi32>
        %select_n3A_274 = arith.select %gt3A_271, %broadcast_in_dim3A_273, %select_n3A_234 : vector<16xi1>, vector<16xi32>
        %max3A_275 = arith.maximumf %max3A_235, %gather3A_270 : vector<16xf32>
        %exp3A_276 = math.exp %gather3A_270 : vector<16xf32>
        %add3A_277 = arith.addf %add3A_237, %exp3A_276 : vector<16xf32>
        %broadcast_in_dim3A_278 = arith.constant 21 : i32
        %broadcast_in_dim3A_279 = vector.broadcast %broadcast_in_dim3A_278 : i32 to vector<16xi32>
        %gather3A_280 = tpu.vector_load_idx %arg5[%add3A_70, %broadcast_in_dim3A_279] : memref<400x100xf32, #tpu.memory_space<vmem>>[vector<16xi32>, vector<16xi32>], vector<16xf32>,
        %gt3A_281 = arith.cmpf ogt, %gather3A_280, %max3A_245 : vector<16xf32>
        %broadcast_in_dim3A_282 = arith.constant 21 : i32
        %broadcast_in_dim3A_283 = vector.broadcast %broadcast_in_dim3A_282 : i32 to vector<16xi32>
        %select_n3A_284 = arith.select %gt3A_281, %broadcast_in_dim3A_283, %select_n3A_244 : vector<16xi1>, vector<16xi32>
        %max3A_285 = arith.maximumf %max3A_245, %gather3A_280 : vector<16xf32>
        %exp3A_286 = math.exp %gather3A_280 : vector<16xf32>
        %add3A_287 = arith.addf %add3A_247, %exp3A_286 : vector<16xf32>
        %broadcast_in_dim3A_288 = arith.constant 22 : i32
        %broadcast_in_dim3A_289 = vector.broadcast %broadcast_in_dim3A_288 : i32 to vector<16xi32>
        %gather3A_290 = tpu.vector_load_idx %arg5[%add3A_70, %broadcast_in_dim3A_289] : memref<400x100xf32, #tpu.memory_space<vmem>>[vector<16xi32>, vector<16xi32>], vector<16xf32>,
        %gt3A_291 = arith.cmpf ogt, %gather3A_290, %max3A_255 : vector<16xf32>
        %broadcast_in_dim3A_292 = arith.constant 22 : i32
        %broadcast_in_dim3A_293 = vector.broadcast %broadcast_in_dim3A_292 : i32 to vector<16xi32>
        %select_n3A_294 = arith.select %gt3A_291, %broadcast_in_dim3A_293, %select_n3A_254 : vector<16xi1>, vector<16xi32>
        %max3A_295 = arith.maximumf %max3A_255, %gather3A_290 : vector<16xf32>
        %exp3A_296 = math.exp %gather3A_290 : vector<16xf32>
        %add3A_297 = arith.addf %add3A_257, %exp3A_296 : vector<16xf32>
        %broadcast_in_dim3A_298 = arith.constant 23 : i32
        %broadcast_in_dim3A_299 = vector.broadcast %broadcast_in_dim3A_298 : i32 to vector<16xi32>
        %gather3A_300 = tpu.vector_load_idx %arg5[%add3A_70, %broadcast_in_dim3A_299] : memref<400x100xf32, #tpu.memory_space<vmem>>[vector<16xi32>, vector<16xi32>], vector<16xf32>,
        %gt3A_301 = arith.cmpf ogt, %gather3A_300, %max3A_265 : vector<16xf32>
        %broadcast_in_dim3A_302 = arith.constant 23 : i32
        %broadcast_in_dim3A_303 = vector.broadcast %broadcast_in_dim3A_302 : i32 to vector<16xi32>
        %select_n3A_304 = arith.select %gt3A_301, %broadcast_in_dim3A_303, %select_n3A_264 : vector<16xi1>, vector<16xi32>
        %max3A_305 = arith.maximumf %max3A_265, %gather3A_300 : vector<16xf32>
        %exp3A_306 = math.exp %gather3A_300 : vector<16xf32>
        %add3A_307 = arith.addf %add3A_267, %exp3A_306 : vector<16xf32>
        %broadcast_in_dim3A_308 = arith.constant 24 : i32
        %broadcast_in_dim3A_309 = vector.broadcast %broadcast_in_dim3A_308 : i32 to vector<16xi32>
        %gather3A_310 = tpu.vector_load_idx %arg5[%add3A_70, %broadcast_in_dim3A_309] : memref<400x100xf32, #tpu.memory_space<vmem>>[vector<16xi32>, vector<16xi32>], vector<16xf32>,
        %gt3A_311 = arith.cmpf ogt, %gather3A_310, %max3A_275 : vector<16xf32>
        %broadcast_in_dim3A_312 = arith.constant 24 : i32
        %broadcast_in_dim3A_313 = vector.broadcast %broadcast_in_dim3A_312 : i32 to vector<16xi32>
        %select_n3A_314 = arith.select %gt3A_311, %broadcast_in_dim3A_313, %select_n3A_274 : vector<16xi1>, vector<16xi32>
        %max3A_315 = arith.maximumf %max3A_275, %gather3A_310 : vector<16xf32>
        %exp3A_316 = math.exp %gather3A_310 : vector<16xf32>
        %add3A_317 = arith.addf %add3A_277, %exp3A_316 : vector<16xf32>
        %broadcast_in_dim3A_318 = arith.constant 25 : i32
        %broadcast_in_dim3A_319 = vector.broadcast %broadcast_in_dim3A_318 : i32 to vector<16xi32>
        %gather3A_320 = tpu.vector_load_idx %arg5[%add3A_70, %broadcast_in_dim3A_319] : memref<400x100xf32, #tpu.memory_space<vmem>>[vector<16xi32>, vector<16xi32>], vector<16xf32>,
        %gt3A_321 = arith.cmpf ogt, %gather3A_320, %max3A_285 : vector<16xf32>
        %broadcast_in_dim3A_322 = arith.constant 25 : i32
        %broadcast_in_dim3A_323 = vector.broadcast %broadcast_in_dim3A_322 : i32 to vector<16xi32>
        %select_n3A_324 = arith.select %gt3A_321, %broadcast_in_dim3A_323, %select_n3A_284 : vector<16xi1>, vector<16xi32>
        %max3A_325 = arith.maximumf %max3A_285, %gather3A_320 : vector<16xf32>
        %exp3A_326 = math.exp %gather3A_320 : vector<16xf32>
        %add3A_327 = arith.addf %add3A_287, %exp3A_326 : vector<16xf32>
        %broadcast_in_dim3A_328 = arith.constant 26 : i32
        %broadcast_in_dim3A_329 = vector.broadcast %broadcast_in_dim3A_328 : i32 to vector<16xi32>
        %gather3A_330 = tpu.vector_load_idx %arg5[%add3A_70, %broadcast_in_dim3A_329] : memref<400x100xf32, #tpu.memory_space<vmem>>[vector<16xi32>, vector<16xi32>], vector<16xf32>,
        %gt3A_331 = arith.cmpf ogt, %gather3A_330, %max3A_295 : vector<16xf32>
        %broadcast_in_dim3A_332 = arith.constant 26 : i32
        %broadcast_in_dim3A_333 = vector.broadcast %broadcast_in_dim3A_332 : i32 to vector<16xi32>
        %select_n3A_334 = arith.select %gt3A_331, %broadcast_in_dim3A_333, %select_n3A_294 : vector<16xi1>, vector<16xi32>
        %max3A_335 = arith.maximumf %max3A_295, %gather3A_330 : vector<16xf32>
        %exp3A_336 = math.exp %gather3A_330 : vector<16xf32>
        %add3A_337 = arith.addf %add3A_297, %exp3A_336 : vector<16xf32>
        %broadcast_in_dim3A_338 = arith.constant 27 : i32
        %broadcast_in_dim3A_339 = vector.broadcast %broadcast_in_dim3A_338 : i32 to vector<16xi32>
        %gather3A_340 = tpu.vector_load_idx %arg5[%add3A_70, %broadcast_in_dim3A_339] : memref<400x100xf32, #tpu.memory_space<vmem>>[vector<16xi32>, vector<16xi32>], vector<16xf32>,
        %gt3A_341 = arith.cmpf ogt, %gather3A_340, %max3A_305 : vector<16xf32>
        %broadcast_in_dim3A_342 = arith.constant 27 : i32
        %broadcast_in_dim3A_343 = vector.broadcast %broadcast_in_dim3A_342 : i32 to vector<16xi32>
        %select_n3A_344 = arith.select %gt3A_341, %broadcast_in_dim3A_343, %select_n3A_304 : vector<16xi1>, vector<16xi32>
        %max3A_345 = arith.maximumf %max3A_305, %gather3A_340 : vector<16xf32>
        %exp3A_346 = math.exp %gather3A_340 : vector<16xf32>
        %add3A_347 = arith.addf %add3A_307, %exp3A_346 : vector<16xf32>
        %broadcast_in_dim3A_348 = arith.constant 28 : i32
        %broadcast_in_dim3A_349 = vector.broadcast %broadcast_in_dim3A_348 : i32 to vector<16xi32>
        %gather3A_350 = tpu.vector_load_idx %arg5[%add3A_70, %broadcast_in_dim3A_349] : memref<400x100xf32, #tpu.memory_space<vmem>>[vector<16xi32>, vector<16xi32>], vector<16xf32>,
        %gt3A_351 = arith.cmpf ogt, %gather3A_350, %max3A_315 : vector<16xf32>
        %broadcast_in_dim3A_352 = arith.constant 28 : i32
        %broadcast_in_dim3A_353 = vector.broadcast %broadcast_in_dim3A_352 : i32 to vector<16xi32>
        %select_n3A_354 = arith.select %gt3A_351, %broadcast_in_dim3A_353, %select_n3A_314 : vector<16xi1>, vector<16xi32>
        %max3A_355 = arith.maximumf %max3A_315, %gather3A_350 : vector<16xf32>
        %exp3A_356 = math.exp %gather3A_350 : vector<16xf32>
        %add3A_357 = arith.addf %add3A_317, %exp3A_356 : vector<16xf32>
        %broadcast_in_dim3A_358 = arith.constant 29 : i32
        %broadcast_in_dim3A_359 = vector.broadcast %broadcast_in_dim3A_358 : i32 to vector<16xi32>
        %gather3A_360 = tpu.vector_load_idx %arg5[%add3A_70, %broadcast_in_dim3A_359] : memref<400x100xf32, #tpu.memory_space<vmem>>[vector<16xi32>, vector<16xi32>], vector<16xf32>,
        %gt3A_361 = arith.cmpf ogt, %gather3A_360, %max3A_325 : vector<16xf32>
        %broadcast_in_dim3A_362 = arith.constant 29 : i32
        %broadcast_in_dim3A_363 = vector.broadcast %broadcast_in_dim3A_362 : i32 to vector<16xi32>
        %select_n3A_364 = arith.select %gt3A_361, %broadcast_in_dim3A_363, %select_n3A_324 : vector<16xi1>, vector<16xi32>
        %max3A_365 = arith.maximumf %max3A_325, %gather3A_360 : vector<16xf32>
        %exp3A_366 = math.exp %gather3A_360 : vector<16xf32>
        %add3A_367 = arith.addf %add3A_327, %exp3A_366 : vector<16xf32>
        %broadcast_in_dim3A_368 = arith.constant 30 : i32
        %broadcast_in_dim3A_369 = vector.broadcast %broadcast_in_dim3A_368 : i32 to vector<16xi32>
        %gather3A_370 = tpu.vector_load_idx %arg5[%add3A_70, %broadcast_in_dim3A_369] : memref<400x100xf32, #tpu.memory_space<vmem>>[vector<16xi32>, vector<16xi32>], vector<16xf32>,
        %gt3A_371 = arith.cmpf ogt, %gather3A_370, %max3A_335 : vector<16xf32>
        %broadcast_in_dim3A_372 = arith.constant 30 : i32
        %broadcast_in_dim3A_373 = vector.broadcast %broadcast_in_dim3A_372 : i32 to vector<16xi32>
        %select_n3A_374 = arith.select %gt3A_371, %broadcast_in_dim3A_373, %select_n3A_334 : vector<16xi1>, vector<16xi32>
        %max3A_375 = arith.maximumf %max3A_335, %gather3A_370 : vector<16xf32>
        %exp3A_376 = math.exp %gather3A_370 : vector<16xf32>
        %add3A_377 = arith.addf %add3A_337, %exp3A_376 : vector<16xf32>
        %broadcast_in_dim3A_378 = arith.constant 31 : i32
        %broadcast_in_dim3A_379 = vector.broadcast %broadcast_in_dim3A_378 : i32 to vector<16xi32>
        %gather3A_380 = tpu.vector_load_idx %arg5[%add3A_70, %broadcast_in_dim3A_379] : memref<400x100xf32, #tpu.memory_space<vmem>>[vector<16xi32>, vector<16xi32>], vector<16xf32>,
        %gt3A_381 = arith.cmpf ogt, %gather3A_380, %max3A_345 : vector<16xf32>
        %broadcast_in_dim3A_382 = arith.constant 31 : i32
        %broadcast_in_dim3A_383 = vector.broadcast %broadcast_in_dim3A_382 : i32 to vector<16xi32>
        %select_n3A_384 = arith.select %gt3A_381, %broadcast_in_dim3A_383, %select_n3A_344 : vector<16xi1>, vector<16xi32>
        %max3A_385 = arith.maximumf %max3A_345, %gather3A_380 : vector<16xf32>
        %exp3A_386 = math.exp %gather3A_380 : vector<16xf32>
        %add3A_387 = arith.addf %add3A_347, %exp3A_386 : vector<16xf32>
        %broadcast_in_dim3A_388 = arith.constant 32 : i32
        %broadcast_in_dim3A_389 = vector.broadcast %broadcast_in_dim3A_388 : i32 to vector<16xi32>
        %gather3A_390 = tpu.vector_load_idx %arg5[%add3A_70, %broadcast_in_dim3A_389] : memref<400x100xf32, #tpu.memory_space<vmem>>[vector<16xi32>, vector<16xi32>], vector<16xf32>,
        %gt3A_391 = arith.cmpf ogt, %gather3A_390, %max3A_355 : vector<16xf32>
        %broadcast_in_dim3A_392 = arith.constant 32 : i32
        %broadcast_in_dim3A_393 = vector.broadcast %broadcast_in_dim3A_392 : i32 to vector<16xi32>
        %select_n3A_394 = arith.select %gt3A_391, %broadcast_in_dim3A_393, %select_n3A_354 : vector<16xi1>, vector<16xi32>
        %max3A_395 = arith.maximumf %max3A_355, %gather3A_390 : vector<16xf32>
        %exp3A_396 = math.exp %gather3A_390 : vector<16xf32>
        %add3A_397 = arith.addf %add3A_357, %exp3A_396 : vector<16xf32>
        %broadcast_in_dim3A_398 = arith.constant 33 : i32
        %broadcast_in_dim3A_399 = vector.broadcast %broadcast_in_dim3A_398 : i32 to vector<16xi32>
        %gather3A_400 = tpu.vector_load_idx %arg5[%add3A_70, %broadcast_in_dim3A_399] : memref<400x100xf32, #tpu.memory_space<vmem>>[vector<16xi32>, vector<16xi32>], vector<16xf32>,
        %gt3A_401 = arith.cmpf ogt, %gather3A_400, %max3A_365 : vector<16xf32>
        %broadcast_in_dim3A_402 = arith.constant 33 : i32
        %broadcast_in_dim3A_403 = vector.broadcast %broadcast_in_dim3A_402 : i32 to vector<16xi32>
        %select_n3A_404 = arith.select %gt3A_401, %broadcast_in_dim3A_403, %select_n3A_364 : vector<16xi1>, vector<16xi32>
        %max3A_405 = arith.maximumf %max3A_365, %gather3A_400 : vector<16xf32>
        %exp3A_406 = math.exp %gather3A_400 : vector<16xf32>
        %add3A_407 = arith.addf %add3A_367, %exp3A_406 : vector<16xf32>
        %broadcast_in_dim3A_408 = arith.constant 34 : i32
        %broadcast_in_dim3A_409 = vector.broadcast %broadcast_in_dim3A_408 : i32 to vector<16xi32>
        %gather3A_410 = tpu.vector_load_idx %arg5[%add3A_70, %broadcast_in_dim3A_409] : memref<400x100xf32, #tpu.memory_space<vmem>>[vector<16xi32>, vector<16xi32>], vector<16xf32>,
        %gt3A_411 = arith.cmpf ogt, %gather3A_410, %max3A_375 : vector<16xf32>
        %broadcast_in_dim3A_412 = arith.constant 34 : i32
        %broadcast_in_dim3A_413 = vector.broadcast %broadcast_in_dim3A_412 : i32 to vector<16xi32>
        %select_n3A_414 = arith.select %gt3A_411, %broadcast_in_dim3A_413, %select_n3A_374 : vector<16xi1>, vector<16xi32>
        %max3A_415 = arith.maximumf %max3A_375, %gather3A_410 : vector<16xf32>
        %exp3A_416 = math.exp %gather3A_410 : vector<16xf32>
        %add3A_417 = arith.addf %add3A_377, %exp3A_416 : vector<16xf32>
        %broadcast_in_dim3A_418 = arith.constant 35 : i32
        %broadcast_in_dim3A_419 = vector.broadcast %broadcast_in_dim3A_418 : i32 to vector<16xi32>
        %gather3A_420 = tpu.vector_load_idx %arg5[%add3A_70, %broadcast_in_dim3A_419] : memref<400x100xf32, #tpu.memory_space<vmem>>[vector<16xi32>, vector<16xi32>], vector<16xf32>,
        %gt3A_421 = arith.cmpf ogt, %gather3A_420, %max3A_385 : vector<16xf32>
        %broadcast_in_dim3A_422 = arith.constant 35 : i32
        %broadcast_in_dim3A_423 = vector.broadcast %broadcast_in_dim3A_422 : i32 to vector<16xi32>
        %select_n3A_424 = arith.select %gt3A_421, %broadcast_in_dim3A_423, %select_n3A_384 : vector<16xi1>, vector<16xi32>
        %max3A_425 = arith.maximumf %max3A_385, %gather3A_420 : vector<16xf32>
        %exp3A_426 = math.exp %gather3A_420 : vector<16xf32>
        %add3A_427 = arith.addf %add3A_387, %exp3A_426 : vector<16xf32>
        %broadcast_in_dim3A_428 = arith.constant 36 : i32
        %broadcast_in_dim3A_429 = vector.broadcast %broadcast_in_dim3A_428 : i32 to vector<16xi32>
        %gather3A_430 = tpu.vector_load_idx %arg5[%add3A_70, %broadcast_in_dim3A_429] : memref<400x100xf32, #tpu.memory_space<vmem>>[vector<16xi32>, vector<16xi32>], vector<16xf32>,
        %gt3A_431 = arith.cmpf ogt, %gather3A_430, %max3A_395 : vector<16xf32>
        %broadcast_in_dim3A_432 = arith.constant 36 : i32
        %broadcast_in_dim3A_433 = vector.broadcast %broadcast_in_dim3A_432 : i32 to vector<16xi32>
        %select_n3A_434 = arith.select %gt3A_431, %broadcast_in_dim3A_433, %select_n3A_394 : vector<16xi1>, vector<16xi32>
        %max3A_435 = arith.maximumf %max3A_395, %gather3A_430 : vector<16xf32>
        %exp3A_436 = math.exp %gather3A_430 : vector<16xf32>
        %add3A_437 = arith.addf %add3A_397, %exp3A_436 : vector<16xf32>
        %broadcast_in_dim3A_438 = arith.constant 37 : i32
        %broadcast_in_dim3A_439 = vector.broadcast %broadcast_in_dim3A_438 : i32 to vector<16xi32>
        %gather3A_440 = tpu.vector_load_idx %arg5[%add3A_70, %broadcast_in_dim3A_439] : memref<400x100xf32, #tpu.memory_space<vmem>>[vector<16xi32>, vector<16xi32>], vector<16xf32>,
        %gt3A_441 = arith.cmpf ogt, %gather3A_440, %max3A_405 : vector<16xf32>
        %broadcast_in_dim3A_442 = arith.constant 37 : i32
        %broadcast_in_dim3A_443 = vector.broadcast %broadcast_in_dim3A_442 : i32 to vector<16xi32>
        %select_n3A_444 = arith.select %gt3A_441, %broadcast_in_dim3A_443, %select_n3A_404 : vector<16xi1>, vector<16xi32>
        %max3A_445 = arith.maximumf %max3A_405, %gather3A_440 : vector<16xf32>
        %exp3A_446 = math.exp %gather3A_440 : vector<16xf32>
        %add3A_447 = arith.addf %add3A_407, %exp3A_446 : vector<16xf32>
        %broadcast_in_dim3A_448 = arith.constant 38 : i32
        %broadcast_in_dim3A_449 = vector.broadcast %broadcast_in_dim3A_448 : i32 to vector<16xi32>
        %gather3A_450 = tpu.vector_load_idx %arg5[%add3A_70, %broadcast_in_dim3A_449] : memref<400x100xf32, #tpu.memory_space<vmem>>[vector<16xi32>, vector<16xi32>], vector<16xf32>,
        %gt3A_451 = arith.cmpf ogt, %gather3A_450, %max3A_415 : vector<16xf32>
        %broadcast_in_dim3A_452 = arith.constant 38 : i32
        %broadcast_in_dim3A_453 = vector.broadcast %broadcast_in_dim3A_452 : i32 to vector<16xi32>
        %select_n3A_454 = arith.select %gt3A_451, %broadcast_in_dim3A_453, %select_n3A_414 : vector<16xi1>, vector<16xi32>
        %max3A_455 = arith.maximumf %max3A_415, %gather3A_450 : vector<16xf32>
        %exp3A_456 = math.exp %gather3A_450 : vector<16xf32>
        %add3A_457 = arith.addf %add3A_417, %exp3A_456 : vector<16xf32>
        %broadcast_in_dim3A_458 = arith.constant 39 : i32
        %broadcast_in_dim3A_459 = vector.broadcast %broadcast_in_dim3A_458 : i32 to vector<16xi32>
        %gather3A_460 = tpu.vector_load_idx %arg5[%add3A_70, %broadcast_in_dim3A_459] : memref<400x100xf32, #tpu.memory_space<vmem>>[vector<16xi32>, vector<16xi32>], vector<16xf32>,
        %gt3A_461 = arith.cmpf ogt, %gather3A_460, %max3A_425 : vector<16xf32>
        %broadcast_in_dim3A_462 = arith.constant 39 : i32
        %broadcast_in_dim3A_463 = vector.broadcast %broadcast_in_dim3A_462 : i32 to vector<16xi32>
        %select_n3A_464 = arith.select %gt3A_461, %broadcast_in_dim3A_463, %select_n3A_424 : vector<16xi1>, vector<16xi32>
        %max3A_465 = arith.maximumf %max3A_425, %gather3A_460 : vector<16xf32>
        %exp3A_466 = math.exp %gather3A_460 : vector<16xf32>
        %add3A_467 = arith.addf %add3A_427, %exp3A_466 : vector<16xf32>
        %broadcast_in_dim3A_468 = arith.constant 40 : i32
        %broadcast_in_dim3A_469 = vector.broadcast %broadcast_in_dim3A_468 : i32 to vector<16xi32>
        %gather3A_470 = tpu.vector_load_idx %arg5[%add3A_70, %broadcast_in_dim3A_469] : memref<400x100xf32, #tpu.memory_space<vmem>>[vector<16xi32>, vector<16xi32>], vector<16xf32>,
        %gt3A_471 = arith.cmpf ogt, %gather3A_470, %max3A_435 : vector<16xf32>
        %broadcast_in_dim3A_472 = arith.constant 40 : i32
        %broadcast_in_dim3A_473 = vector.broadcast %broadcast_in_dim3A_472 : i32 to vector<16xi32>
        %select_n3A_474 = arith.select %gt3A_471, %broadcast_in_dim3A_473, %select_n3A_434 : vector<16xi1>, vector<16xi32>
        %max3A_475 = arith.maximumf %max3A_435, %gather3A_470 : vector<16xf32>
        %exp3A_476 = math.exp %gather3A_470 : vector<16xf32>
        %add3A_477 = arith.addf %add3A_437, %exp3A_476 : vector<16xf32>
        %broadcast_in_dim3A_478 = arith.constant 41 : i32
        %broadcast_in_dim3A_479 = vector.broadcast %broadcast_in_dim3A_478 : i32 to vector<16xi32>
        %gather3A_480 = tpu.vector_load_idx %arg5[%add3A_70, %broadcast_in_dim3A_479] : memref<400x100xf32, #tpu.memory_space<vmem>>[vector<16xi32>, vector<16xi32>], vector<16xf32>,
        %gt3A_481 = arith.cmpf ogt, %gather3A_480, %max3A_445 : vector<16xf32>
        %broadcast_in_dim3A_482 = arith.constant 41 : i32
        %broadcast_in_dim3A_483 = vector.broadcast %broadcast_in_dim3A_482 : i32 to vector<16xi32>
        %select_n3A_484 = arith.select %gt3A_481, %broadcast_in_dim3A_483, %select_n3A_444 : vector<16xi1>, vector<16xi32>
        %max3A_485 = arith.maximumf %max3A_445, %gather3A_480 : vector<16xf32>
        %exp3A_486 = math.exp %gather3A_480 : vector<16xf32>
        %add3A_487 = arith.addf %add3A_447, %exp3A_486 : vector<16xf32>
        %broadcast_in_dim3A_488 = arith.constant 42 : i32
        %broadcast_in_dim3A_489 = vector.broadcast %broadcast_in_dim3A_488 : i32 to vector<16xi32>
        %gather3A_490 = tpu.vector_load_idx %arg5[%add3A_70, %broadcast_in_dim3A_489] : memref<400x100xf32, #tpu.memory_space<vmem>>[vector<16xi32>, vector<16xi32>], vector<16xf32>,
        %gt3A_491 = arith.cmpf ogt, %gather3A_490, %max3A_455 : vector<16xf32>
        %broadcast_in_dim3A_492 = arith.constant 42 : i32
        %broadcast_in_dim3A_493 = vector.broadcast %broadcast_in_dim3A_492 : i32 to vector<16xi32>
        %select_n3A_494 = arith.select %gt3A_491, %broadcast_in_dim3A_493, %select_n3A_454 : vector<16xi1>, vector<16xi32>
        %max3A_495 = arith.maximumf %max3A_455, %gather3A_490 : vector<16xf32>
        %exp3A_496 = math.exp %gather3A_490 : vector<16xf32>
        %add3A_497 = arith.addf %add3A_457, %exp3A_496 : vector<16xf32>
        %broadcast_in_dim3A_498 = arith.constant 43 : i32
        %broadcast_in_dim3A_499 = vector.broadcast %broadcast_in_dim3A_498 : i32 to vector<16xi32>
        %gather3A_500 = tpu.vector_load_idx %arg5[%add3A_70, %broadcast_in_dim3A_499] : memref<400x100xf32, #tpu.memory_space<vmem>>[vector<16xi32>, vector<16xi32>], vector<16xf32>,
        %gt3A_501 = arith.cmpf ogt, %gather3A_500, %max3A_465 : vector<16xf32>
        %broadcast_in_dim3A_502 = arith.constant 43 : i32
        %broadcast_in_dim3A_503 = vector.broadcast %broadcast_in_dim3A_502 : i32 to vector<16xi32>
        %select_n3A_504 = arith.select %gt3A_501, %broadcast_in_dim3A_503, %select_n3A_464 : vector<16xi1>, vector<16xi32>
        %max3A_505 = arith.maximumf %max3A_465, %gather3A_500 : vector<16xf32>
        %exp3A_506 = math.exp %gather3A_500 : vector<16xf32>
        %add3A_507 = arith.addf %add3A_467, %exp3A_506 : vector<16xf32>
        %broadcast_in_dim3A_508 = arith.constant 44 : i32
        %broadcast_in_dim3A_509 = vector.broadcast %broadcast_in_dim3A_508 : i32 to vector<16xi32>
        %gather3A_510 = tpu.vector_load_idx %arg5[%add3A_70, %broadcast_in_dim3A_509] : memref<400x100xf32, #tpu.memory_space<vmem>>[vector<16xi32>, vector<16xi32>], vector<16xf32>,
        %gt3A_511 = arith.cmpf ogt, %gather3A_510, %max3A_475 : vector<16xf32>
        %broadcast_in_dim3A_512 = arith.constant 44 : i32
        %broadcast_in_dim3A_513 = vector.broadcast %broadcast_in_dim3A_512 : i32 to vector<16xi32>
        %select_n3A_514 = arith.select %gt3A_511, %broadcast_in_dim3A_513, %select_n3A_474 : vector<16xi1>, vector<16xi32>
        %max3A_515 = arith.maximumf %max3A_475, %gather3A_510 : vector<16xf32>
        %exp3A_516 = math.exp %gather3A_510 : vector<16xf32>
        %add3A_517 = arith.addf %add3A_477, %exp3A_516 : vector<16xf32>
        %broadcast_in_dim3A_518 = arith.constant 45 : i32
        %broadcast_in_dim3A_519 = vector.broadcast %broadcast_in_dim3A_518 : i32 to vector<16xi32>
        %gather3A_520 = tpu.vector_load_idx %arg5[%add3A_70, %broadcast_in_dim3A_519] : memref<400x100xf32, #tpu.memory_space<vmem>>[vector<16xi32>, vector<16xi32>], vector<16xf32>,
        %gt3A_521 = arith.cmpf ogt, %gather3A_520, %max3A_485 : vector<16xf32>
        %broadcast_in_dim3A_522 = arith.constant 45 : i32
        %broadcast_in_dim3A_523 = vector.broadcast %broadcast_in_dim3A_522 : i32 to vector<16xi32>
        %select_n3A_524 = arith.select %gt3A_521, %broadcast_in_dim3A_523, %select_n3A_484 : vector<16xi1>, vector<16xi32>
        %max3A_525 = arith.maximumf %max3A_485, %gather3A_520 : vector<16xf32>
        %exp3A_526 = math.exp %gather3A_520 : vector<16xf32>
        %add3A_527 = arith.addf %add3A_487, %exp3A_526 : vector<16xf32>
        %broadcast_in_dim3A_528 = arith.constant 46 : i32
        %broadcast_in_dim3A_529 = vector.broadcast %broadcast_in_dim3A_528 : i32 to vector<16xi32>
        %gather3A_530 = tpu.vector_load_idx %arg5[%add3A_70, %broadcast_in_dim3A_529] : memref<400x100xf32, #tpu.memory_space<vmem>>[vector<16xi32>, vector<16xi32>], vector<16xf32>,
        %gt3A_531 = arith.cmpf ogt, %gather3A_530, %max3A_495 : vector<16xf32>
        %broadcast_in_dim3A_532 = arith.constant 46 : i32
        %broadcast_in_dim3A_533 = vector.broadcast %broadcast_in_dim3A_532 : i32 to vector<16xi32>
        %select_n3A_534 = arith.select %gt3A_531, %broadcast_in_dim3A_533, %select_n3A_494 : vector<16xi1>, vector<16xi32>
        %max3A_535 = arith.maximumf %max3A_495, %gather3A_530 : vector<16xf32>
        %exp3A_536 = math.exp %gather3A_530 : vector<16xf32>
        %add3A_537 = arith.addf %add3A_497, %exp3A_536 : vector<16xf32>
        %broadcast_in_dim3A_538 = arith.constant 47 : i32
        %broadcast_in_dim3A_539 = vector.broadcast %broadcast_in_dim3A_538 : i32 to vector<16xi32>
        %gather3A_540 = tpu.vector_load_idx %arg5[%add3A_70, %broadcast_in_dim3A_539] : memref<400x100xf32, #tpu.memory_space<vmem>>[vector<16xi32>, vector<16xi32>], vector<16xf32>,
        %gt3A_541 = arith.cmpf ogt, %gather3A_540, %max3A_505 : vector<16xf32>
        %broadcast_in_dim3A_542 = arith.constant 47 : i32
        %broadcast_in_dim3A_543 = vector.broadcast %broadcast_in_dim3A_542 : i32 to vector<16xi32>
        %select_n3A_544 = arith.select %gt3A_541, %broadcast_in_dim3A_543, %select_n3A_504 : vector<16xi1>, vector<16xi32>
        %max3A_545 = arith.maximumf %max3A_505, %gather3A_540 : vector<16xf32>
        %exp3A_546 = math.exp %gather3A_540 : vector<16xf32>
        %add3A_547 = arith.addf %add3A_507, %exp3A_546 : vector<16xf32>
        %broadcast_in_dim3A_548 = arith.constant 48 : i32
        %broadcast_in_dim3A_549 = vector.broadcast %broadcast_in_dim3A_548 : i32 to vector<16xi32>
        %gather3A_550 = tpu.vector_load_idx %arg5[%add3A_70, %broadcast_in_dim3A_549] : memref<400x100xf32, #tpu.memory_space<vmem>>[vector<16xi32>, vector<16xi32>], vector<16xf32>,
        %gt3A_551 = arith.cmpf ogt, %gather3A_550, %max3A_515 : vector<16xf32>
        %broadcast_in_dim3A_552 = arith.constant 48 : i32
        %broadcast_in_dim3A_553 = vector.broadcast %broadcast_in_dim3A_552 : i32 to vector<16xi32>
        %select_n3A_554 = arith.select %gt3A_551, %broadcast_in_dim3A_553, %select_n3A_514 : vector<16xi1>, vector<16xi32>
        %max3A_555 = arith.maximumf %max3A_515, %gather3A_550 : vector<16xf32>
        %exp3A_556 = math.exp %gather3A_550 : vector<16xf32>
        %add3A_557 = arith.addf %add3A_517, %exp3A_556 : vector<16xf32>
        %broadcast_in_dim3A_558 = arith.constant 49 : i32
        %broadcast_in_dim3A_559 = vector.broadcast %broadcast_in_dim3A_558 : i32 to vector<16xi32>
        %gather3A_560 = tpu.vector_load_idx %arg5[%add3A_70, %broadcast_in_dim3A_559] : memref<400x100xf32, #tpu.memory_space<vmem>>[vector<16xi32>, vector<16xi32>], vector<16xf32>,
        %gt3A_561 = arith.cmpf ogt, %gather3A_560, %max3A_525 : vector<16xf32>
        %broadcast_in_dim3A_562 = arith.constant 49 : i32
        %broadcast_in_dim3A_563 = vector.broadcast %broadcast_in_dim3A_562 : i32 to vector<16xi32>
        %select_n3A_564 = arith.select %gt3A_561, %broadcast_in_dim3A_563, %select_n3A_524 : vector<16xi1>, vector<16xi32>
        %max3A_565 = arith.maximumf %max3A_525, %gather3A_560 : vector<16xf32>
        %exp3A_566 = math.exp %gather3A_560 : vector<16xf32>
        %add3A_567 = arith.addf %add3A_527, %exp3A_566 : vector<16xf32>
        %broadcast_in_dim3A_568 = arith.constant 50 : i32
        %broadcast_in_dim3A_569 = vector.broadcast %broadcast_in_dim3A_568 : i32 to vector<16xi32>
        %gather3A_570 = tpu.vector_load_idx %arg5[%add3A_70, %broadcast_in_dim3A_569] : memref<400x100xf32, #tpu.memory_space<vmem>>[vector<16xi32>, vector<16xi32>], vector<16xf32>,
        %gt3A_571 = arith.cmpf ogt, %gather3A_570, %max3A_535 : vector<16xf32>
        %broadcast_in_dim3A_572 = arith.constant 50 : i32
        %broadcast_in_dim3A_573 = vector.broadcast %broadcast_in_dim3A_572 : i32 to vector<16xi32>
        %select_n3A_574 = arith.select %gt3A_571, %broadcast_in_dim3A_573, %select_n3A_534 : vector<16xi1>, vector<16xi32>
        %max3A_575 = arith.maximumf %max3A_535, %gather3A_570 : vector<16xf32>
        %exp3A_576 = math.exp %gather3A_570 : vector<16xf32>
        %add3A_577 = arith.addf %add3A_537, %exp3A_576 : vector<16xf32>
        %broadcast_in_dim3A_578 = arith.constant 51 : i32
        %broadcast_in_dim3A_579 = vector.broadcast %broadcast_in_dim3A_578 : i32 to vector<16xi32>
        %gather3A_580 = tpu.vector_load_idx %arg5[%add3A_70, %broadcast_in_dim3A_579] : memref<400x100xf32, #tpu.memory_space<vmem>>[vector<16xi32>, vector<16xi32>], vector<16xf32>,
        %gt3A_581 = arith.cmpf ogt, %gather3A_580, %max3A_545 : vector<16xf32>
        %broadcast_in_dim3A_582 = arith.constant 51 : i32
        %broadcast_in_dim3A_583 = vector.broadcast %broadcast_in_dim3A_582 : i32 to vector<16xi32>
        %select_n3A_584 = arith.select %gt3A_581, %broadcast_in_dim3A_583, %select_n3A_544 : vector<16xi1>, vector<16xi32>
        %max3A_585 = arith.maximumf %max3A_545, %gather3A_580 : vector<16xf32>
        %exp3A_586 = math.exp %gather3A_580 : vector<16xf32>
        %add3A_587 = arith.addf %add3A_547, %exp3A_586 : vector<16xf32>
        %broadcast_in_dim3A_588 = arith.constant 52 : i32
        %broadcast_in_dim3A_589 = vector.broadcast %broadcast_in_dim3A_588 : i32 to vector<16xi32>
        %gather3A_590 = tpu.vector_load_idx %arg5[%add3A_70, %broadcast_in_dim3A_589] : memref<400x100xf32, #tpu.memory_space<vmem>>[vector<16xi32>, vector<16xi32>], vector<16xf32>,
        %gt3A_591 = arith.cmpf ogt, %gather3A_590, %max3A_555 : vector<16xf32>
        %broadcast_in_dim3A_592 = arith.constant 52 : i32
        %broadcast_in_dim3A_593 = vector.broadcast %broadcast_in_dim3A_592 : i32 to vector<16xi32>
        %select_n3A_594 = arith.select %gt3A_591, %broadcast_in_dim3A_593, %select_n3A_554 : vector<16xi1>, vector<16xi32>
        %max3A_595 = arith.maximumf %max3A_555, %gather3A_590 : vector<16xf32>
        %exp3A_596 = math.exp %gather3A_590 : vector<16xf32>
        %add3A_597 = arith.addf %add3A_557, %exp3A_596 : vector<16xf32>
        %broadcast_in_dim3A_598 = arith.constant 53 : i32
        %broadcast_in_dim3A_599 = vector.broadcast %broadcast_in_dim3A_598 : i32 to vector<16xi32>
        %gather3A_600 = tpu.vector_load_idx %arg5[%add3A_70, %broadcast_in_dim3A_599] : memref<400x100xf32, #tpu.memory_space<vmem>>[vector<16xi32>, vector<16xi32>], vector<16xf32>,
        %gt3A_601 = arith.cmpf ogt, %gather3A_600, %max3A_565 : vector<16xf32>
        %broadcast_in_dim3A_602 = arith.constant 53 : i32
        %broadcast_in_dim3A_603 = vector.broadcast %broadcast_in_dim3A_602 : i32 to vector<16xi32>
        %select_n3A_604 = arith.select %gt3A_601, %broadcast_in_dim3A_603, %select_n3A_564 : vector<16xi1>, vector<16xi32>
        %max3A_605 = arith.maximumf %max3A_565, %gather3A_600 : vector<16xf32>
        %exp3A_606 = math.exp %gather3A_600 : vector<16xf32>
        %add3A_607 = arith.addf %add3A_567, %exp3A_606 : vector<16xf32>
        %broadcast_in_dim3A_608 = arith.constant 54 : i32
        %broadcast_in_dim3A_609 = vector.broadcast %broadcast_in_dim3A_608 : i32 to vector<16xi32>
        %gather3A_610 = tpu.vector_load_idx %arg5[%add3A_70, %broadcast_in_dim3A_609] : memref<400x100xf32, #tpu.memory_space<vmem>>[vector<16xi32>, vector<16xi32>], vector<16xf32>,
        %gt3A_611 = arith.cmpf ogt, %gather3A_610, %max3A_575 : vector<16xf32>
        %broadcast_in_dim3A_612 = arith.constant 54 : i32
        %broadcast_in_dim3A_613 = vector.broadcast %broadcast_in_dim3A_612 : i32 to vector<16xi32>
        %select_n3A_614 = arith.select %gt3A_611, %broadcast_in_dim3A_613, %select_n3A_574 : vector<16xi1>, vector<16xi32>
        %max3A_615 = arith.maximumf %max3A_575, %gather3A_610 : vector<16xf32>
        %exp3A_616 = math.exp %gather3A_610 : vector<16xf32>
        %add3A_617 = arith.addf %add3A_577, %exp3A_616 : vector<16xf32>
        %broadcast_in_dim3A_618 = arith.constant 55 : i32
        %broadcast_in_dim3A_619 = vector.broadcast %broadcast_in_dim3A_618 : i32 to vector<16xi32>
        %gather3A_620 = tpu.vector_load_idx %arg5[%add3A_70, %broadcast_in_dim3A_619] : memref<400x100xf32, #tpu.memory_space<vmem>>[vector<16xi32>, vector<16xi32>], vector<16xf32>,
        %gt3A_621 = arith.cmpf ogt, %gather3A_620, %max3A_585 : vector<16xf32>
        %broadcast_in_dim3A_622 = arith.constant 55 : i32
        %broadcast_in_dim3A_623 = vector.broadcast %broadcast_in_dim3A_622 : i32 to vector<16xi32>
        %select_n3A_624 = arith.select %gt3A_621, %broadcast_in_dim3A_623, %select_n3A_584 : vector<16xi1>, vector<16xi32>
        %max3A_625 = arith.maximumf %max3A_585, %gather3A_620 : vector<16xf32>
        %exp3A_626 = math.exp %gather3A_620 : vector<16xf32>
        %add3A_627 = arith.addf %add3A_587, %exp3A_626 : vector<16xf32>
        %broadcast_in_dim3A_628 = arith.constant 56 : i32
        %broadcast_in_dim3A_629 = vector.broadcast %broadcast_in_dim3A_628 : i32 to vector<16xi32>
        %gather3A_630 = tpu.vector_load_idx %arg5[%add3A_70, %broadcast_in_dim3A_629] : memref<400x100xf32, #tpu.memory_space<vmem>>[vector<16xi32>, vector<16xi32>], vector<16xf32>,
        %gt3A_631 = arith.cmpf ogt, %gather3A_630, %max3A_595 : vector<16xf32>
        %broadcast_in_dim3A_632 = arith.constant 56 : i32
        %broadcast_in_dim3A_633 = vector.broadcast %broadcast_in_dim3A_632 : i32 to vector<16xi32>
        %select_n3A_634 = arith.select %gt3A_631, %broadcast_in_dim3A_633, %select_n3A_594 : vector<16xi1>, vector<16xi32>
        %max3A_635 = arith.maximumf %max3A_595, %gather3A_630 : vector<16xf32>
        %exp3A_636 = math.exp %gather3A_630 : vector<16xf32>
        %add3A_637 = arith.addf %add3A_597, %exp3A_636 : vector<16xf32>
        %broadcast_in_dim3A_638 = arith.constant 57 : i32
        %broadcast_in_dim3A_639 = vector.broadcast %broadcast_in_dim3A_638 : i32 to vector<16xi32>
        %gather3A_640 = tpu.vector_load_idx %arg5[%add3A_70, %broadcast_in_dim3A_639] : memref<400x100xf32, #tpu.memory_space<vmem>>[vector<16xi32>, vector<16xi32>], vector<16xf32>,
        %gt3A_641 = arith.cmpf ogt, %gather3A_640, %max3A_605 : vector<16xf32>
        %broadcast_in_dim3A_642 = arith.constant 57 : i32
        %broadcast_in_dim3A_643 = vector.broadcast %broadcast_in_dim3A_642 : i32 to vector<16xi32>
        %select_n3A_644 = arith.select %gt3A_641, %broadcast_in_dim3A_643, %select_n3A_604 : vector<16xi1>, vector<16xi32>
        %max3A_645 = arith.maximumf %max3A_605, %gather3A_640 : vector<16xf32>
        %exp3A_646 = math.exp %gather3A_640 : vector<16xf32>
        %add3A_647 = arith.addf %add3A_607, %exp3A_646 : vector<16xf32>
        %broadcast_in_dim3A_648 = arith.constant 58 : i32
        %broadcast_in_dim3A_649 = vector.broadcast %broadcast_in_dim3A_648 : i32 to vector<16xi32>
        %gather3A_650 = tpu.vector_load_idx %arg5[%add3A_70, %broadcast_in_dim3A_649] : memref<400x100xf32, #tpu.memory_space<vmem>>[vector<16xi32>, vector<16xi32>], vector<16xf32>,
        %gt3A_651 = arith.cmpf ogt, %gather3A_650, %max3A_615 : vector<16xf32>
        %broadcast_in_dim3A_652 = arith.constant 58 : i32
        %broadcast_in_dim3A_653 = vector.broadcast %broadcast_in_dim3A_652 : i32 to vector<16xi32>
        %select_n3A_654 = arith.select %gt3A_651, %broadcast_in_dim3A_653, %select_n3A_614 : vector<16xi1>, vector<16xi32>
        %max3A_655 = arith.maximumf %max3A_615, %gather3A_650 : vector<16xf32>
        %exp3A_656 = math.exp %gather3A_650 : vector<16xf32>
        %add3A_657 = arith.addf %add3A_617, %exp3A_656 : vector<16xf32>
        %broadcast_in_dim3A_658 = arith.constant 59 : i32
        %broadcast_in_dim3A_659 = vector.broadcast %broadcast_in_dim3A_658 : i32 to vector<16xi32>
        %gather3A_660 = tpu.vector_load_idx %arg5[%add3A_70, %broadcast_in_dim3A_659] : memref<400x100xf32, #tpu.memory_space<vmem>>[vector<16xi32>, vector<16xi32>], vector<16xf32>,
        %gt3A_661 = arith.cmpf ogt, %gather3A_660, %max3A_625 : vector<16xf32>
        %broadcast_in_dim3A_662 = arith.constant 59 : i32
        %broadcast_in_dim3A_663 = vector.broadcast %broadcast_in_dim3A_662 : i32 to vector<16xi32>
        %select_n3A_664 = arith.select %gt3A_661, %broadcast_in_dim3A_663, %select_n3A_624 : vector<16xi1>, vector<16xi32>
        %max3A_665 = arith.maximumf %max3A_625, %gather3A_660 : vector<16xf32>
        %exp3A_666 = math.exp %gather3A_660 : vector<16xf32>
        %add3A_667 = arith.addf %add3A_627, %exp3A_666 : vector<16xf32>
        %broadcast_in_dim3A_668 = arith.constant 60 : i32
        %broadcast_in_dim3A_669 = vector.broadcast %broadcast_in_dim3A_668 : i32 to vector<16xi32>
        %gather3A_670 = tpu.vector_load_idx %arg5[%add3A_70, %broadcast_in_dim3A_669] : memref<400x100xf32, #tpu.memory_space<vmem>>[vector<16xi32>, vector<16xi32>], vector<16xf32>,
        %gt3A_671 = arith.cmpf ogt, %gather3A_670, %max3A_635 : vector<16xf32>
        %broadcast_in_dim3A_672 = arith.constant 60 : i32
        %broadcast_in_dim3A_673 = vector.broadcast %broadcast_in_dim3A_672 : i32 to vector<16xi32>
        %select_n3A_674 = arith.select %gt3A_671, %broadcast_in_dim3A_673, %select_n3A_634 : vector<16xi1>, vector<16xi32>
        %max3A_675 = arith.maximumf %max3A_635, %gather3A_670 : vector<16xf32>
        %exp3A_676 = math.exp %gather3A_670 : vector<16xf32>
        %add3A_677 = arith.addf %add3A_637, %exp3A_676 : vector<16xf32>
        %broadcast_in_dim3A_678 = arith.constant 61 : i32
        %broadcast_in_dim3A_679 = vector.broadcast %broadcast_in_dim3A_678 : i32 to vector<16xi32>
        %gather3A_680 = tpu.vector_load_idx %arg5[%add3A_70, %broadcast_in_dim3A_679] : memref<400x100xf32, #tpu.memory_space<vmem>>[vector<16xi32>, vector<16xi32>], vector<16xf32>,
        %gt3A_681 = arith.cmpf ogt, %gather3A_680, %max3A_645 : vector<16xf32>
        %broadcast_in_dim3A_682 = arith.constant 61 : i32
        %broadcast_in_dim3A_683 = vector.broadcast %broadcast_in_dim3A_682 : i32 to vector<16xi32>
        %select_n3A_684 = arith.select %gt3A_681, %broadcast_in_dim3A_683, %select_n3A_644 : vector<16xi1>, vector<16xi32>
        %max3A_685 = arith.maximumf %max3A_645, %gather3A_680 : vector<16xf32>
        %exp3A_686 = math.exp %gather3A_680 : vector<16xf32>
        %add3A_687 = arith.addf %add3A_647, %exp3A_686 : vector<16xf32>
        %broadcast_in_dim3A_688 = arith.constant 62 : i32
        %broadcast_in_dim3A_689 = vector.broadcast %broadcast_in_dim3A_688 : i32 to vector<16xi32>
        %gather3A_690 = tpu.vector_load_idx %arg5[%add3A_70, %broadcast_in_dim3A_689] : memref<400x100xf32, #tpu.memory_space<vmem>>[vector<16xi32>, vector<16xi32>], vector<16xf32>,
        %gt3A_691 = arith.cmpf ogt, %gather3A_690, %max3A_655 : vector<16xf32>
        %broadcast_in_dim3A_692 = arith.constant 62 : i32
        %broadcast_in_dim3A_693 = vector.broadcast %broadcast_in_dim3A_692 : i32 to vector<16xi32>
        %select_n3A_694 = arith.select %gt3A_691, %broadcast_in_dim3A_693, %select_n3A_654 : vector<16xi1>, vector<16xi32>
        %max3A_695 = arith.maximumf %max3A_655, %gather3A_690 : vector<16xf32>
        %exp3A_696 = math.exp %gather3A_690 : vector<16xf32>
        %add3A_697 = arith.addf %add3A_657, %exp3A_696 : vector<16xf32>
        %broadcast_in_dim3A_698 = arith.constant 63 : i32
        %broadcast_in_dim3A_699 = vector.broadcast %broadcast_in_dim3A_698 : i32 to vector<16xi32>
        %gather3A_700 = tpu.vector_load_idx %arg5[%add3A_70, %broadcast_in_dim3A_699] : memref<400x100xf32, #tpu.memory_space<vmem>>[vector<16xi32>, vector<16xi32>], vector<16xf32>,
        %gt3A_701 = arith.cmpf ogt, %gather3A_700, %max3A_665 : vector<16xf32>
        %broadcast_in_dim3A_702 = arith.constant 63 : i32
        %broadcast_in_dim3A_703 = vector.broadcast %broadcast_in_dim3A_702 : i32 to vector<16xi32>
        %select_n3A_704 = arith.select %gt3A_701, %broadcast_in_dim3A_703, %select_n3A_664 : vector<16xi1>, vector<16xi32>
        %max3A_705 = arith.maximumf %max3A_665, %gather3A_700 : vector<16xf32>
        %exp3A_706 = math.exp %gather3A_700 : vector<16xf32>
        %add3A_707 = arith.addf %add3A_667, %exp3A_706 : vector<16xf32>
        %broadcast_in_dim3A_708 = arith.constant 64 : i32
        %broadcast_in_dim3A_709 = vector.broadcast %broadcast_in_dim3A_708 : i32 to vector<16xi32>
        %gather3A_710 = tpu.vector_load_idx %arg5[%add3A_70, %broadcast_in_dim3A_709] : memref<400x100xf32, #tpu.memory_space<vmem>>[vector<16xi32>, vector<16xi32>], vector<16xf32>,
        %gt3A_711 = arith.cmpf ogt, %gather3A_710, %max3A_675 : vector<16xf32>
        %broadcast_in_dim3A_712 = arith.constant 64 : i32
        %broadcast_in_dim3A_713 = vector.broadcast %broadcast_in_dim3A_712 : i32 to vector<16xi32>
        %select_n3A_714 = arith.select %gt3A_711, %broadcast_in_dim3A_713, %select_n3A_674 : vector<16xi1>, vector<16xi32>
        %max3A_715 = arith.maximumf %max3A_675, %gather3A_710 : vector<16xf32>
        %exp3A_716 = math.exp %gather3A_710 : vector<16xf32>
        %add3A_717 = arith.addf %add3A_677, %exp3A_716 : vector<16xf32>
        %broadcast_in_dim3A_718 = arith.constant 65 : i32
        %broadcast_in_dim3A_719 = vector.broadcast %broadcast_in_dim3A_718 : i32 to vector<16xi32>
        %gather3A_720 = tpu.vector_load_idx %arg5[%add3A_70, %broadcast_in_dim3A_719] : memref<400x100xf32, #tpu.memory_space<vmem>>[vector<16xi32>, vector<16xi32>], vector<16xf32>,
        %gt3A_721 = arith.cmpf ogt, %gather3A_720, %max3A_685 : vector<16xf32>
        %broadcast_in_dim3A_722 = arith.constant 65 : i32
        %broadcast_in_dim3A_723 = vector.broadcast %broadcast_in_dim3A_722 : i32 to vector<16xi32>
        %select_n3A_724 = arith.select %gt3A_721, %broadcast_in_dim3A_723, %select_n3A_684 : vector<16xi1>, vector<16xi32>
        %max3A_725 = arith.maximumf %max3A_685, %gather3A_720 : vector<16xf32>
        %exp3A_726 = math.exp %gather3A_720 : vector<16xf32>
        %add3A_727 = arith.addf %add3A_687, %exp3A_726 : vector<16xf32>
        %broadcast_in_dim3A_728 = arith.constant 66 : i32
        %broadcast_in_dim3A_729 = vector.broadcast %broadcast_in_dim3A_728 : i32 to vector<16xi32>
        %gather3A_730 = tpu.vector_load_idx %arg5[%add3A_70, %broadcast_in_dim3A_729] : memref<400x100xf32, #tpu.memory_space<vmem>>[vector<16xi32>, vector<16xi32>], vector<16xf32>,
        %gt3A_731 = arith.cmpf ogt, %gather3A_730, %max3A_695 : vector<16xf32>
        %broadcast_in_dim3A_732 = arith.constant 66 : i32
        %broadcast_in_dim3A_733 = vector.broadcast %broadcast_in_dim3A_732 : i32 to vector<16xi32>
        %select_n3A_734 = arith.select %gt3A_731, %broadcast_in_dim3A_733, %select_n3A_694 : vector<16xi1>, vector<16xi32>
        %max3A_735 = arith.maximumf %max3A_695, %gather3A_730 : vector<16xf32>
        %exp3A_736 = math.exp %gather3A_730 : vector<16xf32>
        %add3A_737 = arith.addf %add3A_697, %exp3A_736 : vector<16xf32>
        %broadcast_in_dim3A_738 = arith.constant 67 : i32
        %broadcast_in_dim3A_739 = vector.broadcast %broadcast_in_dim3A_738 : i32 to vector<16xi32>
        %gather3A_740 = tpu.vector_load_idx %arg5[%add3A_70, %broadcast_in_dim3A_739] : memref<400x100xf32, #tpu.memory_space<vmem>>[vector<16xi32>, vector<16xi32>], vector<16xf32>,
        %gt3A_741 = arith.cmpf ogt, %gather3A_740, %max3A_705 : vector<16xf32>
        %broadcast_in_dim3A_742 = arith.constant 67 : i32
        %broadcast_in_dim3A_743 = vector.broadcast %broadcast_in_dim3A_742 : i32 to vector<16xi32>
        %select_n3A_744 = arith.select %gt3A_741, %broadcast_in_dim3A_743, %select_n3A_704 : vector<16xi1>, vector<16xi32>
        %max3A_745 = arith.maximumf %max3A_705, %gather3A_740 : vector<16xf32>
        %exp3A_746 = math.exp %gather3A_740 : vector<16xf32>
        %add3A_747 = arith.addf %add3A_707, %exp3A_746 : vector<16xf32>
        %broadcast_in_dim3A_748 = arith.constant 68 : i32
        %broadcast_in_dim3A_749 = vector.broadcast %broadcast_in_dim3A_748 : i32 to vector<16xi32>
        %gather3A_750 = tpu.vector_load_idx %arg5[%add3A_70, %broadcast_in_dim3A_749] : memref<400x100xf32, #tpu.memory_space<vmem>>[vector<16xi32>, vector<16xi32>], vector<16xf32>,
        %gt3A_751 = arith.cmpf ogt, %gather3A_750, %max3A_715 : vector<16xf32>
        %broadcast_in_dim3A_752 = arith.constant 68 : i32
        %broadcast_in_dim3A_753 = vector.broadcast %broadcast_in_dim3A_752 : i32 to vector<16xi32>
        %select_n3A_754 = arith.select %gt3A_751, %broadcast_in_dim3A_753, %select_n3A_714 : vector<16xi1>, vector<16xi32>
        %max3A_755 = arith.maximumf %max3A_715, %gather3A_750 : vector<16xf32>
        %exp3A_756 = math.exp %gather3A_750 : vector<16xf32>
        %add3A_757 = arith.addf %add3A_717, %exp3A_756 : vector<16xf32>
        %broadcast_in_dim3A_758 = arith.constant 69 : i32
        %broadcast_in_dim3A_759 = vector.broadcast %broadcast_in_dim3A_758 : i32 to vector<16xi32>
        %gather3A_760 = tpu.vector_load_idx %arg5[%add3A_70, %broadcast_in_dim3A_759] : memref<400x100xf32, #tpu.memory_space<vmem>>[vector<16xi32>, vector<16xi32>], vector<16xf32>,
        %gt3A_761 = arith.cmpf ogt, %gather3A_760, %max3A_725 : vector<16xf32>
        %broadcast_in_dim3A_762 = arith.constant 69 : i32
        %broadcast_in_dim3A_763 = vector.broadcast %broadcast_in_dim3A_762 : i32 to vector<16xi32>
        %select_n3A_764 = arith.select %gt3A_761, %broadcast_in_dim3A_763, %select_n3A_724 : vector<16xi1>, vector<16xi32>
        %max3A_765 = arith.maximumf %max3A_725, %gather3A_760 : vector<16xf32>
        %exp3A_766 = math.exp %gather3A_760 : vector<16xf32>
        %add3A_767 = arith.addf %add3A_727, %exp3A_766 : vector<16xf32>
        %broadcast_in_dim3A_768 = arith.constant 70 : i32
        %broadcast_in_dim3A_769 = vector.broadcast %broadcast_in_dim3A_768 : i32 to vector<16xi32>
        %gather3A_770 = tpu.vector_load_idx %arg5[%add3A_70, %broadcast_in_dim3A_769] : memref<400x100xf32, #tpu.memory_space<vmem>>[vector<16xi32>, vector<16xi32>], vector<16xf32>,
        %gt3A_771 = arith.cmpf ogt, %gather3A_770, %max3A_735 : vector<16xf32>
        %broadcast_in_dim3A_772 = arith.constant 70 : i32
        %broadcast_in_dim3A_773 = vector.broadcast %broadcast_in_dim3A_772 : i32 to vector<16xi32>
        %select_n3A_774 = arith.select %gt3A_771, %broadcast_in_dim3A_773, %select_n3A_734 : vector<16xi1>, vector<16xi32>
        %max3A_775 = arith.maximumf %max3A_735, %gather3A_770 : vector<16xf32>
        %exp3A_776 = math.exp %gather3A_770 : vector<16xf32>
        %add3A_777 = arith.addf %add3A_737, %exp3A_776 : vector<16xf32>
        %broadcast_in_dim3A_778 = arith.constant 71 : i32
        %broadcast_in_dim3A_779 = vector.broadcast %broadcast_in_dim3A_778 : i32 to vector<16xi32>
        %gather3A_780 = tpu.vector_load_idx %arg5[%add3A_70, %broadcast_in_dim3A_779] : memref<400x100xf32, #tpu.memory_space<vmem>>[vector<16xi32>, vector<16xi32>], vector<16xf32>,
        %gt3A_781 = arith.cmpf ogt, %gather3A_780, %max3A_745 : vector<16xf32>
        %broadcast_in_dim3A_782 = arith.constant 71 : i32
        %broadcast_in_dim3A_783 = vector.broadcast %broadcast_in_dim3A_782 : i32 to vector<16xi32>
        %select_n3A_784 = arith.select %gt3A_781, %broadcast_in_dim3A_783, %select_n3A_744 : vector<16xi1>, vector<16xi32>
        %max3A_785 = arith.maximumf %max3A_745, %gather3A_780 : vector<16xf32>
        %exp3A_786 = math.exp %gather3A_780 : vector<16xf32>
        %add3A_787 = arith.addf %add3A_747, %exp3A_786 : vector<16xf32>
        %broadcast_in_dim3A_788 = arith.constant 72 : i32
        %broadcast_in_dim3A_789 = vector.broadcast %broadcast_in_dim3A_788 : i32 to vector<16xi32>
        %gather3A_790 = tpu.vector_load_idx %arg5[%add3A_70, %broadcast_in_dim3A_789] : memref<400x100xf32, #tpu.memory_space<vmem>>[vector<16xi32>, vector<16xi32>], vector<16xf32>,
        %gt3A_791 = arith.cmpf ogt, %gather3A_790, %max3A_755 : vector<16xf32>
        %broadcast_in_dim3A_792 = arith.constant 72 : i32
        %broadcast_in_dim3A_793 = vector.broadcast %broadcast_in_dim3A_792 : i32 to vector<16xi32>
        %select_n3A_794 = arith.select %gt3A_791, %broadcast_in_dim3A_793, %select_n3A_754 : vector<16xi1>, vector<16xi32>
        %max3A_795 = arith.maximumf %max3A_755, %gather3A_790 : vector<16xf32>
        %exp3A_796 = math.exp %gather3A_790 : vector<16xf32>
        %add3A_797 = arith.addf %add3A_757, %exp3A_796 : vector<16xf32>
        %broadcast_in_dim3A_798 = arith.constant 73 : i32
        %broadcast_in_dim3A_799 = vector.broadcast %broadcast_in_dim3A_798 : i32 to vector<16xi32>
        %gather3A_800 = tpu.vector_load_idx %arg5[%add3A_70, %broadcast_in_dim3A_799] : memref<400x100xf32, #tpu.memory_space<vmem>>[vector<16xi32>, vector<16xi32>], vector<16xf32>,
        %gt3A_801 = arith.cmpf ogt, %gather3A_800, %max3A_765 : vector<16xf32>
        %broadcast_in_dim3A_802 = arith.constant 73 : i32
        %broadcast_in_dim3A_803 = vector.broadcast %broadcast_in_dim3A_802 : i32 to vector<16xi32>
        %select_n3A_804 = arith.select %gt3A_801, %broadcast_in_dim3A_803, %select_n3A_764 : vector<16xi1>, vector<16xi32>
        %max3A_805 = arith.maximumf %max3A_765, %gather3A_800 : vector<16xf32>
        %exp3A_806 = math.exp %gather3A_800 : vector<16xf32>
        %add3A_807 = arith.addf %add3A_767, %exp3A_806 : vector<16xf32>
        %broadcast_in_dim3A_808 = arith.constant 74 : i32
        %broadcast_in_dim3A_809 = vector.broadcast %broadcast_in_dim3A_808 : i32 to vector<16xi32>
        %gather3A_810 = tpu.vector_load_idx %arg5[%add3A_70, %broadcast_in_dim3A_809] : memref<400x100xf32, #tpu.memory_space<vmem>>[vector<16xi32>, vector<16xi32>], vector<16xf32>,
        %gt3A_811 = arith.cmpf ogt, %gather3A_810, %max3A_775 : vector<16xf32>
        %broadcast_in_dim3A_812 = arith.constant 74 : i32
        %broadcast_in_dim3A_813 = vector.broadcast %broadcast_in_dim3A_812 : i32 to vector<16xi32>
        %select_n3A_814 = arith.select %gt3A_811, %broadcast_in_dim3A_813, %select_n3A_774 : vector<16xi1>, vector<16xi32>
        %max3A_815 = arith.maximumf %max3A_775, %gather3A_810 : vector<16xf32>
        %exp3A_816 = math.exp %gather3A_810 : vector<16xf32>
        %add3A_817 = arith.addf %add3A_777, %exp3A_816 : vector<16xf32>
        %broadcast_in_dim3A_818 = arith.constant 75 : i32
        %broadcast_in_dim3A_819 = vector.broadcast %broadcast_in_dim3A_818 : i32 to vector<16xi32>
        %gather3A_820 = tpu.vector_load_idx %arg5[%add3A_70, %broadcast_in_dim3A_819] : memref<400x100xf32, #tpu.memory_space<vmem>>[vector<16xi32>, vector<16xi32>], vector<16xf32>,
        %gt3A_821 = arith.cmpf ogt, %gather3A_820, %max3A_785 : vector<16xf32>
        %broadcast_in_dim3A_822 = arith.constant 75 : i32
        %broadcast_in_dim3A_823 = vector.broadcast %broadcast_in_dim3A_822 : i32 to vector<16xi32>
        %select_n3A_824 = arith.select %gt3A_821, %broadcast_in_dim3A_823, %select_n3A_784 : vector<16xi1>, vector<16xi32>
        %max3A_825 = arith.maximumf %max3A_785, %gather3A_820 : vector<16xf32>
        %exp3A_826 = math.exp %gather3A_820 : vector<16xf32>
        %add3A_827 = arith.addf %add3A_787, %exp3A_826 : vector<16xf32>
        %broadcast_in_dim3A_828 = arith.constant 76 : i32
        %broadcast_in_dim3A_829 = vector.broadcast %broadcast_in_dim3A_828 : i32 to vector<16xi32>
        %gather3A_830 = tpu.vector_load_idx %arg5[%add3A_70, %broadcast_in_dim3A_829] : memref<400x100xf32, #tpu.memory_space<vmem>>[vector<16xi32>, vector<16xi32>], vector<16xf32>,
        %gt3A_831 = arith.cmpf ogt, %gather3A_830, %max3A_795 : vector<16xf32>
        %broadcast_in_dim3A_832 = arith.constant 76 : i32
        %broadcast_in_dim3A_833 = vector.broadcast %broadcast_in_dim3A_832 : i32 to vector<16xi32>
        %select_n3A_834 = arith.select %gt3A_831, %broadcast_in_dim3A_833, %select_n3A_794 : vector<16xi1>, vector<16xi32>
        %max3A_835 = arith.maximumf %max3A_795, %gather3A_830 : vector<16xf32>
        %exp3A_836 = math.exp %gather3A_830 : vector<16xf32>
        %add3A_837 = arith.addf %add3A_797, %exp3A_836 : vector<16xf32>
        %broadcast_in_dim3A_838 = arith.constant 77 : i32
        %broadcast_in_dim3A_839 = vector.broadcast %broadcast_in_dim3A_838 : i32 to vector<16xi32>
        %gather3A_840 = tpu.vector_load_idx %arg5[%add3A_70, %broadcast_in_dim3A_839] : memref<400x100xf32, #tpu.memory_space<vmem>>[vector<16xi32>, vector<16xi32>], vector<16xf32>,
        %gt3A_841 = arith.cmpf ogt, %gather3A_840, %max3A_805 : vector<16xf32>
        %broadcast_in_dim3A_842 = arith.constant 77 : i32
        %broadcast_in_dim3A_843 = vector.broadcast %broadcast_in_dim3A_842 : i32 to vector<16xi32>
        %select_n3A_844 = arith.select %gt3A_841, %broadcast_in_dim3A_843, %select_n3A_804 : vector<16xi1>, vector<16xi32>
        %max3A_845 = arith.maximumf %max3A_805, %gather3A_840 : vector<16xf32>
        %exp3A_846 = math.exp %gather3A_840 : vector<16xf32>
        %add3A_847 = arith.addf %add3A_807, %exp3A_846 : vector<16xf32>
        %broadcast_in_dim3A_848 = arith.constant 78 : i32
        %broadcast_in_dim3A_849 = vector.broadcast %broadcast_in_dim3A_848 : i32 to vector<16xi32>
        %gather3A_850 = tpu.vector_load_idx %arg5[%add3A_70, %broadcast_in_dim3A_849] : memref<400x100xf32, #tpu.memory_space<vmem>>[vector<16xi32>, vector<16xi32>], vector<16xf32>,
        %gt3A_851 = arith.cmpf ogt, %gather3A_850, %max3A_815 : vector<16xf32>
        %broadcast_in_dim3A_852 = arith.constant 78 : i32
        %broadcast_in_dim3A_853 = vector.broadcast %broadcast_in_dim3A_852 : i32 to vector<16xi32>
        %select_n3A_854 = arith.select %gt3A_851, %broadcast_in_dim3A_853, %select_n3A_814 : vector<16xi1>, vector<16xi32>
        %max3A_855 = arith.maximumf %max3A_815, %gather3A_850 : vector<16xf32>
        %exp3A_856 = math.exp %gather3A_850 : vector<16xf32>
        %add3A_857 = arith.addf %add3A_817, %exp3A_856 : vector<16xf32>
        %broadcast_in_dim3A_858 = arith.constant 79 : i32
        %broadcast_in_dim3A_859 = vector.broadcast %broadcast_in_dim3A_858 : i32 to vector<16xi32>
        %gather3A_860 = tpu.vector_load_idx %arg5[%add3A_70, %broadcast_in_dim3A_859] : memref<400x100xf32, #tpu.memory_space<vmem>>[vector<16xi32>, vector<16xi32>], vector<16xf32>,
        %gt3A_861 = arith.cmpf ogt, %gather3A_860, %max3A_825 : vector<16xf32>
        %broadcast_in_dim3A_862 = arith.constant 79 : i32
        %broadcast_in_dim3A_863 = vector.broadcast %broadcast_in_dim3A_862 : i32 to vector<16xi32>
        %select_n3A_864 = arith.select %gt3A_861, %broadcast_in_dim3A_863, %select_n3A_824 : vector<16xi1>, vector<16xi32>
        %max3A_865 = arith.maximumf %max3A_825, %gather3A_860 : vector<16xf32>
        %exp3A_866 = math.exp %gather3A_860 : vector<16xf32>
        %add3A_867 = arith.addf %add3A_827, %exp3A_866 : vector<16xf32>
        %broadcast_in_dim3A_868 = arith.constant 80 : i32
        %broadcast_in_dim3A_869 = vector.broadcast %broadcast_in_dim3A_868 : i32 to vector<16xi32>
        %gather3A_870 = tpu.vector_load_idx %arg5[%add3A_70, %broadcast_in_dim3A_869] : memref<400x100xf32, #tpu.memory_space<vmem>>[vector<16xi32>, vector<16xi32>], vector<16xf32>,
        %gt3A_871 = arith.cmpf ogt, %gather3A_870, %max3A_835 : vector<16xf32>
        %broadcast_in_dim3A_872 = arith.constant 80 : i32
        %broadcast_in_dim3A_873 = vector.broadcast %broadcast_in_dim3A_872 : i32 to vector<16xi32>
        %select_n3A_874 = arith.select %gt3A_871, %broadcast_in_dim3A_873, %select_n3A_834 : vector<16xi1>, vector<16xi32>
        %max3A_875 = arith.maximumf %max3A_835, %gather3A_870 : vector<16xf32>
        %exp3A_876 = math.exp %gather3A_870 : vector<16xf32>
        %add3A_877 = arith.addf %add3A_837, %exp3A_876 : vector<16xf32>
        %broadcast_in_dim3A_878 = arith.constant 81 : i32
        %broadcast_in_dim3A_879 = vector.broadcast %broadcast_in_dim3A_878 : i32 to vector<16xi32>
        %gather3A_880 = tpu.vector_load_idx %arg5[%add3A_70, %broadcast_in_dim3A_879] : memref<400x100xf32, #tpu.memory_space<vmem>>[vector<16xi32>, vector<16xi32>], vector<16xf32>,
        %gt3A_881 = arith.cmpf ogt, %gather3A_880, %max3A_845 : vector<16xf32>
        %broadcast_in_dim3A_882 = arith.constant 81 : i32
        %broadcast_in_dim3A_883 = vector.broadcast %broadcast_in_dim3A_882 : i32 to vector<16xi32>
        %select_n3A_884 = arith.select %gt3A_881, %broadcast_in_dim3A_883, %select_n3A_844 : vector<16xi1>, vector<16xi32>
        %max3A_885 = arith.maximumf %max3A_845, %gather3A_880 : vector<16xf32>
        %exp3A_886 = math.exp %gather3A_880 : vector<16xf32>
        %add3A_887 = arith.addf %add3A_847, %exp3A_886 : vector<16xf32>
        %broadcast_in_dim3A_888 = arith.constant 82 : i32
        %broadcast_in_dim3A_889 = vector.broadcast %broadcast_in_dim3A_888 : i32 to vector<16xi32>
        %gather3A_890 = tpu.vector_load_idx %arg5[%add3A_70, %broadcast_in_dim3A_889] : memref<400x100xf32, #tpu.memory_space<vmem>>[vector<16xi32>, vector<16xi32>], vector<16xf32>,
        %gt3A_891 = arith.cmpf ogt, %gather3A_890, %max3A_855 : vector<16xf32>
        %broadcast_in_dim3A_892 = arith.constant 82 : i32
        %broadcast_in_dim3A_893 = vector.broadcast %broadcast_in_dim3A_892 : i32 to vector<16xi32>
        %select_n3A_894 = arith.select %gt3A_891, %broadcast_in_dim3A_893, %select_n3A_854 : vector<16xi1>, vector<16xi32>
        %max3A_895 = arith.maximumf %max3A_855, %gather3A_890 : vector<16xf32>
        %exp3A_896 = math.exp %gather3A_890 : vector<16xf32>
        %add3A_897 = arith.addf %add3A_857, %exp3A_896 : vector<16xf32>
        %broadcast_in_dim3A_898 = arith.constant 83 : i32
        %broadcast_in_dim3A_899 = vector.broadcast %broadcast_in_dim3A_898 : i32 to vector<16xi32>
        %gather3A_900 = tpu.vector_load_idx %arg5[%add3A_70, %broadcast_in_dim3A_899] : memref<400x100xf32, #tpu.memory_space<vmem>>[vector<16xi32>, vector<16xi32>], vector<16xf32>,
        %gt3A_901 = arith.cmpf ogt, %gather3A_900, %max3A_865 : vector<16xf32>
        %broadcast_in_dim3A_902 = arith.constant 83 : i32
        %broadcast_in_dim3A_903 = vector.broadcast %broadcast_in_dim3A_902 : i32 to vector<16xi32>
        %select_n3A_904 = arith.select %gt3A_901, %broadcast_in_dim3A_903, %select_n3A_864 : vector<16xi1>, vector<16xi32>
        %max3A_905 = arith.maximumf %max3A_865, %gather3A_900 : vector<16xf32>
        %exp3A_906 = math.exp %gather3A_900 : vector<16xf32>
        %add3A_907 = arith.addf %add3A_867, %exp3A_906 : vector<16xf32>
        %broadcast_in_dim3A_908 = arith.constant 84 : i32
        %broadcast_in_dim3A_909 = vector.broadcast %broadcast_in_dim3A_908 : i32 to vector<16xi32>
        %gather3A_910 = tpu.vector_load_idx %arg5[%add3A_70, %broadcast_in_dim3A_909] : memref<400x100xf32, #tpu.memory_space<vmem>>[vector<16xi32>, vector<16xi32>], vector<16xf32>,
        %gt3A_911 = arith.cmpf ogt, %gather3A_910, %max3A_875 : vector<16xf32>
        %broadcast_in_dim3A_912 = arith.constant 84 : i32
        %broadcast_in_dim3A_913 = vector.broadcast %broadcast_in_dim3A_912 : i32 to vector<16xi32>
        %select_n3A_914 = arith.select %gt3A_911, %broadcast_in_dim3A_913, %select_n3A_874 : vector<16xi1>, vector<16xi32>
        %max3A_915 = arith.maximumf %max3A_875, %gather3A_910 : vector<16xf32>
        %exp3A_916 = math.exp %gather3A_910 : vector<16xf32>
        %add3A_917 = arith.addf %add3A_877, %exp3A_916 : vector<16xf32>
        %broadcast_in_dim3A_918 = arith.constant 85 : i32
        %broadcast_in_dim3A_919 = vector.broadcast %broadcast_in_dim3A_918 : i32 to vector<16xi32>
        %gather3A_920 = tpu.vector_load_idx %arg5[%add3A_70, %broadcast_in_dim3A_919] : memref<400x100xf32, #tpu.memory_space<vmem>>[vector<16xi32>, vector<16xi32>], vector<16xf32>,
        %gt3A_921 = arith.cmpf ogt, %gather3A_920, %max3A_885 : vector<16xf32>
        %broadcast_in_dim3A_922 = arith.constant 85 : i32
        %broadcast_in_dim3A_923 = vector.broadcast %broadcast_in_dim3A_922 : i32 to vector<16xi32>
        %select_n3A_924 = arith.select %gt3A_921, %broadcast_in_dim3A_923, %select_n3A_884 : vector<16xi1>, vector<16xi32>
        %max3A_925 = arith.maximumf %max3A_885, %gather3A_920 : vector<16xf32>
        %exp3A_926 = math.exp %gather3A_920 : vector<16xf32>
        %add3A_927 = arith.addf %add3A_887, %exp3A_926 : vector<16xf32>
        %broadcast_in_dim3A_928 = arith.constant 86 : i32
        %broadcast_in_dim3A_929 = vector.broadcast %broadcast_in_dim3A_928 : i32 to vector<16xi32>
        %gather3A_930 = tpu.vector_load_idx %arg5[%add3A_70, %broadcast_in_dim3A_929] : memref<400x100xf32, #tpu.memory_space<vmem>>[vector<16xi32>, vector<16xi32>], vector<16xf32>,
        %gt3A_931 = arith.cmpf ogt, %gather3A_930, %max3A_895 : vector<16xf32>
        %broadcast_in_dim3A_932 = arith.constant 86 : i32
        %broadcast_in_dim3A_933 = vector.broadcast %broadcast_in_dim3A_932 : i32 to vector<16xi32>
        %select_n3A_934 = arith.select %gt3A_931, %broadcast_in_dim3A_933, %select_n3A_894 : vector<16xi1>, vector<16xi32>
        %max3A_935 = arith.maximumf %max3A_895, %gather3A_930 : vector<16xf32>
        %exp3A_936 = math.exp %gather3A_930 : vector<16xf32>
        %add3A_937 = arith.addf %add3A_897, %exp3A_936 : vector<16xf32>
        %broadcast_in_dim3A_938 = arith.constant 87 : i32
        %broadcast_in_dim3A_939 = vector.broadcast %broadcast_in_dim3A_938 : i32 to vector<16xi32>
        %gather3A_940 = tpu.vector_load_idx %arg5[%add3A_70, %broadcast_in_dim3A_939] : memref<400x100xf32, #tpu.memory_space<vmem>>[vector<16xi32>, vector<16xi32>], vector<16xf32>,
        %gt3A_941 = arith.cmpf ogt, %gather3A_940, %max3A_905 : vector<16xf32>
        %broadcast_in_dim3A_942 = arith.constant 87 : i32
        %broadcast_in_dim3A_943 = vector.broadcast %broadcast_in_dim3A_942 : i32 to vector<16xi32>
        %select_n3A_944 = arith.select %gt3A_941, %broadcast_in_dim3A_943, %select_n3A_904 : vector<16xi1>, vector<16xi32>
        %max3A_945 = arith.maximumf %max3A_905, %gather3A_940 : vector<16xf32>
        %exp3A_946 = math.exp %gather3A_940 : vector<16xf32>
        %add3A_947 = arith.addf %add3A_907, %exp3A_946 : vector<16xf32>
        %broadcast_in_dim3A_948 = arith.constant 88 : i32
        %broadcast_in_dim3A_949 = vector.broadcast %broadcast_in_dim3A_948 : i32 to vector<16xi32>
        %gather3A_950 = tpu.vector_load_idx %arg5[%add3A_70, %broadcast_in_dim3A_949] : memref<400x100xf32, #tpu.memory_space<vmem>>[vector<16xi32>, vector<16xi32>], vector<16xf32>,
        %gt3A_951 = arith.cmpf ogt, %gather3A_950, %max3A_915 : vector<16xf32>
        %broadcast_in_dim3A_952 = arith.constant 88 : i32
        %broadcast_in_dim3A_953 = vector.broadcast %broadcast_in_dim3A_952 : i32 to vector<16xi32>
        %select_n3A_954 = arith.select %gt3A_951, %broadcast_in_dim3A_953, %select_n3A_914 : vector<16xi1>, vector<16xi32>
        %max3A_955 = arith.maximumf %max3A_915, %gather3A_950 : vector<16xf32>
        %exp3A_956 = math.exp %gather3A_950 : vector<16xf32>
        %add3A_957 = arith.addf %add3A_917, %exp3A_956 : vector<16xf32>
        %broadcast_in_dim3A_958 = arith.constant 89 : i32
        %broadcast_in_dim3A_959 = vector.broadcast %broadcast_in_dim3A_958 : i32 to vector<16xi32>
        %gather3A_960 = tpu.vector_load_idx %arg5[%add3A_70, %broadcast_in_dim3A_959] : memref<400x100xf32, #tpu.memory_space<vmem>>[vector<16xi32>, vector<16xi32>], vector<16xf32>,
        %gt3A_961 = arith.cmpf ogt, %gather3A_960, %max3A_925 : vector<16xf32>
        %broadcast_in_dim3A_962 = arith.constant 89 : i32
        %broadcast_in_dim3A_963 = vector.broadcast %broadcast_in_dim3A_962 : i32 to vector<16xi32>
        %select_n3A_964 = arith.select %gt3A_961, %broadcast_in_dim3A_963, %select_n3A_924 : vector<16xi1>, vector<16xi32>
        %max3A_965 = arith.maximumf %max3A_925, %gather3A_960 : vector<16xf32>
        %exp3A_966 = math.exp %gather3A_960 : vector<16xf32>
        %add3A_967 = arith.addf %add3A_927, %exp3A_966 : vector<16xf32>
        %broadcast_in_dim3A_968 = arith.constant 90 : i32
        %broadcast_in_dim3A_969 = vector.broadcast %broadcast_in_dim3A_968 : i32 to vector<16xi32>
        %gather3A_970 = tpu.vector_load_idx %arg5[%add3A_70, %broadcast_in_dim3A_969] : memref<400x100xf32, #tpu.memory_space<vmem>>[vector<16xi32>, vector<16xi32>], vector<16xf32>,
        %gt3A_971 = arith.cmpf ogt, %gather3A_970, %max3A_935 : vector<16xf32>
        %broadcast_in_dim3A_972 = arith.constant 90 : i32
        %broadcast_in_dim3A_973 = vector.broadcast %broadcast_in_dim3A_972 : i32 to vector<16xi32>
        %select_n3A_974 = arith.select %gt3A_971, %broadcast_in_dim3A_973, %select_n3A_934 : vector<16xi1>, vector<16xi32>
        %max3A_975 = arith.maximumf %max3A_935, %gather3A_970 : vector<16xf32>
        %exp3A_976 = math.exp %gather3A_970 : vector<16xf32>
        %add3A_977 = arith.addf %add3A_937, %exp3A_976 : vector<16xf32>
        %broadcast_in_dim3A_978 = arith.constant 91 : i32
        %broadcast_in_dim3A_979 = vector.broadcast %broadcast_in_dim3A_978 : i32 to vector<16xi32>
        %gather3A_980 = tpu.vector_load_idx %arg5[%add3A_70, %broadcast_in_dim3A_979] : memref<400x100xf32, #tpu.memory_space<vmem>>[vector<16xi32>, vector<16xi32>], vector<16xf32>,
        %gt3A_981 = arith.cmpf ogt, %gather3A_980, %max3A_945 : vector<16xf32>
        %broadcast_in_dim3A_982 = arith.constant 91 : i32
        %broadcast_in_dim3A_983 = vector.broadcast %broadcast_in_dim3A_982 : i32 to vector<16xi32>
        %select_n3A_984 = arith.select %gt3A_981, %broadcast_in_dim3A_983, %select_n3A_944 : vector<16xi1>, vector<16xi32>
        %max3A_985 = arith.maximumf %max3A_945, %gather3A_980 : vector<16xf32>
        %exp3A_986 = math.exp %gather3A_980 : vector<16xf32>
        %add3A_987 = arith.addf %add3A_947, %exp3A_986 : vector<16xf32>
        %broadcast_in_dim3A_988 = arith.constant 92 : i32
        %broadcast_in_dim3A_989 = vector.broadcast %broadcast_in_dim3A_988 : i32 to vector<16xi32>
        %gather3A_990 = tpu.vector_load_idx %arg5[%add3A_70, %broadcast_in_dim3A_989] : memref<400x100xf32, #tpu.memory_space<vmem>>[vector<16xi32>, vector<16xi32>], vector<16xf32>,
        %gt3A_991 = arith.cmpf ogt, %gather3A_990, %max3A_955 : vector<16xf32>
        %broadcast_in_dim3A_992 = arith.constant 92 : i32
        %broadcast_in_dim3A_993 = vector.broadcast %broadcast_in_dim3A_992 : i32 to vector<16xi32>
        %select_n3A_994 = arith.select %gt3A_991, %broadcast_in_dim3A_993, %select_n3A_954 : vector<16xi1>, vector<16xi32>
        %max3A_995 = arith.maximumf %max3A_955, %gather3A_990 : vector<16xf32>
        %exp3A_996 = math.exp %gather3A_990 : vector<16xf32>
        %add3A_997 = arith.addf %add3A_957, %exp3A_996 : vector<16xf32>
        %broadcast_in_dim3A_998 = arith.constant 93 : i32
        %broadcast_in_dim3A_999 = vector.broadcast %broadcast_in_dim3A_998 : i32 to vector<16xi32>
        %gather3A_1000 = tpu.vector_load_idx %arg5[%add3A_70, %broadcast_in_dim3A_999] : memref<400x100xf32, #tpu.memory_space<vmem>>[vector<16xi32>, vector<16xi32>], vector<16xf32>,
        %gt3A_1001 = arith.cmpf ogt, %gather3A_1000, %max3A_965 : vector<16xf32>
        %broadcast_in_dim3A_1002 = arith.constant 93 : i32
        %broadcast_in_dim3A_1003 = vector.broadcast %broadcast_in_dim3A_1002 : i32 to vector<16xi32>
        %select_n3A_1004 = arith.select %gt3A_1001, %broadcast_in_dim3A_1003, %select_n3A_964 : vector<16xi1>, vector<16xi32>
        %max3A_1005 = arith.maximumf %max3A_965, %gather3A_1000 : vector<16xf32>
        %exp3A_1006 = math.exp %gather3A_1000 : vector<16xf32>
        %add3A_1007 = arith.addf %add3A_967, %exp3A_1006 : vector<16xf32>
        %broadcast_in_dim3A_1008 = arith.constant 94 : i32
        %broadcast_in_dim3A_1009 = vector.broadcast %broadcast_in_dim3A_1008 : i32 to vector<16xi32>
        %gather3A_1010 = tpu.vector_load_idx %arg5[%add3A_70, %broadcast_in_dim3A_1009] : memref<400x100xf32, #tpu.memory_space<vmem>>[vector<16xi32>, vector<16xi32>], vector<16xf32>,
        %gt3A_1011 = arith.cmpf ogt, %gather3A_1010, %max3A_975 : vector<16xf32>
        %broadcast_in_dim3A_1012 = arith.constant 94 : i32
        %broadcast_in_dim3A_1013 = vector.broadcast %broadcast_in_dim3A_1012 : i32 to vector<16xi32>
        %select_n3A_1014 = arith.select %gt3A_1011, %broadcast_in_dim3A_1013, %select_n3A_974 : vector<16xi1>, vector<16xi32>
        %max3A_1015 = arith.maximumf %max3A_975, %gather3A_1010 : vector<16xf32>
        %exp3A_1016 = math.exp %gather3A_1010 : vector<16xf32>
        %add3A_1017 = arith.addf %add3A_977, %exp3A_1016 : vector<16xf32>
        %broadcast_in_dim3A_1018 = arith.constant 95 : i32
        %broadcast_in_dim3A_1019 = vector.broadcast %broadcast_in_dim3A_1018 : i32 to vector<16xi32>
        %gather3A_1020 = tpu.vector_load_idx %arg5[%add3A_70, %broadcast_in_dim3A_1019] : memref<400x100xf32, #tpu.memory_space<vmem>>[vector<16xi32>, vector<16xi32>], vector<16xf32>,
        %gt3A_1021 = arith.cmpf ogt, %gather3A_1020, %max3A_985 : vector<16xf32>
        %broadcast_in_dim3A_1022 = arith.constant 95 : i32
        %broadcast_in_dim3A_1023 = vector.broadcast %broadcast_in_dim3A_1022 : i32 to vector<16xi32>
        %select_n3A_1024 = arith.select %gt3A_1021, %broadcast_in_dim3A_1023, %select_n3A_984 : vector<16xi1>, vector<16xi32>
        %max3A_1025 = arith.maximumf %max3A_985, %gather3A_1020 : vector<16xf32>
        %exp3A_1026 = math.exp %gather3A_1020 : vector<16xf32>
        %add3A_1027 = arith.addf %add3A_987, %exp3A_1026 : vector<16xf32>
        %broadcast_in_dim3A_1028 = arith.constant 96 : i32
        %broadcast_in_dim3A_1029 = vector.broadcast %broadcast_in_dim3A_1028 : i32 to vector<16xi32>
        %gather3A_1030 = tpu.vector_load_idx %arg5[%add3A_70, %broadcast_in_dim3A_1029] : memref<400x100xf32, #tpu.memory_space<vmem>>[vector<16xi32>, vector<16xi32>], vector<16xf32>,
        %gt3A_1031 = arith.cmpf ogt, %gather3A_1030, %max3A_995 : vector<16xf32>
        %broadcast_in_dim3A_1032 = arith.constant 96 : i32
        %broadcast_in_dim3A_1033 = vector.broadcast %broadcast_in_dim3A_1032 : i32 to vector<16xi32>
        %select_n3A_1034 = arith.select %gt3A_1031, %broadcast_in_dim3A_1033, %select_n3A_994 : vector<16xi1>, vector<16xi32>
        %max3A_1035 = arith.maximumf %max3A_995, %gather3A_1030 : vector<16xf32>
        %exp3A_1036 = math.exp %gather3A_1030 : vector<16xf32>
        %add3A_1037 = arith.addf %add3A_997, %exp3A_1036 : vector<16xf32>
        %broadcast_in_dim3A_1038 = arith.constant 97 : i32
        %broadcast_in_dim3A_1039 = vector.broadcast %broadcast_in_dim3A_1038 : i32 to vector<16xi32>
        %gather3A_1040 = tpu.vector_load_idx %arg5[%add3A_70, %broadcast_in_dim3A_1039] : memref<400x100xf32, #tpu.memory_space<vmem>>[vector<16xi32>, vector<16xi32>], vector<16xf32>,
        %gt3A_1041 = arith.cmpf ogt, %gather3A_1040, %max3A_1005 : vector<16xf32>
        %broadcast_in_dim3A_1042 = arith.constant 97 : i32
        %broadcast_in_dim3A_1043 = vector.broadcast %broadcast_in_dim3A_1042 : i32 to vector<16xi32>
        %select_n3A_1044 = arith.select %gt3A_1041, %broadcast_in_dim3A_1043, %select_n3A_1004 : vector<16xi1>, vector<16xi32>
        %max3A_1045 = arith.maximumf %max3A_1005, %gather3A_1040 : vector<16xf32>
        %exp3A_1046 = math.exp %gather3A_1040 : vector<16xf32>
        %add3A_1047 = arith.addf %add3A_1007, %exp3A_1046 : vector<16xf32>
        %broadcast_in_dim3A_1048 = arith.constant 98 : i32
        %broadcast_in_dim3A_1049 = vector.broadcast %broadcast_in_dim3A_1048 : i32 to vector<16xi32>
        %gather3A_1050 = tpu.vector_load_idx %arg5[%add3A_70, %broadcast_in_dim3A_1049] : memref<400x100xf32, #tpu.memory_space<vmem>>[vector<16xi32>, vector<16xi32>], vector<16xf32>,
        %gt3A_1051 = arith.cmpf ogt, %gather3A_1050, %max3A_1015 : vector<16xf32>
        %broadcast_in_dim3A_1052 = arith.constant 98 : i32
        %broadcast_in_dim3A_1053 = vector.broadcast %broadcast_in_dim3A_1052 : i32 to vector<16xi32>
        %select_n3A_1054 = arith.select %gt3A_1051, %broadcast_in_dim3A_1053, %select_n3A_1014 : vector<16xi1>, vector<16xi32>
        %max3A_1055 = arith.maximumf %max3A_1015, %gather3A_1050 : vector<16xf32>
        %exp3A_1056 = math.exp %gather3A_1050 : vector<16xf32>
        %add3A_1057 = arith.addf %add3A_1017, %exp3A_1056 : vector<16xf32>
        %broadcast_in_dim3A_1058 = arith.constant 99 : i32
        %broadcast_in_dim3A_1059 = vector.broadcast %broadcast_in_dim3A_1058 : i32 to vector<16xi32>
        %gather3A_1060 = tpu.vector_load_idx %arg5[%add3A_70, %broadcast_in_dim3A_1059] : memref<400x100xf32, #tpu.memory_space<vmem>>[vector<16xi32>, vector<16xi32>], vector<16xf32>,
        %gt3A_1061 = arith.cmpf ogt, %gather3A_1060, %max3A_1025 : vector<16xf32>
        %broadcast_in_dim3A_1062 = arith.constant 99 : i32
        %broadcast_in_dim3A_1063 = vector.broadcast %broadcast_in_dim3A_1062 : i32 to vector<16xi32>
        %select_n3A_1064 = arith.select %gt3A_1061, %broadcast_in_dim3A_1063, %select_n3A_1024 : vector<16xi1>, vector<16xi32>
        %max3A_1065 = arith.maximumf %max3A_1025, %gather3A_1060 : vector<16xf32>
        %exp3A_1066 = math.exp %gather3A_1060 : vector<16xf32>
        %add3A_1067 = arith.addf %add3A_1027, %exp3A_1066 : vector<16xf32>
        %gt3A_1068 = arith.cmpf ogt, %max3A_1045, %max3A_1035 : vector<16xf32>
        %eq3A = arith.cmpf oeq, %max3A_1045, %max3A_1035 : vector<16xf32>
        %lt3A_1069 = arith.cmpi slt, %select_n3A_1044, %select_n3A_1034 : vector<16xi32>
        %and3A = arith.andi %eq3A, %lt3A_1069 : vector<16xi1>
        %or3A = arith.ori %gt3A_1068, %and3A : vector<16xi1>
        %select_n3A_1070 = arith.select %or3A, %max3A_1045, %max3A_1035 : vector<16xi1>, vector<16xf32>
        %select_n3A_1071 = arith.select %or3A, %select_n3A_1044, %select_n3A_1034 : vector<16xi1>, vector<16xi32>
        %gt3A_1072 = arith.cmpf ogt, %max3A_1065, %max3A_1055 : vector<16xf32>
        %eq3A_1073 = arith.cmpf oeq, %max3A_1065, %max3A_1055 : vector<16xf32>
        %lt3A_1074 = arith.cmpi slt, %select_n3A_1064, %select_n3A_1054 : vector<16xi32>
        %and3A_1075 = arith.andi %eq3A_1073, %lt3A_1074 : vector<16xi1>
        %or3A_1076 = arith.ori %gt3A_1072, %and3A_1075 : vector<16xi1>
        %select_n3A_1077 = arith.select %or3A_1076, %max3A_1065, %max3A_1055 : vector<16xi1>, vector<16xf32>
        %select_n3A_1078 = arith.select %or3A_1076, %select_n3A_1064, %select_n3A_1054 : vector<16xi1>, vector<16xi32>
        %gt3A_1079 = arith.cmpf ogt, %select_n3A_1077, %select_n3A_1070 : vector<16xf32>
        %eq3A_1080 = arith.cmpf oeq, %select_n3A_1077, %select_n3A_1070 : vector<16xf32>
        %lt3A_1081 = arith.cmpi slt, %select_n3A_1078, %select_n3A_1071 : vector<16xi32>
        %and3A_1082 = arith.andi %eq3A_1080, %lt3A_1081 : vector<16xi1>
        %or3A_1083 = arith.ori %gt3A_1079, %and3A_1082 : vector<16xi1>
        %select_n3A_1084 = arith.select %or3A_1083, %select_n3A_1077, %select_n3A_1070 : vector<16xi1>, vector<16xf32>
        %select_n3A_1085 = arith.select %or3A_1083, %select_n3A_1078, %select_n3A_1071 : vector<16xi1>, vector<16xi32>
        %add3A_1086 = arith.addf %add3A_1037, %add3A_1047 : vector<16xf32>
        %add3A_1087 = arith.addf %add3A_1057, %add3A_1067 : vector<16xf32>
        %add3A_1088 = arith.addf %add3A_1086, %add3A_1087 : vector<16xf32>
        %exp3A_1089 = math.exp %select_n3A_1084 : vector<16xf32>
        %div3A = arith.divf %exp3A_1089, %add3A_1088 : vector<16xf32>
        %mul3A_1090 = arith.constant 16 : i32
        %mul3A_1091 = arith.muli %scan3A_66, %mul3A_1090 : i32
        %get3A = arith.index_cast %mul3A_1091 : i32 to index
        %get3A_1092 = tpu.vector_load %arg7[%get3A] {strides = array<i32>} : memref<400xi32, #tpu.memory_space<vmem>>, vector<16xi32>,
        %eq3A_1093 = arith.cmpi eq, %select_n3A_1085, %get3A_1092 : vector<16xi32>
        %jit3A = arith.constant 1.000000e+00 : f32
        %jit3A_1094 = arith.constant 0.000000e+00 : f32
        %broadcast_in_dim3A_1095 = vector.broadcast %jit3A : f32 to vector<16xf32>
        %broadcast_in_dim3A_1096 = vector.broadcast %jit3A_1094 : f32 to vector<16xf32>
        %select_n3A_1097 = arith.select %eq3A_1093, %broadcast_in_dim3A_1095, %broadcast_in_dim3A_1096 : vector<16xi1>, vector<16xf32>
        %mul3A_1098 = arith.constant 1.500000e+01 : f32
        %mul3A_1099 = vector.broadcast %mul3A_1098 : f32 to vector<16xf32>
        %mul3A_1100 = arith.mulf %div3A, %mul3A_1099 : vector<16xf32>
        %convert_element_type3A_1101 = arith.fptosi %mul3A_1100 : vector<16xf32> to vector<16xi32>
        %convert_element_type3A_1102 = arith.sitofp %convert_element_type3A_1101 : vector<16xi32> to vector<16xf32>
        %eq3A_1103 = arith.cmpf oeq, %convert_element_type3A_1102, %mul3A_1100 : vector<16xf32>
        %sub3A = arith.constant 1 : i32
        %sub3A_1104 = vector.broadcast %sub3A : i32 to vector<16xi32>
        %sub3A_1105 = arith.subi %convert_element_type3A_1101, %sub3A_1104 : vector<16xi32>
        %select_n3A_1106 = arith.select %eq3A_1103, %sub3A_1105, %convert_element_type3A_1101 : vector<16xi1>, vector<16xi32>
        tpu.vector_store_idx %arg9[%select_n3A_1106], %broadcast_in_dim3A_12 {add = true} : memref<48xf32, #tpu.memory_space<vmem>>[vector<16xi32>], vector<16xf32>,
        %add3A_1107 = arith.constant 16 : i32
        %add3A_1108 = vector.broadcast %add3A_1107 : i32 to vector<16xi32>
        %add3A_1109 = arith.addi %select_n3A_1106, %add3A_1108 : vector<16xi32>
        tpu.vector_store_idx %arg9[%add3A_1109], %select_n3A_1097 {add = true} : memref<48xf32, #tpu.memory_space<vmem>>[vector<16xi32>], vector<16xf32>,
        %add3A_1110 = arith.constant 32 : i32
        %add3A_1111 = vector.broadcast %add3A_1110 : i32 to vector<16xi32>
        %add3A_1112 = arith.addi %select_n3A_1106, %add3A_1111 : vector<16xi32>
        tpu.vector_store_idx %arg9[%add3A_1112], %div3A {add = true} : memref<48xf32, #tpu.memory_space<vmem>>[vector<16xi32>], vector<16xf32>,
      }
      %scan3A_51 = arith.constant 25 : i32
      %lt3A = arith.constant 4 : i32
      %lt3A_52 = arith.cmpi slt, %scan3A_27, %lt3A : i32
      %convert_element_type3A = arith.extui %lt3A_52 : i1 to i32
      %cond3A = arith.constant 0 : i32
      %cond3A_53 = arith.cmpi ne, %convert_element_type3A, %cond3A : i32
      scf.if %cond3A_53 {
        %mul3A_66 = arith.constant 2 : i32
        %mul3A_67 = arith.muli %mul3A_66, %scan3A_27 : i32
        %add3A_68 = arith.constant 2 : i32
        %add3A_69 = arith.addi %mul3A_67, %add3A_68 : i32
        %mul3A_70 = arith.constant 400 : i32
        %mul3A_71 = arith.muli %add3A_69, %mul3A_70 : i32
        %add3A_72 = arith.addi %add3A_4, %mul3A_71 : i32
        %dma_start3A_73 = arith.constant 0 : i32
        %dma_start3A_74 = tpu.memref_slice %arg2[%add3A_72, %dma_start3A_73] : memref<1000000x100xf32, #tpu.memory_space<hbm>> -> memref<400x100xf32, #tpu.memory_space<hbm>>
        %dma_start3A_75 = arith.constant 0 : i32
        %dma_start3A_76 = tpu.memref_slice %arg2[%add3A_72, %dma_start3A_75] : memref<1000000x100xf32, #tpu.memory_space<hbm>> -> memref<400x100xf32, #tpu.memory_space<hbm>>
        tpu.enqueue_dma source(%dma_start3A_76 : memref<400x100xf32, #tpu.memory_space<hbm>>) target(%arg5 : memref<400x100xf32, #tpu.memory_space<vmem>>) target_semaphore(%arg10 : memref<!tpu.dma_semaphore, #tpu.memory_space<semaphore_mem>>)
        %dma_start3A_77 = tpu.memref_slice %arg3[%add3A_72] : memref<1000000xi32, #tpu.memory_space<hbm>> -> memref<400xi32, #tpu.memory_space<hbm>>
        %dma_start3A_78 = tpu.memref_slice %arg3[%add3A_72] : memref<1000000xi32, #tpu.memory_space<hbm>> -> memref<400xi32, #tpu.memory_space<hbm>>
        tpu.enqueue_dma source(%dma_start3A_78 : memref<400xi32, #tpu.memory_space<hbm>>) target(%arg7 : memref<400xi32, #tpu.memory_space<vmem>>) target_semaphore(%arg10 : memref<!tpu.dma_semaphore, #tpu.memory_space<semaphore_mem>>)
      } else {
      }
      %dma_wait3A_54 = arith.constant 0 : i32
      %dma_wait3A_55 = tpu.memref_slice %arg2[%add3A_4, %dma_wait3A_54] : memref<1000000x100xf32, #tpu.memory_space<hbm>> -> memref<400x100xf32, #tpu.memory_space<hbm>>
      %dma_wait3A_56 = arith.constant 0 : i32
      %dma_wait3A_57 = tpu.memref_slice %arg2[%add3A_4, %dma_wait3A_56] : memref<1000000x100xf32, #tpu.memory_space<hbm>> -> memref<400x100xf32, #tpu.memory_space<hbm>>
      tpu.wait_dma2 semaphore(%arg11 : memref<!tpu.dma_semaphore, #tpu.memory_space<semaphore_mem>>) src(%dma_wait3A_57 : memref<400x100xf32, #tpu.memory_space<hbm>>) dst(%arg6 : memref<400x100xf32, #tpu.memory_space<vmem>>)
      %dma_wait3A_58 = tpu.memref_slice %arg3[%add3A_4] : memref<1000000xi32, #tpu.memory_space<hbm>> -> memref<400xi32, #tpu.memory_space<hbm>>
      %dma_wait3A_59 = tpu.memref_slice %arg3[%add3A_4] : memref<1000000xi32, #tpu.memory_space<hbm>> -> memref<400xi32, #tpu.memory_space<hbm>>
      tpu.wait_dma2 semaphore(%arg11 : memref<!tpu.dma_semaphore, #tpu.memory_space<semaphore_mem>>) src(%dma_wait3A_59 : memref<400xi32, #tpu.memory_space<hbm>>) dst(%arg8 : memref<400xi32, #tpu.memory_space<vmem>>)
      %scan3A_60 = arith.constant 0 : i32
      %scan3A_61 = arith.constant 0 : i32
      %scan3A_62 = arith.constant 25 : i32
      %scan3A_63 = arith.addi %scan3A_61, %scan3A_62 : i32
      %scan3A_64 = arith.constant 1 : i32
      scf.for %scan3A_66 = %scan3A_61 to %scan3A_63 step %scan3A_64  : i32 {
        %mul3A_67 = arith.constant 16 : i32
        %mul3A_68 = arith.muli %scan3A_66, %mul3A_67 : i32
        %add3A_69 = vector.broadcast %mul3A_68 : i32 to vector<16xi32>
        %add3A_70 = arith.addi %add3A_69, %iota3A : vector<16xi32>
        %broadcast_in_dim3A_71 = arith.constant 0 : i32
        %broadcast_in_dim3A_72 = vector.broadcast %broadcast_in_dim3A_71 : i32 to vector<16xi32>
        %broadcast_in_dim3A_73 = arith.constant 0 : i32
        %broadcast_in_dim3A_74 = vector.broadcast %broadcast_in_dim3A_73 : i32 to vector<16xi32>
        %gather3A = tpu.vector_load_idx %arg6[%add3A_70, %broadcast_in_dim3A_74] : memref<400x100xf32, #tpu.memory_space<vmem>>[vector<16xi32>, vector<16xi32>], vector<16xf32>,
        %gt3A = arith.cmpf ogt, %gather3A, %broadcast_in_dim3A_14 : vector<16xf32>
        %broadcast_in_dim3A_75 = arith.constant 0 : i32
        %broadcast_in_dim3A_76 = vector.broadcast %broadcast_in_dim3A_75 : i32 to vector<16xi32>
        %select_n3A = arith.select %gt3A, %broadcast_in_dim3A_76, %broadcast_in_dim3A_72 : vector<16xi1>, vector<16xi32>
        %max3A = arith.maximumf %broadcast_in_dim3A_14, %gather3A : vector<16xf32>
        %exp3A = math.exp %gather3A : vector<16xf32>
        %add3A_77 = arith.addf %broadcast_in_dim3A_5, %exp3A : vector<16xf32>
        %broadcast_in_dim3A_78 = arith.constant 1 : i32
        %broadcast_in_dim3A_79 = vector.broadcast %broadcast_in_dim3A_78 : i32 to vector<16xi32>
        %gather3A_80 = tpu.vector_load_idx %arg6[%add3A_70, %broadcast_in_dim3A_79] : memref<400x100xf32, #tpu.memory_space<vmem>>[vector<16xi32>, vector<16xi32>], vector<16xf32>,
        %gt3A_81 = arith.cmpf ogt, %gather3A_80, %broadcast_in_dim3A_14 : vector<16xf32>
        %broadcast_in_dim3A_82 = arith.constant 1 : i32
        %broadcast_in_dim3A_83 = vector.broadcast %broadcast_in_dim3A_82 : i32 to vector<16xi32>
        %select_n3A_84 = arith.select %gt3A_81, %broadcast_in_dim3A_83, %broadcast_in_dim3A_72 : vector<16xi1>, vector<16xi32>
        %max3A_85 = arith.maximumf %broadcast_in_dim3A_14, %gather3A_80 : vector<16xf32>
        %exp3A_86 = math.exp %gather3A_80 : vector<16xf32>
        %add3A_87 = arith.addf %broadcast_in_dim3A_5, %exp3A_86 : vector<16xf32>
        %broadcast_in_dim3A_88 = arith.constant 2 : i32
        %broadcast_in_dim3A_89 = vector.broadcast %broadcast_in_dim3A_88 : i32 to vector<16xi32>
        %gather3A_90 = tpu.vector_load_idx %arg6[%add3A_70, %broadcast_in_dim3A_89] : memref<400x100xf32, #tpu.memory_space<vmem>>[vector<16xi32>, vector<16xi32>], vector<16xf32>,
        %gt3A_91 = arith.cmpf ogt, %gather3A_90, %broadcast_in_dim3A_14 : vector<16xf32>
        %broadcast_in_dim3A_92 = arith.constant 2 : i32
        %broadcast_in_dim3A_93 = vector.broadcast %broadcast_in_dim3A_92 : i32 to vector<16xi32>
        %select_n3A_94 = arith.select %gt3A_91, %broadcast_in_dim3A_93, %broadcast_in_dim3A_72 : vector<16xi1>, vector<16xi32>
        %max3A_95 = arith.maximumf %broadcast_in_dim3A_14, %gather3A_90 : vector<16xf32>
        %exp3A_96 = math.exp %gather3A_90 : vector<16xf32>
        %add3A_97 = arith.addf %broadcast_in_dim3A_5, %exp3A_96 : vector<16xf32>
        %broadcast_in_dim3A_98 = arith.constant 3 : i32
        %broadcast_in_dim3A_99 = vector.broadcast %broadcast_in_dim3A_98 : i32 to vector<16xi32>
        %gather3A_100 = tpu.vector_load_idx %arg6[%add3A_70, %broadcast_in_dim3A_99] : memref<400x100xf32, #tpu.memory_space<vmem>>[vector<16xi32>, vector<16xi32>], vector<16xf32>,
        %gt3A_101 = arith.cmpf ogt, %gather3A_100, %broadcast_in_dim3A_14 : vector<16xf32>
        %broadcast_in_dim3A_102 = arith.constant 3 : i32
        %broadcast_in_dim3A_103 = vector.broadcast %broadcast_in_dim3A_102 : i32 to vector<16xi32>
        %select_n3A_104 = arith.select %gt3A_101, %broadcast_in_dim3A_103, %broadcast_in_dim3A_72 : vector<16xi1>, vector<16xi32>
        %max3A_105 = arith.maximumf %broadcast_in_dim3A_14, %gather3A_100 : vector<16xf32>
        %exp3A_106 = math.exp %gather3A_100 : vector<16xf32>
        %add3A_107 = arith.addf %broadcast_in_dim3A_5, %exp3A_106 : vector<16xf32>
        %broadcast_in_dim3A_108 = arith.constant 4 : i32
        %broadcast_in_dim3A_109 = vector.broadcast %broadcast_in_dim3A_108 : i32 to vector<16xi32>
        %gather3A_110 = tpu.vector_load_idx %arg6[%add3A_70, %broadcast_in_dim3A_109] : memref<400x100xf32, #tpu.memory_space<vmem>>[vector<16xi32>, vector<16xi32>], vector<16xf32>,
        %gt3A_111 = arith.cmpf ogt, %gather3A_110, %max3A : vector<16xf32>
        %broadcast_in_dim3A_112 = arith.constant 4 : i32
        %broadcast_in_dim3A_113 = vector.broadcast %broadcast_in_dim3A_112 : i32 to vector<16xi32>
        %select_n3A_114 = arith.select %gt3A_111, %broadcast_in_dim3A_113, %select_n3A : vector<16xi1>, vector<16xi32>
        %max3A_115 = arith.maximumf %max3A, %gather3A_110 : vector<16xf32>
        %exp3A_116 = math.exp %gather3A_110 : vector<16xf32>
        %add3A_117 = arith.addf %add3A_77, %exp3A_116 : vector<16xf32>
        %broadcast_in_dim3A_118 = arith.constant 5 : i32
        %broadcast_in_dim3A_119 = vector.broadcast %broadcast_in_dim3A_118 : i32 to vector<16xi32>
        %gather3A_120 = tpu.vector_load_idx %arg6[%add3A_70, %broadcast_in_dim3A_119] : memref<400x100xf32, #tpu.memory_space<vmem>>[vector<16xi32>, vector<16xi32>], vector<16xf32>,
        %gt3A_121 = arith.cmpf ogt, %gather3A_120, %max3A_85 : vector<16xf32>
        %broadcast_in_dim3A_122 = arith.constant 5 : i32
        %broadcast_in_dim3A_123 = vector.broadcast %broadcast_in_dim3A_122 : i32 to vector<16xi32>
        %select_n3A_124 = arith.select %gt3A_121, %broadcast_in_dim3A_123, %select_n3A_84 : vector<16xi1>, vector<16xi32>
        %max3A_125 = arith.maximumf %max3A_85, %gather3A_120 : vector<16xf32>
        %exp3A_126 = math.exp %gather3A_120 : vector<16xf32>
        %add3A_127 = arith.addf %add3A_87, %exp3A_126 : vector<16xf32>
        %broadcast_in_dim3A_128 = arith.constant 6 : i32
        %broadcast_in_dim3A_129 = vector.broadcast %broadcast_in_dim3A_128 : i32 to vector<16xi32>
        %gather3A_130 = tpu.vector_load_idx %arg6[%add3A_70, %broadcast_in_dim3A_129] : memref<400x100xf32, #tpu.memory_space<vmem>>[vector<16xi32>, vector<16xi32>], vector<16xf32>,
        %gt3A_131 = arith.cmpf ogt, %gather3A_130, %max3A_95 : vector<16xf32>
        %broadcast_in_dim3A_132 = arith.constant 6 : i32
        %broadcast_in_dim3A_133 = vector.broadcast %broadcast_in_dim3A_132 : i32 to vector<16xi32>
        %select_n3A_134 = arith.select %gt3A_131, %broadcast_in_dim3A_133, %select_n3A_94 : vector<16xi1>, vector<16xi32>
        %max3A_135 = arith.maximumf %max3A_95, %gather3A_130 : vector<16xf32>
        %exp3A_136 = math.exp %gather3A_130 : vector<16xf32>
        %add3A_137 = arith.addf %add3A_97, %exp3A_136 : vector<16xf32>
        %broadcast_in_dim3A_138 = arith.constant 7 : i32
        %broadcast_in_dim3A_139 = vector.broadcast %broadcast_in_dim3A_138 : i32 to vector<16xi32>
        %gather3A_140 = tpu.vector_load_idx %arg6[%add3A_70, %broadcast_in_dim3A_139] : memref<400x100xf32, #tpu.memory_space<vmem>>[vector<16xi32>, vector<16xi32>], vector<16xf32>,
        %gt3A_141 = arith.cmpf ogt, %gather3A_140, %max3A_105 : vector<16xf32>
        %broadcast_in_dim3A_142 = arith.constant 7 : i32
        %broadcast_in_dim3A_143 = vector.broadcast %broadcast_in_dim3A_142 : i32 to vector<16xi32>
        %select_n3A_144 = arith.select %gt3A_141, %broadcast_in_dim3A_143, %select_n3A_104 : vector<16xi1>, vector<16xi32>
        %max3A_145 = arith.maximumf %max3A_105, %gather3A_140 : vector<16xf32>
        %exp3A_146 = math.exp %gather3A_140 : vector<16xf32>
        %add3A_147 = arith.addf %add3A_107, %exp3A_146 : vector<16xf32>
        %broadcast_in_dim3A_148 = arith.constant 8 : i32
        %broadcast_in_dim3A_149 = vector.broadcast %broadcast_in_dim3A_148 : i32 to vector<16xi32>
        %gather3A_150 = tpu.vector_load_idx %arg6[%add3A_70, %broadcast_in_dim3A_149] : memref<400x100xf32, #tpu.memory_space<vmem>>[vector<16xi32>, vector<16xi32>], vector<16xf32>,
        %gt3A_151 = arith.cmpf ogt, %gather3A_150, %max3A_115 : vector<16xf32>
        %broadcast_in_dim3A_152 = arith.constant 8 : i32
        %broadcast_in_dim3A_153 = vector.broadcast %broadcast_in_dim3A_152 : i32 to vector<16xi32>
        %select_n3A_154 = arith.select %gt3A_151, %broadcast_in_dim3A_153, %select_n3A_114 : vector<16xi1>, vector<16xi32>
        %max3A_155 = arith.maximumf %max3A_115, %gather3A_150 : vector<16xf32>
        %exp3A_156 = math.exp %gather3A_150 : vector<16xf32>
        %add3A_157 = arith.addf %add3A_117, %exp3A_156 : vector<16xf32>
        %broadcast_in_dim3A_158 = arith.constant 9 : i32
        %broadcast_in_dim3A_159 = vector.broadcast %broadcast_in_dim3A_158 : i32 to vector<16xi32>
        %gather3A_160 = tpu.vector_load_idx %arg6[%add3A_70, %broadcast_in_dim3A_159] : memref<400x100xf32, #tpu.memory_space<vmem>>[vector<16xi32>, vector<16xi32>], vector<16xf32>,
        %gt3A_161 = arith.cmpf ogt, %gather3A_160, %max3A_125 : vector<16xf32>
        %broadcast_in_dim3A_162 = arith.constant 9 : i32
        %broadcast_in_dim3A_163 = vector.broadcast %broadcast_in_dim3A_162 : i32 to vector<16xi32>
        %select_n3A_164 = arith.select %gt3A_161, %broadcast_in_dim3A_163, %select_n3A_124 : vector<16xi1>, vector<16xi32>
        %max3A_165 = arith.maximumf %max3A_125, %gather3A_160 : vector<16xf32>
        %exp3A_166 = math.exp %gather3A_160 : vector<16xf32>
        %add3A_167 = arith.addf %add3A_127, %exp3A_166 : vector<16xf32>
        %broadcast_in_dim3A_168 = arith.constant 10 : i32
        %broadcast_in_dim3A_169 = vector.broadcast %broadcast_in_dim3A_168 : i32 to vector<16xi32>
        %gather3A_170 = tpu.vector_load_idx %arg6[%add3A_70, %broadcast_in_dim3A_169] : memref<400x100xf32, #tpu.memory_space<vmem>>[vector<16xi32>, vector<16xi32>], vector<16xf32>,
        %gt3A_171 = arith.cmpf ogt, %gather3A_170, %max3A_135 : vector<16xf32>
        %broadcast_in_dim3A_172 = arith.constant 10 : i32
        %broadcast_in_dim3A_173 = vector.broadcast %broadcast_in_dim3A_172 : i32 to vector<16xi32>
        %select_n3A_174 = arith.select %gt3A_171, %broadcast_in_dim3A_173, %select_n3A_134 : vector<16xi1>, vector<16xi32>
        %max3A_175 = arith.maximumf %max3A_135, %gather3A_170 : vector<16xf32>
        %exp3A_176 = math.exp %gather3A_170 : vector<16xf32>
        %add3A_177 = arith.addf %add3A_137, %exp3A_176 : vector<16xf32>
        %broadcast_in_dim3A_178 = arith.constant 11 : i32
        %broadcast_in_dim3A_179 = vector.broadcast %broadcast_in_dim3A_178 : i32 to vector<16xi32>
        %gather3A_180 = tpu.vector_load_idx %arg6[%add3A_70, %broadcast_in_dim3A_179] : memref<400x100xf32, #tpu.memory_space<vmem>>[vector<16xi32>, vector<16xi32>], vector<16xf32>,
        %gt3A_181 = arith.cmpf ogt, %gather3A_180, %max3A_145 : vector<16xf32>
        %broadcast_in_dim3A_182 = arith.constant 11 : i32
        %broadcast_in_dim3A_183 = vector.broadcast %broadcast_in_dim3A_182 : i32 to vector<16xi32>
        %select_n3A_184 = arith.select %gt3A_181, %broadcast_in_dim3A_183, %select_n3A_144 : vector<16xi1>, vector<16xi32>
        %max3A_185 = arith.maximumf %max3A_145, %gather3A_180 : vector<16xf32>
        %exp3A_186 = math.exp %gather3A_180 : vector<16xf32>
        %add3A_187 = arith.addf %add3A_147, %exp3A_186 : vector<16xf32>
        %broadcast_in_dim3A_188 = arith.constant 12 : i32
        %broadcast_in_dim3A_189 = vector.broadcast %broadcast_in_dim3A_188 : i32 to vector<16xi32>
        %gather3A_190 = tpu.vector_load_idx %arg6[%add3A_70, %broadcast_in_dim3A_189] : memref<400x100xf32, #tpu.memory_space<vmem>>[vector<16xi32>, vector<16xi32>], vector<16xf32>,
        %gt3A_191 = arith.cmpf ogt, %gather3A_190, %max3A_155 : vector<16xf32>
        %broadcast_in_dim3A_192 = arith.constant 12 : i32
        %broadcast_in_dim3A_193 = vector.broadcast %broadcast_in_dim3A_192 : i32 to vector<16xi32>
        %select_n3A_194 = arith.select %gt3A_191, %broadcast_in_dim3A_193, %select_n3A_154 : vector<16xi1>, vector<16xi32>
        %max3A_195 = arith.maximumf %max3A_155, %gather3A_190 : vector<16xf32>
        %exp3A_196 = math.exp %gather3A_190 : vector<16xf32>
        %add3A_197 = arith.addf %add3A_157, %exp3A_196 : vector<16xf32>
        %broadcast_in_dim3A_198 = arith.constant 13 : i32
        %broadcast_in_dim3A_199 = vector.broadcast %broadcast_in_dim3A_198 : i32 to vector<16xi32>
        %gather3A_200 = tpu.vector_load_idx %arg6[%add3A_70, %broadcast_in_dim3A_199] : memref<400x100xf32, #tpu.memory_space<vmem>>[vector<16xi32>, vector<16xi32>], vector<16xf32>,
        %gt3A_201 = arith.cmpf ogt, %gather3A_200, %max3A_165 : vector<16xf32>
        %broadcast_in_dim3A_202 = arith.constant 13 : i32
        %broadcast_in_dim3A_203 = vector.broadcast %broadcast_in_dim3A_202 : i32 to vector<16xi32>
        %select_n3A_204 = arith.select %gt3A_201, %broadcast_in_dim3A_203, %select_n3A_164 : vector<16xi1>, vector<16xi32>
        %max3A_205 = arith.maximumf %max3A_165, %gather3A_200 : vector<16xf32>
        %exp3A_206 = math.exp %gather3A_200 : vector<16xf32>
        %add3A_207 = arith.addf %add3A_167, %exp3A_206 : vector<16xf32>
        %broadcast_in_dim3A_208 = arith.constant 14 : i32
        %broadcast_in_dim3A_209 = vector.broadcast %broadcast_in_dim3A_208 : i32 to vector<16xi32>
        %gather3A_210 = tpu.vector_load_idx %arg6[%add3A_70, %broadcast_in_dim3A_209] : memref<400x100xf32, #tpu.memory_space<vmem>>[vector<16xi32>, vector<16xi32>], vector<16xf32>,
        %gt3A_211 = arith.cmpf ogt, %gather3A_210, %max3A_175 : vector<16xf32>
        %broadcast_in_dim3A_212 = arith.constant 14 : i32
        %broadcast_in_dim3A_213 = vector.broadcast %broadcast_in_dim3A_212 : i32 to vector<16xi32>
        %select_n3A_214 = arith.select %gt3A_211, %broadcast_in_dim3A_213, %select_n3A_174 : vector<16xi1>, vector<16xi32>
        %max3A_215 = arith.maximumf %max3A_175, %gather3A_210 : vector<16xf32>
        %exp3A_216 = math.exp %gather3A_210 : vector<16xf32>
        %add3A_217 = arith.addf %add3A_177, %exp3A_216 : vector<16xf32>
        %broadcast_in_dim3A_218 = arith.constant 15 : i32
        %broadcast_in_dim3A_219 = vector.broadcast %broadcast_in_dim3A_218 : i32 to vector<16xi32>
        %gather3A_220 = tpu.vector_load_idx %arg6[%add3A_70, %broadcast_in_dim3A_219] : memref<400x100xf32, #tpu.memory_space<vmem>>[vector<16xi32>, vector<16xi32>], vector<16xf32>,
        %gt3A_221 = arith.cmpf ogt, %gather3A_220, %max3A_185 : vector<16xf32>
        %broadcast_in_dim3A_222 = arith.constant 15 : i32
        %broadcast_in_dim3A_223 = vector.broadcast %broadcast_in_dim3A_222 : i32 to vector<16xi32>
        %select_n3A_224 = arith.select %gt3A_221, %broadcast_in_dim3A_223, %select_n3A_184 : vector<16xi1>, vector<16xi32>
        %max3A_225 = arith.maximumf %max3A_185, %gather3A_220 : vector<16xf32>
        %exp3A_226 = math.exp %gather3A_220 : vector<16xf32>
        %add3A_227 = arith.addf %add3A_187, %exp3A_226 : vector<16xf32>
        %broadcast_in_dim3A_228 = arith.constant 16 : i32
        %broadcast_in_dim3A_229 = vector.broadcast %broadcast_in_dim3A_228 : i32 to vector<16xi32>
        %gather3A_230 = tpu.vector_load_idx %arg6[%add3A_70, %broadcast_in_dim3A_229] : memref<400x100xf32, #tpu.memory_space<vmem>>[vector<16xi32>, vector<16xi32>], vector<16xf32>,
        %gt3A_231 = arith.cmpf ogt, %gather3A_230, %max3A_195 : vector<16xf32>
        %broadcast_in_dim3A_232 = arith.constant 16 : i32
        %broadcast_in_dim3A_233 = vector.broadcast %broadcast_in_dim3A_232 : i32 to vector<16xi32>
        %select_n3A_234 = arith.select %gt3A_231, %broadcast_in_dim3A_233, %select_n3A_194 : vector<16xi1>, vector<16xi32>
        %max3A_235 = arith.maximumf %max3A_195, %gather3A_230 : vector<16xf32>
        %exp3A_236 = math.exp %gather3A_230 : vector<16xf32>
        %add3A_237 = arith.addf %add3A_197, %exp3A_236 : vector<16xf32>
        %broadcast_in_dim3A_238 = arith.constant 17 : i32
        %broadcast_in_dim3A_239 = vector.broadcast %broadcast_in_dim3A_238 : i32 to vector<16xi32>
        %gather3A_240 = tpu.vector_load_idx %arg6[%add3A_70, %broadcast_in_dim3A_239] : memref<400x100xf32, #tpu.memory_space<vmem>>[vector<16xi32>, vector<16xi32>], vector<16xf32>,
        %gt3A_241 = arith.cmpf ogt, %gather3A_240, %max3A_205 : vector<16xf32>
        %broadcast_in_dim3A_242 = arith.constant 17 : i32
        %broadcast_in_dim3A_243 = vector.broadcast %broadcast_in_dim3A_242 : i32 to vector<16xi32>
        %select_n3A_244 = arith.select %gt3A_241, %broadcast_in_dim3A_243, %select_n3A_204 : vector<16xi1>, vector<16xi32>
        %max3A_245 = arith.maximumf %max3A_205, %gather3A_240 : vector<16xf32>
        %exp3A_246 = math.exp %gather3A_240 : vector<16xf32>
        %add3A_247 = arith.addf %add3A_207, %exp3A_246 : vector<16xf32>
        %broadcast_in_dim3A_248 = arith.constant 18 : i32
        %broadcast_in_dim3A_249 = vector.broadcast %broadcast_in_dim3A_248 : i32 to vector<16xi32>
        %gather3A_250 = tpu.vector_load_idx %arg6[%add3A_70, %broadcast_in_dim3A_249] : memref<400x100xf32, #tpu.memory_space<vmem>>[vector<16xi32>, vector<16xi32>], vector<16xf32>,
        %gt3A_251 = arith.cmpf ogt, %gather3A_250, %max3A_215 : vector<16xf32>
        %broadcast_in_dim3A_252 = arith.constant 18 : i32
        %broadcast_in_dim3A_253 = vector.broadcast %broadcast_in_dim3A_252 : i32 to vector<16xi32>
        %select_n3A_254 = arith.select %gt3A_251, %broadcast_in_dim3A_253, %select_n3A_214 : vector<16xi1>, vector<16xi32>
        %max3A_255 = arith.maximumf %max3A_215, %gather3A_250 : vector<16xf32>
        %exp3A_256 = math.exp %gather3A_250 : vector<16xf32>
        %add3A_257 = arith.addf %add3A_217, %exp3A_256 : vector<16xf32>
        %broadcast_in_dim3A_258 = arith.constant 19 : i32
        %broadcast_in_dim3A_259 = vector.broadcast %broadcast_in_dim3A_258 : i32 to vector<16xi32>
        %gather3A_260 = tpu.vector_load_idx %arg6[%add3A_70, %broadcast_in_dim3A_259] : memref<400x100xf32, #tpu.memory_space<vmem>>[vector<16xi32>, vector<16xi32>], vector<16xf32>,
        %gt3A_261 = arith.cmpf ogt, %gather3A_260, %max3A_225 : vector<16xf32>
        %broadcast_in_dim3A_262 = arith.constant 19 : i32
        %broadcast_in_dim3A_263 = vector.broadcast %broadcast_in_dim3A_262 : i32 to vector<16xi32>
        %select_n3A_264 = arith.select %gt3A_261, %broadcast_in_dim3A_263, %select_n3A_224 : vector<16xi1>, vector<16xi32>
        %max3A_265 = arith.maximumf %max3A_225, %gather3A_260 : vector<16xf32>
        %exp3A_266 = math.exp %gather3A_260 : vector<16xf32>
        %add3A_267 = arith.addf %add3A_227, %exp3A_266 : vector<16xf32>
        %broadcast_in_dim3A_268 = arith.constant 20 : i32
        %broadcast_in_dim3A_269 = vector.broadcast %broadcast_in_dim3A_268 : i32 to vector<16xi32>
        %gather3A_270 = tpu.vector_load_idx %arg6[%add3A_70, %broadcast_in_dim3A_269] : memref<400x100xf32, #tpu.memory_space<vmem>>[vector<16xi32>, vector<16xi32>], vector<16xf32>,
        %gt3A_271 = arith.cmpf ogt, %gather3A_270, %max3A_235 : vector<16xf32>
        %broadcast_in_dim3A_272 = arith.constant 20 : i32
        %broadcast_in_dim3A_273 = vector.broadcast %broadcast_in_dim3A_272 : i32 to vector<16xi32>
        %select_n3A_274 = arith.select %gt3A_271, %broadcast_in_dim3A_273, %select_n3A_234 : vector<16xi1>, vector<16xi32>
        %max3A_275 = arith.maximumf %max3A_235, %gather3A_270 : vector<16xf32>
        %exp3A_276 = math.exp %gather3A_270 : vector<16xf32>
        %add3A_277 = arith.addf %add3A_237, %exp3A_276 : vector<16xf32>
        %broadcast_in_dim3A_278 = arith.constant 21 : i32
        %broadcast_in_dim3A_279 = vector.broadcast %broadcast_in_dim3A_278 : i32 to vector<16xi32>
        %gather3A_280 = tpu.vector_load_idx %arg6[%add3A_70, %broadcast_in_dim3A_279] : memref<400x100xf32, #tpu.memory_space<vmem>>[vector<16xi32>, vector<16xi32>], vector<16xf32>,
        %gt3A_281 = arith.cmpf ogt, %gather3A_280, %max3A_245 : vector<16xf32>
        %broadcast_in_dim3A_282 = arith.constant 21 : i32
        %broadcast_in_dim3A_283 = vector.broadcast %broadcast_in_dim3A_282 : i32 to vector<16xi32>
        %select_n3A_284 = arith.select %gt3A_281, %broadcast_in_dim3A_283, %select_n3A_244 : vector<16xi1>, vector<16xi32>
        %max3A_285 = arith.maximumf %max3A_245, %gather3A_280 : vector<16xf32>
        %exp3A_286 = math.exp %gather3A_280 : vector<16xf32>
        %add3A_287 = arith.addf %add3A_247, %exp3A_286 : vector<16xf32>
        %broadcast_in_dim3A_288 = arith.constant 22 : i32
        %broadcast_in_dim3A_289 = vector.broadcast %broadcast_in_dim3A_288 : i32 to vector<16xi32>
        %gather3A_290 = tpu.vector_load_idx %arg6[%add3A_70, %broadcast_in_dim3A_289] : memref<400x100xf32, #tpu.memory_space<vmem>>[vector<16xi32>, vector<16xi32>], vector<16xf32>,
        %gt3A_291 = arith.cmpf ogt, %gather3A_290, %max3A_255 : vector<16xf32>
        %broadcast_in_dim3A_292 = arith.constant 22 : i32
        %broadcast_in_dim3A_293 = vector.broadcast %broadcast_in_dim3A_292 : i32 to vector<16xi32>
        %select_n3A_294 = arith.select %gt3A_291, %broadcast_in_dim3A_293, %select_n3A_254 : vector<16xi1>, vector<16xi32>
        %max3A_295 = arith.maximumf %max3A_255, %gather3A_290 : vector<16xf32>
        %exp3A_296 = math.exp %gather3A_290 : vector<16xf32>
        %add3A_297 = arith.addf %add3A_257, %exp3A_296 : vector<16xf32>
        %broadcast_in_dim3A_298 = arith.constant 23 : i32
        %broadcast_in_dim3A_299 = vector.broadcast %broadcast_in_dim3A_298 : i32 to vector<16xi32>
        %gather3A_300 = tpu.vector_load_idx %arg6[%add3A_70, %broadcast_in_dim3A_299] : memref<400x100xf32, #tpu.memory_space<vmem>>[vector<16xi32>, vector<16xi32>], vector<16xf32>,
        %gt3A_301 = arith.cmpf ogt, %gather3A_300, %max3A_265 : vector<16xf32>
        %broadcast_in_dim3A_302 = arith.constant 23 : i32
        %broadcast_in_dim3A_303 = vector.broadcast %broadcast_in_dim3A_302 : i32 to vector<16xi32>
        %select_n3A_304 = arith.select %gt3A_301, %broadcast_in_dim3A_303, %select_n3A_264 : vector<16xi1>, vector<16xi32>
        %max3A_305 = arith.maximumf %max3A_265, %gather3A_300 : vector<16xf32>
        %exp3A_306 = math.exp %gather3A_300 : vector<16xf32>
        %add3A_307 = arith.addf %add3A_267, %exp3A_306 : vector<16xf32>
        %broadcast_in_dim3A_308 = arith.constant 24 : i32
        %broadcast_in_dim3A_309 = vector.broadcast %broadcast_in_dim3A_308 : i32 to vector<16xi32>
        %gather3A_310 = tpu.vector_load_idx %arg6[%add3A_70, %broadcast_in_dim3A_309] : memref<400x100xf32, #tpu.memory_space<vmem>>[vector<16xi32>, vector<16xi32>], vector<16xf32>,
        %gt3A_311 = arith.cmpf ogt, %gather3A_310, %max3A_275 : vector<16xf32>
        %broadcast_in_dim3A_312 = arith.constant 24 : i32
        %broadcast_in_dim3A_313 = vector.broadcast %broadcast_in_dim3A_312 : i32 to vector<16xi32>
        %select_n3A_314 = arith.select %gt3A_311, %broadcast_in_dim3A_313, %select_n3A_274 : vector<16xi1>, vector<16xi32>
        %max3A_315 = arith.maximumf %max3A_275, %gather3A_310 : vector<16xf32>
        %exp3A_316 = math.exp %gather3A_310 : vector<16xf32>
        %add3A_317 = arith.addf %add3A_277, %exp3A_316 : vector<16xf32>
        %broadcast_in_dim3A_318 = arith.constant 25 : i32
        %broadcast_in_dim3A_319 = vector.broadcast %broadcast_in_dim3A_318 : i32 to vector<16xi32>
        %gather3A_320 = tpu.vector_load_idx %arg6[%add3A_70, %broadcast_in_dim3A_319] : memref<400x100xf32, #tpu.memory_space<vmem>>[vector<16xi32>, vector<16xi32>], vector<16xf32>,
        %gt3A_321 = arith.cmpf ogt, %gather3A_320, %max3A_285 : vector<16xf32>
        %broadcast_in_dim3A_322 = arith.constant 25 : i32
        %broadcast_in_dim3A_323 = vector.broadcast %broadcast_in_dim3A_322 : i32 to vector<16xi32>
        %select_n3A_324 = arith.select %gt3A_321, %broadcast_in_dim3A_323, %select_n3A_284 : vector<16xi1>, vector<16xi32>
        %max3A_325 = arith.maximumf %max3A_285, %gather3A_320 : vector<16xf32>
        %exp3A_326 = math.exp %gather3A_320 : vector<16xf32>
        %add3A_327 = arith.addf %add3A_287, %exp3A_326 : vector<16xf32>
        %broadcast_in_dim3A_328 = arith.constant 26 : i32
        %broadcast_in_dim3A_329 = vector.broadcast %broadcast_in_dim3A_328 : i32 to vector<16xi32>
        %gather3A_330 = tpu.vector_load_idx %arg6[%add3A_70, %broadcast_in_dim3A_329] : memref<400x100xf32, #tpu.memory_space<vmem>>[vector<16xi32>, vector<16xi32>], vector<16xf32>,
        %gt3A_331 = arith.cmpf ogt, %gather3A_330, %max3A_295 : vector<16xf32>
        %broadcast_in_dim3A_332 = arith.constant 26 : i32
        %broadcast_in_dim3A_333 = vector.broadcast %broadcast_in_dim3A_332 : i32 to vector<16xi32>
        %select_n3A_334 = arith.select %gt3A_331, %broadcast_in_dim3A_333, %select_n3A_294 : vector<16xi1>, vector<16xi32>
        %max3A_335 = arith.maximumf %max3A_295, %gather3A_330 : vector<16xf32>
        %exp3A_336 = math.exp %gather3A_330 : vector<16xf32>
        %add3A_337 = arith.addf %add3A_297, %exp3A_336 : vector<16xf32>
        %broadcast_in_dim3A_338 = arith.constant 27 : i32
        %broadcast_in_dim3A_339 = vector.broadcast %broadcast_in_dim3A_338 : i32 to vector<16xi32>
        %gather3A_340 = tpu.vector_load_idx %arg6[%add3A_70, %broadcast_in_dim3A_339] : memref<400x100xf32, #tpu.memory_space<vmem>>[vector<16xi32>, vector<16xi32>], vector<16xf32>,
        %gt3A_341 = arith.cmpf ogt, %gather3A_340, %max3A_305 : vector<16xf32>
        %broadcast_in_dim3A_342 = arith.constant 27 : i32
        %broadcast_in_dim3A_343 = vector.broadcast %broadcast_in_dim3A_342 : i32 to vector<16xi32>
        %select_n3A_344 = arith.select %gt3A_341, %broadcast_in_dim3A_343, %select_n3A_304 : vector<16xi1>, vector<16xi32>
        %max3A_345 = arith.maximumf %max3A_305, %gather3A_340 : vector<16xf32>
        %exp3A_346 = math.exp %gather3A_340 : vector<16xf32>
        %add3A_347 = arith.addf %add3A_307, %exp3A_346 : vector<16xf32>
        %broadcast_in_dim3A_348 = arith.constant 28 : i32
        %broadcast_in_dim3A_349 = vector.broadcast %broadcast_in_dim3A_348 : i32 to vector<16xi32>
        %gather3A_350 = tpu.vector_load_idx %arg6[%add3A_70, %broadcast_in_dim3A_349] : memref<400x100xf32, #tpu.memory_space<vmem>>[vector<16xi32>, vector<16xi32>], vector<16xf32>,
        %gt3A_351 = arith.cmpf ogt, %gather3A_350, %max3A_315 : vector<16xf32>
        %broadcast_in_dim3A_352 = arith.constant 28 : i32
        %broadcast_in_dim3A_353 = vector.broadcast %broadcast_in_dim3A_352 : i32 to vector<16xi32>
        %select_n3A_354 = arith.select %gt3A_351, %broadcast_in_dim3A_353, %select_n3A_314 : vector<16xi1>, vector<16xi32>
        %max3A_355 = arith.maximumf %max3A_315, %gather3A_350 : vector<16xf32>
        %exp3A_356 = math.exp %gather3A_350 : vector<16xf32>
        %add3A_357 = arith.addf %add3A_317, %exp3A_356 : vector<16xf32>
        %broadcast_in_dim3A_358 = arith.constant 29 : i32
        %broadcast_in_dim3A_359 = vector.broadcast %broadcast_in_dim3A_358 : i32 to vector<16xi32>
        %gather3A_360 = tpu.vector_load_idx %arg6[%add3A_70, %broadcast_in_dim3A_359] : memref<400x100xf32, #tpu.memory_space<vmem>>[vector<16xi32>, vector<16xi32>], vector<16xf32>,
        %gt3A_361 = arith.cmpf ogt, %gather3A_360, %max3A_325 : vector<16xf32>
        %broadcast_in_dim3A_362 = arith.constant 29 : i32
        %broadcast_in_dim3A_363 = vector.broadcast %broadcast_in_dim3A_362 : i32 to vector<16xi32>
        %select_n3A_364 = arith.select %gt3A_361, %broadcast_in_dim3A_363, %select_n3A_324 : vector<16xi1>, vector<16xi32>
        %max3A_365 = arith.maximumf %max3A_325, %gather3A_360 : vector<16xf32>
        %exp3A_366 = math.exp %gather3A_360 : vector<16xf32>
        %add3A_367 = arith.addf %add3A_327, %exp3A_366 : vector<16xf32>
        %broadcast_in_dim3A_368 = arith.constant 30 : i32
        %broadcast_in_dim3A_369 = vector.broadcast %broadcast_in_dim3A_368 : i32 to vector<16xi32>
        %gather3A_370 = tpu.vector_load_idx %arg6[%add3A_70, %broadcast_in_dim3A_369] : memref<400x100xf32, #tpu.memory_space<vmem>>[vector<16xi32>, vector<16xi32>], vector<16xf32>,
        %gt3A_371 = arith.cmpf ogt, %gather3A_370, %max3A_335 : vector<16xf32>
        %broadcast_in_dim3A_372 = arith.constant 30 : i32
        %broadcast_in_dim3A_373 = vector.broadcast %broadcast_in_dim3A_372 : i32 to vector<16xi32>
        %select_n3A_374 = arith.select %gt3A_371, %broadcast_in_dim3A_373, %select_n3A_334 : vector<16xi1>, vector<16xi32>
        %max3A_375 = arith.maximumf %max3A_335, %gather3A_370 : vector<16xf32>
        %exp3A_376 = math.exp %gather3A_370 : vector<16xf32>
        %add3A_377 = arith.addf %add3A_337, %exp3A_376 : vector<16xf32>
        %broadcast_in_dim3A_378 = arith.constant 31 : i32
        %broadcast_in_dim3A_379 = vector.broadcast %broadcast_in_dim3A_378 : i32 to vector<16xi32>
        %gather3A_380 = tpu.vector_load_idx %arg6[%add3A_70, %broadcast_in_dim3A_379] : memref<400x100xf32, #tpu.memory_space<vmem>>[vector<16xi32>, vector<16xi32>], vector<16xf32>,
        %gt3A_381 = arith.cmpf ogt, %gather3A_380, %max3A_345 : vector<16xf32>
        %broadcast_in_dim3A_382 = arith.constant 31 : i32
        %broadcast_in_dim3A_383 = vector.broadcast %broadcast_in_dim3A_382 : i32 to vector<16xi32>
        %select_n3A_384 = arith.select %gt3A_381, %broadcast_in_dim3A_383, %select_n3A_344 : vector<16xi1>, vector<16xi32>
        %max3A_385 = arith.maximumf %max3A_345, %gather3A_380 : vector<16xf32>
        %exp3A_386 = math.exp %gather3A_380 : vector<16xf32>
        %add3A_387 = arith.addf %add3A_347, %exp3A_386 : vector<16xf32>
        %broadcast_in_dim3A_388 = arith.constant 32 : i32
        %broadcast_in_dim3A_389 = vector.broadcast %broadcast_in_dim3A_388 : i32 to vector<16xi32>
        %gather3A_390 = tpu.vector_load_idx %arg6[%add3A_70, %broadcast_in_dim3A_389] : memref<400x100xf32, #tpu.memory_space<vmem>>[vector<16xi32>, vector<16xi32>], vector<16xf32>,
        %gt3A_391 = arith.cmpf ogt, %gather3A_390, %max3A_355 : vector<16xf32>
        %broadcast_in_dim3A_392 = arith.constant 32 : i32
        %broadcast_in_dim3A_393 = vector.broadcast %broadcast_in_dim3A_392 : i32 to vector<16xi32>
        %select_n3A_394 = arith.select %gt3A_391, %broadcast_in_dim3A_393, %select_n3A_354 : vector<16xi1>, vector<16xi32>
        %max3A_395 = arith.maximumf %max3A_355, %gather3A_390 : vector<16xf32>
        %exp3A_396 = math.exp %gather3A_390 : vector<16xf32>
        %add3A_397 = arith.addf %add3A_357, %exp3A_396 : vector<16xf32>
        %broadcast_in_dim3A_398 = arith.constant 33 : i32
        %broadcast_in_dim3A_399 = vector.broadcast %broadcast_in_dim3A_398 : i32 to vector<16xi32>
        %gather3A_400 = tpu.vector_load_idx %arg6[%add3A_70, %broadcast_in_dim3A_399] : memref<400x100xf32, #tpu.memory_space<vmem>>[vector<16xi32>, vector<16xi32>], vector<16xf32>,
        %gt3A_401 = arith.cmpf ogt, %gather3A_400, %max3A_365 : vector<16xf32>
        %broadcast_in_dim3A_402 = arith.constant 33 : i32
        %broadcast_in_dim3A_403 = vector.broadcast %broadcast_in_dim3A_402 : i32 to vector<16xi32>
        %select_n3A_404 = arith.select %gt3A_401, %broadcast_in_dim3A_403, %select_n3A_364 : vector<16xi1>, vector<16xi32>
        %max3A_405 = arith.maximumf %max3A_365, %gather3A_400 : vector<16xf32>
        %exp3A_406 = math.exp %gather3A_400 : vector<16xf32>
        %add3A_407 = arith.addf %add3A_367, %exp3A_406 : vector<16xf32>
        %broadcast_in_dim3A_408 = arith.constant 34 : i32
        %broadcast_in_dim3A_409 = vector.broadcast %broadcast_in_dim3A_408 : i32 to vector<16xi32>
        %gather3A_410 = tpu.vector_load_idx %arg6[%add3A_70, %broadcast_in_dim3A_409] : memref<400x100xf32, #tpu.memory_space<vmem>>[vector<16xi32>, vector<16xi32>], vector<16xf32>,
        %gt3A_411 = arith.cmpf ogt, %gather3A_410, %max3A_375 : vector<16xf32>
        %broadcast_in_dim3A_412 = arith.constant 34 : i32
        %broadcast_in_dim3A_413 = vector.broadcast %broadcast_in_dim3A_412 : i32 to vector<16xi32>
        %select_n3A_414 = arith.select %gt3A_411, %broadcast_in_dim3A_413, %select_n3A_374 : vector<16xi1>, vector<16xi32>
        %max3A_415 = arith.maximumf %max3A_375, %gather3A_410 : vector<16xf32>
        %exp3A_416 = math.exp %gather3A_410 : vector<16xf32>
        %add3A_417 = arith.addf %add3A_377, %exp3A_416 : vector<16xf32>
        %broadcast_in_dim3A_418 = arith.constant 35 : i32
        %broadcast_in_dim3A_419 = vector.broadcast %broadcast_in_dim3A_418 : i32 to vector<16xi32>
        %gather3A_420 = tpu.vector_load_idx %arg6[%add3A_70, %broadcast_in_dim3A_419] : memref<400x100xf32, #tpu.memory_space<vmem>>[vector<16xi32>, vector<16xi32>], vector<16xf32>,
        %gt3A_421 = arith.cmpf ogt, %gather3A_420, %max3A_385 : vector<16xf32>
        %broadcast_in_dim3A_422 = arith.constant 35 : i32
        %broadcast_in_dim3A_423 = vector.broadcast %broadcast_in_dim3A_422 : i32 to vector<16xi32>
        %select_n3A_424 = arith.select %gt3A_421, %broadcast_in_dim3A_423, %select_n3A_384 : vector<16xi1>, vector<16xi32>
        %max3A_425 = arith.maximumf %max3A_385, %gather3A_420 : vector<16xf32>
        %exp3A_426 = math.exp %gather3A_420 : vector<16xf32>
        %add3A_427 = arith.addf %add3A_387, %exp3A_426 : vector<16xf32>
        %broadcast_in_dim3A_428 = arith.constant 36 : i32
        %broadcast_in_dim3A_429 = vector.broadcast %broadcast_in_dim3A_428 : i32 to vector<16xi32>
        %gather3A_430 = tpu.vector_load_idx %arg6[%add3A_70, %broadcast_in_dim3A_429] : memref<400x100xf32, #tpu.memory_space<vmem>>[vector<16xi32>, vector<16xi32>], vector<16xf32>,
        %gt3A_431 = arith.cmpf ogt, %gather3A_430, %max3A_395 : vector<16xf32>
        %broadcast_in_dim3A_432 = arith.constant 36 : i32
        %broadcast_in_dim3A_433 = vector.broadcast %broadcast_in_dim3A_432 : i32 to vector<16xi32>
        %select_n3A_434 = arith.select %gt3A_431, %broadcast_in_dim3A_433, %select_n3A_394 : vector<16xi1>, vector<16xi32>
        %max3A_435 = arith.maximumf %max3A_395, %gather3A_430 : vector<16xf32>
        %exp3A_436 = math.exp %gather3A_430 : vector<16xf32>
        %add3A_437 = arith.addf %add3A_397, %exp3A_436 : vector<16xf32>
        %broadcast_in_dim3A_438 = arith.constant 37 : i32
        %broadcast_in_dim3A_439 = vector.broadcast %broadcast_in_dim3A_438 : i32 to vector<16xi32>
        %gather3A_440 = tpu.vector_load_idx %arg6[%add3A_70, %broadcast_in_dim3A_439] : memref<400x100xf32, #tpu.memory_space<vmem>>[vector<16xi32>, vector<16xi32>], vector<16xf32>,
        %gt3A_441 = arith.cmpf ogt, %gather3A_440, %max3A_405 : vector<16xf32>
        %broadcast_in_dim3A_442 = arith.constant 37 : i32
        %broadcast_in_dim3A_443 = vector.broadcast %broadcast_in_dim3A_442 : i32 to vector<16xi32>
        %select_n3A_444 = arith.select %gt3A_441, %broadcast_in_dim3A_443, %select_n3A_404 : vector<16xi1>, vector<16xi32>
        %max3A_445 = arith.maximumf %max3A_405, %gather3A_440 : vector<16xf32>
        %exp3A_446 = math.exp %gather3A_440 : vector<16xf32>
        %add3A_447 = arith.addf %add3A_407, %exp3A_446 : vector<16xf32>
        %broadcast_in_dim3A_448 = arith.constant 38 : i32
        %broadcast_in_dim3A_449 = vector.broadcast %broadcast_in_dim3A_448 : i32 to vector<16xi32>
        %gather3A_450 = tpu.vector_load_idx %arg6[%add3A_70, %broadcast_in_dim3A_449] : memref<400x100xf32, #tpu.memory_space<vmem>>[vector<16xi32>, vector<16xi32>], vector<16xf32>,
        %gt3A_451 = arith.cmpf ogt, %gather3A_450, %max3A_415 : vector<16xf32>
        %broadcast_in_dim3A_452 = arith.constant 38 : i32
        %broadcast_in_dim3A_453 = vector.broadcast %broadcast_in_dim3A_452 : i32 to vector<16xi32>
        %select_n3A_454 = arith.select %gt3A_451, %broadcast_in_dim3A_453, %select_n3A_414 : vector<16xi1>, vector<16xi32>
        %max3A_455 = arith.maximumf %max3A_415, %gather3A_450 : vector<16xf32>
        %exp3A_456 = math.exp %gather3A_450 : vector<16xf32>
        %add3A_457 = arith.addf %add3A_417, %exp3A_456 : vector<16xf32>
        %broadcast_in_dim3A_458 = arith.constant 39 : i32
        %broadcast_in_dim3A_459 = vector.broadcast %broadcast_in_dim3A_458 : i32 to vector<16xi32>
        %gather3A_460 = tpu.vector_load_idx %arg6[%add3A_70, %broadcast_in_dim3A_459] : memref<400x100xf32, #tpu.memory_space<vmem>>[vector<16xi32>, vector<16xi32>], vector<16xf32>,
        %gt3A_461 = arith.cmpf ogt, %gather3A_460, %max3A_425 : vector<16xf32>
        %broadcast_in_dim3A_462 = arith.constant 39 : i32
        %broadcast_in_dim3A_463 = vector.broadcast %broadcast_in_dim3A_462 : i32 to vector<16xi32>
        %select_n3A_464 = arith.select %gt3A_461, %broadcast_in_dim3A_463, %select_n3A_424 : vector<16xi1>, vector<16xi32>
        %max3A_465 = arith.maximumf %max3A_425, %gather3A_460 : vector<16xf32>
        %exp3A_466 = math.exp %gather3A_460 : vector<16xf32>
        %add3A_467 = arith.addf %add3A_427, %exp3A_466 : vector<16xf32>
        %broadcast_in_dim3A_468 = arith.constant 40 : i32
        %broadcast_in_dim3A_469 = vector.broadcast %broadcast_in_dim3A_468 : i32 to vector<16xi32>
        %gather3A_470 = tpu.vector_load_idx %arg6[%add3A_70, %broadcast_in_dim3A_469] : memref<400x100xf32, #tpu.memory_space<vmem>>[vector<16xi32>, vector<16xi32>], vector<16xf32>,
        %gt3A_471 = arith.cmpf ogt, %gather3A_470, %max3A_435 : vector<16xf32>
        %broadcast_in_dim3A_472 = arith.constant 40 : i32
        %broadcast_in_dim3A_473 = vector.broadcast %broadcast_in_dim3A_472 : i32 to vector<16xi32>
        %select_n3A_474 = arith.select %gt3A_471, %broadcast_in_dim3A_473, %select_n3A_434 : vector<16xi1>, vector<16xi32>
        %max3A_475 = arith.maximumf %max3A_435, %gather3A_470 : vector<16xf32>
        %exp3A_476 = math.exp %gather3A_470 : vector<16xf32>
        %add3A_477 = arith.addf %add3A_437, %exp3A_476 : vector<16xf32>
        %broadcast_in_dim3A_478 = arith.constant 41 : i32
        %broadcast_in_dim3A_479 = vector.broadcast %broadcast_in_dim3A_478 : i32 to vector<16xi32>
        %gather3A_480 = tpu.vector_load_idx %arg6[%add3A_70, %broadcast_in_dim3A_479] : memref<400x100xf32, #tpu.memory_space<vmem>>[vector<16xi32>, vector<16xi32>], vector<16xf32>,
        %gt3A_481 = arith.cmpf ogt, %gather3A_480, %max3A_445 : vector<16xf32>
        %broadcast_in_dim3A_482 = arith.constant 41 : i32
        %broadcast_in_dim3A_483 = vector.broadcast %broadcast_in_dim3A_482 : i32 to vector<16xi32>
        %select_n3A_484 = arith.select %gt3A_481, %broadcast_in_dim3A_483, %select_n3A_444 : vector<16xi1>, vector<16xi32>
        %max3A_485 = arith.maximumf %max3A_445, %gather3A_480 : vector<16xf32>
        %exp3A_486 = math.exp %gather3A_480 : vector<16xf32>
        %add3A_487 = arith.addf %add3A_447, %exp3A_486 : vector<16xf32>
        %broadcast_in_dim3A_488 = arith.constant 42 : i32
        %broadcast_in_dim3A_489 = vector.broadcast %broadcast_in_dim3A_488 : i32 to vector<16xi32>
        %gather3A_490 = tpu.vector_load_idx %arg6[%add3A_70, %broadcast_in_dim3A_489] : memref<400x100xf32, #tpu.memory_space<vmem>>[vector<16xi32>, vector<16xi32>], vector<16xf32>,
        %gt3A_491 = arith.cmpf ogt, %gather3A_490, %max3A_455 : vector<16xf32>
        %broadcast_in_dim3A_492 = arith.constant 42 : i32
        %broadcast_in_dim3A_493 = vector.broadcast %broadcast_in_dim3A_492 : i32 to vector<16xi32>
        %select_n3A_494 = arith.select %gt3A_491, %broadcast_in_dim3A_493, %select_n3A_454 : vector<16xi1>, vector<16xi32>
        %max3A_495 = arith.maximumf %max3A_455, %gather3A_490 : vector<16xf32>
        %exp3A_496 = math.exp %gather3A_490 : vector<16xf32>
        %add3A_497 = arith.addf %add3A_457, %exp3A_496 : vector<16xf32>
        %broadcast_in_dim3A_498 = arith.constant 43 : i32
        %broadcast_in_dim3A_499 = vector.broadcast %broadcast_in_dim3A_498 : i32 to vector<16xi32>
        %gather3A_500 = tpu.vector_load_idx %arg6[%add3A_70, %broadcast_in_dim3A_499] : memref<400x100xf32, #tpu.memory_space<vmem>>[vector<16xi32>, vector<16xi32>], vector<16xf32>,
        %gt3A_501 = arith.cmpf ogt, %gather3A_500, %max3A_465 : vector<16xf32>
        %broadcast_in_dim3A_502 = arith.constant 43 : i32
        %broadcast_in_dim3A_503 = vector.broadcast %broadcast_in_dim3A_502 : i32 to vector<16xi32>
        %select_n3A_504 = arith.select %gt3A_501, %broadcast_in_dim3A_503, %select_n3A_464 : vector<16xi1>, vector<16xi32>
        %max3A_505 = arith.maximumf %max3A_465, %gather3A_500 : vector<16xf32>
        %exp3A_506 = math.exp %gather3A_500 : vector<16xf32>
        %add3A_507 = arith.addf %add3A_467, %exp3A_506 : vector<16xf32>
        %broadcast_in_dim3A_508 = arith.constant 44 : i32
        %broadcast_in_dim3A_509 = vector.broadcast %broadcast_in_dim3A_508 : i32 to vector<16xi32>
        %gather3A_510 = tpu.vector_load_idx %arg6[%add3A_70, %broadcast_in_dim3A_509] : memref<400x100xf32, #tpu.memory_space<vmem>>[vector<16xi32>, vector<16xi32>], vector<16xf32>,
        %gt3A_511 = arith.cmpf ogt, %gather3A_510, %max3A_475 : vector<16xf32>
        %broadcast_in_dim3A_512 = arith.constant 44 : i32
        %broadcast_in_dim3A_513 = vector.broadcast %broadcast_in_dim3A_512 : i32 to vector<16xi32>
        %select_n3A_514 = arith.select %gt3A_511, %broadcast_in_dim3A_513, %select_n3A_474 : vector<16xi1>, vector<16xi32>
        %max3A_515 = arith.maximumf %max3A_475, %gather3A_510 : vector<16xf32>
        %exp3A_516 = math.exp %gather3A_510 : vector<16xf32>
        %add3A_517 = arith.addf %add3A_477, %exp3A_516 : vector<16xf32>
        %broadcast_in_dim3A_518 = arith.constant 45 : i32
        %broadcast_in_dim3A_519 = vector.broadcast %broadcast_in_dim3A_518 : i32 to vector<16xi32>
        %gather3A_520 = tpu.vector_load_idx %arg6[%add3A_70, %broadcast_in_dim3A_519] : memref<400x100xf32, #tpu.memory_space<vmem>>[vector<16xi32>, vector<16xi32>], vector<16xf32>,
        %gt3A_521 = arith.cmpf ogt, %gather3A_520, %max3A_485 : vector<16xf32>
        %broadcast_in_dim3A_522 = arith.constant 45 : i32
        %broadcast_in_dim3A_523 = vector.broadcast %broadcast_in_dim3A_522 : i32 to vector<16xi32>
        %select_n3A_524 = arith.select %gt3A_521, %broadcast_in_dim3A_523, %select_n3A_484 : vector<16xi1>, vector<16xi32>
        %max3A_525 = arith.maximumf %max3A_485, %gather3A_520 : vector<16xf32>
        %exp3A_526 = math.exp %gather3A_520 : vector<16xf32>
        %add3A_527 = arith.addf %add3A_487, %exp3A_526 : vector<16xf32>
        %broadcast_in_dim3A_528 = arith.constant 46 : i32
        %broadcast_in_dim3A_529 = vector.broadcast %broadcast_in_dim3A_528 : i32 to vector<16xi32>
        %gather3A_530 = tpu.vector_load_idx %arg6[%add3A_70, %broadcast_in_dim3A_529] : memref<400x100xf32, #tpu.memory_space<vmem>>[vector<16xi32>, vector<16xi32>], vector<16xf32>,
        %gt3A_531 = arith.cmpf ogt, %gather3A_530, %max3A_495 : vector<16xf32>
        %broadcast_in_dim3A_532 = arith.constant 46 : i32
        %broadcast_in_dim3A_533 = vector.broadcast %broadcast_in_dim3A_532 : i32 to vector<16xi32>
        %select_n3A_534 = arith.select %gt3A_531, %broadcast_in_dim3A_533, %select_n3A_494 : vector<16xi1>, vector<16xi32>
        %max3A_535 = arith.maximumf %max3A_495, %gather3A_530 : vector<16xf32>
        %exp3A_536 = math.exp %gather3A_530 : vector<16xf32>
        %add3A_537 = arith.addf %add3A_497, %exp3A_536 : vector<16xf32>
        %broadcast_in_dim3A_538 = arith.constant 47 : i32
        %broadcast_in_dim3A_539 = vector.broadcast %broadcast_in_dim3A_538 : i32 to vector<16xi32>
        %gather3A_540 = tpu.vector_load_idx %arg6[%add3A_70, %broadcast_in_dim3A_539] : memref<400x100xf32, #tpu.memory_space<vmem>>[vector<16xi32>, vector<16xi32>], vector<16xf32>,
        %gt3A_541 = arith.cmpf ogt, %gather3A_540, %max3A_505 : vector<16xf32>
        %broadcast_in_dim3A_542 = arith.constant 47 : i32
        %broadcast_in_dim3A_543 = vector.broadcast %broadcast_in_dim3A_542 : i32 to vector<16xi32>
        %select_n3A_544 = arith.select %gt3A_541, %broadcast_in_dim3A_543, %select_n3A_504 : vector<16xi1>, vector<16xi32>
        %max3A_545 = arith.maximumf %max3A_505, %gather3A_540 : vector<16xf32>
        %exp3A_546 = math.exp %gather3A_540 : vector<16xf32>
        %add3A_547 = arith.addf %add3A_507, %exp3A_546 : vector<16xf32>
        %broadcast_in_dim3A_548 = arith.constant 48 : i32
        %broadcast_in_dim3A_549 = vector.broadcast %broadcast_in_dim3A_548 : i32 to vector<16xi32>
        %gather3A_550 = tpu.vector_load_idx %arg6[%add3A_70, %broadcast_in_dim3A_549] : memref<400x100xf32, #tpu.memory_space<vmem>>[vector<16xi32>, vector<16xi32>], vector<16xf32>,
        %gt3A_551 = arith.cmpf ogt, %gather3A_550, %max3A_515 : vector<16xf32>
        %broadcast_in_dim3A_552 = arith.constant 48 : i32
        %broadcast_in_dim3A_553 = vector.broadcast %broadcast_in_dim3A_552 : i32 to vector<16xi32>
        %select_n3A_554 = arith.select %gt3A_551, %broadcast_in_dim3A_553, %select_n3A_514 : vector<16xi1>, vector<16xi32>
        %max3A_555 = arith.maximumf %max3A_515, %gather3A_550 : vector<16xf32>
        %exp3A_556 = math.exp %gather3A_550 : vector<16xf32>
        %add3A_557 = arith.addf %add3A_517, %exp3A_556 : vector<16xf32>
        %broadcast_in_dim3A_558 = arith.constant 49 : i32
        %broadcast_in_dim3A_559 = vector.broadcast %broadcast_in_dim3A_558 : i32 to vector<16xi32>
        %gather3A_560 = tpu.vector_load_idx %arg6[%add3A_70, %broadcast_in_dim3A_559] : memref<400x100xf32, #tpu.memory_space<vmem>>[vector<16xi32>, vector<16xi32>], vector<16xf32>,
        %gt3A_561 = arith.cmpf ogt, %gather3A_560, %max3A_525 : vector<16xf32>
        %broadcast_in_dim3A_562 = arith.constant 49 : i32
        %broadcast_in_dim3A_563 = vector.broadcast %broadcast_in_dim3A_562 : i32 to vector<16xi32>
        %select_n3A_564 = arith.select %gt3A_561, %broadcast_in_dim3A_563, %select_n3A_524 : vector<16xi1>, vector<16xi32>
        %max3A_565 = arith.maximumf %max3A_525, %gather3A_560 : vector<16xf32>
        %exp3A_566 = math.exp %gather3A_560 : vector<16xf32>
        %add3A_567 = arith.addf %add3A_527, %exp3A_566 : vector<16xf32>
        %broadcast_in_dim3A_568 = arith.constant 50 : i32
        %broadcast_in_dim3A_569 = vector.broadcast %broadcast_in_dim3A_568 : i32 to vector<16xi32>
        %gather3A_570 = tpu.vector_load_idx %arg6[%add3A_70, %broadcast_in_dim3A_569] : memref<400x100xf32, #tpu.memory_space<vmem>>[vector<16xi32>, vector<16xi32>], vector<16xf32>,
        %gt3A_571 = arith.cmpf ogt, %gather3A_570, %max3A_535 : vector<16xf32>
        %broadcast_in_dim3A_572 = arith.constant 50 : i32
        %broadcast_in_dim3A_573 = vector.broadcast %broadcast_in_dim3A_572 : i32 to vector<16xi32>
        %select_n3A_574 = arith.select %gt3A_571, %broadcast_in_dim3A_573, %select_n3A_534 : vector<16xi1>, vector<16xi32>
        %max3A_575 = arith.maximumf %max3A_535, %gather3A_570 : vector<16xf32>
        %exp3A_576 = math.exp %gather3A_570 : vector<16xf32>
        %add3A_577 = arith.addf %add3A_537, %exp3A_576 : vector<16xf32>
        %broadcast_in_dim3A_578 = arith.constant 51 : i32
        %broadcast_in_dim3A_579 = vector.broadcast %broadcast_in_dim3A_578 : i32 to vector<16xi32>
        %gather3A_580 = tpu.vector_load_idx %arg6[%add3A_70, %broadcast_in_dim3A_579] : memref<400x100xf32, #tpu.memory_space<vmem>>[vector<16xi32>, vector<16xi32>], vector<16xf32>,
        %gt3A_581 = arith.cmpf ogt, %gather3A_580, %max3A_545 : vector<16xf32>
        %broadcast_in_dim3A_582 = arith.constant 51 : i32
        %broadcast_in_dim3A_583 = vector.broadcast %broadcast_in_dim3A_582 : i32 to vector<16xi32>
        %select_n3A_584 = arith.select %gt3A_581, %broadcast_in_dim3A_583, %select_n3A_544 : vector<16xi1>, vector<16xi32>
        %max3A_585 = arith.maximumf %max3A_545, %gather3A_580 : vector<16xf32>
        %exp3A_586 = math.exp %gather3A_580 : vector<16xf32>
        %add3A_587 = arith.addf %add3A_547, %exp3A_586 : vector<16xf32>
        %broadcast_in_dim3A_588 = arith.constant 52 : i32
        %broadcast_in_dim3A_589 = vector.broadcast %broadcast_in_dim3A_588 : i32 to vector<16xi32>
        %gather3A_590 = tpu.vector_load_idx %arg6[%add3A_70, %broadcast_in_dim3A_589] : memref<400x100xf32, #tpu.memory_space<vmem>>[vector<16xi32>, vector<16xi32>], vector<16xf32>,
        %gt3A_591 = arith.cmpf ogt, %gather3A_590, %max3A_555 : vector<16xf32>
        %broadcast_in_dim3A_592 = arith.constant 52 : i32
        %broadcast_in_dim3A_593 = vector.broadcast %broadcast_in_dim3A_592 : i32 to vector<16xi32>
        %select_n3A_594 = arith.select %gt3A_591, %broadcast_in_dim3A_593, %select_n3A_554 : vector<16xi1>, vector<16xi32>
        %max3A_595 = arith.maximumf %max3A_555, %gather3A_590 : vector<16xf32>
        %exp3A_596 = math.exp %gather3A_590 : vector<16xf32>
        %add3A_597 = arith.addf %add3A_557, %exp3A_596 : vector<16xf32>
        %broadcast_in_dim3A_598 = arith.constant 53 : i32
        %broadcast_in_dim3A_599 = vector.broadcast %broadcast_in_dim3A_598 : i32 to vector<16xi32>
        %gather3A_600 = tpu.vector_load_idx %arg6[%add3A_70, %broadcast_in_dim3A_599] : memref<400x100xf32, #tpu.memory_space<vmem>>[vector<16xi32>, vector<16xi32>], vector<16xf32>,
        %gt3A_601 = arith.cmpf ogt, %gather3A_600, %max3A_565 : vector<16xf32>
        %broadcast_in_dim3A_602 = arith.constant 53 : i32
        %broadcast_in_dim3A_603 = vector.broadcast %broadcast_in_dim3A_602 : i32 to vector<16xi32>
        %select_n3A_604 = arith.select %gt3A_601, %broadcast_in_dim3A_603, %select_n3A_564 : vector<16xi1>, vector<16xi32>
        %max3A_605 = arith.maximumf %max3A_565, %gather3A_600 : vector<16xf32>
        %exp3A_606 = math.exp %gather3A_600 : vector<16xf32>
        %add3A_607 = arith.addf %add3A_567, %exp3A_606 : vector<16xf32>
        %broadcast_in_dim3A_608 = arith.constant 54 : i32
        %broadcast_in_dim3A_609 = vector.broadcast %broadcast_in_dim3A_608 : i32 to vector<16xi32>
        %gather3A_610 = tpu.vector_load_idx %arg6[%add3A_70, %broadcast_in_dim3A_609] : memref<400x100xf32, #tpu.memory_space<vmem>>[vector<16xi32>, vector<16xi32>], vector<16xf32>,
        %gt3A_611 = arith.cmpf ogt, %gather3A_610, %max3A_575 : vector<16xf32>
        %broadcast_in_dim3A_612 = arith.constant 54 : i32
        %broadcast_in_dim3A_613 = vector.broadcast %broadcast_in_dim3A_612 : i32 to vector<16xi32>
        %select_n3A_614 = arith.select %gt3A_611, %broadcast_in_dim3A_613, %select_n3A_574 : vector<16xi1>, vector<16xi32>
        %max3A_615 = arith.maximumf %max3A_575, %gather3A_610 : vector<16xf32>
        %exp3A_616 = math.exp %gather3A_610 : vector<16xf32>
        %add3A_617 = arith.addf %add3A_577, %exp3A_616 : vector<16xf32>
        %broadcast_in_dim3A_618 = arith.constant 55 : i32
        %broadcast_in_dim3A_619 = vector.broadcast %broadcast_in_dim3A_618 : i32 to vector<16xi32>
        %gather3A_620 = tpu.vector_load_idx %arg6[%add3A_70, %broadcast_in_dim3A_619] : memref<400x100xf32, #tpu.memory_space<vmem>>[vector<16xi32>, vector<16xi32>], vector<16xf32>,
        %gt3A_621 = arith.cmpf ogt, %gather3A_620, %max3A_585 : vector<16xf32>
        %broadcast_in_dim3A_622 = arith.constant 55 : i32
        %broadcast_in_dim3A_623 = vector.broadcast %broadcast_in_dim3A_622 : i32 to vector<16xi32>
        %select_n3A_624 = arith.select %gt3A_621, %broadcast_in_dim3A_623, %select_n3A_584 : vector<16xi1>, vector<16xi32>
        %max3A_625 = arith.maximumf %max3A_585, %gather3A_620 : vector<16xf32>
        %exp3A_626 = math.exp %gather3A_620 : vector<16xf32>
        %add3A_627 = arith.addf %add3A_587, %exp3A_626 : vector<16xf32>
        %broadcast_in_dim3A_628 = arith.constant 56 : i32
        %broadcast_in_dim3A_629 = vector.broadcast %broadcast_in_dim3A_628 : i32 to vector<16xi32>
        %gather3A_630 = tpu.vector_load_idx %arg6[%add3A_70, %broadcast_in_dim3A_629] : memref<400x100xf32, #tpu.memory_space<vmem>>[vector<16xi32>, vector<16xi32>], vector<16xf32>,
        %gt3A_631 = arith.cmpf ogt, %gather3A_630, %max3A_595 : vector<16xf32>
        %broadcast_in_dim3A_632 = arith.constant 56 : i32
        %broadcast_in_dim3A_633 = vector.broadcast %broadcast_in_dim3A_632 : i32 to vector<16xi32>
        %select_n3A_634 = arith.select %gt3A_631, %broadcast_in_dim3A_633, %select_n3A_594 : vector<16xi1>, vector<16xi32>
        %max3A_635 = arith.maximumf %max3A_595, %gather3A_630 : vector<16xf32>
        %exp3A_636 = math.exp %gather3A_630 : vector<16xf32>
        %add3A_637 = arith.addf %add3A_597, %exp3A_636 : vector<16xf32>
        %broadcast_in_dim3A_638 = arith.constant 57 : i32
        %broadcast_in_dim3A_639 = vector.broadcast %broadcast_in_dim3A_638 : i32 to vector<16xi32>
        %gather3A_640 = tpu.vector_load_idx %arg6[%add3A_70, %broadcast_in_dim3A_639] : memref<400x100xf32, #tpu.memory_space<vmem>>[vector<16xi32>, vector<16xi32>], vector<16xf32>,
        %gt3A_641 = arith.cmpf ogt, %gather3A_640, %max3A_605 : vector<16xf32>
        %broadcast_in_dim3A_642 = arith.constant 57 : i32
        %broadcast_in_dim3A_643 = vector.broadcast %broadcast_in_dim3A_642 : i32 to vector<16xi32>
        %select_n3A_644 = arith.select %gt3A_641, %broadcast_in_dim3A_643, %select_n3A_604 : vector<16xi1>, vector<16xi32>
        %max3A_645 = arith.maximumf %max3A_605, %gather3A_640 : vector<16xf32>
        %exp3A_646 = math.exp %gather3A_640 : vector<16xf32>
        %add3A_647 = arith.addf %add3A_607, %exp3A_646 : vector<16xf32>
        %broadcast_in_dim3A_648 = arith.constant 58 : i32
        %broadcast_in_dim3A_649 = vector.broadcast %broadcast_in_dim3A_648 : i32 to vector<16xi32>
        %gather3A_650 = tpu.vector_load_idx %arg6[%add3A_70, %broadcast_in_dim3A_649] : memref<400x100xf32, #tpu.memory_space<vmem>>[vector<16xi32>, vector<16xi32>], vector<16xf32>,
        %gt3A_651 = arith.cmpf ogt, %gather3A_650, %max3A_615 : vector<16xf32>
        %broadcast_in_dim3A_652 = arith.constant 58 : i32
        %broadcast_in_dim3A_653 = vector.broadcast %broadcast_in_dim3A_652 : i32 to vector<16xi32>
        %select_n3A_654 = arith.select %gt3A_651, %broadcast_in_dim3A_653, %select_n3A_614 : vector<16xi1>, vector<16xi32>
        %max3A_655 = arith.maximumf %max3A_615, %gather3A_650 : vector<16xf32>
        %exp3A_656 = math.exp %gather3A_650 : vector<16xf32>
        %add3A_657 = arith.addf %add3A_617, %exp3A_656 : vector<16xf32>
        %broadcast_in_dim3A_658 = arith.constant 59 : i32
        %broadcast_in_dim3A_659 = vector.broadcast %broadcast_in_dim3A_658 : i32 to vector<16xi32>
        %gather3A_660 = tpu.vector_load_idx %arg6[%add3A_70, %broadcast_in_dim3A_659] : memref<400x100xf32, #tpu.memory_space<vmem>>[vector<16xi32>, vector<16xi32>], vector<16xf32>,
        %gt3A_661 = arith.cmpf ogt, %gather3A_660, %max3A_625 : vector<16xf32>
        %broadcast_in_dim3A_662 = arith.constant 59 : i32
        %broadcast_in_dim3A_663 = vector.broadcast %broadcast_in_dim3A_662 : i32 to vector<16xi32>
        %select_n3A_664 = arith.select %gt3A_661, %broadcast_in_dim3A_663, %select_n3A_624 : vector<16xi1>, vector<16xi32>
        %max3A_665 = arith.maximumf %max3A_625, %gather3A_660 : vector<16xf32>
        %exp3A_666 = math.exp %gather3A_660 : vector<16xf32>
        %add3A_667 = arith.addf %add3A_627, %exp3A_666 : vector<16xf32>
        %broadcast_in_dim3A_668 = arith.constant 60 : i32
        %broadcast_in_dim3A_669 = vector.broadcast %broadcast_in_dim3A_668 : i32 to vector<16xi32>
        %gather3A_670 = tpu.vector_load_idx %arg6[%add3A_70, %broadcast_in_dim3A_669] : memref<400x100xf32, #tpu.memory_space<vmem>>[vector<16xi32>, vector<16xi32>], vector<16xf32>,
        %gt3A_671 = arith.cmpf ogt, %gather3A_670, %max3A_635 : vector<16xf32>
        %broadcast_in_dim3A_672 = arith.constant 60 : i32
        %broadcast_in_dim3A_673 = vector.broadcast %broadcast_in_dim3A_672 : i32 to vector<16xi32>
        %select_n3A_674 = arith.select %gt3A_671, %broadcast_in_dim3A_673, %select_n3A_634 : vector<16xi1>, vector<16xi32>
        %max3A_675 = arith.maximumf %max3A_635, %gather3A_670 : vector<16xf32>
        %exp3A_676 = math.exp %gather3A_670 : vector<16xf32>
        %add3A_677 = arith.addf %add3A_637, %exp3A_676 : vector<16xf32>
        %broadcast_in_dim3A_678 = arith.constant 61 : i32
        %broadcast_in_dim3A_679 = vector.broadcast %broadcast_in_dim3A_678 : i32 to vector<16xi32>
        %gather3A_680 = tpu.vector_load_idx %arg6[%add3A_70, %broadcast_in_dim3A_679] : memref<400x100xf32, #tpu.memory_space<vmem>>[vector<16xi32>, vector<16xi32>], vector<16xf32>,
        %gt3A_681 = arith.cmpf ogt, %gather3A_680, %max3A_645 : vector<16xf32>
        %broadcast_in_dim3A_682 = arith.constant 61 : i32
        %broadcast_in_dim3A_683 = vector.broadcast %broadcast_in_dim3A_682 : i32 to vector<16xi32>
        %select_n3A_684 = arith.select %gt3A_681, %broadcast_in_dim3A_683, %select_n3A_644 : vector<16xi1>, vector<16xi32>
        %max3A_685 = arith.maximumf %max3A_645, %gather3A_680 : vector<16xf32>
        %exp3A_686 = math.exp %gather3A_680 : vector<16xf32>
        %add3A_687 = arith.addf %add3A_647, %exp3A_686 : vector<16xf32>
        %broadcast_in_dim3A_688 = arith.constant 62 : i32
        %broadcast_in_dim3A_689 = vector.broadcast %broadcast_in_dim3A_688 : i32 to vector<16xi32>
        %gather3A_690 = tpu.vector_load_idx %arg6[%add3A_70, %broadcast_in_dim3A_689] : memref<400x100xf32, #tpu.memory_space<vmem>>[vector<16xi32>, vector<16xi32>], vector<16xf32>,
        %gt3A_691 = arith.cmpf ogt, %gather3A_690, %max3A_655 : vector<16xf32>
        %broadcast_in_dim3A_692 = arith.constant 62 : i32
        %broadcast_in_dim3A_693 = vector.broadcast %broadcast_in_dim3A_692 : i32 to vector<16xi32>
        %select_n3A_694 = arith.select %gt3A_691, %broadcast_in_dim3A_693, %select_n3A_654 : vector<16xi1>, vector<16xi32>
        %max3A_695 = arith.maximumf %max3A_655, %gather3A_690 : vector<16xf32>
        %exp3A_696 = math.exp %gather3A_690 : vector<16xf32>
        %add3A_697 = arith.addf %add3A_657, %exp3A_696 : vector<16xf32>
        %broadcast_in_dim3A_698 = arith.constant 63 : i32
        %broadcast_in_dim3A_699 = vector.broadcast %broadcast_in_dim3A_698 : i32 to vector<16xi32>
        %gather3A_700 = tpu.vector_load_idx %arg6[%add3A_70, %broadcast_in_dim3A_699] : memref<400x100xf32, #tpu.memory_space<vmem>>[vector<16xi32>, vector<16xi32>], vector<16xf32>,
        %gt3A_701 = arith.cmpf ogt, %gather3A_700, %max3A_665 : vector<16xf32>
        %broadcast_in_dim3A_702 = arith.constant 63 : i32
        %broadcast_in_dim3A_703 = vector.broadcast %broadcast_in_dim3A_702 : i32 to vector<16xi32>
        %select_n3A_704 = arith.select %gt3A_701, %broadcast_in_dim3A_703, %select_n3A_664 : vector<16xi1>, vector<16xi32>
        %max3A_705 = arith.maximumf %max3A_665, %gather3A_700 : vector<16xf32>
        %exp3A_706 = math.exp %gather3A_700 : vector<16xf32>
        %add3A_707 = arith.addf %add3A_667, %exp3A_706 : vector<16xf32>
        %broadcast_in_dim3A_708 = arith.constant 64 : i32
        %broadcast_in_dim3A_709 = vector.broadcast %broadcast_in_dim3A_708 : i32 to vector<16xi32>
        %gather3A_710 = tpu.vector_load_idx %arg6[%add3A_70, %broadcast_in_dim3A_709] : memref<400x100xf32, #tpu.memory_space<vmem>>[vector<16xi32>, vector<16xi32>], vector<16xf32>,
        %gt3A_711 = arith.cmpf ogt, %gather3A_710, %max3A_675 : vector<16xf32>
        %broadcast_in_dim3A_712 = arith.constant 64 : i32
        %broadcast_in_dim3A_713 = vector.broadcast %broadcast_in_dim3A_712 : i32 to vector<16xi32>
        %select_n3A_714 = arith.select %gt3A_711, %broadcast_in_dim3A_713, %select_n3A_674 : vector<16xi1>, vector<16xi32>
        %max3A_715 = arith.maximumf %max3A_675, %gather3A_710 : vector<16xf32>
        %exp3A_716 = math.exp %gather3A_710 : vector<16xf32>
        %add3A_717 = arith.addf %add3A_677, %exp3A_716 : vector<16xf32>
        %broadcast_in_dim3A_718 = arith.constant 65 : i32
        %broadcast_in_dim3A_719 = vector.broadcast %broadcast_in_dim3A_718 : i32 to vector<16xi32>
        %gather3A_720 = tpu.vector_load_idx %arg6[%add3A_70, %broadcast_in_dim3A_719] : memref<400x100xf32, #tpu.memory_space<vmem>>[vector<16xi32>, vector<16xi32>], vector<16xf32>,
        %gt3A_721 = arith.cmpf ogt, %gather3A_720, %max3A_685 : vector<16xf32>
        %broadcast_in_dim3A_722 = arith.constant 65 : i32
        %broadcast_in_dim3A_723 = vector.broadcast %broadcast_in_dim3A_722 : i32 to vector<16xi32>
        %select_n3A_724 = arith.select %gt3A_721, %broadcast_in_dim3A_723, %select_n3A_684 : vector<16xi1>, vector<16xi32>
        %max3A_725 = arith.maximumf %max3A_685, %gather3A_720 : vector<16xf32>
        %exp3A_726 = math.exp %gather3A_720 : vector<16xf32>
        %add3A_727 = arith.addf %add3A_687, %exp3A_726 : vector<16xf32>
        %broadcast_in_dim3A_728 = arith.constant 66 : i32
        %broadcast_in_dim3A_729 = vector.broadcast %broadcast_in_dim3A_728 : i32 to vector<16xi32>
        %gather3A_730 = tpu.vector_load_idx %arg6[%add3A_70, %broadcast_in_dim3A_729] : memref<400x100xf32, #tpu.memory_space<vmem>>[vector<16xi32>, vector<16xi32>], vector<16xf32>,
        %gt3A_731 = arith.cmpf ogt, %gather3A_730, %max3A_695 : vector<16xf32>
        %broadcast_in_dim3A_732 = arith.constant 66 : i32
        %broadcast_in_dim3A_733 = vector.broadcast %broadcast_in_dim3A_732 : i32 to vector<16xi32>
        %select_n3A_734 = arith.select %gt3A_731, %broadcast_in_dim3A_733, %select_n3A_694 : vector<16xi1>, vector<16xi32>
        %max3A_735 = arith.maximumf %max3A_695, %gather3A_730 : vector<16xf32>
        %exp3A_736 = math.exp %gather3A_730 : vector<16xf32>
        %add3A_737 = arith.addf %add3A_697, %exp3A_736 : vector<16xf32>
        %broadcast_in_dim3A_738 = arith.constant 67 : i32
        %broadcast_in_dim3A_739 = vector.broadcast %broadcast_in_dim3A_738 : i32 to vector<16xi32>
        %gather3A_740 = tpu.vector_load_idx %arg6[%add3A_70, %broadcast_in_dim3A_739] : memref<400x100xf32, #tpu.memory_space<vmem>>[vector<16xi32>, vector<16xi32>], vector<16xf32>,
        %gt3A_741 = arith.cmpf ogt, %gather3A_740, %max3A_705 : vector<16xf32>
        %broadcast_in_dim3A_742 = arith.constant 67 : i32
        %broadcast_in_dim3A_743 = vector.broadcast %broadcast_in_dim3A_742 : i32 to vector<16xi32>
        %select_n3A_744 = arith.select %gt3A_741, %broadcast_in_dim3A_743, %select_n3A_704 : vector<16xi1>, vector<16xi32>
        %max3A_745 = arith.maximumf %max3A_705, %gather3A_740 : vector<16xf32>
        %exp3A_746 = math.exp %gather3A_740 : vector<16xf32>
        %add3A_747 = arith.addf %add3A_707, %exp3A_746 : vector<16xf32>
        %broadcast_in_dim3A_748 = arith.constant 68 : i32
        %broadcast_in_dim3A_749 = vector.broadcast %broadcast_in_dim3A_748 : i32 to vector<16xi32>
        %gather3A_750 = tpu.vector_load_idx %arg6[%add3A_70, %broadcast_in_dim3A_749] : memref<400x100xf32, #tpu.memory_space<vmem>>[vector<16xi32>, vector<16xi32>], vector<16xf32>,
        %gt3A_751 = arith.cmpf ogt, %gather3A_750, %max3A_715 : vector<16xf32>
        %broadcast_in_dim3A_752 = arith.constant 68 : i32
        %broadcast_in_dim3A_753 = vector.broadcast %broadcast_in_dim3A_752 : i32 to vector<16xi32>
        %select_n3A_754 = arith.select %gt3A_751, %broadcast_in_dim3A_753, %select_n3A_714 : vector<16xi1>, vector<16xi32>
        %max3A_755 = arith.maximumf %max3A_715, %gather3A_750 : vector<16xf32>
        %exp3A_756 = math.exp %gather3A_750 : vector<16xf32>
        %add3A_757 = arith.addf %add3A_717, %exp3A_756 : vector<16xf32>
        %broadcast_in_dim3A_758 = arith.constant 69 : i32
        %broadcast_in_dim3A_759 = vector.broadcast %broadcast_in_dim3A_758 : i32 to vector<16xi32>
        %gather3A_760 = tpu.vector_load_idx %arg6[%add3A_70, %broadcast_in_dim3A_759] : memref<400x100xf32, #tpu.memory_space<vmem>>[vector<16xi32>, vector<16xi32>], vector<16xf32>,
        %gt3A_761 = arith.cmpf ogt, %gather3A_760, %max3A_725 : vector<16xf32>
        %broadcast_in_dim3A_762 = arith.constant 69 : i32
        %broadcast_in_dim3A_763 = vector.broadcast %broadcast_in_dim3A_762 : i32 to vector<16xi32>
        %select_n3A_764 = arith.select %gt3A_761, %broadcast_in_dim3A_763, %select_n3A_724 : vector<16xi1>, vector<16xi32>
        %max3A_765 = arith.maximumf %max3A_725, %gather3A_760 : vector<16xf32>
        %exp3A_766 = math.exp %gather3A_760 : vector<16xf32>
        %add3A_767 = arith.addf %add3A_727, %exp3A_766 : vector<16xf32>
        %broadcast_in_dim3A_768 = arith.constant 70 : i32
        %broadcast_in_dim3A_769 = vector.broadcast %broadcast_in_dim3A_768 : i32 to vector<16xi32>
        %gather3A_770 = tpu.vector_load_idx %arg6[%add3A_70, %broadcast_in_dim3A_769] : memref<400x100xf32, #tpu.memory_space<vmem>>[vector<16xi32>, vector<16xi32>], vector<16xf32>,
        %gt3A_771 = arith.cmpf ogt, %gather3A_770, %max3A_735 : vector<16xf32>
        %broadcast_in_dim3A_772 = arith.constant 70 : i32
        %broadcast_in_dim3A_773 = vector.broadcast %broadcast_in_dim3A_772 : i32 to vector<16xi32>
        %select_n3A_774 = arith.select %gt3A_771, %broadcast_in_dim3A_773, %select_n3A_734 : vector<16xi1>, vector<16xi32>
        %max3A_775 = arith.maximumf %max3A_735, %gather3A_770 : vector<16xf32>
        %exp3A_776 = math.exp %gather3A_770 : vector<16xf32>
        %add3A_777 = arith.addf %add3A_737, %exp3A_776 : vector<16xf32>
        %broadcast_in_dim3A_778 = arith.constant 71 : i32
        %broadcast_in_dim3A_779 = vector.broadcast %broadcast_in_dim3A_778 : i32 to vector<16xi32>
        %gather3A_780 = tpu.vector_load_idx %arg6[%add3A_70, %broadcast_in_dim3A_779] : memref<400x100xf32, #tpu.memory_space<vmem>>[vector<16xi32>, vector<16xi32>], vector<16xf32>,
        %gt3A_781 = arith.cmpf ogt, %gather3A_780, %max3A_745 : vector<16xf32>
        %broadcast_in_dim3A_782 = arith.constant 71 : i32
        %broadcast_in_dim3A_783 = vector.broadcast %broadcast_in_dim3A_782 : i32 to vector<16xi32>
        %select_n3A_784 = arith.select %gt3A_781, %broadcast_in_dim3A_783, %select_n3A_744 : vector<16xi1>, vector<16xi32>
        %max3A_785 = arith.maximumf %max3A_745, %gather3A_780 : vector<16xf32>
        %exp3A_786 = math.exp %gather3A_780 : vector<16xf32>
        %add3A_787 = arith.addf %add3A_747, %exp3A_786 : vector<16xf32>
        %broadcast_in_dim3A_788 = arith.constant 72 : i32
        %broadcast_in_dim3A_789 = vector.broadcast %broadcast_in_dim3A_788 : i32 to vector<16xi32>
        %gather3A_790 = tpu.vector_load_idx %arg6[%add3A_70, %broadcast_in_dim3A_789] : memref<400x100xf32, #tpu.memory_space<vmem>>[vector<16xi32>, vector<16xi32>], vector<16xf32>,
        %gt3A_791 = arith.cmpf ogt, %gather3A_790, %max3A_755 : vector<16xf32>
        %broadcast_in_dim3A_792 = arith.constant 72 : i32
        %broadcast_in_dim3A_793 = vector.broadcast %broadcast_in_dim3A_792 : i32 to vector<16xi32>
        %select_n3A_794 = arith.select %gt3A_791, %broadcast_in_dim3A_793, %select_n3A_754 : vector<16xi1>, vector<16xi32>
        %max3A_795 = arith.maximumf %max3A_755, %gather3A_790 : vector<16xf32>
        %exp3A_796 = math.exp %gather3A_790 : vector<16xf32>
        %add3A_797 = arith.addf %add3A_757, %exp3A_796 : vector<16xf32>
        %broadcast_in_dim3A_798 = arith.constant 73 : i32
        %broadcast_in_dim3A_799 = vector.broadcast %broadcast_in_dim3A_798 : i32 to vector<16xi32>
        %gather3A_800 = tpu.vector_load_idx %arg6[%add3A_70, %broadcast_in_dim3A_799] : memref<400x100xf32, #tpu.memory_space<vmem>>[vector<16xi32>, vector<16xi32>], vector<16xf32>,
        %gt3A_801 = arith.cmpf ogt, %gather3A_800, %max3A_765 : vector<16xf32>
        %broadcast_in_dim3A_802 = arith.constant 73 : i32
        %broadcast_in_dim3A_803 = vector.broadcast %broadcast_in_dim3A_802 : i32 to vector<16xi32>
        %select_n3A_804 = arith.select %gt3A_801, %broadcast_in_dim3A_803, %select_n3A_764 : vector<16xi1>, vector<16xi32>
        %max3A_805 = arith.maximumf %max3A_765, %gather3A_800 : vector<16xf32>
        %exp3A_806 = math.exp %gather3A_800 : vector<16xf32>
        %add3A_807 = arith.addf %add3A_767, %exp3A_806 : vector<16xf32>
        %broadcast_in_dim3A_808 = arith.constant 74 : i32
        %broadcast_in_dim3A_809 = vector.broadcast %broadcast_in_dim3A_808 : i32 to vector<16xi32>
        %gather3A_810 = tpu.vector_load_idx %arg6[%add3A_70, %broadcast_in_dim3A_809] : memref<400x100xf32, #tpu.memory_space<vmem>>[vector<16xi32>, vector<16xi32>], vector<16xf32>,
        %gt3A_811 = arith.cmpf ogt, %gather3A_810, %max3A_775 : vector<16xf32>
        %broadcast_in_dim3A_812 = arith.constant 74 : i32
        %broadcast_in_dim3A_813 = vector.broadcast %broadcast_in_dim3A_812 : i32 to vector<16xi32>
        %select_n3A_814 = arith.select %gt3A_811, %broadcast_in_dim3A_813, %select_n3A_774 : vector<16xi1>, vector<16xi32>
        %max3A_815 = arith.maximumf %max3A_775, %gather3A_810 : vector<16xf32>
        %exp3A_816 = math.exp %gather3A_810 : vector<16xf32>
        %add3A_817 = arith.addf %add3A_777, %exp3A_816 : vector<16xf32>
        %broadcast_in_dim3A_818 = arith.constant 75 : i32
        %broadcast_in_dim3A_819 = vector.broadcast %broadcast_in_dim3A_818 : i32 to vector<16xi32>
        %gather3A_820 = tpu.vector_load_idx %arg6[%add3A_70, %broadcast_in_dim3A_819] : memref<400x100xf32, #tpu.memory_space<vmem>>[vector<16xi32>, vector<16xi32>], vector<16xf32>,
        %gt3A_821 = arith.cmpf ogt, %gather3A_820, %max3A_785 : vector<16xf32>
        %broadcast_in_dim3A_822 = arith.constant 75 : i32
        %broadcast_in_dim3A_823 = vector.broadcast %broadcast_in_dim3A_822 : i32 to vector<16xi32>
        %select_n3A_824 = arith.select %gt3A_821, %broadcast_in_dim3A_823, %select_n3A_784 : vector<16xi1>, vector<16xi32>
        %max3A_825 = arith.maximumf %max3A_785, %gather3A_820 : vector<16xf32>
        %exp3A_826 = math.exp %gather3A_820 : vector<16xf32>
        %add3A_827 = arith.addf %add3A_787, %exp3A_826 : vector<16xf32>
        %broadcast_in_dim3A_828 = arith.constant 76 : i32
        %broadcast_in_dim3A_829 = vector.broadcast %broadcast_in_dim3A_828 : i32 to vector<16xi32>
        %gather3A_830 = tpu.vector_load_idx %arg6[%add3A_70, %broadcast_in_dim3A_829] : memref<400x100xf32, #tpu.memory_space<vmem>>[vector<16xi32>, vector<16xi32>], vector<16xf32>,
        %gt3A_831 = arith.cmpf ogt, %gather3A_830, %max3A_795 : vector<16xf32>
        %broadcast_in_dim3A_832 = arith.constant 76 : i32
        %broadcast_in_dim3A_833 = vector.broadcast %broadcast_in_dim3A_832 : i32 to vector<16xi32>
        %select_n3A_834 = arith.select %gt3A_831, %broadcast_in_dim3A_833, %select_n3A_794 : vector<16xi1>, vector<16xi32>
        %max3A_835 = arith.maximumf %max3A_795, %gather3A_830 : vector<16xf32>
        %exp3A_836 = math.exp %gather3A_830 : vector<16xf32>
        %add3A_837 = arith.addf %add3A_797, %exp3A_836 : vector<16xf32>
        %broadcast_in_dim3A_838 = arith.constant 77 : i32
        %broadcast_in_dim3A_839 = vector.broadcast %broadcast_in_dim3A_838 : i32 to vector<16xi32>
        %gather3A_840 = tpu.vector_load_idx %arg6[%add3A_70, %broadcast_in_dim3A_839] : memref<400x100xf32, #tpu.memory_space<vmem>>[vector<16xi32>, vector<16xi32>], vector<16xf32>,
        %gt3A_841 = arith.cmpf ogt, %gather3A_840, %max3A_805 : vector<16xf32>
        %broadcast_in_dim3A_842 = arith.constant 77 : i32
        %broadcast_in_dim3A_843 = vector.broadcast %broadcast_in_dim3A_842 : i32 to vector<16xi32>
        %select_n3A_844 = arith.select %gt3A_841, %broadcast_in_dim3A_843, %select_n3A_804 : vector<16xi1>, vector<16xi32>
        %max3A_845 = arith.maximumf %max3A_805, %gather3A_840 : vector<16xf32>
        %exp3A_846 = math.exp %gather3A_840 : vector<16xf32>
        %add3A_847 = arith.addf %add3A_807, %exp3A_846 : vector<16xf32>
        %broadcast_in_dim3A_848 = arith.constant 78 : i32
        %broadcast_in_dim3A_849 = vector.broadcast %broadcast_in_dim3A_848 : i32 to vector<16xi32>
        %gather3A_850 = tpu.vector_load_idx %arg6[%add3A_70, %broadcast_in_dim3A_849] : memref<400x100xf32, #tpu.memory_space<vmem>>[vector<16xi32>, vector<16xi32>], vector<16xf32>,
        %gt3A_851 = arith.cmpf ogt, %gather3A_850, %max3A_815 : vector<16xf32>
        %broadcast_in_dim3A_852 = arith.constant 78 : i32
        %broadcast_in_dim3A_853 = vector.broadcast %broadcast_in_dim3A_852 : i32 to vector<16xi32>
        %select_n3A_854 = arith.select %gt3A_851, %broadcast_in_dim3A_853, %select_n3A_814 : vector<16xi1>, vector<16xi32>
        %max3A_855 = arith.maximumf %max3A_815, %gather3A_850 : vector<16xf32>
        %exp3A_856 = math.exp %gather3A_850 : vector<16xf32>
        %add3A_857 = arith.addf %add3A_817, %exp3A_856 : vector<16xf32>
        %broadcast_in_dim3A_858 = arith.constant 79 : i32
        %broadcast_in_dim3A_859 = vector.broadcast %broadcast_in_dim3A_858 : i32 to vector<16xi32>
        %gather3A_860 = tpu.vector_load_idx %arg6[%add3A_70, %broadcast_in_dim3A_859] : memref<400x100xf32, #tpu.memory_space<vmem>>[vector<16xi32>, vector<16xi32>], vector<16xf32>,
        %gt3A_861 = arith.cmpf ogt, %gather3A_860, %max3A_825 : vector<16xf32>
        %broadcast_in_dim3A_862 = arith.constant 79 : i32
        %broadcast_in_dim3A_863 = vector.broadcast %broadcast_in_dim3A_862 : i32 to vector<16xi32>
        %select_n3A_864 = arith.select %gt3A_861, %broadcast_in_dim3A_863, %select_n3A_824 : vector<16xi1>, vector<16xi32>
        %max3A_865 = arith.maximumf %max3A_825, %gather3A_860 : vector<16xf32>
        %exp3A_866 = math.exp %gather3A_860 : vector<16xf32>
        %add3A_867 = arith.addf %add3A_827, %exp3A_866 : vector<16xf32>
        %broadcast_in_dim3A_868 = arith.constant 80 : i32
        %broadcast_in_dim3A_869 = vector.broadcast %broadcast_in_dim3A_868 : i32 to vector<16xi32>
        %gather3A_870 = tpu.vector_load_idx %arg6[%add3A_70, %broadcast_in_dim3A_869] : memref<400x100xf32, #tpu.memory_space<vmem>>[vector<16xi32>, vector<16xi32>], vector<16xf32>,
        %gt3A_871 = arith.cmpf ogt, %gather3A_870, %max3A_835 : vector<16xf32>
        %broadcast_in_dim3A_872 = arith.constant 80 : i32
        %broadcast_in_dim3A_873 = vector.broadcast %broadcast_in_dim3A_872 : i32 to vector<16xi32>
        %select_n3A_874 = arith.select %gt3A_871, %broadcast_in_dim3A_873, %select_n3A_834 : vector<16xi1>, vector<16xi32>
        %max3A_875 = arith.maximumf %max3A_835, %gather3A_870 : vector<16xf32>
        %exp3A_876 = math.exp %gather3A_870 : vector<16xf32>
        %add3A_877 = arith.addf %add3A_837, %exp3A_876 : vector<16xf32>
        %broadcast_in_dim3A_878 = arith.constant 81 : i32
        %broadcast_in_dim3A_879 = vector.broadcast %broadcast_in_dim3A_878 : i32 to vector<16xi32>
        %gather3A_880 = tpu.vector_load_idx %arg6[%add3A_70, %broadcast_in_dim3A_879] : memref<400x100xf32, #tpu.memory_space<vmem>>[vector<16xi32>, vector<16xi32>], vector<16xf32>,
        %gt3A_881 = arith.cmpf ogt, %gather3A_880, %max3A_845 : vector<16xf32>
        %broadcast_in_dim3A_882 = arith.constant 81 : i32
        %broadcast_in_dim3A_883 = vector.broadcast %broadcast_in_dim3A_882 : i32 to vector<16xi32>
        %select_n3A_884 = arith.select %gt3A_881, %broadcast_in_dim3A_883, %select_n3A_844 : vector<16xi1>, vector<16xi32>
        %max3A_885 = arith.maximumf %max3A_845, %gather3A_880 : vector<16xf32>
        %exp3A_886 = math.exp %gather3A_880 : vector<16xf32>
        %add3A_887 = arith.addf %add3A_847, %exp3A_886 : vector<16xf32>
        %broadcast_in_dim3A_888 = arith.constant 82 : i32
        %broadcast_in_dim3A_889 = vector.broadcast %broadcast_in_dim3A_888 : i32 to vector<16xi32>
        %gather3A_890 = tpu.vector_load_idx %arg6[%add3A_70, %broadcast_in_dim3A_889] : memref<400x100xf32, #tpu.memory_space<vmem>>[vector<16xi32>, vector<16xi32>], vector<16xf32>,
        %gt3A_891 = arith.cmpf ogt, %gather3A_890, %max3A_855 : vector<16xf32>
        %broadcast_in_dim3A_892 = arith.constant 82 : i32
        %broadcast_in_dim3A_893 = vector.broadcast %broadcast_in_dim3A_892 : i32 to vector<16xi32>
        %select_n3A_894 = arith.select %gt3A_891, %broadcast_in_dim3A_893, %select_n3A_854 : vector<16xi1>, vector<16xi32>
        %max3A_895 = arith.maximumf %max3A_855, %gather3A_890 : vector<16xf32>
        %exp3A_896 = math.exp %gather3A_890 : vector<16xf32>
        %add3A_897 = arith.addf %add3A_857, %exp3A_896 : vector<16xf32>
        %broadcast_in_dim3A_898 = arith.constant 83 : i32
        %broadcast_in_dim3A_899 = vector.broadcast %broadcast_in_dim3A_898 : i32 to vector<16xi32>
        %gather3A_900 = tpu.vector_load_idx %arg6[%add3A_70, %broadcast_in_dim3A_899] : memref<400x100xf32, #tpu.memory_space<vmem>>[vector<16xi32>, vector<16xi32>], vector<16xf32>,
        %gt3A_901 = arith.cmpf ogt, %gather3A_900, %max3A_865 : vector<16xf32>
        %broadcast_in_dim3A_902 = arith.constant 83 : i32
        %broadcast_in_dim3A_903 = vector.broadcast %broadcast_in_dim3A_902 : i32 to vector<16xi32>
        %select_n3A_904 = arith.select %gt3A_901, %broadcast_in_dim3A_903, %select_n3A_864 : vector<16xi1>, vector<16xi32>
        %max3A_905 = arith.maximumf %max3A_865, %gather3A_900 : vector<16xf32>
        %exp3A_906 = math.exp %gather3A_900 : vector<16xf32>
        %add3A_907 = arith.addf %add3A_867, %exp3A_906 : vector<16xf32>
        %broadcast_in_dim3A_908 = arith.constant 84 : i32
        %broadcast_in_dim3A_909 = vector.broadcast %broadcast_in_dim3A_908 : i32 to vector<16xi32>
        %gather3A_910 = tpu.vector_load_idx %arg6[%add3A_70, %broadcast_in_dim3A_909] : memref<400x100xf32, #tpu.memory_space<vmem>>[vector<16xi32>, vector<16xi32>], vector<16xf32>,
        %gt3A_911 = arith.cmpf ogt, %gather3A_910, %max3A_875 : vector<16xf32>
        %broadcast_in_dim3A_912 = arith.constant 84 : i32
        %broadcast_in_dim3A_913 = vector.broadcast %broadcast_in_dim3A_912 : i32 to vector<16xi32>
        %select_n3A_914 = arith.select %gt3A_911, %broadcast_in_dim3A_913, %select_n3A_874 : vector<16xi1>, vector<16xi32>
        %max3A_915 = arith.maximumf %max3A_875, %gather3A_910 : vector<16xf32>
        %exp3A_916 = math.exp %gather3A_910 : vector<16xf32>
        %add3A_917 = arith.addf %add3A_877, %exp3A_916 : vector<16xf32>
        %broadcast_in_dim3A_918 = arith.constant 85 : i32
        %broadcast_in_dim3A_919 = vector.broadcast %broadcast_in_dim3A_918 : i32 to vector<16xi32>
        %gather3A_920 = tpu.vector_load_idx %arg6[%add3A_70, %broadcast_in_dim3A_919] : memref<400x100xf32, #tpu.memory_space<vmem>>[vector<16xi32>, vector<16xi32>], vector<16xf32>,
        %gt3A_921 = arith.cmpf ogt, %gather3A_920, %max3A_885 : vector<16xf32>
        %broadcast_in_dim3A_922 = arith.constant 85 : i32
        %broadcast_in_dim3A_923 = vector.broadcast %broadcast_in_dim3A_922 : i32 to vector<16xi32>
        %select_n3A_924 = arith.select %gt3A_921, %broadcast_in_dim3A_923, %select_n3A_884 : vector<16xi1>, vector<16xi32>
        %max3A_925 = arith.maximumf %max3A_885, %gather3A_920 : vector<16xf32>
        %exp3A_926 = math.exp %gather3A_920 : vector<16xf32>
        %add3A_927 = arith.addf %add3A_887, %exp3A_926 : vector<16xf32>
        %broadcast_in_dim3A_928 = arith.constant 86 : i32
        %broadcast_in_dim3A_929 = vector.broadcast %broadcast_in_dim3A_928 : i32 to vector<16xi32>
        %gather3A_930 = tpu.vector_load_idx %arg6[%add3A_70, %broadcast_in_dim3A_929] : memref<400x100xf32, #tpu.memory_space<vmem>>[vector<16xi32>, vector<16xi32>], vector<16xf32>,
        %gt3A_931 = arith.cmpf ogt, %gather3A_930, %max3A_895 : vector<16xf32>
        %broadcast_in_dim3A_932 = arith.constant 86 : i32
        %broadcast_in_dim3A_933 = vector.broadcast %broadcast_in_dim3A_932 : i32 to vector<16xi32>
        %select_n3A_934 = arith.select %gt3A_931, %broadcast_in_dim3A_933, %select_n3A_894 : vector<16xi1>, vector<16xi32>
        %max3A_935 = arith.maximumf %max3A_895, %gather3A_930 : vector<16xf32>
        %exp3A_936 = math.exp %gather3A_930 : vector<16xf32>
        %add3A_937 = arith.addf %add3A_897, %exp3A_936 : vector<16xf32>
        %broadcast_in_dim3A_938 = arith.constant 87 : i32
        %broadcast_in_dim3A_939 = vector.broadcast %broadcast_in_dim3A_938 : i32 to vector<16xi32>
        %gather3A_940 = tpu.vector_load_idx %arg6[%add3A_70, %broadcast_in_dim3A_939] : memref<400x100xf32, #tpu.memory_space<vmem>>[vector<16xi32>, vector<16xi32>], vector<16xf32>,
        %gt3A_941 = arith.cmpf ogt, %gather3A_940, %max3A_905 : vector<16xf32>
        %broadcast_in_dim3A_942 = arith.constant 87 : i32
        %broadcast_in_dim3A_943 = vector.broadcast %broadcast_in_dim3A_942 : i32 to vector<16xi32>
        %select_n3A_944 = arith.select %gt3A_941, %broadcast_in_dim3A_943, %select_n3A_904 : vector<16xi1>, vector<16xi32>
        %max3A_945 = arith.maximumf %max3A_905, %gather3A_940 : vector<16xf32>
        %exp3A_946 = math.exp %gather3A_940 : vector<16xf32>
        %add3A_947 = arith.addf %add3A_907, %exp3A_946 : vector<16xf32>
        %broadcast_in_dim3A_948 = arith.constant 88 : i32
        %broadcast_in_dim3A_949 = vector.broadcast %broadcast_in_dim3A_948 : i32 to vector<16xi32>
        %gather3A_950 = tpu.vector_load_idx %arg6[%add3A_70, %broadcast_in_dim3A_949] : memref<400x100xf32, #tpu.memory_space<vmem>>[vector<16xi32>, vector<16xi32>], vector<16xf32>,
        %gt3A_951 = arith.cmpf ogt, %gather3A_950, %max3A_915 : vector<16xf32>
        %broadcast_in_dim3A_952 = arith.constant 88 : i32
        %broadcast_in_dim3A_953 = vector.broadcast %broadcast_in_dim3A_952 : i32 to vector<16xi32>
        %select_n3A_954 = arith.select %gt3A_951, %broadcast_in_dim3A_953, %select_n3A_914 : vector<16xi1>, vector<16xi32>
        %max3A_955 = arith.maximumf %max3A_915, %gather3A_950 : vector<16xf32>
        %exp3A_956 = math.exp %gather3A_950 : vector<16xf32>
        %add3A_957 = arith.addf %add3A_917, %exp3A_956 : vector<16xf32>
        %broadcast_in_dim3A_958 = arith.constant 89 : i32
        %broadcast_in_dim3A_959 = vector.broadcast %broadcast_in_dim3A_958 : i32 to vector<16xi32>
        %gather3A_960 = tpu.vector_load_idx %arg6[%add3A_70, %broadcast_in_dim3A_959] : memref<400x100xf32, #tpu.memory_space<vmem>>[vector<16xi32>, vector<16xi32>], vector<16xf32>,
        %gt3A_961 = arith.cmpf ogt, %gather3A_960, %max3A_925 : vector<16xf32>
        %broadcast_in_dim3A_962 = arith.constant 89 : i32
        %broadcast_in_dim3A_963 = vector.broadcast %broadcast_in_dim3A_962 : i32 to vector<16xi32>
        %select_n3A_964 = arith.select %gt3A_961, %broadcast_in_dim3A_963, %select_n3A_924 : vector<16xi1>, vector<16xi32>
        %max3A_965 = arith.maximumf %max3A_925, %gather3A_960 : vector<16xf32>
        %exp3A_966 = math.exp %gather3A_960 : vector<16xf32>
        %add3A_967 = arith.addf %add3A_927, %exp3A_966 : vector<16xf32>
        %broadcast_in_dim3A_968 = arith.constant 90 : i32
        %broadcast_in_dim3A_969 = vector.broadcast %broadcast_in_dim3A_968 : i32 to vector<16xi32>
        %gather3A_970 = tpu.vector_load_idx %arg6[%add3A_70, %broadcast_in_dim3A_969] : memref<400x100xf32, #tpu.memory_space<vmem>>[vector<16xi32>, vector<16xi32>], vector<16xf32>,
        %gt3A_971 = arith.cmpf ogt, %gather3A_970, %max3A_935 : vector<16xf32>
        %broadcast_in_dim3A_972 = arith.constant 90 : i32
        %broadcast_in_dim3A_973 = vector.broadcast %broadcast_in_dim3A_972 : i32 to vector<16xi32>
        %select_n3A_974 = arith.select %gt3A_971, %broadcast_in_dim3A_973, %select_n3A_934 : vector<16xi1>, vector<16xi32>
        %max3A_975 = arith.maximumf %max3A_935, %gather3A_970 : vector<16xf32>
        %exp3A_976 = math.exp %gather3A_970 : vector<16xf32>
        %add3A_977 = arith.addf %add3A_937, %exp3A_976 : vector<16xf32>
        %broadcast_in_dim3A_978 = arith.constant 91 : i32
        %broadcast_in_dim3A_979 = vector.broadcast %broadcast_in_dim3A_978 : i32 to vector<16xi32>
        %gather3A_980 = tpu.vector_load_idx %arg6[%add3A_70, %broadcast_in_dim3A_979] : memref<400x100xf32, #tpu.memory_space<vmem>>[vector<16xi32>, vector<16xi32>], vector<16xf32>,
        %gt3A_981 = arith.cmpf ogt, %gather3A_980, %max3A_945 : vector<16xf32>
        %broadcast_in_dim3A_982 = arith.constant 91 : i32
        %broadcast_in_dim3A_983 = vector.broadcast %broadcast_in_dim3A_982 : i32 to vector<16xi32>
        %select_n3A_984 = arith.select %gt3A_981, %broadcast_in_dim3A_983, %select_n3A_944 : vector<16xi1>, vector<16xi32>
        %max3A_985 = arith.maximumf %max3A_945, %gather3A_980 : vector<16xf32>
        %exp3A_986 = math.exp %gather3A_980 : vector<16xf32>
        %add3A_987 = arith.addf %add3A_947, %exp3A_986 : vector<16xf32>
        %broadcast_in_dim3A_988 = arith.constant 92 : i32
        %broadcast_in_dim3A_989 = vector.broadcast %broadcast_in_dim3A_988 : i32 to vector<16xi32>
        %gather3A_990 = tpu.vector_load_idx %arg6[%add3A_70, %broadcast_in_dim3A_989] : memref<400x100xf32, #tpu.memory_space<vmem>>[vector<16xi32>, vector<16xi32>], vector<16xf32>,
        %gt3A_991 = arith.cmpf ogt, %gather3A_990, %max3A_955 : vector<16xf32>
        %broadcast_in_dim3A_992 = arith.constant 92 : i32
        %broadcast_in_dim3A_993 = vector.broadcast %broadcast_in_dim3A_992 : i32 to vector<16xi32>
        %select_n3A_994 = arith.select %gt3A_991, %broadcast_in_dim3A_993, %select_n3A_954 : vector<16xi1>, vector<16xi32>
        %max3A_995 = arith.maximumf %max3A_955, %gather3A_990 : vector<16xf32>
        %exp3A_996 = math.exp %gather3A_990 : vector<16xf32>
        %add3A_997 = arith.addf %add3A_957, %exp3A_996 : vector<16xf32>
        %broadcast_in_dim3A_998 = arith.constant 93 : i32
        %broadcast_in_dim3A_999 = vector.broadcast %broadcast_in_dim3A_998 : i32 to vector<16xi32>
        %gather3A_1000 = tpu.vector_load_idx %arg6[%add3A_70, %broadcast_in_dim3A_999] : memref<400x100xf32, #tpu.memory_space<vmem>>[vector<16xi32>, vector<16xi32>], vector<16xf32>,
        %gt3A_1001 = arith.cmpf ogt, %gather3A_1000, %max3A_965 : vector<16xf32>
        %broadcast_in_dim3A_1002 = arith.constant 93 : i32
        %broadcast_in_dim3A_1003 = vector.broadcast %broadcast_in_dim3A_1002 : i32 to vector<16xi32>
        %select_n3A_1004 = arith.select %gt3A_1001, %broadcast_in_dim3A_1003, %select_n3A_964 : vector<16xi1>, vector<16xi32>
        %max3A_1005 = arith.maximumf %max3A_965, %gather3A_1000 : vector<16xf32>
        %exp3A_1006 = math.exp %gather3A_1000 : vector<16xf32>
        %add3A_1007 = arith.addf %add3A_967, %exp3A_1006 : vector<16xf32>
        %broadcast_in_dim3A_1008 = arith.constant 94 : i32
        %broadcast_in_dim3A_1009 = vector.broadcast %broadcast_in_dim3A_1008 : i32 to vector<16xi32>
        %gather3A_1010 = tpu.vector_load_idx %arg6[%add3A_70, %broadcast_in_dim3A_1009] : memref<400x100xf32, #tpu.memory_space<vmem>>[vector<16xi32>, vector<16xi32>], vector<16xf32>,
        %gt3A_1011 = arith.cmpf ogt, %gather3A_1010, %max3A_975 : vector<16xf32>
        %broadcast_in_dim3A_1012 = arith.constant 94 : i32
        %broadcast_in_dim3A_1013 = vector.broadcast %broadcast_in_dim3A_1012 : i32 to vector<16xi32>
        %select_n3A_1014 = arith.select %gt3A_1011, %broadcast_in_dim3A_1013, %select_n3A_974 : vector<16xi1>, vector<16xi32>
        %max3A_1015 = arith.maximumf %max3A_975, %gather3A_1010 : vector<16xf32>
        %exp3A_1016 = math.exp %gather3A_1010 : vector<16xf32>
        %add3A_1017 = arith.addf %add3A_977, %exp3A_1016 : vector<16xf32>
        %broadcast_in_dim3A_1018 = arith.constant 95 : i32
        %broadcast_in_dim3A_1019 = vector.broadcast %broadcast_in_dim3A_1018 : i32 to vector<16xi32>
        %gather3A_1020 = tpu.vector_load_idx %arg6[%add3A_70, %broadcast_in_dim3A_1019] : memref<400x100xf32, #tpu.memory_space<vmem>>[vector<16xi32>, vector<16xi32>], vector<16xf32>,
        %gt3A_1021 = arith.cmpf ogt, %gather3A_1020, %max3A_985 : vector<16xf32>
        %broadcast_in_dim3A_1022 = arith.constant 95 : i32
        %broadcast_in_dim3A_1023 = vector.broadcast %broadcast_in_dim3A_1022 : i32 to vector<16xi32>
        %select_n3A_1024 = arith.select %gt3A_1021, %broadcast_in_dim3A_1023, %select_n3A_984 : vector<16xi1>, vector<16xi32>
        %max3A_1025 = arith.maximumf %max3A_985, %gather3A_1020 : vector<16xf32>
        %exp3A_1026 = math.exp %gather3A_1020 : vector<16xf32>
        %add3A_1027 = arith.addf %add3A_987, %exp3A_1026 : vector<16xf32>
        %broadcast_in_dim3A_1028 = arith.constant 96 : i32
        %broadcast_in_dim3A_1029 = vector.broadcast %broadcast_in_dim3A_1028 : i32 to vector<16xi32>
        %gather3A_1030 = tpu.vector_load_idx %arg6[%add3A_70, %broadcast_in_dim3A_1029] : memref<400x100xf32, #tpu.memory_space<vmem>>[vector<16xi32>, vector<16xi32>], vector<16xf32>,
        %gt3A_1031 = arith.cmpf ogt, %gather3A_1030, %max3A_995 : vector<16xf32>
        %broadcast_in_dim3A_1032 = arith.constant 96 : i32
        %broadcast_in_dim3A_1033 = vector.broadcast %broadcast_in_dim3A_1032 : i32 to vector<16xi32>
        %select_n3A_1034 = arith.select %gt3A_1031, %broadcast_in_dim3A_1033, %select_n3A_994 : vector<16xi1>, vector<16xi32>
        %max3A_1035 = arith.maximumf %max3A_995, %gather3A_1030 : vector<16xf32>
        %exp3A_1036 = math.exp %gather3A_1030 : vector<16xf32>
        %add3A_1037 = arith.addf %add3A_997, %exp3A_1036 : vector<16xf32>
        %broadcast_in_dim3A_1038 = arith.constant 97 : i32
        %broadcast_in_dim3A_1039 = vector.broadcast %broadcast_in_dim3A_1038 : i32 to vector<16xi32>
        %gather3A_1040 = tpu.vector_load_idx %arg6[%add3A_70, %broadcast_in_dim3A_1039] : memref<400x100xf32, #tpu.memory_space<vmem>>[vector<16xi32>, vector<16xi32>], vector<16xf32>,
        %gt3A_1041 = arith.cmpf ogt, %gather3A_1040, %max3A_1005 : vector<16xf32>
        %broadcast_in_dim3A_1042 = arith.constant 97 : i32
        %broadcast_in_dim3A_1043 = vector.broadcast %broadcast_in_dim3A_1042 : i32 to vector<16xi32>
        %select_n3A_1044 = arith.select %gt3A_1041, %broadcast_in_dim3A_1043, %select_n3A_1004 : vector<16xi1>, vector<16xi32>
        %max3A_1045 = arith.maximumf %max3A_1005, %gather3A_1040 : vector<16xf32>
        %exp3A_1046 = math.exp %gather3A_1040 : vector<16xf32>
        %add3A_1047 = arith.addf %add3A_1007, %exp3A_1046 : vector<16xf32>
        %broadcast_in_dim3A_1048 = arith.constant 98 : i32
        %broadcast_in_dim3A_1049 = vector.broadcast %broadcast_in_dim3A_1048 : i32 to vector<16xi32>
        %gather3A_1050 = tpu.vector_load_idx %arg6[%add3A_70, %broadcast_in_dim3A_1049] : memref<400x100xf32, #tpu.memory_space<vmem>>[vector<16xi32>, vector<16xi32>], vector<16xf32>,
        %gt3A_1051 = arith.cmpf ogt, %gather3A_1050, %max3A_1015 : vector<16xf32>
        %broadcast_in_dim3A_1052 = arith.constant 98 : i32
        %broadcast_in_dim3A_1053 = vector.broadcast %broadcast_in_dim3A_1052 : i32 to vector<16xi32>
        %select_n3A_1054 = arith.select %gt3A_1051, %broadcast_in_dim3A_1053, %select_n3A_1014 : vector<16xi1>, vector<16xi32>
        %max3A_1055 = arith.maximumf %max3A_1015, %gather3A_1050 : vector<16xf32>
        %exp3A_1056 = math.exp %gather3A_1050 : vector<16xf32>
        %add3A_1057 = arith.addf %add3A_1017, %exp3A_1056 : vector<16xf32>
        %broadcast_in_dim3A_1058 = arith.constant 99 : i32
        %broadcast_in_dim3A_1059 = vector.broadcast %broadcast_in_dim3A_1058 : i32 to vector<16xi32>
        %gather3A_1060 = tpu.vector_load_idx %arg6[%add3A_70, %broadcast_in_dim3A_1059] : memref<400x100xf32, #tpu.memory_space<vmem>>[vector<16xi32>, vector<16xi32>], vector<16xf32>,
        %gt3A_1061 = arith.cmpf ogt, %gather3A_1060, %max3A_1025 : vector<16xf32>
        %broadcast_in_dim3A_1062 = arith.constant 99 : i32
        %broadcast_in_dim3A_1063 = vector.broadcast %broadcast_in_dim3A_1062 : i32 to vector<16xi32>
        %select_n3A_1064 = arith.select %gt3A_1061, %broadcast_in_dim3A_1063, %select_n3A_1024 : vector<16xi1>, vector<16xi32>
        %max3A_1065 = arith.maximumf %max3A_1025, %gather3A_1060 : vector<16xf32>
        %exp3A_1066 = math.exp %gather3A_1060 : vector<16xf32>
        %add3A_1067 = arith.addf %add3A_1027, %exp3A_1066 : vector<16xf32>
        %gt3A_1068 = arith.cmpf ogt, %max3A_1045, %max3A_1035 : vector<16xf32>
        %eq3A = arith.cmpf oeq, %max3A_1045, %max3A_1035 : vector<16xf32>
        %lt3A_1069 = arith.cmpi slt, %select_n3A_1044, %select_n3A_1034 : vector<16xi32>
        %and3A = arith.andi %eq3A, %lt3A_1069 : vector<16xi1>
        %or3A = arith.ori %gt3A_1068, %and3A : vector<16xi1>
        %select_n3A_1070 = arith.select %or3A, %max3A_1045, %max3A_1035 : vector<16xi1>, vector<16xf32>
        %select_n3A_1071 = arith.select %or3A, %select_n3A_1044, %select_n3A_1034 : vector<16xi1>, vector<16xi32>
        %gt3A_1072 = arith.cmpf ogt, %max3A_1065, %max3A_1055 : vector<16xf32>
        %eq3A_1073 = arith.cmpf oeq, %max3A_1065, %max3A_1055 : vector<16xf32>
        %lt3A_1074 = arith.cmpi slt, %select_n3A_1064, %select_n3A_1054 : vector<16xi32>
        %and3A_1075 = arith.andi %eq3A_1073, %lt3A_1074 : vector<16xi1>
        %or3A_1076 = arith.ori %gt3A_1072, %and3A_1075 : vector<16xi1>
        %select_n3A_1077 = arith.select %or3A_1076, %max3A_1065, %max3A_1055 : vector<16xi1>, vector<16xf32>
        %select_n3A_1078 = arith.select %or3A_1076, %select_n3A_1064, %select_n3A_1054 : vector<16xi1>, vector<16xi32>
        %gt3A_1079 = arith.cmpf ogt, %select_n3A_1077, %select_n3A_1070 : vector<16xf32>
        %eq3A_1080 = arith.cmpf oeq, %select_n3A_1077, %select_n3A_1070 : vector<16xf32>
        %lt3A_1081 = arith.cmpi slt, %select_n3A_1078, %select_n3A_1071 : vector<16xi32>
        %and3A_1082 = arith.andi %eq3A_1080, %lt3A_1081 : vector<16xi1>
        %or3A_1083 = arith.ori %gt3A_1079, %and3A_1082 : vector<16xi1>
        %select_n3A_1084 = arith.select %or3A_1083, %select_n3A_1077, %select_n3A_1070 : vector<16xi1>, vector<16xf32>
        %select_n3A_1085 = arith.select %or3A_1083, %select_n3A_1078, %select_n3A_1071 : vector<16xi1>, vector<16xi32>
        %add3A_1086 = arith.addf %add3A_1037, %add3A_1047 : vector<16xf32>
        %add3A_1087 = arith.addf %add3A_1057, %add3A_1067 : vector<16xf32>
        %add3A_1088 = arith.addf %add3A_1086, %add3A_1087 : vector<16xf32>
        %exp3A_1089 = math.exp %select_n3A_1084 : vector<16xf32>
        %div3A = arith.divf %exp3A_1089, %add3A_1088 : vector<16xf32>
        %mul3A_1090 = arith.constant 16 : i32
        %mul3A_1091 = arith.muli %scan3A_66, %mul3A_1090 : i32
        %get3A = arith.index_cast %mul3A_1091 : i32 to index
        %get3A_1092 = tpu.vector_load %arg8[%get3A] {strides = array<i32>} : memref<400xi32, #tpu.memory_space<vmem>>, vector<16xi32>,
        %eq3A_1093 = arith.cmpi eq, %select_n3A_1085, %get3A_1092 : vector<16xi32>
        %jit3A = arith.constant 1.000000e+00 : f32
        %jit3A_1094 = arith.constant 0.000000e+00 : f32
        %broadcast_in_dim3A_1095 = vector.broadcast %jit3A : f32 to vector<16xf32>
        %broadcast_in_dim3A_1096 = vector.broadcast %jit3A_1094 : f32 to vector<16xf32>
        %select_n3A_1097 = arith.select %eq3A_1093, %broadcast_in_dim3A_1095, %broadcast_in_dim3A_1096 : vector<16xi1>, vector<16xf32>
        %mul3A_1098 = arith.constant 1.500000e+01 : f32
        %mul3A_1099 = vector.broadcast %mul3A_1098 : f32 to vector<16xf32>
        %mul3A_1100 = arith.mulf %div3A, %mul3A_1099 : vector<16xf32>
        %convert_element_type3A_1101 = arith.fptosi %mul3A_1100 : vector<16xf32> to vector<16xi32>
        %convert_element_type3A_1102 = arith.sitofp %convert_element_type3A_1101 : vector<16xi32> to vector<16xf32>
        %eq3A_1103 = arith.cmpf oeq, %convert_element_type3A_1102, %mul3A_1100 : vector<16xf32>
        %sub3A = arith.constant 1 : i32
        %sub3A_1104 = vector.broadcast %sub3A : i32 to vector<16xi32>
        %sub3A_1105 = arith.subi %convert_element_type3A_1101, %sub3A_1104 : vector<16xi32>
        %select_n3A_1106 = arith.select %eq3A_1103, %sub3A_1105, %convert_element_type3A_1101 : vector<16xi1>, vector<16xi32>
        tpu.vector_store_idx %arg9[%select_n3A_1106], %broadcast_in_dim3A_12 {add = true} : memref<48xf32, #tpu.memory_space<vmem>>[vector<16xi32>], vector<16xf32>,
        %add3A_1107 = arith.constant 16 : i32
        %add3A_1108 = vector.broadcast %add3A_1107 : i32 to vector<16xi32>
        %add3A_1109 = arith.addi %select_n3A_1106, %add3A_1108 : vector<16xi32>
        tpu.vector_store_idx %arg9[%add3A_1109], %select_n3A_1097 {add = true} : memref<48xf32, #tpu.memory_space<vmem>>[vector<16xi32>], vector<16xf32>,
        %add3A_1110 = arith.constant 32 : i32
        %add3A_1111 = vector.broadcast %add3A_1110 : i32 to vector<16xi32>
        %add3A_1112 = arith.addi %select_n3A_1106, %add3A_1111 : vector<16xi32>
        tpu.vector_store_idx %arg9[%add3A_1112], %div3A {add = true} : memref<48xf32, #tpu.memory_space<vmem>>[vector<16xi32>], vector<16xf32>,
      }
      %scan3A_65 = arith.constant 25 : i32
    }
    %scan3A_26 = arith.constant 5 : i32
    "tpu.region"() ({
      %run_scoped3A = tpu.sem_alloc : memref<!tpu.dma_semaphore, #tpu.memory_space<semaphore_mem>>
      %dma_start3A_27 = arith.constant 0 : i32
      %dma_start3A_28 = tpu.memref_slice %arg4[%add3A, %dma_start3A_27] : memref<32x48xf32, #tpu.memory_space<hbm>> -> memref<1x48xf32, #tpu.memory_space<hbm>>
      %dma_start3A_29 = tpu.memref_squeeze %dma_start3A_28 : memref<1x48xf32, #tpu.memory_space<hbm>> -> memref<48xf32, #tpu.memory_space<hbm>>
      %dma_start3A_30 = arith.constant 0 : i32
      %dma_start3A_31 = tpu.memref_slice %arg4[%add3A, %dma_start3A_30] : memref<32x48xf32, #tpu.memory_space<hbm>> -> memref<1x48xf32, #tpu.memory_space<hbm>>
      %dma_start3A_32 = tpu.memref_squeeze %dma_start3A_31 : memref<1x48xf32, #tpu.memory_space<hbm>> -> memref<48xf32, #tpu.memory_space<hbm>>
      tpu.enqueue_dma source(%arg9 : memref<48xf32, #tpu.memory_space<vmem>>) target(%dma_start3A_32 : memref<48xf32, #tpu.memory_space<hbm>>) target_semaphore(%run_scoped3A : memref<!tpu.dma_semaphore, #tpu.memory_space<semaphore_mem>>)
      %dma_wait3A = arith.constant 0 : i32
      %dma_wait3A_33 = tpu.memref_slice %arg4[%add3A, %dma_wait3A] : memref<32x48xf32, #tpu.memory_space<hbm>> -> memref<1x48xf32, #tpu.memory_space<hbm>>
      %dma_wait3A_34 = tpu.memref_squeeze %dma_wait3A_33 : memref<1x48xf32, #tpu.memory_space<hbm>> -> memref<48xf32, #tpu.memory_space<hbm>>
      %dma_wait3A_35 = arith.constant 0 : i32
      %dma_wait3A_36 = tpu.memref_slice %arg4[%add3A, %dma_wait3A_35] : memref<32x48xf32, #tpu.memory_space<hbm>> -> memref<1x48xf32, #tpu.memory_space<hbm>>
      %dma_wait3A_37 = tpu.memref_squeeze %dma_wait3A_36 : memref<1x48xf32, #tpu.memory_space<hbm>> -> memref<48xf32, #tpu.memory_space<hbm>>
      tpu.wait_dma2 semaphore(%run_scoped3A : memref<!tpu.dma_semaphore, #tpu.memory_space<semaphore_mem>>) src(%arg9 : memref<48xf32, #tpu.memory_space<vmem>>) dst(%dma_wait3A_37 : memref<48xf32, #tpu.memory_space<hbm>>)
      tpu.yield
    }) : () -> ()
    return
  }
}

module attributes {stable_mosaic.version = 14 : i64} {
  func.func @_tc_kernel(%arg0: i32, %arg1: memref<2000x100xf32, #tpu.memory_space<vmem>>, %arg2: memref<2000x100xf32, #tpu.memory_space<vmem>>, %arg3: memref<2000x100xf32, #tpu.memory_space<vmem>>, %arg4: memref<2000x100xf32, #tpu.memory_space<vmem>>, %arg5: memref<2000x436xf32, #tpu.memory_space<vmem>>, %arg6: memref<8x128xf32, #tpu.memory_space<vmem>>, %arg7: memref<8x128xf32, #tpu.memory_space<vmem>>) attributes {dimension_semantics = [#tpu.dimension_semantics<arbitrary>], iteration_bounds = array<i64: 109>, scalar_prefetch = 0 : i64, scratch_operands = 1 : i64, tpu.core_type = #tpu.core_type<tc>, window_params = [{transform_indices = @transform_0, window_bounds = array<i64: 2000, 100>}, {transform_indices = @transform_1, window_bounds = array<i64: 2000, 100>}, {transform_indices = @transform_2, window_bounds = array<i64: 2000, 100>}, {transform_indices = @transform_3, window_bounds = array<i64: 2000, 100>}, {pipeline_mode = #tpu.pipeline_mode<synchronous>, transform_indices = @transform_4, window_bounds = array<i64: 2000, 436>}, {pipeline_mode = #tpu.pipeline_mode<synchronous>, transform_indices = @transform_5, window_bounds = array<i64: 8, 128>}]} {
    %eq3A = arith.constant 0 : i32
    %eq3A_0 = arith.cmpi eq, %arg0, %eq3A : i32
    %convert_element_type3A = arith.extui %eq3A_0 : i1 to i32
    %cond3A = arith.constant 0 : i32
    %cond3A_1 = arith.cmpi ne, %convert_element_type3A, %cond3A : i32
    scf.if %cond3A_1 {
      %broadcast_in_dim3A_263 = arith.constant 0.000000e+00 : f32
      %broadcast_in_dim3A_264 = vector.broadcast %broadcast_in_dim3A_263 : f32 to vector<8x128xf32>
      %swap3A_265 = arith.constant 0 : index
      %swap3A_266 = arith.constant 0 : index
      %swap3A_267 = vector.load %arg7[%swap3A_265, %swap3A_266] : memref<8x128xf32, #tpu.memory_space<vmem>>, vector<8x128xf32>
      tpu.vector_store %arg7[%swap3A_265, %swap3A_266], %broadcast_in_dim3A_264 {strides = array<i32>} : memref<8x128xf32, #tpu.memory_space<vmem>>, vector<8x128xf32>,
    } else {
    }
    %iota3A = tpu.iota {dimensions = array<i32: 1>} : vector<1x128xi32>
    %convert_element_type3A_2 = arith.sitofp %iota3A : vector<1x128xi32> to vector<1x128xf32>
    %eq3A_3 = arith.constant 0 : i32
    %eq3A_4 = vector.broadcast %eq3A_3 : i32 to vector<1x128xi32>
    %eq3A_5 = arith.cmpi eq, %iota3A, %eq3A_4 : vector<1x128xi32>
    %div3A = arith.constant 1.500000e+01 : f32
    %div3A_6 = vector.broadcast %div3A : f32 to vector<1x128xf32>
    %div3A_7 = arith.divf %div3A_6, %convert_element_type3A_2 : vector<1x128xf32>
    %jit3A = arith.constant 3.000000e+38 : f32
    %broadcast_in_dim3A = vector.broadcast %jit3A : f32 to vector<1x128xf32>
    %select_n3A = arith.select %eq3A_5, %broadcast_in_dim3A, %div3A_7 : vector<1x128xi1>, vector<1x128xf32>
    %le3A = arith.constant 15 : i32
    %le3A_8 = vector.broadcast %le3A : i32 to vector<1x128xi32>
    %le3A_9 = arith.cmpi sle, %iota3A, %le3A_8 : vector<1x128xi32>
    %jit3A_10 = arith.constant -1.000000e+00 : f32
    %broadcast_in_dim3A_11 = vector.broadcast %jit3A_10 : f32 to vector<1x128xf32>
    %select_n3A_12 = arith.select %le3A_9, %select_n3A, %broadcast_in_dim3A_11 : vector<1x128xi1>, vector<1x128xf32>
    %iota3A_13 = tpu.iota {dimensions = array<i32: 0>} : vector<436x4xi32>
    %iota3A_14 = tpu.iota {dimensions = array<i32: 1>} : vector<436x4xi32>
    %mul3A = arith.constant 4 : i32
    %mul3A_15 = arith.muli %mul3A, %arg0 : i32
    %add3A = vector.broadcast %mul3A_15 : i32 to vector<436x4xi32>
    %add3A_16 = arith.addi %add3A, %iota3A_14 : vector<436x4xi32>
    %eq3A_17 = arith.cmpi eq, %iota3A_13, %add3A_16 : vector<436x4xi32>
    %convert_element_type3A_18 = arith.extui %eq3A_17 : vector<436x4xi1> to vector<436x4xi32>
    %convert_element_type3A_19 = arith.sitofp %convert_element_type3A_18 : vector<436x4xi32> to vector<436x4xf32>
    %get3A = arith.constant 0 : index
    %get3A_20 = arith.constant 0 : index
    %get3A_21 = vector.load %arg5[%get3A, %get3A_20] : memref<2000x436xf32, #tpu.memory_space<vmem>>, vector<2000x436xf32>
    %dot_general3A = arith.constant dense<0.000000e+00> : vector<2000x4xf32>
    %dot_general3A_22 = tpu.matmul %get3A_21, %convert_element_type3A_19, %dot_general3A {dimension_numbers = #tpu.dot_dimension_numbers<[1], [0], [0], [1], [0, 0, 1, 1], [], []>, transpose_lhs_hint = false} : vector<2000x436xf32>, vector<436x4xf32>, vector<2000x4xf32> -> vector<2000x4xf32>
    %get3A_23 = arith.constant 0 : index
    %get3A_24 = arith.constant 0 : index
    %get3A_25 = vector.load %arg1[%get3A_23, %get3A_24] : memref<2000x100xf32, #tpu.memory_space<vmem>>, vector<2000x100xf32>
    %reduce_max3A = arith.constant dense<0xFF800000> : vector<2000xf32>
    %reduce_max3A_26 = vector.multi_reduction <maximumf>, %get3A_25, %reduce_max3A [1] : vector<2000x100xf32> to vector<2000xf32>
    %broadcast_in_dim3A_27 = vector.shape_cast %reduce_max3A_26 : vector<2000xf32> to vector<2000x1xf32>
    %sub3A = vector.broadcast %broadcast_in_dim3A_27 : vector<2000x1xf32> to vector<2000x100xf32>
    %sub3A_28 = arith.subf %get3A_25, %sub3A : vector<2000x100xf32>
    %exp3A = math.exp %sub3A_28 : vector<2000x100xf32>
    %reduce_sum3A = arith.constant dense<0.000000e+00> : vector<2000xf32>
    %reduce_sum3A_29 = vector.multi_reduction <add>, %exp3A, %reduce_sum3A [1] : vector<2000x100xf32> to vector<2000xf32>
    %broadcast_in_dim3A_30 = vector.shape_cast %reduce_sum3A_29 : vector<2000xf32> to vector<2000x1xf32>
    %div3A_31 = arith.constant 1.000000e+00 : f32
    %div3A_32 = vector.broadcast %div3A_31 : f32 to vector<2000x1xf32>
    %div3A_33 = arith.divf %div3A_32, %broadcast_in_dim3A_30 : vector<2000x1xf32>
    %argmax3A = tpu.reduce_index %get3A_25 {axis = 1 : i32, kind = #tpu.reduction_kind<arg_max>} : vector<2000x100xf32> -> vector<2000xi32>
    %reshape3A = vector.shape_cast %argmax3A : vector<2000xi32> to vector<2000x1xi32>
    %slice3A = vector.extract_strided_slice %dot_general3A_22 {offsets = [0, 0], sizes = [2000, 1], strides = [1, 1]} : vector<2000x4xf32> to vector<2000x1xf32>
    %convert_element_type3A_34 = arith.sitofp %reshape3A : vector<2000x1xi32> to vector<2000x1xf32>
    %eq3A_35 = arith.cmpf oeq, %convert_element_type3A_34, %slice3A : vector<2000x1xf32>
    %convert_element_type3A_36 = arith.extui %eq3A_35 : vector<2000x1xi1> to vector<2000x1xi32>
    %convert_element_type3A_37 = arith.sitofp %convert_element_type3A_36 : vector<2000x1xi32> to vector<2000x1xf32>
    %lt3A = vector.broadcast %broadcast_in_dim3A_30 : vector<2000x1xf32> to vector<2000x128xf32>
    %lt3A_38 = vector.broadcast %select_n3A_12 : vector<1x128xf32> to vector<2000x128xf32>
    %lt3A_39 = arith.cmpf olt, %lt3A, %lt3A_38 : vector<2000x128xf32>
    %convert_element_type3A_40 = arith.extui %lt3A_39 : vector<2000x128xi1> to vector<2000x128xi32>
    %convert_element_type3A_41 = arith.sitofp %convert_element_type3A_40 : vector<2000x128xi32> to vector<2000x128xf32>
    %get3A_42 = arith.constant 0 : index
    %get3A_43 = arith.constant 0 : index
    %get3A_44 = vector.load %arg7[%get3A_42, %get3A_43] : memref<8x128xf32, #tpu.memory_space<vmem>>, vector<1x128xf32>
    %reduce_sum3A_45 = arith.constant dense<0.000000e+00> : vector<128xf32>
    %reduce_sum3A_46 = vector.multi_reduction <add>, %convert_element_type3A_41, %reduce_sum3A_45 [0] : vector<2000x128xf32> to vector<128xf32>
    %broadcast_in_dim3A_47 = vector.shape_cast %reduce_sum3A_46 : vector<128xf32> to vector<1x128xf32>
    %add3A_48 = arith.addf %get3A_44, %broadcast_in_dim3A_47 : vector<1x128xf32>
    %swap3A = arith.constant 0 : index
    %swap3A_49 = arith.constant 0 : index
    %swap3A_50 = vector.load %arg7[%swap3A, %swap3A_49] : memref<8x128xf32, #tpu.memory_space<vmem>>, vector<1x128xf32>
    tpu.vector_store %arg7[%swap3A, %swap3A_49], %add3A_48 {strides = array<i32>} : memref<8x128xf32, #tpu.memory_space<vmem>>, vector<1x128xf32>,
    %get3A_51 = arith.constant 1 : index
    %get3A_52 = arith.constant 0 : index
    %get3A_53 = vector.load %arg7[%get3A_51, %get3A_52] : memref<8x128xf32, #tpu.memory_space<vmem>>, vector<1x128xf32>
    %mul3A_54 = vector.broadcast %convert_element_type3A_37 : vector<2000x1xf32> to vector<2000x128xf32>
    %mul3A_55 = arith.mulf %convert_element_type3A_41, %mul3A_54 : vector<2000x128xf32>
    %reduce_sum3A_56 = arith.constant dense<0.000000e+00> : vector<128xf32>
    %reduce_sum3A_57 = vector.multi_reduction <add>, %mul3A_55, %reduce_sum3A_56 [0] : vector<2000x128xf32> to vector<128xf32>
    %broadcast_in_dim3A_58 = vector.shape_cast %reduce_sum3A_57 : vector<128xf32> to vector<1x128xf32>
    %add3A_59 = arith.addf %get3A_53, %broadcast_in_dim3A_58 : vector<1x128xf32>
    %swap3A_60 = arith.constant 1 : index
    %swap3A_61 = arith.constant 0 : index
    %swap3A_62 = vector.load %arg7[%swap3A_60, %swap3A_61] : memref<8x128xf32, #tpu.memory_space<vmem>>, vector<1x128xf32>
    tpu.vector_store %arg7[%swap3A_60, %swap3A_61], %add3A_59 {strides = array<i32>} : memref<8x128xf32, #tpu.memory_space<vmem>>, vector<1x128xf32>,
    %get3A_63 = arith.constant 2 : index
    %get3A_64 = arith.constant 0 : index
    %get3A_65 = vector.load %arg7[%get3A_63, %get3A_64] : memref<8x128xf32, #tpu.memory_space<vmem>>, vector<1x128xf32>
    %mul3A_66 = vector.broadcast %div3A_33 : vector<2000x1xf32> to vector<2000x128xf32>
    %mul3A_67 = arith.mulf %convert_element_type3A_41, %mul3A_66 : vector<2000x128xf32>
    %reduce_sum3A_68 = arith.constant dense<0.000000e+00> : vector<128xf32>
    %reduce_sum3A_69 = vector.multi_reduction <add>, %mul3A_67, %reduce_sum3A_68 [0] : vector<2000x128xf32> to vector<128xf32>
    %broadcast_in_dim3A_70 = vector.shape_cast %reduce_sum3A_69 : vector<128xf32> to vector<1x128xf32>
    %add3A_71 = arith.addf %get3A_65, %broadcast_in_dim3A_70 : vector<1x128xf32>
    %swap3A_72 = arith.constant 2 : index
    %swap3A_73 = arith.constant 0 : index
    %swap3A_74 = vector.load %arg7[%swap3A_72, %swap3A_73] : memref<8x128xf32, #tpu.memory_space<vmem>>, vector<1x128xf32>
    tpu.vector_store %arg7[%swap3A_72, %swap3A_73], %add3A_71 {strides = array<i32>} : memref<8x128xf32, #tpu.memory_space<vmem>>, vector<1x128xf32>,
    %get3A_75 = arith.constant 0 : index
    %get3A_76 = arith.constant 0 : index
    %get3A_77 = vector.load %arg2[%get3A_75, %get3A_76] : memref<2000x100xf32, #tpu.memory_space<vmem>>, vector<2000x100xf32>
    %reduce_max3A_78 = arith.constant dense<0xFF800000> : vector<2000xf32>
    %reduce_max3A_79 = vector.multi_reduction <maximumf>, %get3A_77, %reduce_max3A_78 [1] : vector<2000x100xf32> to vector<2000xf32>
    %broadcast_in_dim3A_80 = vector.shape_cast %reduce_max3A_79 : vector<2000xf32> to vector<2000x1xf32>
    %sub3A_81 = vector.broadcast %broadcast_in_dim3A_80 : vector<2000x1xf32> to vector<2000x100xf32>
    %sub3A_82 = arith.subf %get3A_77, %sub3A_81 : vector<2000x100xf32>
    %exp3A_83 = math.exp %sub3A_82 : vector<2000x100xf32>
    %reduce_sum3A_84 = arith.constant dense<0.000000e+00> : vector<2000xf32>
    %reduce_sum3A_85 = vector.multi_reduction <add>, %exp3A_83, %reduce_sum3A_84 [1] : vector<2000x100xf32> to vector<2000xf32>
    %broadcast_in_dim3A_86 = vector.shape_cast %reduce_sum3A_85 : vector<2000xf32> to vector<2000x1xf32>
    %div3A_87 = arith.constant 1.000000e+00 : f32
    %div3A_88 = vector.broadcast %div3A_87 : f32 to vector<2000x1xf32>
    %div3A_89 = arith.divf %div3A_88, %broadcast_in_dim3A_86 : vector<2000x1xf32>
    %argmax3A_90 = tpu.reduce_index %get3A_77 {axis = 1 : i32, kind = #tpu.reduction_kind<arg_max>} : vector<2000x100xf32> -> vector<2000xi32>
    %reshape3A_91 = vector.shape_cast %argmax3A_90 : vector<2000xi32> to vector<2000x1xi32>
    %slice3A_92 = vector.extract_strided_slice %dot_general3A_22 {offsets = [0, 1], sizes = [2000, 1], strides = [1, 1]} : vector<2000x4xf32> to vector<2000x1xf32>
    %convert_element_type3A_93 = arith.sitofp %reshape3A_91 : vector<2000x1xi32> to vector<2000x1xf32>
    %eq3A_94 = arith.cmpf oeq, %convert_element_type3A_93, %slice3A_92 : vector<2000x1xf32>
    %convert_element_type3A_95 = arith.extui %eq3A_94 : vector<2000x1xi1> to vector<2000x1xi32>
    %convert_element_type3A_96 = arith.sitofp %convert_element_type3A_95 : vector<2000x1xi32> to vector<2000x1xf32>
    %lt3A_97 = vector.broadcast %broadcast_in_dim3A_86 : vector<2000x1xf32> to vector<2000x128xf32>
    %lt3A_98 = vector.broadcast %select_n3A_12 : vector<1x128xf32> to vector<2000x128xf32>
    %lt3A_99 = arith.cmpf olt, %lt3A_97, %lt3A_98 : vector<2000x128xf32>
    %convert_element_type3A_100 = arith.extui %lt3A_99 : vector<2000x128xi1> to vector<2000x128xi32>
    %convert_element_type3A_101 = arith.sitofp %convert_element_type3A_100 : vector<2000x128xi32> to vector<2000x128xf32>
    %get3A_102 = arith.constant 0 : index
    %get3A_103 = arith.constant 0 : index
    %get3A_104 = vector.load %arg7[%get3A_102, %get3A_103] : memref<8x128xf32, #tpu.memory_space<vmem>>, vector<1x128xf32>
    %reduce_sum3A_105 = arith.constant dense<0.000000e+00> : vector<128xf32>
    %reduce_sum3A_106 = vector.multi_reduction <add>, %convert_element_type3A_101, %reduce_sum3A_105 [0] : vector<2000x128xf32> to vector<128xf32>
    %broadcast_in_dim3A_107 = vector.shape_cast %reduce_sum3A_106 : vector<128xf32> to vector<1x128xf32>
    %add3A_108 = arith.addf %get3A_104, %broadcast_in_dim3A_107 : vector<1x128xf32>
    %swap3A_109 = arith.constant 0 : index
    %swap3A_110 = arith.constant 0 : index
    %swap3A_111 = vector.load %arg7[%swap3A_109, %swap3A_110] : memref<8x128xf32, #tpu.memory_space<vmem>>, vector<1x128xf32>
    tpu.vector_store %arg7[%swap3A_109, %swap3A_110], %add3A_108 {strides = array<i32>} : memref<8x128xf32, #tpu.memory_space<vmem>>, vector<1x128xf32>,
    %get3A_112 = arith.constant 1 : index
    %get3A_113 = arith.constant 0 : index
    %get3A_114 = vector.load %arg7[%get3A_112, %get3A_113] : memref<8x128xf32, #tpu.memory_space<vmem>>, vector<1x128xf32>
    %mul3A_115 = vector.broadcast %convert_element_type3A_96 : vector<2000x1xf32> to vector<2000x128xf32>
    %mul3A_116 = arith.mulf %convert_element_type3A_101, %mul3A_115 : vector<2000x128xf32>
    %reduce_sum3A_117 = arith.constant dense<0.000000e+00> : vector<128xf32>
    %reduce_sum3A_118 = vector.multi_reduction <add>, %mul3A_116, %reduce_sum3A_117 [0] : vector<2000x128xf32> to vector<128xf32>
    %broadcast_in_dim3A_119 = vector.shape_cast %reduce_sum3A_118 : vector<128xf32> to vector<1x128xf32>
    %add3A_120 = arith.addf %get3A_114, %broadcast_in_dim3A_119 : vector<1x128xf32>
    %swap3A_121 = arith.constant 1 : index
    %swap3A_122 = arith.constant 0 : index
    %swap3A_123 = vector.load %arg7[%swap3A_121, %swap3A_122] : memref<8x128xf32, #tpu.memory_space<vmem>>, vector<1x128xf32>
    tpu.vector_store %arg7[%swap3A_121, %swap3A_122], %add3A_120 {strides = array<i32>} : memref<8x128xf32, #tpu.memory_space<vmem>>, vector<1x128xf32>,
    %get3A_124 = arith.constant 2 : index
    %get3A_125 = arith.constant 0 : index
    %get3A_126 = vector.load %arg7[%get3A_124, %get3A_125] : memref<8x128xf32, #tpu.memory_space<vmem>>, vector<1x128xf32>
    %mul3A_127 = vector.broadcast %div3A_89 : vector<2000x1xf32> to vector<2000x128xf32>
    %mul3A_128 = arith.mulf %convert_element_type3A_101, %mul3A_127 : vector<2000x128xf32>
    %reduce_sum3A_129 = arith.constant dense<0.000000e+00> : vector<128xf32>
    %reduce_sum3A_130 = vector.multi_reduction <add>, %mul3A_128, %reduce_sum3A_129 [0] : vector<2000x128xf32> to vector<128xf32>
    %broadcast_in_dim3A_131 = vector.shape_cast %reduce_sum3A_130 : vector<128xf32> to vector<1x128xf32>
    %add3A_132 = arith.addf %get3A_126, %broadcast_in_dim3A_131 : vector<1x128xf32>
    %swap3A_133 = arith.constant 2 : index
    %swap3A_134 = arith.constant 0 : index
    %swap3A_135 = vector.load %arg7[%swap3A_133, %swap3A_134] : memref<8x128xf32, #tpu.memory_space<vmem>>, vector<1x128xf32>
    tpu.vector_store %arg7[%swap3A_133, %swap3A_134], %add3A_132 {strides = array<i32>} : memref<8x128xf32, #tpu.memory_space<vmem>>, vector<1x128xf32>,
    %get3A_136 = arith.constant 0 : index
    %get3A_137 = arith.constant 0 : index
    %get3A_138 = vector.load %arg3[%get3A_136, %get3A_137] : memref<2000x100xf32, #tpu.memory_space<vmem>>, vector<2000x100xf32>
    %reduce_max3A_139 = arith.constant dense<0xFF800000> : vector<2000xf32>
    %reduce_max3A_140 = vector.multi_reduction <maximumf>, %get3A_138, %reduce_max3A_139 [1] : vector<2000x100xf32> to vector<2000xf32>
    %broadcast_in_dim3A_141 = vector.shape_cast %reduce_max3A_140 : vector<2000xf32> to vector<2000x1xf32>
    %sub3A_142 = vector.broadcast %broadcast_in_dim3A_141 : vector<2000x1xf32> to vector<2000x100xf32>
    %sub3A_143 = arith.subf %get3A_138, %sub3A_142 : vector<2000x100xf32>
    %exp3A_144 = math.exp %sub3A_143 : vector<2000x100xf32>
    %reduce_sum3A_145 = arith.constant dense<0.000000e+00> : vector<2000xf32>
    %reduce_sum3A_146 = vector.multi_reduction <add>, %exp3A_144, %reduce_sum3A_145 [1] : vector<2000x100xf32> to vector<2000xf32>
    %broadcast_in_dim3A_147 = vector.shape_cast %reduce_sum3A_146 : vector<2000xf32> to vector<2000x1xf32>
    %div3A_148 = arith.constant 1.000000e+00 : f32
    %div3A_149 = vector.broadcast %div3A_148 : f32 to vector<2000x1xf32>
    %div3A_150 = arith.divf %div3A_149, %broadcast_in_dim3A_147 : vector<2000x1xf32>
    %argmax3A_151 = tpu.reduce_index %get3A_138 {axis = 1 : i32, kind = #tpu.reduction_kind<arg_max>} : vector<2000x100xf32> -> vector<2000xi32>
    %reshape3A_152 = vector.shape_cast %argmax3A_151 : vector<2000xi32> to vector<2000x1xi32>
    %slice3A_153 = vector.extract_strided_slice %dot_general3A_22 {offsets = [0, 2], sizes = [2000, 1], strides = [1, 1]} : vector<2000x4xf32> to vector<2000x1xf32>
    %convert_element_type3A_154 = arith.sitofp %reshape3A_152 : vector<2000x1xi32> to vector<2000x1xf32>
    %eq3A_155 = arith.cmpf oeq, %convert_element_type3A_154, %slice3A_153 : vector<2000x1xf32>
    %convert_element_type3A_156 = arith.extui %eq3A_155 : vector<2000x1xi1> to vector<2000x1xi32>
    %convert_element_type3A_157 = arith.sitofp %convert_element_type3A_156 : vector<2000x1xi32> to vector<2000x1xf32>
    %lt3A_158 = vector.broadcast %broadcast_in_dim3A_147 : vector<2000x1xf32> to vector<2000x128xf32>
    %lt3A_159 = vector.broadcast %select_n3A_12 : vector<1x128xf32> to vector<2000x128xf32>
    %lt3A_160 = arith.cmpf olt, %lt3A_158, %lt3A_159 : vector<2000x128xf32>
    %convert_element_type3A_161 = arith.extui %lt3A_160 : vector<2000x128xi1> to vector<2000x128xi32>
    %convert_element_type3A_162 = arith.sitofp %convert_element_type3A_161 : vector<2000x128xi32> to vector<2000x128xf32>
    %get3A_163 = arith.constant 0 : index
    %get3A_164 = arith.constant 0 : index
    %get3A_165 = vector.load %arg7[%get3A_163, %get3A_164] : memref<8x128xf32, #tpu.memory_space<vmem>>, vector<1x128xf32>
    %reduce_sum3A_166 = arith.constant dense<0.000000e+00> : vector<128xf32>
    %reduce_sum3A_167 = vector.multi_reduction <add>, %convert_element_type3A_162, %reduce_sum3A_166 [0] : vector<2000x128xf32> to vector<128xf32>
    %broadcast_in_dim3A_168 = vector.shape_cast %reduce_sum3A_167 : vector<128xf32> to vector<1x128xf32>
    %add3A_169 = arith.addf %get3A_165, %broadcast_in_dim3A_168 : vector<1x128xf32>
    %swap3A_170 = arith.constant 0 : index
    %swap3A_171 = arith.constant 0 : index
    %swap3A_172 = vector.load %arg7[%swap3A_170, %swap3A_171] : memref<8x128xf32, #tpu.memory_space<vmem>>, vector<1x128xf32>
    tpu.vector_store %arg7[%swap3A_170, %swap3A_171], %add3A_169 {strides = array<i32>} : memref<8x128xf32, #tpu.memory_space<vmem>>, vector<1x128xf32>,
    %get3A_173 = arith.constant 1 : index
    %get3A_174 = arith.constant 0 : index
    %get3A_175 = vector.load %arg7[%get3A_173, %get3A_174] : memref<8x128xf32, #tpu.memory_space<vmem>>, vector<1x128xf32>
    %mul3A_176 = vector.broadcast %convert_element_type3A_157 : vector<2000x1xf32> to vector<2000x128xf32>
    %mul3A_177 = arith.mulf %convert_element_type3A_162, %mul3A_176 : vector<2000x128xf32>
    %reduce_sum3A_178 = arith.constant dense<0.000000e+00> : vector<128xf32>
    %reduce_sum3A_179 = vector.multi_reduction <add>, %mul3A_177, %reduce_sum3A_178 [0] : vector<2000x128xf32> to vector<128xf32>
    %broadcast_in_dim3A_180 = vector.shape_cast %reduce_sum3A_179 : vector<128xf32> to vector<1x128xf32>
    %add3A_181 = arith.addf %get3A_175, %broadcast_in_dim3A_180 : vector<1x128xf32>
    %swap3A_182 = arith.constant 1 : index
    %swap3A_183 = arith.constant 0 : index
    %swap3A_184 = vector.load %arg7[%swap3A_182, %swap3A_183] : memref<8x128xf32, #tpu.memory_space<vmem>>, vector<1x128xf32>
    tpu.vector_store %arg7[%swap3A_182, %swap3A_183], %add3A_181 {strides = array<i32>} : memref<8x128xf32, #tpu.memory_space<vmem>>, vector<1x128xf32>,
    %get3A_185 = arith.constant 2 : index
    %get3A_186 = arith.constant 0 : index
    %get3A_187 = vector.load %arg7[%get3A_185, %get3A_186] : memref<8x128xf32, #tpu.memory_space<vmem>>, vector<1x128xf32>
    %mul3A_188 = vector.broadcast %div3A_150 : vector<2000x1xf32> to vector<2000x128xf32>
    %mul3A_189 = arith.mulf %convert_element_type3A_162, %mul3A_188 : vector<2000x128xf32>
    %reduce_sum3A_190 = arith.constant dense<0.000000e+00> : vector<128xf32>
    %reduce_sum3A_191 = vector.multi_reduction <add>, %mul3A_189, %reduce_sum3A_190 [0] : vector<2000x128xf32> to vector<128xf32>
    %broadcast_in_dim3A_192 = vector.shape_cast %reduce_sum3A_191 : vector<128xf32> to vector<1x128xf32>
    %add3A_193 = arith.addf %get3A_187, %broadcast_in_dim3A_192 : vector<1x128xf32>
    %swap3A_194 = arith.constant 2 : index
    %swap3A_195 = arith.constant 0 : index
    %swap3A_196 = vector.load %arg7[%swap3A_194, %swap3A_195] : memref<8x128xf32, #tpu.memory_space<vmem>>, vector<1x128xf32>
    tpu.vector_store %arg7[%swap3A_194, %swap3A_195], %add3A_193 {strides = array<i32>} : memref<8x128xf32, #tpu.memory_space<vmem>>, vector<1x128xf32>,
    %get3A_197 = arith.constant 0 : index
    %get3A_198 = arith.constant 0 : index
    %get3A_199 = vector.load %arg4[%get3A_197, %get3A_198] : memref<2000x100xf32, #tpu.memory_space<vmem>>, vector<2000x100xf32>
    %reduce_max3A_200 = arith.constant dense<0xFF800000> : vector<2000xf32>
    %reduce_max3A_201 = vector.multi_reduction <maximumf>, %get3A_199, %reduce_max3A_200 [1] : vector<2000x100xf32> to vector<2000xf32>
    %broadcast_in_dim3A_202 = vector.shape_cast %reduce_max3A_201 : vector<2000xf32> to vector<2000x1xf32>
    %sub3A_203 = vector.broadcast %broadcast_in_dim3A_202 : vector<2000x1xf32> to vector<2000x100xf32>
    %sub3A_204 = arith.subf %get3A_199, %sub3A_203 : vector<2000x100xf32>
    %exp3A_205 = math.exp %sub3A_204 : vector<2000x100xf32>
    %reduce_sum3A_206 = arith.constant dense<0.000000e+00> : vector<2000xf32>
    %reduce_sum3A_207 = vector.multi_reduction <add>, %exp3A_205, %reduce_sum3A_206 [1] : vector<2000x100xf32> to vector<2000xf32>
    %broadcast_in_dim3A_208 = vector.shape_cast %reduce_sum3A_207 : vector<2000xf32> to vector<2000x1xf32>
    %div3A_209 = arith.constant 1.000000e+00 : f32
    %div3A_210 = vector.broadcast %div3A_209 : f32 to vector<2000x1xf32>
    %div3A_211 = arith.divf %div3A_210, %broadcast_in_dim3A_208 : vector<2000x1xf32>
    %argmax3A_212 = tpu.reduce_index %get3A_199 {axis = 1 : i32, kind = #tpu.reduction_kind<arg_max>} : vector<2000x100xf32> -> vector<2000xi32>
    %reshape3A_213 = vector.shape_cast %argmax3A_212 : vector<2000xi32> to vector<2000x1xi32>
    %slice3A_214 = vector.extract_strided_slice %dot_general3A_22 {offsets = [0, 3], sizes = [2000, 1], strides = [1, 1]} : vector<2000x4xf32> to vector<2000x1xf32>
    %convert_element_type3A_215 = arith.sitofp %reshape3A_213 : vector<2000x1xi32> to vector<2000x1xf32>
    %eq3A_216 = arith.cmpf oeq, %convert_element_type3A_215, %slice3A_214 : vector<2000x1xf32>
    %convert_element_type3A_217 = arith.extui %eq3A_216 : vector<2000x1xi1> to vector<2000x1xi32>
    %convert_element_type3A_218 = arith.sitofp %convert_element_type3A_217 : vector<2000x1xi32> to vector<2000x1xf32>
    %lt3A_219 = vector.broadcast %broadcast_in_dim3A_208 : vector<2000x1xf32> to vector<2000x128xf32>
    %lt3A_220 = vector.broadcast %select_n3A_12 : vector<1x128xf32> to vector<2000x128xf32>
    %lt3A_221 = arith.cmpf olt, %lt3A_219, %lt3A_220 : vector<2000x128xf32>
    %convert_element_type3A_222 = arith.extui %lt3A_221 : vector<2000x128xi1> to vector<2000x128xi32>
    %convert_element_type3A_223 = arith.sitofp %convert_element_type3A_222 : vector<2000x128xi32> to vector<2000x128xf32>
    %get3A_224 = arith.constant 0 : index
    %get3A_225 = arith.constant 0 : index
    %get3A_226 = vector.load %arg7[%get3A_224, %get3A_225] : memref<8x128xf32, #tpu.memory_space<vmem>>, vector<1x128xf32>
    %reduce_sum3A_227 = arith.constant dense<0.000000e+00> : vector<128xf32>
    %reduce_sum3A_228 = vector.multi_reduction <add>, %convert_element_type3A_223, %reduce_sum3A_227 [0] : vector<2000x128xf32> to vector<128xf32>
    %broadcast_in_dim3A_229 = vector.shape_cast %reduce_sum3A_228 : vector<128xf32> to vector<1x128xf32>
    %add3A_230 = arith.addf %get3A_226, %broadcast_in_dim3A_229 : vector<1x128xf32>
    %swap3A_231 = arith.constant 0 : index
    %swap3A_232 = arith.constant 0 : index
    %swap3A_233 = vector.load %arg7[%swap3A_231, %swap3A_232] : memref<8x128xf32, #tpu.memory_space<vmem>>, vector<1x128xf32>
    tpu.vector_store %arg7[%swap3A_231, %swap3A_232], %add3A_230 {strides = array<i32>} : memref<8x128xf32, #tpu.memory_space<vmem>>, vector<1x128xf32>,
    %get3A_234 = arith.constant 1 : index
    %get3A_235 = arith.constant 0 : index
    %get3A_236 = vector.load %arg7[%get3A_234, %get3A_235] : memref<8x128xf32, #tpu.memory_space<vmem>>, vector<1x128xf32>
    %mul3A_237 = vector.broadcast %convert_element_type3A_218 : vector<2000x1xf32> to vector<2000x128xf32>
    %mul3A_238 = arith.mulf %convert_element_type3A_223, %mul3A_237 : vector<2000x128xf32>
    %reduce_sum3A_239 = arith.constant dense<0.000000e+00> : vector<128xf32>
    %reduce_sum3A_240 = vector.multi_reduction <add>, %mul3A_238, %reduce_sum3A_239 [0] : vector<2000x128xf32> to vector<128xf32>
    %broadcast_in_dim3A_241 = vector.shape_cast %reduce_sum3A_240 : vector<128xf32> to vector<1x128xf32>
    %add3A_242 = arith.addf %get3A_236, %broadcast_in_dim3A_241 : vector<1x128xf32>
    %swap3A_243 = arith.constant 1 : index
    %swap3A_244 = arith.constant 0 : index
    %swap3A_245 = vector.load %arg7[%swap3A_243, %swap3A_244] : memref<8x128xf32, #tpu.memory_space<vmem>>, vector<1x128xf32>
    tpu.vector_store %arg7[%swap3A_243, %swap3A_244], %add3A_242 {strides = array<i32>} : memref<8x128xf32, #tpu.memory_space<vmem>>, vector<1x128xf32>,
    %get3A_246 = arith.constant 2 : index
    %get3A_247 = arith.constant 0 : index
    %get3A_248 = vector.load %arg7[%get3A_246, %get3A_247] : memref<8x128xf32, #tpu.memory_space<vmem>>, vector<1x128xf32>
    %mul3A_249 = vector.broadcast %div3A_211 : vector<2000x1xf32> to vector<2000x128xf32>
    %mul3A_250 = arith.mulf %convert_element_type3A_223, %mul3A_249 : vector<2000x128xf32>
    %reduce_sum3A_251 = arith.constant dense<0.000000e+00> : vector<128xf32>
    %reduce_sum3A_252 = vector.multi_reduction <add>, %mul3A_250, %reduce_sum3A_251 [0] : vector<2000x128xf32> to vector<128xf32>
    %broadcast_in_dim3A_253 = vector.shape_cast %reduce_sum3A_252 : vector<128xf32> to vector<1x128xf32>
    %add3A_254 = arith.addf %get3A_248, %broadcast_in_dim3A_253 : vector<1x128xf32>
    %swap3A_255 = arith.constant 2 : index
    %swap3A_256 = arith.constant 0 : index
    %swap3A_257 = vector.load %arg7[%swap3A_255, %swap3A_256] : memref<8x128xf32, #tpu.memory_space<vmem>>, vector<1x128xf32>
    tpu.vector_store %arg7[%swap3A_255, %swap3A_256], %add3A_254 {strides = array<i32>} : memref<8x128xf32, #tpu.memory_space<vmem>>, vector<1x128xf32>,
    %eq3A_258 = arith.constant 108 : i32
    %eq3A_259 = arith.cmpi eq, %arg0, %eq3A_258 : i32
    %convert_element_type3A_260 = arith.extui %eq3A_259 : i1 to i32
    %cond3A_261 = arith.constant 0 : i32
    %cond3A_262 = arith.cmpi ne, %convert_element_type3A_260, %cond3A_261 : i32
    scf.if %cond3A_262 {
      %get3A_263 = arith.constant 0 : index
      %get3A_264 = arith.constant 0 : index
      %get3A_265 = vector.load %arg7[%get3A_263, %get3A_264] : memref<8x128xf32, #tpu.memory_space<vmem>>, vector<8x128xf32>
      %swap3A_266 = arith.constant 0 : index
      %swap3A_267 = arith.constant 0 : index
      %swap3A_268 = vector.load %arg6[%swap3A_266, %swap3A_267] : memref<8x128xf32, #tpu.memory_space<vmem>>, vector<8x128xf32>
      tpu.vector_store %arg6[%swap3A_266, %swap3A_267], %get3A_265 {strides = array<i32>} : memref<8x128xf32, #tpu.memory_space<vmem>>, vector<8x128xf32>,
    } else {
    }
    return
  }
  func.func @transform_0(%arg0: i32) -> (i32, i32) {
    %mul3A = arith.constant 4 : i32
    %mul3A_0 = arith.muli %mul3A, %arg0 : i32
    %c0_i32 = arith.constant 0 : i32
    %c0_i32_1 = arith.constant 0 : i32
    return %mul3A_0, %c0_i32 : i32, i32
  }
  func.func @transform_1(%arg0: i32) -> (i32, i32) {
    %mul3A = arith.constant 4 : i32
    %mul3A_0 = arith.muli %mul3A, %arg0 : i32
    %add3A = arith.constant 1 : i32
    %add3A_1 = arith.addi %mul3A_0, %add3A : i32
    %c0_i32 = arith.constant 0 : i32
    %c0_i32_2 = arith.constant 0 : i32
    return %add3A_1, %c0_i32 : i32, i32
  }
  func.func @transform_2(%arg0: i32) -> (i32, i32) {
    %mul3A = arith.constant 4 : i32
    %mul3A_0 = arith.muli %mul3A, %arg0 : i32
    %add3A = arith.constant 2 : i32
    %add3A_1 = arith.addi %mul3A_0, %add3A : i32
    %c0_i32 = arith.constant 0 : i32
    %c0_i32_2 = arith.constant 0 : i32
    return %add3A_1, %c0_i32 : i32, i32
  }
  func.func @transform_3(%arg0: i32) -> (i32, i32) {
    %mul3A = arith.constant 4 : i32
    %mul3A_0 = arith.muli %mul3A, %arg0 : i32
    %add3A = arith.constant 3 : i32
    %add3A_1 = arith.addi %mul3A_0, %add3A : i32
    %c0_i32 = arith.constant 0 : i32
    %c0_i32_2 = arith.constant 0 : i32
    return %add3A_1, %c0_i32 : i32, i32
  }
  func.func @transform_4(%arg0: i32) -> (i32, i32) {
    %c0_i32 = arith.constant 0 : i32
    %c0_i32_0 = arith.constant 0 : i32
    %c0_i32_1 = arith.constant 0 : i32
    return %c0_i32, %c0_i32_0 : i32, i32
  }
  func.func @transform_5(%arg0: i32) -> (i32, i32) {
    %c0_i32 = arith.constant 0 : i32
    %c0_i32_0 = arith.constant 0 : i32
    %c0_i32_1 = arith.constant 0 : i32
    return %c0_i32, %c0_i32_0 : i32, i32
  }
}

module attributes {stable_mosaic.version = 14 : i64} {
  func.func @_combine_kernel(%arg0: memref<8x128xf32, #tpu.memory_space<vmem>>, %arg1: memref<32x48xf32, #tpu.memory_space<vmem>>, %arg2: memref<1x1xf32, #tpu.memory_space<vmem>>) attributes {dimension_semantics = [], scalar_prefetch = 0 : i64, scratch_operands = 0 : i64, tpu.core_type = #tpu.core_type<tc>} {
    %get3A = arith.constant 0 : index
    %get3A_0 = arith.constant 0 : index
    %get3A_1 = vector.load %arg0[%get3A, %get3A_0] : memref<8x128xf32, #tpu.memory_space<vmem>>, vector<8x128xf32>
    %slice3A = vector.extract_strided_slice %get3A_1 {offsets = [0, 0], sizes = [1, 15], strides = [1, 1]} : vector<8x128xf32> to vector<1x15xf32>
    %slice3A_2 = vector.extract_strided_slice %get3A_1 {offsets = [0, 1], sizes = [1, 15], strides = [1, 1]} : vector<8x128xf32> to vector<1x15xf32>
    %sub3A = arith.subf %slice3A, %slice3A_2 : vector<1x15xf32>
    %slice3A_3 = vector.extract_strided_slice %get3A_1 {offsets = [1, 0], sizes = [1, 15], strides = [1, 1]} : vector<8x128xf32> to vector<1x15xf32>
    %slice3A_4 = vector.extract_strided_slice %get3A_1 {offsets = [1, 1], sizes = [1, 15], strides = [1, 1]} : vector<8x128xf32> to vector<1x15xf32>
    %sub3A_5 = arith.subf %slice3A_3, %slice3A_4 : vector<1x15xf32>
    %slice3A_6 = vector.extract_strided_slice %get3A_1 {offsets = [2, 0], sizes = [1, 15], strides = [1, 1]} : vector<8x128xf32> to vector<1x15xf32>
    %slice3A_7 = vector.extract_strided_slice %get3A_1 {offsets = [2, 1], sizes = [1, 15], strides = [1, 1]} : vector<8x128xf32> to vector<1x15xf32>
    %sub3A_8 = arith.subf %slice3A_6, %slice3A_7 : vector<1x15xf32>
    %get3A_9 = arith.constant 0 : index
    %get3A_10 = arith.constant 0 : index
    %get3A_11 = vector.load %arg1[%get3A_9, %get3A_10] : memref<32x48xf32, #tpu.memory_space<vmem>>, vector<32x48xf32>
    %reduce_sum3A = arith.constant dense<0.000000e+00> : vector<48xf32>
    %reduce_sum3A_12 = vector.multi_reduction <add>, %get3A_11, %reduce_sum3A [0] : vector<32x48xf32> to vector<48xf32>
    %broadcast_in_dim3A = vector.shape_cast %reduce_sum3A_12 : vector<48xf32> to vector<1x48xf32>
    %slice3A_13 = vector.extract_strided_slice %broadcast_in_dim3A {offsets = [0, 0], sizes = [1, 15], strides = [1, 1]} : vector<1x48xf32> to vector<1x15xf32>
    %add3A = arith.addf %sub3A, %slice3A_13 : vector<1x15xf32>
    %slice3A_14 = vector.extract_strided_slice %broadcast_in_dim3A {offsets = [0, 16], sizes = [1, 15], strides = [1, 1]} : vector<1x48xf32> to vector<1x15xf32>
    %add3A_15 = arith.addf %sub3A_5, %slice3A_14 : vector<1x15xf32>
    %slice3A_16 = vector.extract_strided_slice %broadcast_in_dim3A {offsets = [0, 32], sizes = [1, 15], strides = [1, 1]} : vector<1x48xf32> to vector<1x15xf32>
    %add3A_17 = arith.addf %sub3A_8, %slice3A_16 : vector<1x15xf32>
    %div3A = arith.constant 1.000000e+06 : f32
    %div3A_18 = vector.broadcast %div3A : f32 to vector<1x15xf32>
    %div3A_19 = arith.divf %add3A, %div3A_18 : vector<1x15xf32>
    %max3A = arith.constant 1.000000e+00 : f32
    %max3A_20 = vector.broadcast %max3A : f32 to vector<1x15xf32>
    %max3A_21 = arith.maximumf %add3A, %max3A_20 : vector<1x15xf32>
    %gt3A = arith.constant 0.000000e+00 : f32
    %gt3A_22 = vector.broadcast %gt3A : f32 to vector<1x15xf32>
    %gt3A_23 = arith.cmpf ogt, %add3A, %gt3A_22 : vector<1x15xf32>
    %div3A_24 = arith.divf %add3A_17, %max3A_21 : vector<1x15xf32>
    %div3A_25 = arith.divf %add3A_15, %max3A_21 : vector<1x15xf32>
    %sub3A_26 = arith.subf %div3A_24, %div3A_25 : vector<1x15xf32>
    %abs3A = math.absf %sub3A_26 : vector<1x15xf32>
    %mul3A = arith.mulf %abs3A, %div3A_19 : vector<1x15xf32>
    %jit3A = arith.constant 0.000000e+00 : f32
    %broadcast_in_dim3A_27 = vector.broadcast %jit3A : f32 to vector<1x15xf32>
    %select_n3A = arith.select %gt3A_23, %mul3A, %broadcast_in_dim3A_27 : vector<1x15xi1>, vector<1x15xf32>
    %reduce_sum3A_28 = vector.shape_cast %select_n3A : vector<1x15xf32> to vector<1x1x15xf32>
    %reduce_sum3A_29 = arith.constant dense<0.000000e+00> : vector<1xf32>
    %reduce_sum3A_30 = vector.multi_reduction <add>, %reduce_sum3A_28, %reduce_sum3A_29 [1, 2] : vector<1x1x15xf32> to vector<1xf32>
    %reduce_sum3A_31 = vector.shape_cast %reduce_sum3A_30 : vector<1xf32> to vector<1x1x1xf32>
    %reduce_sum3A_32 = vector.extract %reduce_sum3A_31[0, 0, 0] : f32 from vector<1x1x1xf32>
    %reshape3A = vector.broadcast %reduce_sum3A_32 : f32 to vector<1x1xf32>
    %swap3A = arith.constant 0 : index
    %swap3A_33 = arith.constant 0 : index
    %swap3A_34 = vector.load %arg2[%swap3A, %swap3A_33] : memref<1x1xf32, #tpu.memory_space<vmem>>, vector<1x1xf32>
    tpu.vector_store %arg2[%swap3A, %swap3A_33], %reshape3A {strides = array<i32>} : memref<1x1xf32, #tpu.memory_space<vmem>>, vector<1x1xf32>,
    return
  }
}

</mosaic_0001>

<sc_bundles>
// kernel: kernel.5.cloned.1.call-start
scs
__scs_entry_jumppad:
0x0: {  	(pc) =	sbr.rel $0x88, $3  }
0x1: {  	(tag) =	ssettag $0x0;
	lr =	simm.s32 $0x1  }
0x2: {  	[smem:$0x3F9F] =	sst lr;
	_ =	strace $0xD0000000  }
0x3: {  	_ = 	snop  }
0x4: {  	_ = 	snop  }
0x5: {  	_ = 	snop  }
0x6: {  	_ = 	snop  }
0x7: {  	_ = 	snop  }
__scs_overlays_trampoline_lowered:
0x8: {  	[smem:$0x3FAE] =	sst s0  }
0x9: {  	[smem:$0x3FAF] =	sst s1  }
0xa: {  	[smem:$0x3FB0] =	sst s2  }
0xb: {  	[smem:$0x3FB1] =	sst s3  }
0xc: {  	[smem:$0x3FB2] =	sst s4  }
0xd: {  	[smem:$0x3FB3] =	sst s5  }
0xe: {  	[smem:$0x3FB4] =	sst s6  }
0xf: {  	[smem:$0x3FB5] =	sst s7  }
0x10: {  	[smem:$0x3FB6] =	sst s8  }
0x11: {  	[smem:$0x3FB7] =	sst s9;
	s0 =	simm.s32 @!p0 $0x0  }
0x12: {  	s1 =	sld [smem:$0x3F9D];
	s0 =	simm.s32 @p0 $0x1  }
0x13: {  	[smem:$0x3FB8] =	sst s0;
	s0 =	simm.s32 @!p1 $0x0  }
0x14: {  	s2 =	sld [smem:$0x3F9C];
	s0 =	simm.s32 @p1 $0x1  }
0x15: {  	[smem:$0x3FB9] =	sst s0;
	s0 =	simm.s32 @!p2 $0x0  }
0x16: {  	s3 =	sld [smem:$0x3FDB];
	s0 =	simm.s32 @p2 $0x1  }
0x17: {  	s4 =	simm.s32 $0x1BF5;
	[smem:$0x3FBB] =	sst s0  }
0x18: {  	s0 =	sld [smem:$0x3F9E];
	_ =	swait.ge [sflag:s4], $0x0  }
0x19: {  	s7 =	sld [smem:$0x3F9F]  }
0x1a: {  	s8 =	sadd.s32 $0xFFFFE003, lr  }
0x1b: {  	s9 =	sadd.s32 $0xFFFFFEF7, lr;
	s5 =	simm.s32 $0xFFFFFFFF;
	p2 =	slt.u32 s8, $0xFFFFF086  }
0x1c: {  	p1 =	slt.u32 s9, $0xF7A;
	s5 =	simm.s32 @!p2 $0x0  }
0x1d: {  	s5 =	simm.s32 @p1 $0x1;
	p0 =	seq.s32 s7, s2  }
0x1e: {  	s7 =	smul.u32 @!p0 $0xF7A, s2;
	p2 =	seq.s32 @!p0 s5, $0x0  }
0x1f: {  	s9 =	smul.u32 $0xF7A, s1;
	s8 =	simm.s32 @!p0 $0x1BF5;
	p2 =	por !p2, p0  }
0x20: {  	[sflag:s8] =	ssyncset.s32 @!p0 $0xFFFFF086;
	s6 =	sadd.s32 @!p0 s3, s7;
	s7 =	simm.s32 @!p0 $0x108  }
0x21: {  	s3 =	sadd.s32 s3, s9;
	s6 =	sadd.s32 @!p0 $0x88, s6;
	s7 =	simm.s32 @p2 $0x1082  }
0x22: {  	[simem:s7], [sflag:s8] =	dma.local @!p0 [hbm:s6], $0xF7A  }
0x23: {  	s9 =	sor.u32 $0xD0000000, s2;
	s6 =	simm.s32 $0x108;
	_ =	swait.ge @!p0 [sflag:s8], $0x0  }
0x24: {  	s3 =	sadd.s32 $0x88, s3;
	s6 =	simm.s32 @!p1 $0x1082;
	[sflag:s4] =	ssyncset.s32 $0xFFFFF086  }
0x25: {  	[simem:s6], [sflag:s4] =	dma.local [hbm:s3], $0xF7A  }
0x26: {  	[smem:$0x3F9F] =	sst s1;
	(tag) =	ssettag s2;
	_ =	strace s9  }
0x27: {  	s1 =	sld [smem:$0x3FAF]  }
0x28: {  	s2 =	sld [smem:$0x3FB0]  }
0x29: {  	s4 =	sld [smem:$0x3FB2]  }
0x2a: {  	p0 =	seq.s32 s5, $0x0;
	s5 =	sld [smem:$0x3FB3]  }
0x2b: {  	s6 =	sld [smem:$0x3FB4]  }
0x2c: {  	s7 =	sld [smem:$0x3FB5]  }
0x2d: {  	s3 =	simm.s32 $0x108;
	s8 =	sld [smem:$0x3FB6]  }
0x2e: {  	s3 =	simm.s32 @!p0 $0x1082;
	s9 =	sld [smem:$0x3FB7]  }
0x2f: {  	lr =	sadd.s32 s0, s3;
	s0 =	sld [smem:$0x3FAE]  }
0x30: {  	s3 =	sld [smem:$0x3FB1]  }
0x31: {  	[smem:$0x3FBA] =	sst s10  }
0x32: {  	s10 =	sld [smem:$0x3FB8];
	_ =	sdelay $0x3  }
0x33: {  	p0 =	seq.s32 s10, $0x1;
	s10 =	sld [smem:$0x3FBA];
	_ =	sdelay $0x3  }
0x34: {  	[smem:$0x3FBA] =	sst s10  }
0x35: {  	s10 =	sld [smem:$0x3FB9];
	_ =	sdelay $0x3  }
0x36: {  	p1 =	seq.s32 s10, $0x1;
	s10 =	sld [smem:$0x3FBA];
	_ =	sdelay $0x3  }
0x37: {  	[smem:$0x3FBA] =	sst s10  }
0x38: {  	s10 =	sld [smem:$0x3FBB]  }
0x39: {  	_ = 	snop;
	(pc) =	sbr.ind lr, $3  }
0x3a: {  	_ = 	snop  }
0x3b: {  	_ = 	snop  }
0x3c: {  	p2 =	seq.s32 s10, $0x1;
	s10 =	sld [smem:$0x3FBA]  }
0x3d: {  	_ =	shalt  }
0x3e: {  	_ =	shalt  }
0x3f: {  	_ =	shalt  }
0x40: {  	_ =	shalt  }
0x41: {  	_ =	shalt  }
0x42: {  	_ =	shalt  }
0x43: {  	_ =	shalt  }
0x44: {  	_ =	shalt  }
0x45: {  	_ =	shalt  }
0x46: {  	_ =	shalt  }
0x47: {  	_ =	shalt  }
0x48: {  	_ =	shalt  }
0x49: {  	_ =	shalt  }
0x4a: {  	_ =	shalt  }
0x4b: {  	_ =	shalt  }
0x4c: {  	_ =	shalt  }
0x4d: {  	_ =	shalt  }
0x4e: {  	_ =	shalt  }
0x4f: {  	_ =	shalt  }
0x50: {  	_ =	shalt  }
0x51: {  	_ =	shalt  }
0x52: {  	_ =	shalt  }
0x53: {  	_ =	shalt  }
0x54: {  	_ =	shalt  }
0x55: {  	_ =	shalt  }
0x56: {  	_ =	shalt  }
0x57: {  	_ =	shalt  }
0x58: {  	_ =	shalt  }
0x59: {  	_ =	shalt  }
0x5a: {  	_ =	shalt  }
0x5b: {  	_ =	shalt  }
0x5c: {  	_ =	shalt  }
0x5d: {  	_ =	shalt  }
0x5e: {  	_ =	shalt  }
0x5f: {  	_ =	shalt  }
0x60: {  	_ =	shalt  }
0x61: {  	_ =	shalt  }
0x62: {  	_ =	shalt  }
0x63: {  	_ =	shalt  }
0x64: {  	_ =	shalt  }
0x65: {  	_ =	shalt  }
0x66: {  	_ =	shalt  }
0x67: {  	_ =	shalt  }
0x68: {  	_ =	shalt  }
0x69: {  	_ =	shalt  }
0x6a: {  	_ =	shalt  }
0x6b: {  	_ =	shalt  }
0x6c: {  	_ =	shalt  }
0x6d: {  	_ =	shalt  }
0x6e: {  	_ =	shalt  }
0x6f: {  	_ =	shalt  }
0x70: {  	_ =	shalt  }
0x71: {  	_ =	shalt  }
0x72: {  	_ =	shalt  }
0x73: {  	_ =	shalt  }
0x74: {  	_ =	shalt  }
0x75: {  	_ =	shalt  }
0x76: {  	_ =	shalt  }
0x77: {  	_ =	shalt  }
0x78: {  	_ =	shalt  }
0x79: {  	_ =	shalt  }
0x7a: {  	_ =	shalt  }
0x7b: {  	_ =	shalt  }
0x7c: {  	_ =	shalt  }
0x7d: {  	_ =	shalt  }
0x7e: {  	_ =	shalt  }
0x7f: {  	_ =	shalt  }
0x80: {  	_ =	shalt  }
0x81: {  	_ =	shalt  }
0x82: {  	_ =	shalt  }
0x83: {  	_ =	shalt  }
0x84: {  	_ =	shalt  }
0x85: {  	_ =	shalt  }
0x86: {  	_ =	shalt  }
0x87: {  	_ =	shalt  }
.Lfunc_end0:
.L_simem_size_0:
called_computation_lowered:
.L_overlay_start_0:
0x88: {  	s2 =	sld [smem:$0x3FD9]  }
0x89: {  	s3 =	sld [smem:$0x3FFE];
	_ =	sdelay $0x1  }
0x8a: {  	s1 =	srdreg.scid  }
0x8b: {  	s0 =	sand.u32 $0x1, s1  }
0x8c: {  	s17 =	sshll.u32 s0, $0xA;
	s2 =	sadd.s32 s3, s2  }
0x8d: {  	s2 =	sadd.s32 s2, s17  }
0x8e: {  	[smem:$0x3FC6] =	sst s2  }
0x8f: {  	_ = 	snop  }
0x90: {  	s2 =	sld [smem:$0x3FC8];
	(tm) =	ssettm $0x1  }
0x91: {  	s18 =	sld [smem:$0x3FFB];
	_ =	sdelay $0x3  }
0x92: {  	_ =	strace s18  }
0x93: {  	s3 =	sld [smem:$0x3FFC];
	_ =	sdelay $0x3  }
0x94: {  	_ =	strace s3  }
0x95: {  	s3 =	sld [smem:$0x3FFD];
	_ =	sdelay $0x3  }
0x96: {  	_ =	strace s3  }
0x97: {  	_ =	strace $0x8FFFFFFF  }
0x98: {  	s19 =	sld [smem:$0x3FDB];
	_ =	sdelay $0x1  }
0x99: {  	s4 =	simm.s32 $_scs_section_size  }
0x9a: {  	s5 =	simm.s32 $_size__tile_overlayer_lowered;
	s6 =	simm.s32 $_tile_overlayer_lowered  }
0x9b: {  	s22 =	simm.s32 $0x1BFF;
	s21 =	sshll.u32 s6, $0x1;
	s3 =	sadd.s32 s4, s19  }
0x9c: {  	s7 =	simm.s32 $0x0;
	s20 =	sshll.u32 s5, $0x1;
	s5 =	sadd.s32 s21, s3  }
0x9d: {  	[timem:s7], [sflag:s22] =	dma.local [hbm:s5], s20  }
0x9e: {  	_ =	swait.ge [sflag:s22], s20  }
0x9f: {  	s4 =	ssub.s32 $0x0, s20;
	[sflag:s22] =	ssyncset.done $0x0  }
0xa0: {  	[sflag:s22] =	ssyncadd.s32 s4;
	_ =	sdelay $0x1  }
0xa1: {  	s23 =	simm.s32 $0x1B8B  }
0xa2: {  	_ =	swait.ge [sflag:s23], $0x1  }
0xa3: {  	[sflag:s23] =	ssyncset.done $0x0  }
0xa4: {  	s25 =	simm.s32 $0x1B8E;
	s24 =	sld [smem:$0x3FFE];
	[sflag:s23] =	ssyncadd.s32 $0xFFFFFFFF  }
0xa5: {  	s26 =	simm.s32 $execute0_lowered;
	[smem:$0x3FD2] =	sst s25  }
0xa6: {  	s5 =	sshll.u32 s26, $0x1;
	_ =	strace $0x80000046;
	[dreg:$0x1] =	wrdreg $0xFFFFFFFF  }
0xa7: {  	s28 =	simm.s32 $_size_execute0_lowered;
	s3 =	sadd.s32 s3, s5;
	[dreg:$0x0] =	wrdreg $0x0  }
0xa8: {  	s5 =	sshll.u32 s28, $0x1;
	[dreg:$0x2] =	wrdreg s3  }
0xa9: {  	[dreg:$0x3] =	wrdreg s5  }
0xaa: {  	[dreg:$0x4] =	wrdreg $0xC0  }
0xab: {  	_ =	task [dreg:s7], $0x5FFFF  }
0xac: {  	[dreg:$0x1] =	wrdreg $0xFFFFFFFF  }
0xad: {  	[dreg:$0x0] =	wrdreg $0x60  }
0xae: {  	[dreg:$0x2] =	wrdreg s24  }
0xaf: {  	[dreg:$0x3] =	wrdreg s2  }
0xb0: {  	[dreg:$0x4] =	wrdreg $0x9  }
0xb1: {  	_ =	task.clear_ibuf [dreg:s7], $0x5FFFF;
	_ =	strace $0x90000046  }
0xb2: {  	s29 =	simm.s32 $0x9;
	_ =	strace $0x80000048  }
0xb3: {  	_ =	swait.ge [sflag:s29], $0x1  }
0xb4: {  	[sflag:s29] =	ssyncadd.s32 $0xFFFFFFFF  }
0xb5: {  	_ =	strace $0x90000048  }
0xb6: {  	_ =	sfence  }
0xb7: {  	s30 =	sld [smem:$0x0];
	_ =	sdelay $0x2  }
0xb8: {  	s31 =	sshll.u32 s1, $0xD;
	s1 =	sshrl.u32 s1, $0x2  }
0xb9: {  	s3 =	sand.u32 $0x4000, s31;
	s1 =	sadd.s32 s1, s30  }
0xba: {  	s0 =	sor.u32 s3, s0;
	s1 =	sshll.u32 s1, $0x11  }
0xbb: {  	s0 =	sor.u32 s1, s0  }
0xbc: {  	s0 =	sadd.s32 $0x8F2B, s0  }
0xbd: {  	[sflag:s0] =	ssyncadd.remote.s32 $0x1  }
0xbe: {  	_ =	sfence.sel $0xFFFF  }
0xbf: {  	[dreg:$0x0] =	wrdreg $0xFFFFFFFF;
	(pc) =	sbr.abs _section_cstart, $3  }
0xc0: {  	[dreg:$0x1] =	wrdreg $0xFFFFFFFF  }
0xc1: {  	_ =	task.clear_ibuf [dreg:s7], $0x2FFFF;
	_ =	strace $0x9FFFFFFF  }
0xc2: {  	(tm) =	ssettm $0x7FFFFFFF  }
0xc3: {  	_ =	shalt  }
tec
execute0_lowered:
.L_overlay_start_1:
0x0: {  	(tag) =	ssettag $0x1  }
0x1: {  	s5 =	rddreg [dreg:$0x0];
	s1 =	srdreg.scid  }
0x2: {  	s0 =	stileid.u32;
	s2 =	rddreg [dreg:$0x1];
	s3 =	simm.s32 $0x0  }
0x3: {  	s12 =	simm.s32 $0xC800;
	s13 =	simm.s32 $0x19200;
	s14 =	simm.s32 $0x1  }
0x4: {  	s15 =	simm.s32 $0x19400;
	s16 =	simm.s32 $0x2;
	s17 =	simm.s32 $0x3  }
0x5: {  	s6 =	sand.u32 $0x1, s1;
	s4 =	sshll.u32 s0, $0x1;
	s1 =	rddreg [dreg:$0x2]  }
0x6: {  	s18 =	simm.s32 $0x0;
	[smem:$0x7FF] =	sst s3;
	s7 =	sor.u32 s6, s4  }
0x7: {  	_ =	strace $0x80000047;
	s29 =	ssub.s32 $0x2, s6;
	s8 =	smul.u32 $0xFA0, s7  }
0x8: {  	s4 =	sadd.s32 $0x800, s5;
	s7 =	sshll.u32 s7, $0x4;
	s31 =	sshrl.u32 s29, $0x1  }
0x9: {  	s9 =	sadd.s32 s7, s5;
	s11 =	ssub.s32 s29, s31;
	s30 =	sadd.s32 $0xD4E40, s8  }
0xa: {  	s7 =	sadd.s32 $0xD4FD0, s8;
	s8 =	sadd.s32 $0xD5160, s8;
	s10 =	sshll.u32 s30, $0x4  }
0xb: {  	v0 =	vimm.f32 $0.0e+00;
	v1 =	vlaneseq.u32;
	s9 =	sadd.s32 $0xF42C00, s9;
	s6 =	sshrl.u32 s30, $0x3;
	s5 =	sadd.s32 s4, s10  }
0xc: {  	v2 =	vimm.s32 $0x0;
	v3 =	vimm.f32 $1.000000000e+00;
	v1 =	vmul.u32 $0x80, v1;
	s6 =	sadd.s32 s2, s6;
	s10 =	smax.u32 s11, $0x1;
	s11 =	simm.s32 $0x19000  }
.LBB2_1:
0xd: {  	[tilespmem:$0x19400] =	vst v0  }
0xe: {  	[tilespmem:$0x19410] =	vst v0  }
0xf: {  	[tilespmem:$0x19420] =	vst v0  }
0x10: {  	[tilespmem:s3], [sflag:$0x1] =	stream.linear.gather [hbm4b:s5+s3], $0xC800, $0x38;
	[tilespmem:$0x19480] =	vst v63  }
0x11: {  	s19 =	simm.s32 $0x0  }
0x12: {  	[tilespmem:s11], [sflag:$0x1] =	stream.linear.gather [hbm4b:s6+s3], $0x190, $0x38;
	[tilespmem:$0x19480] =	vst v63  }
.LBB2_2:
0x13: {  	s20 =	smul.u32 $0x320, s19;
	_ =	sdelay $0x1  }
0x14: {  	s22 =	sadd.s32 s20, s7  }
0x15: {  	s21 =	sshll.u32 s22, $0x4  }
0x16: {  	s22 =	sshrl.u32 s22, $0x3;
	s23 =	sadd.s32 s4, s21;
	s21 =	simm.s32 $0x0  }
0x17: {  	[tilespmem:s12], [sflag:$0x2] =	stream.linear.gather [hbm4b:s23+s21], $0xC800, $0x38;
	[tilespmem:$0x19480] =	vst v63  }
0x18: {  	s22 =	sadd.s32 s2, s22  }
0x19: {  	[tilespmem:s13], [sflag:$0x2] =	stream.linear.gather [hbm4b:s22+s21], $0x190, $0x38;
	[tilespmem:$0x19480] =	vst v63  }
0x1a: {  	_ =	swait.ge [sflag:s14], $0xC800  }
0x1b: {  	[sflag:s14] =	ssyncset.done $0x0  }
0x1c: {  	[sflag:s14] =	ssyncadd.s32 $0xFFFF3800  }
0x1d: {  	_ =	swait.ge [sflag:s14], $0x190  }
0x1e: {  	[sflag:s14] =	ssyncset.done $0x0  }
0x1f: {  	s22 =	simm.s32 $0x19000;
	[sflag:s14] =	ssyncadd.s32 $0xFFFFFE70  }
.LBB2_3:
0x20: {  	v4 =	vmov s21  }
0x21: {  	v4 =	vshll.u32 v4, $0x7  }
0x22: {  	v4 =	vor.u32 v1, v4  }
0x23: {  	v5 =	vor.u32 $0x1, v4  }
0x24: {  	v6 =	vor.u32 $0x2, v4  }
0x25: {  	v8 =	vor.u32 $0x3, v4  }
0x26: {  	v9 =	vor.u32 $0x4, v4  }
0x27: {  	v11 =	vor.u32 $0x5, v4;
	v7 =	vld.idx.msk [tilespmem:v4+s3+$0x0], $0xffff  }
0x28: {  	v14 =	vor.u32 $0x8, v4;
	v5 =	vld.idx.msk [tilespmem:v5+s3+$0x0], $0xffff  }
0x29: {  	v16 =	vor.u32 $0x9, v4;
	v6 =	vld.idx.msk [tilespmem:v6+s3+$0x0], $0xffff  }
0x2a: {  	v18 =	vor.u32 $0xA, v4;
	v8 =	vld.idx.msk [tilespmem:v8+s3+$0x0], $0xffff  }
0x2b: {  	v22 =	vor.u32 $0xB, v4;
	v9 =	vld.idx.msk [tilespmem:v9+s3+$0x0], $0xffff  }
0x2c: {  	v25 =	vor.u32 $0xC, v4;
	v11 =	vld.idx.msk [tilespmem:v11+s3+$0x0], $0xffff  }
0x2d: {  	v27 =	vor.u32 $0xD, v4;
	v56 =	vld.idx.msk [tilespmem:v14+s3+$0x0], $0xffff  }
0x2e: {  	v52 =	vor.u32 $0x6, v4;
	v53 =	vor.u32 $0x7, v4;
	v16 =	vld.idx.msk [tilespmem:v16+s3+$0x0], $0xffff  }
0x2f: {  	v28 =	vor.u32 $0xE, v4;
	v40 =	vor.u32 $0xF, v4;
	v42 =	vor.u32 $0x10, v4;
	v18 =	vld.idx.msk [tilespmem:v18+s3+$0x0], $0xffff  }
0x30: {  	v48 =	vor.u32 $0x11, v4;
	v62 =	vld.idx.msk [tilespmem:v22+s3+$0x0], $0xffff;
	v10 =	vmul.f32 $1.442695020e+00, v7;
	v51 =	vmul.f32 $1.442695020e+00, v5  }
0x31: {  	v35 =	vld.idx.msk [tilespmem:v25+s3+$0x0], $0xffff;
	v7 =	vmax.f32 v7, $-3.000000010e+38;
	v12 =	vmul.f32 $1.442695020e+00, v6;
	v13 =	vmul.f32 $1.442695020e+00, v8  }
0x32: {  	v37 =	vld.idx.msk [tilespmem:v27+s3+$0x0], $0xffff;
	v54 =	vmul.f32 $1.442695020e+00, v9;
	vm0 =	vgt.f32 v5, $-3.000000010e+38;
	v55 =	vmul.f32 $1.442695020e+00, v11  }
0x33: {  	v5 =	vmax.f32 v5, $-3.000000010e+38;
	vm8 =	vgt.f32 v6, $-3.000000010e+38;
	v6 =	vmax.f32 v6, $-3.000000010e+38  }
0x34: {  	vm9 =	vgt.f32 v8, $-3.000000010e+38;
	v8 =	vmax.f32 v8, $-3.000000010e+38;
	v60 =	vmul.f32 $1.442695020e+00, v56  }
0x35: {  	vm10 =	vgt.f32 v9, v7;
	v32 =	vmul.f32 $1.442695020e+00, v16;
	v34 =	vmul.f32 $1.442695020e+00, v18  }
0x36: {  	v7 =	vmax.f32 v7, v9;
	v39 =	vmul.f32 $1.442695020e+00, v62;
	v46 =	vmul.f32 $1.442695020e+00, v35  }
0x37: {  	v44 =	vld.idx.msk [tilespmem:v28+s3+$0x0], $0xffff;
	v27 =	vmul.f32 $1.442695020e+00, v37;
	(erf) = vpow2.f32 v10;
	v17 =	vsel vm0, $0x1, v2  }
0x38: {  	v58 =	vsel vm8, $0x2, v2;
	v23 =	vsel vm9, $0x3, v2;
	v26 =	vsel vm10, $0x4, v2  }
0x39: {  	vm11 =	vgt.f32 v11, v5;
	v5 =	vmax.f32 v5, v11;
	vm14 =	vgt.f32 v56, v7  }
0x3a: {  	v10 =	vld.idx.msk [tilespmem:v52+s3+$0x0], $0xffff;
	v7 =	vmax.f32 v7, v56;
	v52 =	vor.u32 $0x12, v4;
	(erf) = vpow2.f32 v51  }
0x3b: {  	v56 =	vld.idx.msk [tilespmem:v48+s3+$0x0], $0xffff;
	v63 =	vsel vm11, $0x5, v17;
	v45 =	vsel vm14, $0x8, v26;
	vm15 =	vgt.f32 v16, v5  }
0x3c: {  	v5 =	vmax.f32 v5, v16;
	v51 =	vmul.f32 $1.442695020e+00, v44;
	(erf) = vpow2.f32 v12  }
0x3d: {  	v16 =	vld.idx.msk [tilespmem:v42+s3+$0x0], $0xffff;
	vm6 =	vgt.f32 v35, v7;
	v7 =	vmax.f32 v7, v35;
	(erf) = vpow2.f32 v13  }
0x3e: {  	v12 =	vld.idx.msk [tilespmem:v53+s3+$0x0], $0xffff;
	vm7 =	vgt.f32 v37, v5;
	v5 =	vmax.f32 v5, v37;
	(erf) = vpow2.f32 v54  }
0x3f: {  	v54 =	vor.u32 $0x13, v4;
	(erf) = vpow2.f32 v55;
	v21 =	vmul.f32 $1.442695020e+00, v10  }
0x40: {  	vm12 =	vgt.f32 v10, v6;
	v6 =	vmax.f32 v6, v10;
	vm11 =	vgt.f32 v56, v5  }
0x41: {  	v5 =	vmax.f32 v5, v56;
	v36 =	vsel vm12, $0x6, v58;
	vm4 =	vgt.f32 v18, v6  }
0x42: {  	v49 =	vld.idx.msk [tilespmem:v40+s3+$0x0], $0xffff;
	v6 =	vmax.f32 v6, v18;
	v58 =	vor.u32 $0x14, v4;
	vm10 =	vgt.f32 v16, v7  }
0x43: {  	v7 =	vmax.f32 v7, v16;
	v59 =	vmul.f32 $1.442695020e+00, v12;
	vm13 =	vgt.f32 v12, v8  }
0x44: {  	v8 =	vmax.f32 v8, v12;
	v17 =	vsel vm4, $0xA, v36;
	v36 =	vor.u32 $0x16, v4  }
0x45: {  	vm8 =	vgt.f32 v44, v6;
	v6 =	vmax.f32 v6, v44;
	v41 =	vsel vm13, $0x7, v23;
	v15 =	vpop (erf)  }
0x46: {  	vm5 =	vgt.f32 v62, v8;
	v8 =	vmax.f32 v8, v62;
	v62 =	vsel vm6, $0xC, v45;
	v19 =	vpop (erf)  }
0x47: {  	v17 =	vsel vm8, $0xE, v17;
	vm9 =	vgt.f32 v49, v8;
	v20 =	vpop (erf);
	(erf) = vpow2.f32 v21  }
0x48: {  	v15 =	vadd.f32 $0.0e+00, v15;
	v57 =	vadd.f32 $0.0e+00, v19;
	v25 =	vld.idx.msk [tilespmem:v58+s3+$0x0], $0xffff;
	v24 =	vpop (erf);
	(erf) = vpow2.f32 v59  }
0x49: {  	v8 =	vmax.f32 v8, v49;
	v20 =	vadd.f32 $0.0e+00, v20;
	v44 =	vld.idx.msk [tilespmem:v36+s3+$0x0], $0xffff;
	v24 =	vadd.f32 $0.0e+00, v24;
	v61 =	vpop (erf)  }
0x4a: {  	(erf) = vpow2.f32 v60;
	v60 =	vmul.f32 $1.442695020e+00, v16;
	v9 =	vadd.f32 v61, v15;
	v61 =	vld.idx.msk [tilespmem:v52+s3+$0x0], $0xffff  }
0x4b: {  	v33 =	vpop (erf);
	(erf) = vpow2.f32 v32;
	v15 =	vsel vm15, $0x9, v63;
	v63 =	vld.idx.msk [tilespmem:v54+s3+$0x0], $0xffff;
	v52 =	vor.u32 $0x1A, v4  }
0x4c: {  	v11 =	vadd.f32 v33, v57;
	(erf) = vpow2.f32 v34;
	v57 =	vmul.f32 $1.442695020e+00, v49  }
0x4d: {  	v33 =	vmul.f32 $1.442695020e+00, v56;
	v34 =	vor.u32 $0x15, v4;
	v15 =	vsel vm7, $0xD, v15  }
0x4e: {  	v15 =	vsel vm11, $0x11, v15;
	vm14 =	vgt.f32 v25, v7;
	v7 =	vmax.f32 v7, v25  }
0x4f: {  	v28 =	vmul.f32 $1.442695020e+00, v44;
	vm12 =	vgt.f32 v61, v6;
	v6 =	vmax.f32 v6, v61  }
0x50: {  	vm13 =	vgt.f32 v63, v8;
	v8 =	vmax.f32 v8, v63;
	v38 =	vpop (erf);
	v17 =	vsel vm12, $0x12, v17  }
0x51: {  	vm4 =	vgt.f32 v44, v6;
	v6 =	vmax.f32 v6, v44;
	v43 =	vpop (erf);
	(erf) = vpow2.f32 v39  }
0x52: {  	v19 =	vadd.f32 v38, v20;
	v20 =	vsel vm5, $0xB, v41;
	v39 =	vor.u32 $0x17, v4  }
0x53: {  	v38 =	vmul.f32 $1.442695020e+00, v61;
	(erf) = vpow2.f32 v46;
	v46 =	vor.u32 $0x18, v4  }
0x54: {  	v42 =	vld.idx.msk [tilespmem:v34+s3+$0x0], $0xffff;
	v41 =	vmul.f32 $1.442695020e+00, v63;
	v63 =	vor.u32 $0x1D, v4;
	v47 =	vpop (erf);
	(erf) = vpow2.f32 v27  }
0x55: {  	v17 =	vsel vm4, $0x16, v17;
	v12 =	vadd.f32 v43, v24;
	v20 =	vsel vm9, $0xF, v20  }
0x56: {  	v43 =	vmul.f32 $1.442695020e+00, v25;
	v9 =	vadd.f32 v47, v9;
	v50 =	vpop (erf);
	(erf) = vpow2.f32 v51  }
0x57: {  	v47 =	vsel vm10, $0x10, v62;
	v20 =	vsel vm13, $0x13, v20;
	v11 =	vadd.f32 v50, v11;
	v53 =	vpop (erf);
	v49 =	vld.idx.msk [tilespmem:v39+s3+$0x0], $0xffff  }
0x58: {  	v50 =	vor.u32 $0x19, v4;
	v13 =	vsel vm14, $0x14, v47;
	v55 =	vadd.f32 v53, v19;
	v54 =	vld.idx.msk [tilespmem:v46+s3+$0x0], $0xffff  }
0x59: {  	(erf) = vpow2.f32 v57;
	v51 =	vmul.f32 $1.442695020e+00, v42;
	vm15 =	vgt.f32 v42, v5  }
0x5a: {  	v57 =	vor.u32 $0x1B, v4;
	v5 =	vmax.f32 v5, v42;
	v15 =	vsel vm15, $0x15, v15;
	v59 =	vpop (erf)  }
0x5b: {  	(erf) = vpow2.f32 v60;
	v60 =	vor.u32 $0x1C, v4;
	v12 =	vadd.f32 v59, v12  }
0x5c: {  	v32 =	vpop (erf);
	v59 =	vld.idx.msk [tilespmem:v52+s3+$0x0], $0xffff;
	vm5 =	vgt.f32 v49, v8;
	v8 =	vmax.f32 v8, v49;
	v52 =	vor.u32 $0x23, v4  }
0x5d: {  	v16 =	vld.idx.msk [tilespmem:v50+s3+$0x0], $0xffff;
	v9 =	vadd.f32 v32, v9;
	v35 =	vpop (erf);
	(erf) = vpow2.f32 v33;
	v62 =	vmul.f32 $1.442695020e+00, v54  }
0x5e: {  	v20 =	vsel vm5, $0x17, v20;
	vm6 =	vgt.f32 v54, v7;
	v7 =	vmax.f32 v7, v54  }
0x5f: {  	v32 =	vld.idx.msk [tilespmem:v57+s3+$0x0], $0xffff;
	v57 =	vor.u32 $0x24, v4;
	v37 =	vadd.f32 v35, v11;
	v40 =	vpop (erf);
	(erf) = vpow2.f32 v38  }
0x60: {  	v35 =	vor.u32 $0x1E, v4;
	v38 =	vor.u32 $0x1F, v4;
	v13 =	vsel vm6, $0x18, v13  }
0x61: {  	v18 =	vadd.f32 v40, v55;
	(erf) = vpow2.f32 v41;
	v55 =	vmul.f32 $1.442695020e+00, v49  }
0x62: {  	v45 =	vpop (erf);
	v31 =	vmul.f32 $1.442695020e+00, v16;
	v40 =	vor.u32 $0x20, v4;
	vm7 =	vgt.f32 v16, v5  }
0x63: {  	v5 =	vmax.f32 v5, v16;
	v12 =	vadd.f32 v45, v12;
	v14 =	vld.idx.msk [tilespmem:v60+s3+$0x0], $0xffff;
	v45 =	vor.u32 $0x21, v4  }
0x64: {  	v15 =	vsel vm7, $0x19, v15;
	v33 =	vmul.f32 $1.442695020e+00, v59;
	vm8 =	vgt.f32 v59, v6  }
0x65: {  	v6 =	vmax.f32 v6, v59;
	v59 =	vor.u32 $0x25, v4;
	v27 =	vmul.f32 $1.442695020e+00, v32  }
0x66: {  	v49 =	vsel vm8, $0x1A, v17;
	vm9 =	vgt.f32 v32, v8;
	v8 =	vmax.f32 v8, v32;
	v21 =	vld.idx.msk [tilespmem:v35+s3+$0x0], $0xffff  }
0x67: {  	v32 =	vor.u32 $0x27, v4;
	v44 =	vld.idx.msk [tilespmem:v38+s3+$0x0], $0xffff;
	v20 =	vsel vm9, $0x1B, v20;
	v48 =	vpop (erf);
	(erf) = vpow2.f32 v43  }
0x68: {  	v9 =	vadd.f32 v48, v9;
	(erf) = vpow2.f32 v51;
	v41 =	vmul.f32 $1.442695020e+00, v14  }
0x69: {  	v46 =	vld.idx.msk [tilespmem:v40+s3+$0x0], $0xffff;
	v48 =	vor.u32 $0x22, v4;
	vm10 =	vgt.f32 v14, v7;
	v7 =	vmax.f32 v7, v14;
	v53 =	vpop (erf)  }
0x6a: {  	v26 =	vld.idx.msk [tilespmem:v57+s3+$0x0], $0xffff;
	(erf) = vpow2.f32 v28;
	v13 =	vsel vm10, $0x1C, v13;
	v10 =	vadd.f32 v53, v37;
	v56 =	vpop (erf)  }
0x6b: {  	(erf) = vpow2.f32 v55;
	v37 =	vld.idx.msk [tilespmem:v63+s3+$0x0], $0xffff;
	v63 =	vor.u32 $0x26, v4;
	v18 =	vadd.f32 v56, v18  }
0x6c: {  	v24 =	vld.idx.msk [tilespmem:v59+s3+$0x0], $0xffff;
	v51 =	vmul.f32 $1.442695020e+00, v21;
	v53 =	vmul.f32 $1.442695020e+00, v44;
	vm12 =	vgt.f32 v21, v6  }
0x6d: {  	v58 =	vpop (erf);
	v6 =	vmax.f32 v6, v21;
	vm13 =	vgt.f32 v44, v8;
	v8 =	vmax.f32 v8, v44  }
0x6e: {  	v12 =	vadd.f32 v58, v12;
	v54 =	vmul.f32 $1.442695020e+00, v46;
	v16 =	vsel vm12, $0x1E, v49  }
0x6f: {  	v25 =	vld.idx.msk [tilespmem:v45+s3+$0x0], $0xffff;
	v20 =	vsel vm13, $0x1F, v20;
	vm14 =	vgt.f32 v46, v7;
	v7 =	vmax.f32 v7, v46  }
0x70: {  	v49 =	vor.u32 $0x2C, v4;
	v13 =	vsel vm14, $0x20, v13;
	vm6 =	vgt.f32 v26, v7  }
0x71: {  	v7 =	vmax.f32 v7, v26;
	v38 =	vmul.f32 $1.442695020e+00, v24;
	v13 =	vsel vm6, $0x24, v13  }
0x72: {  	v42 =	vmul.f32 $1.442695020e+00, v37;
	vm11 =	vgt.f32 v37, v5;
	v5 =	vmax.f32 v5, v37  }
0x73: {  	v56 =	vld.idx.msk [tilespmem:v48+s3+$0x0], $0xffff;
	v37 =	vor.u32 $0x29, v4;
	v61 =	vpop (erf);
	(erf) = vpow2.f32 v62;
	v60 =	vsel vm11, $0x1D, v15  }
0x74: {  	v62 =	vmul.f32 $1.442695020e+00, v25;
	vm15 =	vgt.f32 v25, v5;
	v5 =	vmax.f32 v5, v25;
	v34 =	vpop (erf)  }
0x75: {  	v11 =	vld.idx.msk [tilespmem:v63+s3+$0x0], $0xffff;
	v9 =	vadd.f32 v61, v9;
	(erf) = vpow2.f32 v31;
	v14 =	vsel vm15, $0x21, v60;
	v36 =	vpop (erf)  }
0x76: {  	vm7 =	vgt.f32 v24, v5;
	v57 =	vld.idx.msk [tilespmem:v49+s3+$0x0], $0xffff;
	(erf) = vpow2.f32 v33;
	v33 =	vor.u32 $0x28, v4;
	v39 =	vpop (erf)  }
0x77: {  	v5 =	vmax.f32 v5, v24;
	(erf) = vpow2.f32 v27;
	v12 =	vadd.f32 v39, v12;
	v39 =	vld.idx.msk [tilespmem:v32+s3+$0x0], $0xffff  }
0x78: {  	v10 =	vadd.f32 v34, v10;
	v29 =	vmul.f32 $1.442695020e+00, v56;
	vm4 =	vgt.f32 v56, v6;
	v15 =	vld.idx.msk [tilespmem:v37+s3+$0x0], $0xffff  }
0x79: {  	v6 =	vmax.f32 v6, v56;
	v14 =	vsel vm7, $0x25, v14;
	v18 =	vadd.f32 v36, v18  }
0x7a: {  	v36 =	vmul.f32 $1.442695020e+00, v26;
	v16 =	vsel vm4, $0x22, v16;
	(erf) = vpow2.f32 v41  }
0x7b: {  	v41 =	vmul.f32 $1.442695020e+00, v11;
	vm8 =	vgt.f32 v11, v6;
	v6 =	vmax.f32 v6, v11;
	v21 =	vld.idx.msk [tilespmem:v33+s3+$0x0], $0xffff  }
0x7c: {  	v16 =	vsel vm8, $0x26, v16;
	v33 =	vmul.f32 $1.442695020e+00, v57;
	v43 =	vpop (erf);
	(erf) = vpow2.f32 v42  }
0x7d: {  	v42 =	vor.u32 $0x2A, v4;
	v46 =	vmul.f32 $1.442695020e+00, v39;
	vm11 =	vgt.f32 v15, v5  }
0x7e: {  	v5 =	vmax.f32 v5, v15;
	v9 =	vadd.f32 v43, v9;
	v47 =	vpop (erf);
	v43 =	vor.u32 $0x2B, v4  }
0x7f: {  	v14 =	vsel vm11, $0x29, v14;
	v10 =	vadd.f32 v47, v10;
	v50 =	vpop (erf);
	(erf) = vpow2.f32 v51  }
0x80: {  	v17 =	vadd.f32 v50, v18;
	v55 =	vpop (erf);
	(erf) = vpow2.f32 v53;
	v18 =	vld.idx.msk [tilespmem:v52+s3+$0x0], $0xffff;
	v48 =	vmul.f32 $1.442695020e+00, v21  }
0x81: {  	v53 =	vmul.f32 $1.442695020e+00, v15;
	vm10 =	vgt.f32 v21, v7;
	v7 =	vmax.f32 v7, v21  }
0x82: {  	v12 =	vadd.f32 v55, v12;
	(erf) = vpow2.f32 v54;
	v54 =	vor.u32 $0x2D, v4  }
0x83: {  	v58 =	vpop (erf);
	v55 =	vor.u32 $0x2E, v4;
	v13 =	vsel vm10, $0x28, v13;
	vm14 =	vgt.f32 v57, v7;
	v50 =	vld.idx.msk [tilespmem:v42+s3+$0x0], $0xffff  }
0x84: {  	v7 =	vmax.f32 v7, v57;
	v57 =	vor.u32 $0x36, v4;
	v9 =	vadd.f32 v58, v9  }
0x85: {  	v13 =	vsel vm14, $0x2C, v13;
	v51 =	vld.idx.msk [tilespmem:v43+s3+$0x0], $0xffff;
	v31 =	vmul.f32 $1.442695020e+00, v18;
	vm5 =	vgt.f32 v18, v8  }
0x86: {  	v8 =	vmax.f32 v8, v18;
	v61 =	vpop (erf);
	(erf) = vpow2.f32 v62;
	v45 =	vsel vm5, $0x23, v20  }
0x87: {  	vm9 =	vgt.f32 v39, v8;
	v8 =	vmax.f32 v8, v39;
	v39 =	vor.u32 $0x32, v4  }
0x88: {  	v10 =	vadd.f32 v61, v10;
	v58 =	vmul.f32 $1.442695020e+00, v50;
	v61 =	vor.u32 $0x2F, v4  }
0x89: {  	v19 =	vsel vm9, $0x27, v45;
	vm12 =	vgt.f32 v50, v6;
	v6 =	vmax.f32 v6, v50  }
0x8a: {  	v62 =	vld.idx.msk [tilespmem:v54+s3+$0x0], $0xffff;
	v50 =	vor.u32 $0x35, v4;
	v30 =	vpop (erf);
	(erf) = vpow2.f32 v29;
	v60 =	vmul.f32 $1.442695020e+00, v51  }
0x8b: {  	v63 =	vld.idx.msk [tilespmem:v55+s3+$0x0], $0xffff;
	v16 =	vsel vm12, $0x2A, v16;
	vm13 =	vgt.f32 v51, v8;
	v8 =	vmax.f32 v8, v51  }
0x8c: {  	v17 =	vadd.f32 v30, v17;
	v34 =	vpop (erf);
	(erf) = vpow2.f32 v31;
	v19 =	vsel vm13, $0x2B, v19  }
0x8d: {  	v12 =	vadd.f32 v34, v12;
	v35 =	vpop (erf);
	(erf) = vpow2.f32 v36;
	v34 =	vor.u32 $0x30, v4;
	v24 =	vld.idx.msk [tilespmem:v39+s3+$0x0], $0xffff  }
0x8e: {  	v36 =	vor.u32 $0x31, v4;
	v9 =	vadd.f32 v35, v9;
	(erf) = vpow2.f32 v38;
	v37 =	vld.idx.msk [tilespmem:v61+s3+$0x0], $0xffff  }
0x8f: {  	v38 =	vmul.f32 $1.442695020e+00, v62;
	vm15 =	vgt.f32 v62, v5;
	v5 =	vmax.f32 v5, v62;
	v23 =	vld.idx.msk [tilespmem:v50+s3+$0x0], $0xffff  }
0x90: {  	vm4 =	vgt.f32 v63, v6;
	v6 =	vmax.f32 v6, v63;
	v14 =	vsel vm15, $0x2D, v14  }
0x91: {  	v16 =	vsel vm4, $0x2E, v16;
	v61 =	vor.u32 $0x38, v4;
	v40 =	vpop (erf);
	(erf) = vpow2.f32 v41  }
0x92: {  	v41 =	vmul.f32 $1.442695020e+00, v63;
	v42 =	vld.idx.msk [tilespmem:v34+s3+$0x0], $0xffff;
	v10 =	vadd.f32 v40, v10;
	v54 =	vmul.f32 $1.442695020e+00, v24  }
0x93: {  	v43 =	vld.idx.msk [tilespmem:v36+s3+$0x0], $0xffff;
	vm8 =	vgt.f32 v24, v6;
	v6 =	vmax.f32 v6, v24;
	v45 =	vmul.f32 $1.442695020e+00, v37  }
0x94: {  	v44 =	vpop (erf);
	vm5 =	vgt.f32 v37, v8;
	v8 =	vmax.f32 v8, v37;
	v30 =	vmul.f32 $1.442695020e+00, v23  }
0x95: {  	v63 =	vld.idx.msk [tilespmem:v57+s3+$0x0], $0xffff;
	v16 =	vsel vm8, $0x32, v16;
	v17 =	vadd.f32 v44, v17;
	v47 =	vpop (erf);
	(erf) = vpow2.f32 v46  }
0x96: {  	v46 =	vor.u32 $0x33, v4;
	v19 =	vsel vm5, $0x2F, v19;
	(erf) = vpow2.f32 v48;
	v52 =	vpop (erf)  }
0x97: {  	v12 =	vadd.f32 v47, v12;
	v48 =	vor.u32 $0x34, v4;
	v56 =	vpop (erf);
	(erf) = vpow2.f32 v53  }
0x98: {  	v9 =	vadd.f32 v52, v9;
	v49 =	vmul.f32 $1.442695020e+00, v42;
	v52 =	vmul.f32 $1.442695020e+00, v43  }
0x99: {  	vm6 =	vgt.f32 v42, v7;
	v7 =	vmax.f32 v7, v42;
	vm7 =	vgt.f32 v43, v5  }
0x9a: {  	v5 =	vmax.f32 v5, v43;
	v37 =	vmul.f32 $1.442695020e+00, v63;
	v43 =	vor.u32 $0x3C, v4  }
0x9b: {  	vm12 =	vgt.f32 v63, v6;
	v6 =	vmax.f32 v6, v63;
	v10 =	vadd.f32 v56, v10;
	v53 =	vld.idx.msk [tilespmem:v46+s3+$0x0], $0xffff  }
0x9c: {  	(erf) = vpow2.f32 v58;
	v13 =	vsel vm6, $0x30, v13;
	v14 =	vsel vm7, $0x31, v14  }
0x9d: {  	vm11 =	vgt.f32 v23, v5;
	v5 =	vmax.f32 v5, v23;
	v16 =	vsel vm12, $0x36, v16  }
0x9e: {  	v14 =	vsel vm11, $0x35, v14;
	v46 =	vor.u32 $0x3D, v4;
	v59 =	vpop (erf);
	(erf) = vpow2.f32 v60;
	v55 =	vld.idx.msk [tilespmem:v48+s3+$0x0], $0xffff  }
0x9f: {  	v48 =	vor.u32 $0x3E, v4;
	v11 =	vadd.f32 v59, v17;
	v59 =	vor.u32 $0x37, v4;
	v32 =	vpop (erf)  }
0xa0: {  	v34 =	vld.idx.msk [tilespmem:v61+s3+$0x0], $0xffff;
	v12 =	vadd.f32 v32, v12;
	v35 =	vpop (erf);
	(erf) = vpow2.f32 v33;
	v60 =	vmul.f32 $1.442695020e+00, v53  }
0xa1: {  	v32 =	vor.u32 $0x39, v4;
	vm9 =	vgt.f32 v53, v8;
	v8 =	vmax.f32 v8, v53  }
0xa2: {  	v18 =	vld.idx.msk [tilespmem:v43+s3+$0x0], $0xffff;
	v53 =	vor.u32 $0x3F, v4;
	v9 =	vadd.f32 v35, v9;
	v40 =	vpop (erf);
	(erf) = vpow2.f32 v38  }
0xa3: {  	v28 =	vmul.f32 $1.442695020e+00, v55;
	v35 =	vor.u32 $0x3A, v4;
	v38 =	vor.u32 $0x3B, v4  }
0xa4: {  	v19 =	vsel vm9, $0x33, v19;
	vm10 =	vgt.f32 v55, v7;
	v7 =	vmax.f32 v7, v55  }
0xa5: {  	v10 =	vadd.f32 v40, v10;
	(erf) = vpow2.f32 v41;
	v17 =	vld.idx.msk [tilespmem:v59+s3+$0x0], $0xffff;
	v41 =	vmul.f32 $1.442695020e+00, v34  }
0xa6: {  	v13 =	vsel vm10, $0x34, v13;
	vm14 =	vgt.f32 v34, v7;
	v7 =	vmax.f32 v7, v34  }
0xa7: {  	v44 =	vpop (erf);
	v59 =	vor.u32 $0x41, v4;
	v13 =	vsel vm14, $0x38, v13;
	vm6 =	vgt.f32 v18, v7;
	v40 =	vld.idx.msk [tilespmem:v32+s3+$0x0], $0xffff  }
0xa8: {  	v11 =	vadd.f32 v44, v11;
	v7 =	vmax.f32 v7, v18;
	v13 =	vsel vm6, $0x3C, v13;
	v47 =	vpop (erf);
	v25 =	vld.idx.msk [tilespmem:v53+s3+$0x0], $0xffff  }
0xa9: {  	(erf) = vpow2.f32 v45;
	v32 =	vor.u32 $0x43, v4;
	v12 =	vadd.f32 v47, v12;
	v15 =	vld.idx.msk [tilespmem:v35+s3+$0x0], $0xffff  }
0xaa: {  	(erf) = vpow2.f32 v49;
	v45 =	vld.idx.msk [tilespmem:v38+s3+$0x0], $0xffff;
	v38 =	vor.u32 $0x45, v4;
	v39 =	vmul.f32 $1.442695020e+00, v17  }
0xab: {  	vm13 =	vgt.f32 v17, v8;
	v8 =	vmax.f32 v8, v17;
	v51 =	vpop (erf);
	(erf) = vpow2.f32 v52  }
0xac: {  	v19 =	vsel vm13, $0x37, v19;
	v9 =	vadd.f32 v51, v9;
	v56 =	vpop (erf);
	(erf) = vpow2.f32 v54  }
0xad: {  	v17 =	vld.idx.msk [tilespmem:v59+s3+$0x0], $0xffff;
	v27 =	vmul.f32 $1.442695020e+00, v40;
	vm15 =	vgt.f32 v40, v5;
	v5 =	vmax.f32 v5, v40  }
0xae: {  	v54 =	vld.idx.msk [tilespmem:v48+s3+$0x0], $0xffff;
	v35 =	vmul.f32 $1.442695020e+00, v25;
	v48 =	vor.u32 $0x48, v4;
	v58 =	vpop (erf);
	(erf) = vpow2.f32 v60  }
0xaf: {  	v10 =	vadd.f32 v56, v10;
	v49 =	vmul.f32 $1.442695020e+00, v15;
	v50 =	vmul.f32 $1.442695020e+00, v45  }
0xb0: {  	v52 =	vld.idx.msk [tilespmem:v46+s3+$0x0], $0xffff;
	v56 =	vor.u32 $0x40, v4;
	v14 =	vsel vm15, $0x39, v14;
	vm4 =	vgt.f32 v15, v6  }
0xb1: {  	v6 =	vmax.f32 v6, v15;
	vm5 =	vgt.f32 v45, v8;
	v8 =	vmax.f32 v8, v45  }
0xb2: {  	v45 =	vor.u32 $0x47, v4;
	v11 =	vadd.f32 v58, v11;
	v62 =	vpop (erf);
	(erf) = vpow2.f32 v28  }
0xb3: {  	v24 =	vld.idx.msk [tilespmem:v32+s3+$0x0], $0xffff;
	v58 =	vmul.f32 $1.442695020e+00, v18;
	v16 =	vsel vm4, $0x3A, v16;
	v40 =	vmul.f32 $1.442695020e+00, v17;
	v31 =	vpop (erf)  }
0xb4: {  	vm9 =	vgt.f32 v25, v8;
	v8 =	vmax.f32 v8, v25;
	v33 =	vpop (erf);
	(erf) = vpow2.f32 v30  }
0xb5: {  	v18 =	vld.idx.msk [tilespmem:v38+s3+$0x0], $0xffff;
	v38 =	vor.u32 $0x4E, v4;
	v60 =	vmul.f32 $1.442695020e+00, v52;
	vm7 =	vgt.f32 v52, v5  }
0xb6: {  	v5 =	vmax.f32 v5, v52;
	v12 =	vadd.f32 v62, v12;
	v61 =	vmul.f32 $1.442695020e+00, v54  }
0xb7: {  	v14 =	vsel vm7, $0x3D, v14;
	vm8 =	vgt.f32 v54, v6;
	v6 =	vmax.f32 v6, v54  }
0xb8: {  	v46 =	vmul.f32 $1.442695020e+00, v24;
	vm11 =	vgt.f32 v17, v5;
	v5 =	vmax.f32 v5, v17  }
0xb9: {  	vm13 =	vgt.f32 v24, v8;
	v8 =	vmax.f32 v8, v24;
	v36 =	vpop (erf);
	(erf) = vpow2.f32 v37  }
0xba: {  	v9 =	vadd.f32 v31, v9;
	v63 =	vld.idx.msk [tilespmem:v56+s3+$0x0], $0xffff;
	v16 =	vsel vm8, $0x3E, v16;
	v42 =	vpop (erf);
	(erf) = vpow2.f32 v39  }
0xbb: {  	v20 =	vld.idx.msk [tilespmem:v45+s3+$0x0], $0xffff;
	v14 =	vsel vm11, $0x41, v14;
	v30 =	vor.u32 $0x42, v4;
	v44 =	vpop (erf);
	(erf) = vpow2.f32 v41  }
0xbc: {  	v56 =	vld.idx.msk [tilespmem:v48+s3+$0x0], $0xffff;
	v45 =	vor.u32 $0x50, v4;
	v48 =	vor.u32 $0x51, v4;
	v53 =	vmul.f32 $1.442695020e+00, v18  }
0xbd: {  	vm15 =	vgt.f32 v18, v5;
	v10 =	vadd.f32 v33, v10;
	v47 =	vpop (erf);
	(erf) = vpow2.f32 v27  }
0xbe: {  	v33 =	vsel vm5, $0x3B, v19;
	v11 =	vadd.f32 v36, v11;
	v36 =	vor.u32 $0x44, v4  }
0xbf: {  	v5 =	vmax.f32 v5, v18;
	v14 =	vsel vm15, $0x45, v14;
	v15 =	vsel vm9, $0x3F, v33  }
0xc0: {  	v12 =	vadd.f32 v42, v12;
	v37 =	vmul.f32 $1.442695020e+00, v63;
	vm10 =	vgt.f32 v63, v7;
	v26 =	vld.idx.msk [tilespmem:v30+s3+$0x0], $0xffff  }
0xc1: {  	v7 =	vmax.f32 v7, v63;
	v15 =	vsel vm13, $0x43, v15;
	v41 =	vor.u32 $0x46, v4  }
0xc2: {  	vm5 =	vgt.f32 v20, v8;
	v8 =	vmax.f32 v8, v20;
	v22 =	vld.idx.msk [tilespmem:v48+s3+$0x0], $0xffff;
	v51 =	vpop (erf);
	(erf) = vpow2.f32 v49  }
0xc3: {  	v48 =	vor.u32 $0x5B, v4;
	v13 =	vsel vm10, $0x40, v13;
	v19 =	vld.idx.msk [tilespmem:v36+s3+$0x0], $0xffff;
	(erf) = vpow2.f32 v50;
	v55 =	vpop (erf)  }
0xc4: {  	v15 =	vsel vm5, $0x47, v15;
	v30 =	vor.u32 $0x5F, v4;
	v57 =	vpop (erf);
	(erf) = vpow2.f32 v58  }
0xc5: {  	v9 =	vadd.f32 v44, v9;
	v10 =	vadd.f32 v47, v10;
	v44 =	vmul.f32 $1.442695020e+00, v26  }
0xc6: {  	v47 =	vld.idx.msk [tilespmem:v41+s3+$0x0], $0xffff;
	vm12 =	vgt.f32 v26, v6;
	v6 =	vmax.f32 v6, v26;
	v62 =	vpop (erf);
	(erf) = vpow2.f32 v60  }
0xc7: {  	v41 =	vor.u32 $0x4F, v4;
	v11 =	vadd.f32 v51, v11;
	v51 =	vor.u32 $0x49, v4  }
0xc8: {  	v16 =	vsel vm12, $0x42, v16;
	v12 =	vadd.f32 v55, v12;
	vm14 =	vgt.f32 v19, v7  }
0xc9: {  	v50 =	vmul.f32 $1.442695020e+00, v19;
	v7 =	vmax.f32 v7, v19;
	v13 =	vsel vm14, $0x44, v13  }
0xca: {  	vm6 =	vgt.f32 v56, v7;
	v9 =	vadd.f32 v57, v9;
	(erf) = vpow2.f32 v61  }
0xcb: {  	v55 =	vmul.f32 $1.442695020e+00, v47;
	v57 =	vor.u32 $0x4A, v4;
	vm4 =	vgt.f32 v47, v6;
	v31 =	vpop (erf)  }
0xcc: {  	v6 =	vmax.f32 v6, v47;
	v47 =	vld.idx.msk [tilespmem:v41+s3+$0x0], $0xffff;
	v41 =	vor.u32 $0x58, v4;
	v34 =	vpop (erf);
	(erf) = vpow2.f32 v35  }
0xcd: {  	v7 =	vmax.f32 v7, v56;
	v13 =	vsel vm6, $0x48, v13;
	v58 =	vld.idx.msk [tilespmem:v51+s3+$0x0], $0xffff;
	v39 =	vpop (erf);
	(erf) = vpow2.f32 v37  }
0xce: {  	v16 =	vsel vm4, $0x46, v16;
	v60 =	vmul.f32 $1.442695020e+00, v20;
	v10 =	vadd.f32 v62, v10  }
0xcf: {  	v61 =	vor.u32 $0x4B, v4;
	v62 =	vor.u32 $0x4C, v4;
	v42 =	vpop (erf);
	(erf) = vpow2.f32 v40  }
0xd0: {  	v11 =	vadd.f32 v31, v11;
	v31 =	vmul.f32 $1.442695020e+00, v56;
	v17 =	vld.idx.msk [tilespmem:v57+s3+$0x0], $0xffff;
	v35 =	vor.u32 $0x4D, v4  }
0xd1: {  	v56 =	vmul.f32 $1.442695020e+00, v47;
	v57 =	vor.u32 $0x54, v4;
	v19 =	vld.idx.msk [tilespmem:v41+s3+$0x0], $0xffff;
	v41 =	vor.u32 $0x61, v4  }
0xd2: {  	v18 =	vld.idx.msk [tilespmem:v38+s3+$0x0], $0xffff;
	v12 =	vadd.f32 v34, v12;
	v33 =	vmul.f32 $1.442695020e+00, v58;
	vm7 =	vgt.f32 v58, v5  }
0xd3: {  	v5 =	vmax.f32 v5, v58;
	v14 =	vsel vm7, $0x49, v14;
	v43 =	vpop (erf);
	(erf) = vpow2.f32 v44  }
0xd4: {  	v9 =	vadd.f32 v39, v9;
	v34 =	vld.idx.msk [tilespmem:v61+s3+$0x0], $0xffff;
	v61 =	vor.u32 $0x55, v4;
	(erf) = vpow2.f32 v46  }
0xd5: {  	v37 =	vld.idx.msk [tilespmem:v62+s3+$0x0], $0xffff;
	v62 =	vmul.f32 $1.442695020e+00, v22;
	vm8 =	vgt.f32 v17, v6;
	v49 =	vpop (erf);
	(erf) = vpow2.f32 v50  }
0xd6: {  	v26 =	vld.idx.msk [tilespmem:v35+s3+$0x0], $0xffff;
	v6 =	vmax.f32 v6, v17;
	v35 =	vor.u32 $0x57, v4;
	v52 =	vpop (erf);
	(erf) = vpow2.f32 v53  }
0xd7: {  	v29 =	vmul.f32 $1.442695020e+00, v19;
	v16 =	vsel vm8, $0x4A, v16;
	vm12 =	vgt.f32 v18, v6  }
0xd8: {  	v6 =	vmax.f32 v6, v18;
	v40 =	vmul.f32 $1.442695020e+00, v17;
	v54 =	vpop (erf);
	(erf) = vpow2.f32 v55  }
0xd9: {  	v16 =	vsel vm12, $0x4E, v16;
	v10 =	vadd.f32 v42, v10;
	v11 =	vadd.f32 v43, v11  }
0xda: {  	v42 =	vmul.f32 $1.442695020e+00, v34;
	v44 =	vmul.f32 $1.442695020e+00, v37;
	vm9 =	vgt.f32 v34, v8  }
0xdb: {  	v51 =	vld.idx.msk [tilespmem:v45+s3+$0x0], $0xffff;
	v8 =	vmax.f32 v8, v34;
	vm10 =	vgt.f32 v37, v7;
	v7 =	vmax.f32 v7, v37  }
0xdc: {  	v12 =	vadd.f32 v49, v12;
	v50 =	vmul.f32 $1.442695020e+00, v26;
	v15 =	vsel vm9, $0x4B, v15;
	v59 =	vpop (erf)  }
0xdd: {  	v9 =	vadd.f32 v52, v9;
	v52 =	vor.u32 $0x52, v4;
	v63 =	vpop (erf);
	(erf) = vpow2.f32 v60  }
0xde: {  	v13 =	vsel vm10, $0x4C, v13;
	vm11 =	vgt.f32 v26, v5;
	v32 =	vpop (erf);
	(erf) = vpow2.f32 v31  }
0xdf: {  	v5 =	vmax.f32 v5, v26;
	vm13 =	vgt.f32 v47, v8;
	v36 =	vpop (erf);
	(erf) = vpow2.f32 v33  }
0xe0: {  	v8 =	vmax.f32 v8, v47;
	vm14 =	vgt.f32 v51, v7;
	v7 =	vmax.f32 v7, v51  }
0xe1: {  	v10 =	vadd.f32 v54, v10;
	v54 =	vor.u32 $0x53, v4;
	v39 =	vpop (erf);
	(erf) = vpow2.f32 v40  }
0xe2: {  	v14 =	vsel vm11, $0x4D, v14;
	v15 =	vsel vm13, $0x4F, v15;
	v25 =	vld.idx.msk [tilespmem:v52+s3+$0x0], $0xffff;
	(erf) = vpow2.f32 v42  }
0xe3: {  	v13 =	vsel vm14, $0x50, v13;
	vm15 =	vgt.f32 v22, v5;
	v12 =	vadd.f32 v63, v12;
	v63 =	vld.idx.msk [tilespmem:v57+s3+$0x0], $0xffff  }
0xe4: {  	v5 =	vmax.f32 v5, v22;
	v53 =	vmul.f32 $1.442695020e+00, v18;
	(erf) = vpow2.f32 v44  }
0xe5: {  	v14 =	vsel vm15, $0x51, v14;
	v11 =	vadd.f32 v59, v11;
	v59 =	vmul.f32 $1.442695020e+00, v51  }
0xe6: {  	v52 =	vor.u32 $0x5C, v4;
	v9 =	vadd.f32 v32, v9;
	v32 =	vor.u32 $0x56, v4;
	v17 =	vld.idx.msk [tilespmem:v54+s3+$0x0], $0xffff;
	v43 =	vpop (erf)  }
0xe7: {  	v10 =	vadd.f32 v36, v10;
	v36 =	vld.idx.msk [tilespmem:v61+s3+$0x0], $0xffff;
	v34 =	vmul.f32 $1.442695020e+00, v25;
	vm4 =	vgt.f32 v25, v6;
	v46 =	vpop (erf)  }
0xe8: {  	v6 =	vmax.f32 v6, v25;
	vm2 =	vgt.f32 v63, v7;
	v49 =	vpop (erf);
	(erf) = vpow2.f32 v50  }
0xe9: {  	v7 =	vmax.f32 v7, v63;
	v16 =	vsel vm4, $0x52, v16;
	v13 =	vsel vm2, $0x54, v13  }
0xea: {  	vm8 =	vgt.f32 v19, v7;
	v7 =	vmax.f32 v7, v19;
	v55 =	vpop (erf);
	(erf) = vpow2.f32 v53  }
0xeb: {  	v11 =	vadd.f32 v39, v11;
	v39 =	vmul.f32 $1.442695020e+00, v63;
	v58 =	vpop (erf);
	(erf) = vpow2.f32 v56  }
0xec: {  	v24 =	vld.idx.msk [tilespmem:v32+s3+$0x0], $0xffff;
	v13 =	vsel vm8, $0x58, v13;
	v38 =	vmul.f32 $1.442695020e+00, v17;
	v27 =	vmul.f32 $1.442695020e+00, v36  }
0xed: {  	v44 =	vor.u32 $0x59, v4;
	vm1 =	vgt.f32 v17, v8;
	v60 =	vpop (erf);
	(erf) = vpow2.f32 v59  }
0xee: {  	v42 =	vld.idx.msk [tilespmem:v35+s3+$0x0], $0xffff;
	v8 =	vmax.f32 v8, v17;
	vm5 =	vgt.f32 v36, v5;
	(erf) = vpow2.f32 v62  }
0xef: {  	v5 =	vmax.f32 v5, v36;
	v9 =	vadd.f32 v46, v9;
	v46 =	vor.u32 $0x5A, v4  }
0xf0: {  	v12 =	vadd.f32 v43, v12;
	v15 =	vsel vm1, $0x53, v15;
	v14 =	vsel vm5, $0x55, v14  }
0xf1: {  	v45 =	vmul.f32 $1.442695020e+00, v24;
	vm6 =	vgt.f32 v24, v6;
	v33 =	vpop (erf);
	(erf) = vpow2.f32 v34  }
0xf2: {  	v6 =	vmax.f32 v6, v24;
	v10 =	vadd.f32 v49, v10;
	v51 =	vld.idx.msk [tilespmem:v44+s3+$0x0], $0xffff;
	v53 =	vor.u32 $0x5D, v4  }
0xf3: {  	v17 =	vld.idx.msk [tilespmem:v41+s3+$0x0], $0xffff;
	v49 =	vmul.f32 $1.442695020e+00, v42;
	vm7 =	vgt.f32 v42, v8;
	v8 =	vmax.f32 v8, v42;
	v37 =	vpop (erf)  }
0xf4: {  	v16 =	vsel vm6, $0x56, v16;
	v11 =	vadd.f32 v55, v11;
	v55 =	vld.idx.msk [tilespmem:v46+s3+$0x0], $0xffff;
	v40 =	vpop (erf);
	(erf) = vpow2.f32 v38  }
0xf5: {  	v15 =	vsel vm7, $0x57, v15;
	v56 =	vor.u32 $0x5E, v4;
	v59 =	vld.idx.msk [tilespmem:v52+s3+$0x0], $0xffff;
	(erf) = vpow2.f32 v39  }
0xf6: {  	v12 =	vadd.f32 v58, v12;
	v9 =	vadd.f32 v60, v9;
	v43 =	vpop (erf);
	(erf) = vpow2.f32 v27  }
0xf7: {  	v58 =	vmul.f32 $1.442695020e+00, v51;
	vm9 =	vgt.f32 v51, v5;
	v21 =	vld.idx.msk [tilespmem:v53+s3+$0x0], $0xffff;
	v47 =	vpop (erf);
	(erf) = vpow2.f32 v45  }
0xf8: {  	v5 =	vmax.f32 v5, v51;
	v51 =	vmul.f32 $1.442695020e+00, v17;
	v14 =	vsel vm9, $0x59, v14  }
0xf9: {  	v10 =	vadd.f32 v33, v10;
	v61 =	vmul.f32 $1.442695020e+00, v55;
	vm10 =	vgt.f32 v55, v6  }
0xfa: {  	v6 =	vmax.f32 v6, v55;
	v35 =	vmul.f32 $1.442695020e+00, v59;
	v27 =	vld.idx.msk [tilespmem:v48+s3+$0x0], $0xffff;
	v50 =	vpop (erf);
	(erf) = vpow2.f32 v49  }
0xfb: {  	v62 =	vld.idx.msk [tilespmem:v56+s3+$0x0], $0xffff;
	v16 =	vsel vm10, $0x5A, v16;
	vm12 =	vgt.f32 v59, v7;
	v7 =	vmax.f32 v7, v59  }
0xfc: {  	v33 =	vld.idx.msk [tilespmem:v30+s3+$0x0], $0xffff;
	v13 =	vsel vm12, $0x5C, v13;
	v11 =	vadd.f32 v37, v11;
	v36 =	vmul.f32 $1.442695020e+00, v21  }
0xfd: {  	vm13 =	vgt.f32 v21, v5;
	v5 =	vmax.f32 v5, v21;
	v12 =	vadd.f32 v40, v12;
	v54 =	vpop (erf)  }
0xfe: {  	v40 =	vor.u32 $0x60, v4;
	v9 =	vadd.f32 v43, v9;
	v57 =	vpop (erf);
	(erf) = vpow2.f32 v29  }
0xff: {  	v43 =	vor.u32 $0x62, v4;
	v32 =	vmul.f32 $1.442695020e+00, v27;
	v60 =	vpop (erf);
	(erf) = vpow2.f32 v58  }
0x100: {  	v37 =	vmul.f32 $1.442695020e+00, v62;
	v4 =	vor.u32 $0x63, v4;
	v63 =	vpop (erf);
	(erf) = vpow2.f32 v61  }
0x101: {  	v38 =	vmul.f32 $1.442695020e+00, v33;
	vm14 =	vgt.f32 v62, v6;
	(erf) = vpow2.f32 v32  }
0x102: {  	v6 =	vmax.f32 v6, v62;
	v14 =	vsel vm13, $0x5D, v14;
	(erf) = vpow2.f32 v35  }
0x103: {  	vm5 =	vgt.f32 v17, v5;
	v5 =	vmax.f32 v5, v17;
	v20 =	vld.idx.msk [tilespmem:v40+s3+$0x0], $0xffff;
	v34 =	vpop (erf);
	(erf) = vpow2.f32 v36  }
0x104: {  	v16 =	vsel vm14, $0x5E, v16;
	v14 =	vsel vm5, $0x61, v14;
	v19 =	vld.idx.msk [tilespmem:v43+s3+$0x0], $0xffff;
	(erf) = vpow2.f32 v37  }
0x105: {  	v10 =	vadd.f32 v47, v10;
	vm11 =	vgt.f32 v27, v8;
	v8 =	vmax.f32 v8, v27;
	v4 =	vld.idx.msk [tilespmem:v4+s3+$0x0], $0xffff  }
0x106: {  	v11 =	vadd.f32 v50, v11;
	v15 =	vsel vm11, $0x5B, v15;
	vm15 =	vgt.f32 v33, v8  }
0x107: {  	v8 =	vmax.f32 v8, v33;
	v15 =	vsel vm15, $0x5F, v15;
	v12 =	vadd.f32 v54, v12;
	v39 =	vpop (erf)  }
0x108: {  	v9 =	vadd.f32 v57, v9;
	v49 =	vmul.f32 $1.442695020e+00, v20;
	vm4 =	vgt.f32 v20, v7;
	v42 =	vpop (erf)  }
0x109: {  	v7 =	vmax.f32 v7, v20;
	v10 =	vadd.f32 v60, v10;
	v52 =	vmul.f32 $1.442695020e+00, v19;
	v44 =	vpop (erf)  }
0x10a: {  	v53 =	vmul.f32 $1.442695020e+00, v4;
	v13 =	vsel vm4, $0x60, v13;
	(erf) = vpow2.f32 v38;
	v45 =	vpop (erf)  }
0x10b: {  	vm6 =	vgt.f32 v19, v6;
	v6 =	vmax.f32 v6, v19;
	(erf) = vpow2.f32 v49;
	v46 =	vpop (erf)  }
0x10c: {  	vm7 =	vgt.f32 v4, v8;
	vm8 =	veq.f32 v5, v7;
	(erf) = vpow2.f32 v51;
	v47 =	vpop (erf)  }
0x10d: {  	v4 =	vmax.f32 v8, v4;
	vm9 =	vgt.f32 v5, v7;
	v48 =	vpop (erf);
	(erf) = vpow2.f32 v52  }
0x10e: {  	v11 =	vadd.f32 v63, v11;
	v16 =	vsel vm6, $0x62, v16;
	(erf) = vpow2.f32 v53  }
0x10f: {  	v15 =	vsel vm7, $0x63, v15;
	vm1 =	vlt.u32 v14, v13;
	vm10 =	veq.f32 v4, v6  }
0x110: {  	vm12 =	vgt.f32 v4, v6;
	vm0 =	vmand vm8, vm1;
	vm11 =	vlt.u32 v15, v16  }
0x111: {  	v12 =	vadd.f32 v34, v12;
	vm0 =	vmor vm9, vm0;
	vm1 =	vmand vm10, vm11  }
0x112: {  	v5 =	vsel vm0, v5, v7;
	vm1 =	vmor vm12, vm1;
	v58 =	vsel vm0, v14, v13  }
0x113: {  	v4 =	vsel vm1, v4, v6;
	v9 =	vadd.f32 v39, v9;
	v10 =	vadd.f32 v42, v10;
	v50 =	vpop (erf)  }
0x114: {  	v59 =	vsel vm1, v15, v16;
	v11 =	vadd.f32 v44, v11;
	v12 =	vadd.f32 v45, v12;
	v54 =	vpop (erf)  }
0x115: {  	vm13 =	veq.f32 v4, v5;
	v9 =	vadd.f32 v46, v9;
	v10 =	vadd.f32 v47, v10;
	v55 =	vpop (erf)  }
0x116: {  	vm1 =	vlt.u32 v59, v58;
	v11 =	vadd.f32 v48, v11;
	v12 =	vadd.f32 v50, v12;
	v57 =	vpop (erf)  }
0x117: {  	vm14 =	vgt.f32 v4, v5;
	v8 =	vadd.f32 v54, v9;
	v56 =	vadd.f32 v55, v10;
	v60 =	vpop (erf)  }
0x118: {  	vm0 =	vmand vm13, vm1;
	v7 =	vadd.f32 v57, v11;
	v11 =	vadd.f32 v60, v12  }
0x119: {  	vm0 =	vmor vm14, vm0  }
0x11a: {  	v4 =	vsel vm0, v4, v5;
	v5 =	vadd.f32 v56, v8;
	v7 =	vadd.f32 v11, v7  }
0x11b: {  	v4 =	vmul.f32 $1.442695020e+00, v4  }
0x11c: {  	v5 =	vadd.f32 v7, v5  }
0x11d: {  	(erf) = vpow2.f32 v4  }
0x11e: {  	(erf) = vrcp.f32 v5;
	_ =	sdelay $0x7  }
0x11f: {  	v4 =	vpop (erf)  }
0x120: {  	v5 =	vpop (erf)  }
0x121: {  	v4 =	vmul.f32 v4, v5;
	_ =	sdelay $0x1  }
0x122: {  	v5 =	vmul.f32 $1.500000000e+01, v4;
	_ =	sdelay $0x1  }
0x123: {  	v61 =	vtrunc.f32 v5  }
0x124: {  	v62 =	vcvt.f32.s32 v61;
	vm15 =	veq.f32 v5, v61  }
0x125: {  	v5 =	vld [tilespmem:s22+$0x0];
	v7 =	vsel vm15, $0xFFFFFFFF, v2  }
0x126: {  	v7 =	vadd.s32 v62, v7  }
0x127: {  	v8 =	vadd.s32 $0x10, v7  }
0x128: {  	p0 =	sne.s32 s21, $0x180;
	v63 =	vadd.s32 $0x20, v7  }
.Ltmp0:
0x129: {  	v6 =	vsel vm0, v59, v58;
	(pc) =	sbr.rel @p0 .LBB2_3-.Ltmp0, $4  }
0x12a: {  	vm0 =	veq.s32 v6, v5  }
0x12b: {  	v5 =	vsel vm0, $0x3F800000, v0;
	[tilespmem:v7+s15+$0x0] =	vst.idx.add.f32.msk $0xffff, v3  }
0x12c: {  	[tilespmem:v8+s15+$0x0] =	vst.idx.add.f32.msk $0xffff, v5  }
0x12d: {  	s21 =	sadd.s32 $0x10, s21;
	s22 =	sadd.s32 $0x10, s22;
	[tilespmem:v63+s15+$0x0] =	vst.idx.add.f32.msk $0xffff, v4  }
0x12e: {  	p0 =	seq.s32 s19, $0x4  }
0x12f: {  	s20 =	sadd.s32 @!p0 s20, s8  }
0x130: {  	s21 =	sshll.u32 @!p0 s20, $0x4  }
0x131: {  	s22 =	simm.s32 @!p0 $0x0;
	s20 =	sshrl.u32 @!p0 s20, $0x3;
	s21 =	sadd.s32 @!p0 s4, s21  }
0x132: {  	[tilespmem:s22], [sflag:$0x1] =	stream.linear.gather @!p0 [hbm4b:s21+s22], $0xC800, $0x38;
	[tilespmem:$0x19480] =	vst v63  }
0x133: {  	s20 =	sadd.s32 @!p0 s2, s20;
	s21 =	simm.s32 @!p0 $0x19000  }
0x134: {  	[tilespmem:s21], [sflag:$0x1] =	stream.linear.gather @!p0 [hbm4b:s20+s22], $0x190, $0x38;
	[tilespmem:$0x19480] =	vst v63  }
0x135: {  	_ =	swait.ge [sflag:s16], $0xC800  }
0x136: {  	[sflag:s16] =	ssyncset.done $0x0  }
0x137: {  	[sflag:s16] =	ssyncadd.s32 $0xFFFF3800  }
0x138: {  	_ =	swait.ge [sflag:s16], $0x190  }
0x139: {  	[sflag:s16] =	ssyncset.done $0x0  }
0x13a: {  	s20 =	simm.s32 $0x0;
	s21 =	simm.s32 $0x19200;
	[sflag:s16] =	ssyncadd.s32 $0xFFFFFE70  }
.LBB2_5:
0x13b: {  	v4 =	vmov s20  }
0x13c: {  	v4 =	vshll.u32 v4, $0x7  }
0x13d: {  	v4 =	vor.u32 v1, v4  }
0x13e: {  	v5 =	vor.u32 $0x1, v4  }
0x13f: {  	v6 =	vor.u32 $0x2, v4  }
0x140: {  	v8 =	vor.u32 $0x3, v4  }
0x141: {  	v9 =	vor.u32 $0x4, v4  }
0x142: {  	v11 =	vor.u32 $0x5, v4;
	v7 =	vld.idx.msk [tilespmem:v4+s12+$0x0], $0xffff  }
0x143: {  	v14 =	vor.u32 $0x8, v4;
	v5 =	vld.idx.msk [tilespmem:v5+s12+$0x0], $0xffff  }
0x144: {  	v16 =	vor.u32 $0x9, v4;
	v6 =	vld.idx.msk [tilespmem:v6+s12+$0x0], $0xffff  }
0x145: {  	v18 =	vor.u32 $0xA, v4;
	v8 =	vld.idx.msk [tilespmem:v8+s12+$0x0], $0xffff  }
0x146: {  	v22 =	vor.u32 $0xB, v4;
	v9 =	vld.idx.msk [tilespmem:v9+s12+$0x0], $0xffff  }
0x147: {  	v25 =	vor.u32 $0xC, v4;
	v11 =	vld.idx.msk [tilespmem:v11+s12+$0x0], $0xffff  }
0x148: {  	v27 =	vor.u32 $0xD, v4;
	v56 =	vld.idx.msk [tilespmem:v14+s12+$0x0], $0xffff  }
0x149: {  	v52 =	vor.u32 $0x6, v4;
	v53 =	vor.u32 $0x7, v4;
	v16 =	vld.idx.msk [tilespmem:v16+s12+$0x0], $0xffff  }
0x14a: {  	v28 =	vor.u32 $0xE, v4;
	v40 =	vor.u32 $0xF, v4;
	v42 =	vor.u32 $0x10, v4;
	v18 =	vld.idx.msk [tilespmem:v18+s12+$0x0], $0xffff  }
0x14b: {  	v48 =	vor.u32 $0x11, v4;
	v62 =	vld.idx.msk [tilespmem:v22+s12+$0x0], $0xffff;
	v10 =	vmul.f32 $1.442695020e+00, v7;
	v51 =	vmul.f32 $1.442695020e+00, v5  }
0x14c: {  	v35 =	vld.idx.msk [tilespmem:v25+s12+$0x0], $0xffff;
	v7 =	vmax.f32 v7, $-3.000000010e+38;
	v12 =	vmul.f32 $1.442695020e+00, v6;
	v13 =	vmul.f32 $1.442695020e+00, v8  }
0x14d: {  	v37 =	vld.idx.msk [tilespmem:v27+s12+$0x0], $0xffff;
	v54 =	vmul.f32 $1.442695020e+00, v9;
	vm0 =	vgt.f32 v5, $-3.000000010e+38;
	v55 =	vmul.f32 $1.442695020e+00, v11  }
0x14e: {  	v5 =	vmax.f32 v5, $-3.000000010e+38;
	vm8 =	vgt.f32 v6, $-3.000000010e+38;
	v6 =	vmax.f32 v6, $-3.000000010e+38  }
0x14f: {  	vm9 =	vgt.f32 v8, $-3.000000010e+38;
	v8 =	vmax.f32 v8, $-3.000000010e+38;
	v60 =	vmul.f32 $1.442695020e+00, v56  }
0x150: {  	vm10 =	vgt.f32 v9, v7;
	v32 =	vmul.f32 $1.442695020e+00, v16;
	v34 =	vmul.f32 $1.442695020e+00, v18  }
0x151: {  	v7 =	vmax.f32 v7, v9;
	v39 =	vmul.f32 $1.442695020e+00, v62;
	v46 =	vmul.f32 $1.442695020e+00, v35  }
0x152: {  	v44 =	vld.idx.msk [tilespmem:v28+s12+$0x0], $0xffff;
	v27 =	vmul.f32 $1.442695020e+00, v37;
	(erf) = vpow2.f32 v10;
	v17 =	vsel vm0, $0x1, v2  }
0x153: {  	v58 =	vsel vm8, $0x2, v2;
	v23 =	vsel vm9, $0x3, v2;
	v26 =	vsel vm10, $0x4, v2  }
0x154: {  	vm11 =	vgt.f32 v11, v5;
	v5 =	vmax.f32 v5, v11;
	vm14 =	vgt.f32 v56, v7  }
0x155: {  	v10 =	vld.idx.msk [tilespmem:v52+s12+$0x0], $0xffff;
	v7 =	vmax.f32 v7, v56;
	v52 =	vor.u32 $0x12, v4;
	(erf) = vpow2.f32 v51  }
0x156: {  	v56 =	vld.idx.msk [tilespmem:v48+s12+$0x0], $0xffff;
	v63 =	vsel vm11, $0x5, v17;
	v45 =	vsel vm14, $0x8, v26;
	vm15 =	vgt.f32 v16, v5  }
0x157: {  	v5 =	vmax.f32 v5, v16;
	v51 =	vmul.f32 $1.442695020e+00, v44;
	(erf) = vpow2.f32 v12  }
0x158: {  	v16 =	vld.idx.msk [tilespmem:v42+s12+$0x0], $0xffff;
	vm6 =	vgt.f32 v35, v7;
	v7 =	vmax.f32 v7, v35;
	(erf) = vpow2.f32 v13  }
0x159: {  	v12 =	vld.idx.msk [tilespmem:v53+s12+$0x0], $0xffff;
	vm7 =	vgt.f32 v37, v5;
	v5 =	vmax.f32 v5, v37;
	(erf) = vpow2.f32 v54  }
0x15a: {  	v54 =	vor.u32 $0x13, v4;
	(erf) = vpow2.f32 v55;
	v21 =	vmul.f32 $1.442695020e+00, v10  }
0x15b: {  	vm12 =	vgt.f32 v10, v6;
	v6 =	vmax.f32 v6, v10;
	vm11 =	vgt.f32 v56, v5  }
0x15c: {  	v5 =	vmax.f32 v5, v56;
	v36 =	vsel vm12, $0x6, v58;
	vm4 =	vgt.f32 v18, v6  }
0x15d: {  	v49 =	vld.idx.msk [tilespmem:v40+s12+$0x0], $0xffff;
	v6 =	vmax.f32 v6, v18;
	v58 =	vor.u32 $0x14, v4;
	vm10 =	vgt.f32 v16, v7  }
0x15e: {  	v7 =	vmax.f32 v7, v16;
	v59 =	vmul.f32 $1.442695020e+00, v12;
	vm13 =	vgt.f32 v12, v8  }
0x15f: {  	v8 =	vmax.f32 v8, v12;
	v17 =	vsel vm4, $0xA, v36;
	v36 =	vor.u32 $0x16, v4  }
0x160: {  	vm8 =	vgt.f32 v44, v6;
	v6 =	vmax.f32 v6, v44;
	v41 =	vsel vm13, $0x7, v23;
	v15 =	vpop (erf)  }
0x161: {  	vm5 =	vgt.f32 v62, v8;
	v8 =	vmax.f32 v8, v62;
	v62 =	vsel vm6, $0xC, v45;
	v19 =	vpop (erf)  }
0x162: {  	v17 =	vsel vm8, $0xE, v17;
	vm9 =	vgt.f32 v49, v8;
	v20 =	vpop (erf);
	(erf) = vpow2.f32 v21  }
0x163: {  	v15 =	vadd.f32 $0.0e+00, v15;
	v57 =	vadd.f32 $0.0e+00, v19;
	v25 =	vld.idx.msk [tilespmem:v58+s12+$0x0], $0xffff;
	v24 =	vpop (erf);
	(erf) = vpow2.f32 v59  }
0x164: {  	v8 =	vmax.f32 v8, v49;
	v20 =	vadd.f32 $0.0e+00, v20;
	v44 =	vld.idx.msk [tilespmem:v36+s12+$0x0], $0xffff;
	v24 =	vadd.f32 $0.0e+00, v24;
	v61 =	vpop (erf)  }
0x165: {  	(erf) = vpow2.f32 v60;
	v60 =	vmul.f32 $1.442695020e+00, v16;
	v9 =	vadd.f32 v61, v15;
	v61 =	vld.idx.msk [tilespmem:v52+s12+$0x0], $0xffff  }
0x166: {  	v33 =	vpop (erf);
	(erf) = vpow2.f32 v32;
	v15 =	vsel vm15, $0x9, v63;
	v63 =	vld.idx.msk [tilespmem:v54+s12+$0x0], $0xffff;
	v52 =	vor.u32 $0x1A, v4  }
0x167: {  	v11 =	vadd.f32 v33, v57;
	(erf) = vpow2.f32 v34;
	v57 =	vmul.f32 $1.442695020e+00, v49  }
0x168: {  	v33 =	vmul.f32 $1.442695020e+00, v56;
	v34 =	vor.u32 $0x15, v4;
	v15 =	vsel vm7, $0xD, v15  }
0x169: {  	v15 =	vsel vm11, $0x11, v15;
	vm14 =	vgt.f32 v25, v7;
	v7 =	vmax.f32 v7, v25  }
0x16a: {  	v28 =	vmul.f32 $1.442695020e+00, v44;
	vm12 =	vgt.f32 v61, v6;
	v6 =	vmax.f32 v6, v61  }
0x16b: {  	vm13 =	vgt.f32 v63, v8;
	v8 =	vmax.f32 v8, v63;
	v38 =	vpop (erf);
	v17 =	vsel vm12, $0x12, v17  }
0x16c: {  	vm4 =	vgt.f32 v44, v6;
	v6 =	vmax.f32 v6, v44;
	v43 =	vpop (erf);
	(erf) = vpow2.f32 v39  }
0x16d: {  	v19 =	vadd.f32 v38, v20;
	v20 =	vsel vm5, $0xB, v41;
	v39 =	vor.u32 $0x17, v4  }
0x16e: {  	v38 =	vmul.f32 $1.442695020e+00, v61;
	(erf) = vpow2.f32 v46;
	v46 =	vor.u32 $0x18, v4  }
0x16f: {  	v42 =	vld.idx.msk [tilespmem:v34+s12+$0x0], $0xffff;
	v41 =	vmul.f32 $1.442695020e+00, v63;
	v63 =	vor.u32 $0x1D, v4;
	v47 =	vpop (erf);
	(erf) = vpow2.f32 v27  }
0x170: {  	v17 =	vsel vm4, $0x16, v17;
	v12 =	vadd.f32 v43, v24;
	v20 =	vsel vm9, $0xF, v20  }
0x171: {  	v43 =	vmul.f32 $1.442695020e+00, v25;
	v9 =	vadd.f32 v47, v9;
	v50 =	vpop (erf);
	(erf) = vpow2.f32 v51  }
0x172: {  	v47 =	vsel vm10, $0x10, v62;
	v20 =	vsel vm13, $0x13, v20;
	v11 =	vadd.f32 v50, v11;
	v53 =	vpop (erf);
	v49 =	vld.idx.msk [tilespmem:v39+s12+$0x0], $0xffff  }
0x173: {  	v50 =	vor.u32 $0x19, v4;
	v13 =	vsel vm14, $0x14, v47;
	v55 =	vadd.f32 v53, v19;
	v54 =	vld.idx.msk [tilespmem:v46+s12+$0x0], $0xffff  }
0x174: {  	(erf) = vpow2.f32 v57;
	v51 =	vmul.f32 $1.442695020e+00, v42;
	vm15 =	vgt.f32 v42, v5  }
0x175: {  	v57 =	vor.u32 $0x1B, v4;
	v5 =	vmax.f32 v5, v42;
	v15 =	vsel vm15, $0x15, v15;
	v59 =	vpop (erf)  }
0x176: {  	(erf) = vpow2.f32 v60;
	v60 =	vor.u32 $0x1C, v4;
	v12 =	vadd.f32 v59, v12  }
0x177: {  	v32 =	vpop (erf);
	v59 =	vld.idx.msk [tilespmem:v52+s12+$0x0], $0xffff;
	vm5 =	vgt.f32 v49, v8;
	v8 =	vmax.f32 v8, v49;
	v52 =	vor.u32 $0x23, v4  }
0x178: {  	v16 =	vld.idx.msk [tilespmem:v50+s12+$0x0], $0xffff;
	v9 =	vadd.f32 v32, v9;
	v35 =	vpop (erf);
	(erf) = vpow2.f32 v33;
	v62 =	vmul.f32 $1.442695020e+00, v54  }
0x179: {  	v20 =	vsel vm5, $0x17, v20;
	vm6 =	vgt.f32 v54, v7;
	v7 =	vmax.f32 v7, v54  }
0x17a: {  	v32 =	vld.idx.msk [tilespmem:v57+s12+$0x0], $0xffff;
	v57 =	vor.u32 $0x24, v4;
	v37 =	vadd.f32 v35, v11;
	v40 =	vpop (erf);
	(erf) = vpow2.f32 v38  }
0x17b: {  	v35 =	vor.u32 $0x1E, v4;
	v38 =	vor.u32 $0x1F, v4;
	v13 =	vsel vm6, $0x18, v13  }
0x17c: {  	v18 =	vadd.f32 v40, v55;
	(erf) = vpow2.f32 v41;
	v55 =	vmul.f32 $1.442695020e+00, v49  }
0x17d: {  	v45 =	vpop (erf);
	v31 =	vmul.f32 $1.442695020e+00, v16;
	v40 =	vor.u32 $0x20, v4;
	vm7 =	vgt.f32 v16, v5  }
0x17e: {  	v5 =	vmax.f32 v5, v16;
	v12 =	vadd.f32 v45, v12;
	v14 =	vld.idx.msk [tilespmem:v60+s12+$0x0], $0xffff;
	v45 =	vor.u32 $0x21, v4  }
0x17f: {  	v15 =	vsel vm7, $0x19, v15;
	v33 =	vmul.f32 $1.442695020e+00, v59;
	vm8 =	vgt.f32 v59, v6  }
0x180: {  	v6 =	vmax.f32 v6, v59;
	v59 =	vor.u32 $0x25, v4;
	v27 =	vmul.f32 $1.442695020e+00, v32  }
0x181: {  	v49 =	vsel vm8, $0x1A, v17;
	vm9 =	vgt.f32 v32, v8;
	v8 =	vmax.f32 v8, v32;
	v21 =	vld.idx.msk [tilespmem:v35+s12+$0x0], $0xffff  }
0x182: {  	v32 =	vor.u32 $0x27, v4;
	v44 =	vld.idx.msk [tilespmem:v38+s12+$0x0], $0xffff;
	v20 =	vsel vm9, $0x1B, v20;
	v48 =	vpop (erf);
	(erf) = vpow2.f32 v43  }
0x183: {  	v9 =	vadd.f32 v48, v9;
	(erf) = vpow2.f32 v51;
	v41 =	vmul.f32 $1.442695020e+00, v14  }
0x184: {  	v46 =	vld.idx.msk [tilespmem:v40+s12+$0x0], $0xffff;
	v48 =	vor.u32 $0x22, v4;
	vm10 =	vgt.f32 v14, v7;
	v7 =	vmax.f32 v7, v14;
	v53 =	vpop (erf)  }
0x185: {  	v26 =	vld.idx.msk [tilespmem:v57+s12+$0x0], $0xffff;
	(erf) = vpow2.f32 v28;
	v13 =	vsel vm10, $0x1C, v13;
	v10 =	vadd.f32 v53, v37;
	v56 =	vpop (erf)  }
0x186: {  	(erf) = vpow2.f32 v55;
	v37 =	vld.idx.msk [tilespmem:v63+s12+$0x0], $0xffff;
	v63 =	vor.u32 $0x26, v4;
	v18 =	vadd.f32 v56, v18  }
0x187: {  	v24 =	vld.idx.msk [tilespmem:v59+s12+$0x0], $0xffff;
	v51 =	vmul.f32 $1.442695020e+00, v21;
	v53 =	vmul.f32 $1.442695020e+00, v44;
	vm12 =	vgt.f32 v21, v6  }
0x188: {  	v58 =	vpop (erf);
	v6 =	vmax.f32 v6, v21;
	vm13 =	vgt.f32 v44, v8;
	v8 =	vmax.f32 v8, v44  }
0x189: {  	v12 =	vadd.f32 v58, v12;
	v54 =	vmul.f32 $1.442695020e+00, v46;
	v16 =	vsel vm12, $0x1E, v49  }
0x18a: {  	v25 =	vld.idx.msk [tilespmem:v45+s12+$0x0], $0xffff;
	v20 =	vsel vm13, $0x1F, v20;
	vm14 =	vgt.f32 v46, v7;
	v7 =	vmax.f32 v7, v46  }
0x18b: {  	v49 =	vor.u32 $0x2C, v4;
	v13 =	vsel vm14, $0x20, v13;
	vm6 =	vgt.f32 v26, v7  }
0x18c: {  	v7 =	vmax.f32 v7, v26;
	v38 =	vmul.f32 $1.442695020e+00, v24;
	v13 =	vsel vm6, $0x24, v13  }
0x18d: {  	v42 =	vmul.f32 $1.442695020e+00, v37;
	vm11 =	vgt.f32 v37, v5;
	v5 =	vmax.f32 v5, v37  }
0x18e: {  	v56 =	vld.idx.msk [tilespmem:v48+s12+$0x0], $0xffff;
	v37 =	vor.u32 $0x29, v4;
	v61 =	vpop (erf);
	(erf) = vpow2.f32 v62;
	v60 =	vsel vm11, $0x1D, v15  }
0x18f: {  	v62 =	vmul.f32 $1.442695020e+00, v25;
	vm15 =	vgt.f32 v25, v5;
	v5 =	vmax.f32 v5, v25;
	v34 =	vpop (erf)  }
0x190: {  	v11 =	vld.idx.msk [tilespmem:v63+s12+$0x0], $0xffff;
	v9 =	vadd.f32 v61, v9;
	(erf) = vpow2.f32 v31;
	v14 =	vsel vm15, $0x21, v60;
	v36 =	vpop (erf)  }
0x191: {  	vm7 =	vgt.f32 v24, v5;
	v57 =	vld.idx.msk [tilespmem:v49+s12+$0x0], $0xffff;
	(erf) = vpow2.f32 v33;
	v33 =	vor.u32 $0x28, v4;
	v39 =	vpop (erf)  }
0x192: {  	v5 =	vmax.f32 v5, v24;
	(erf) = vpow2.f32 v27;
	v12 =	vadd.f32 v39, v12;
	v39 =	vld.idx.msk [tilespmem:v32+s12+$0x0], $0xffff  }
0x193: {  	v10 =	vadd.f32 v34, v10;
	v29 =	vmul.f32 $1.442695020e+00, v56;
	vm4 =	vgt.f32 v56, v6;
	v15 =	vld.idx.msk [tilespmem:v37+s12+$0x0], $0xffff  }
0x194: {  	v6 =	vmax.f32 v6, v56;
	v14 =	vsel vm7, $0x25, v14;
	v18 =	vadd.f32 v36, v18  }
0x195: {  	v36 =	vmul.f32 $1.442695020e+00, v26;
	v16 =	vsel vm4, $0x22, v16;
	(erf) = vpow2.f32 v41  }
0x196: {  	v41 =	vmul.f32 $1.442695020e+00, v11;
	vm8 =	vgt.f32 v11, v6;
	v6 =	vmax.f32 v6, v11;
	v21 =	vld.idx.msk [tilespmem:v33+s12+$0x0], $0xffff  }
0x197: {  	v16 =	vsel vm8, $0x26, v16;
	v33 =	vmul.f32 $1.442695020e+00, v57;
	v43 =	vpop (erf);
	(erf) = vpow2.f32 v42  }
0x198: {  	v42 =	vor.u32 $0x2A, v4;
	v46 =	vmul.f32 $1.442695020e+00, v39;
	vm11 =	vgt.f32 v15, v5  }
0x199: {  	v5 =	vmax.f32 v5, v15;
	v9 =	vadd.f32 v43, v9;
	v47 =	vpop (erf);
	v43 =	vor.u32 $0x2B, v4  }
0x19a: {  	v14 =	vsel vm11, $0x29, v14;
	v10 =	vadd.f32 v47, v10;
	v50 =	vpop (erf);
	(erf) = vpow2.f32 v51  }
0x19b: {  	v17 =	vadd.f32 v50, v18;
	v55 =	vpop (erf);
	(erf) = vpow2.f32 v53;
	v18 =	vld.idx.msk [tilespmem:v52+s12+$0x0], $0xffff;
	v48 =	vmul.f32 $1.442695020e+00, v21  }
0x19c: {  	v53 =	vmul.f32 $1.442695020e+00, v15;
	vm10 =	vgt.f32 v21, v7;
	v7 =	vmax.f32 v7, v21  }
0x19d: {  	v12 =	vadd.f32 v55, v12;
	(erf) = vpow2.f32 v54;
	v54 =	vor.u32 $0x2D, v4  }
0x19e: {  	v58 =	vpop (erf);
	v55 =	vor.u32 $0x2E, v4;
	v13 =	vsel vm10, $0x28, v13;
	vm14 =	vgt.f32 v57, v7;
	v50 =	vld.idx.msk [tilespmem:v42+s12+$0x0], $0xffff  }
0x19f: {  	v7 =	vmax.f32 v7, v57;
	v57 =	vor.u32 $0x36, v4;
	v9 =	vadd.f32 v58, v9  }
0x1a0: {  	v13 =	vsel vm14, $0x2C, v13;
	v51 =	vld.idx.msk [tilespmem:v43+s12+$0x0], $0xffff;
	v31 =	vmul.f32 $1.442695020e+00, v18;
	vm5 =	vgt.f32 v18, v8  }
0x1a1: {  	v8 =	vmax.f32 v8, v18;
	v61 =	vpop (erf);
	(erf) = vpow2.f32 v62;
	v45 =	vsel vm5, $0x23, v20  }
0x1a2: {  	vm9 =	vgt.f32 v39, v8;
	v8 =	vmax.f32 v8, v39;
	v39 =	vor.u32 $0x32, v4  }
0x1a3: {  	v10 =	vadd.f32 v61, v10;
	v58 =	vmul.f32 $1.442695020e+00, v50;
	v61 =	vor.u32 $0x2F, v4  }
0x1a4: {  	v19 =	vsel vm9, $0x27, v45;
	vm12 =	vgt.f32 v50, v6;
	v6 =	vmax.f32 v6, v50  }
0x1a5: {  	v62 =	vld.idx.msk [tilespmem:v54+s12+$0x0], $0xffff;
	v50 =	vor.u32 $0x35, v4;
	v30 =	vpop (erf);
	(erf) = vpow2.f32 v29;
	v60 =	vmul.f32 $1.442695020e+00, v51  }
0x1a6: {  	v63 =	vld.idx.msk [tilespmem:v55+s12+$0x0], $0xffff;
	v16 =	vsel vm12, $0x2A, v16;
	vm13 =	vgt.f32 v51, v8;
	v8 =	vmax.f32 v8, v51  }
0x1a7: {  	v17 =	vadd.f32 v30, v17;
	v34 =	vpop (erf);
	(erf) = vpow2.f32 v31;
	v19 =	vsel vm13, $0x2B, v19  }
0x1a8: {  	v12 =	vadd.f32 v34, v12;
	v35 =	vpop (erf);
	(erf) = vpow2.f32 v36;
	v34 =	vor.u32 $0x30, v4;
	v24 =	vld.idx.msk [tilespmem:v39+s12+$0x0], $0xffff  }
0x1a9: {  	v36 =	vor.u32 $0x31, v4;
	v9 =	vadd.f32 v35, v9;
	(erf) = vpow2.f32 v38;
	v37 =	vld.idx.msk [tilespmem:v61+s12+$0x0], $0xffff  }
0x1aa: {  	v38 =	vmul.f32 $1.442695020e+00, v62;
	vm15 =	vgt.f32 v62, v5;
	v5 =	vmax.f32 v5, v62;
	v23 =	vld.idx.msk [tilespmem:v50+s12+$0x0], $0xffff  }
0x1ab: {  	vm4 =	vgt.f32 v63, v6;
	v6 =	vmax.f32 v6, v63;
	v14 =	vsel vm15, $0x2D, v14  }
0x1ac: {  	v16 =	vsel vm4, $0x2E, v16;
	v61 =	vor.u32 $0x38, v4;
	v40 =	vpop (erf);
	(erf) = vpow2.f32 v41  }
0x1ad: {  	v41 =	vmul.f32 $1.442695020e+00, v63;
	v42 =	vld.idx.msk [tilespmem:v34+s12+$0x0], $0xffff;
	v10 =	vadd.f32 v40, v10;
	v54 =	vmul.f32 $1.442695020e+00, v24  }
0x1ae: {  	v43 =	vld.idx.msk [tilespmem:v36+s12+$0x0], $0xffff;
	vm8 =	vgt.f32 v24, v6;
	v6 =	vmax.f32 v6, v24;
	v45 =	vmul.f32 $1.442695020e+00, v37  }
0x1af: {  	v44 =	vpop (erf);
	vm5 =	vgt.f32 v37, v8;
	v8 =	vmax.f32 v8, v37;
	v30 =	vmul.f32 $1.442695020e+00, v23  }
0x1b0: {  	v63 =	vld.idx.msk [tilespmem:v57+s12+$0x0], $0xffff;
	v16 =	vsel vm8, $0x32, v16;
	v17 =	vadd.f32 v44, v17;
	v47 =	vpop (erf);
	(erf) = vpow2.f32 v46  }
0x1b1: {  	v46 =	vor.u32 $0x33, v4;
	v19 =	vsel vm5, $0x2F, v19;
	(erf) = vpow2.f32 v48;
	v52 =	vpop (erf)  }
0x1b2: {  	v12 =	vadd.f32 v47, v12;
	v48 =	vor.u32 $0x34, v4;
	v56 =	vpop (erf);
	(erf) = vpow2.f32 v53  }
0x1b3: {  	v9 =	vadd.f32 v52, v9;
	v49 =	vmul.f32 $1.442695020e+00, v42;
	v52 =	vmul.f32 $1.442695020e+00, v43  }
0x1b4: {  	vm6 =	vgt.f32 v42, v7;
	v7 =	vmax.f32 v7, v42;
	vm7 =	vgt.f32 v43, v5  }
0x1b5: {  	v5 =	vmax.f32 v5, v43;
	v37 =	vmul.f32 $1.442695020e+00, v63;
	v43 =	vor.u32 $0x3C, v4  }
0x1b6: {  	vm12 =	vgt.f32 v63, v6;
	v6 =	vmax.f32 v6, v63;
	v10 =	vadd.f32 v56, v10;
	v53 =	vld.idx.msk [tilespmem:v46+s12+$0x0], $0xffff  }
0x1b7: {  	(erf) = vpow2.f32 v58;
	v13 =	vsel vm6, $0x30, v13;
	v14 =	vsel vm7, $0x31, v14  }
0x1b8: {  	vm11 =	vgt.f32 v23, v5;
	v5 =	vmax.f32 v5, v23;
	v16 =	vsel vm12, $0x36, v16  }
0x1b9: {  	v14 =	vsel vm11, $0x35, v14;
	v46 =	vor.u32 $0x3D, v4;
	v59 =	vpop (erf);
	(erf) = vpow2.f32 v60;
	v55 =	vld.idx.msk [tilespmem:v48+s12+$0x0], $0xffff  }
0x1ba: {  	v48 =	vor.u32 $0x3E, v4;
	v11 =	vadd.f32 v59, v17;
	v59 =	vor.u32 $0x37, v4;
	v32 =	vpop (erf)  }
0x1bb: {  	v34 =	vld.idx.msk [tilespmem:v61+s12+$0x0], $0xffff;
	v12 =	vadd.f32 v32, v12;
	v35 =	vpop (erf);
	(erf) = vpow2.f32 v33;
	v60 =	vmul.f32 $1.442695020e+00, v53  }
0x1bc: {  	v32 =	vor.u32 $0x39, v4;
	vm9 =	vgt.f32 v53, v8;
	v8 =	vmax.f32 v8, v53  }
0x1bd: {  	v18 =	vld.idx.msk [tilespmem:v43+s12+$0x0], $0xffff;
	v53 =	vor.u32 $0x3F, v4;
	v9 =	vadd.f32 v35, v9;
	v40 =	vpop (erf);
	(erf) = vpow2.f32 v38  }
0x1be: {  	v28 =	vmul.f32 $1.442695020e+00, v55;
	v35 =	vor.u32 $0x3A, v4;
	v38 =	vor.u32 $0x3B, v4  }
0x1bf: {  	v19 =	vsel vm9, $0x33, v19;
	vm10 =	vgt.f32 v55, v7;
	v7 =	vmax.f32 v7, v55  }
0x1c0: {  	v10 =	vadd.f32 v40, v10;
	(erf) = vpow2.f32 v41;
	v17 =	vld.idx.msk [tilespmem:v59+s12+$0x0], $0xffff;
	v41 =	vmul.f32 $1.442695020e+00, v34  }
0x1c1: {  	v13 =	vsel vm10, $0x34, v13;
	vm14 =	vgt.f32 v34, v7;
	v7 =	vmax.f32 v7, v34  }
0x1c2: {  	v44 =	vpop (erf);
	v59 =	vor.u32 $0x41, v4;
	v13 =	vsel vm14, $0x38, v13;
	vm6 =	vgt.f32 v18, v7;
	v40 =	vld.idx.msk [tilespmem:v32+s12+$0x0], $0xffff  }
0x1c3: {  	v11 =	vadd.f32 v44, v11;
	v7 =	vmax.f32 v7, v18;
	v13 =	vsel vm6, $0x3C, v13;
	v47 =	vpop (erf);
	v25 =	vld.idx.msk [tilespmem:v53+s12+$0x0], $0xffff  }
0x1c4: {  	(erf) = vpow2.f32 v45;
	v32 =	vor.u32 $0x43, v4;
	v12 =	vadd.f32 v47, v12;
	v15 =	vld.idx.msk [tilespmem:v35+s12+$0x0], $0xffff  }
0x1c5: {  	(erf) = vpow2.f32 v49;
	v45 =	vld.idx.msk [tilespmem:v38+s12+$0x0], $0xffff;
	v38 =	vor.u32 $0x45, v4;
	v39 =	vmul.f32 $1.442695020e+00, v17  }
0x1c6: {  	vm13 =	vgt.f32 v17, v8;
	v8 =	vmax.f32 v8, v17;
	v51 =	vpop (erf);
	(erf) = vpow2.f32 v52  }
0x1c7: {  	v19 =	vsel vm13, $0x37, v19;
	v9 =	vadd.f32 v51, v9;
	v56 =	vpop (erf);
	(erf) = vpow2.f32 v54  }
0x1c8: {  	v17 =	vld.idx.msk [tilespmem:v59+s12+$0x0], $0xffff;
	v27 =	vmul.f32 $1.442695020e+00, v40;
	vm15 =	vgt.f32 v40, v5;
	v5 =	vmax.f32 v5, v40  }
0x1c9: {  	v54 =	vld.idx.msk [tilespmem:v48+s12+$0x0], $0xffff;
	v35 =	vmul.f32 $1.442695020e+00, v25;
	v48 =	vor.u32 $0x48, v4;
	v58 =	vpop (erf);
	(erf) = vpow2.f32 v60  }
0x1ca: {  	v10 =	vadd.f32 v56, v10;
	v49 =	vmul.f32 $1.442695020e+00, v15;
	v50 =	vmul.f32 $1.442695020e+00, v45  }
0x1cb: {  	v52 =	vld.idx.msk [tilespmem:v46+s12+$0x0], $0xffff;
	v56 =	vor.u32 $0x40, v4;
	v14 =	vsel vm15, $0x39, v14;
	vm4 =	vgt.f32 v15, v6  }
0x1cc: {  	v6 =	vmax.f32 v6, v15;
	vm5 =	vgt.f32 v45, v8;
	v8 =	vmax.f32 v8, v45  }
0x1cd: {  	v45 =	vor.u32 $0x47, v4;
	v11 =	vadd.f32 v58, v11;
	v62 =	vpop (erf);
	(erf) = vpow2.f32 v28  }
0x1ce: {  	v24 =	vld.idx.msk [tilespmem:v32+s12+$0x0], $0xffff;
	v58 =	vmul.f32 $1.442695020e+00, v18;
	v16 =	vsel vm4, $0x3A, v16;
	v40 =	vmul.f32 $1.442695020e+00, v17;
	v31 =	vpop (erf)  }
0x1cf: {  	vm9 =	vgt.f32 v25, v8;
	v8 =	vmax.f32 v8, v25;
	v33 =	vpop (erf);
	(erf) = vpow2.f32 v30  }
0x1d0: {  	v18 =	vld.idx.msk [tilespmem:v38+s12+$0x0], $0xffff;
	v38 =	vor.u32 $0x4E, v4;
	v60 =	vmul.f32 $1.442695020e+00, v52;
	vm7 =	vgt.f32 v52, v5  }
0x1d1: {  	v5 =	vmax.f32 v5, v52;
	v12 =	vadd.f32 v62, v12;
	v61 =	vmul.f32 $1.442695020e+00, v54  }
0x1d2: {  	v14 =	vsel vm7, $0x3D, v14;
	vm8 =	vgt.f32 v54, v6;
	v6 =	vmax.f32 v6, v54  }
0x1d3: {  	v46 =	vmul.f32 $1.442695020e+00, v24;
	vm11 =	vgt.f32 v17, v5;
	v5 =	vmax.f32 v5, v17  }
0x1d4: {  	vm13 =	vgt.f32 v24, v8;
	v8 =	vmax.f32 v8, v24;
	v36 =	vpop (erf);
	(erf) = vpow2.f32 v37  }
0x1d5: {  	v9 =	vadd.f32 v31, v9;
	v63 =	vld.idx.msk [tilespmem:v56+s12+$0x0], $0xffff;
	v16 =	vsel vm8, $0x3E, v16;
	v42 =	vpop (erf);
	(erf) = vpow2.f32 v39  }
0x1d6: {  	v20 =	vld.idx.msk [tilespmem:v45+s12+$0x0], $0xffff;
	v14 =	vsel vm11, $0x41, v14;
	v30 =	vor.u32 $0x42, v4;
	v44 =	vpop (erf);
	(erf) = vpow2.f32 v41  }
0x1d7: {  	v56 =	vld.idx.msk [tilespmem:v48+s12+$0x0], $0xffff;
	v45 =	vor.u32 $0x50, v4;
	v48 =	vor.u32 $0x51, v4;
	v53 =	vmul.f32 $1.442695020e+00, v18  }
0x1d8: {  	vm15 =	vgt.f32 v18, v5;
	v10 =	vadd.f32 v33, v10;
	v47 =	vpop (erf);
	(erf) = vpow2.f32 v27  }
0x1d9: {  	v33 =	vsel vm5, $0x3B, v19;
	v11 =	vadd.f32 v36, v11;
	v36 =	vor.u32 $0x44, v4  }
0x1da: {  	v5 =	vmax.f32 v5, v18;
	v14 =	vsel vm15, $0x45, v14;
	v15 =	vsel vm9, $0x3F, v33  }
0x1db: {  	v12 =	vadd.f32 v42, v12;
	v37 =	vmul.f32 $1.442695020e+00, v63;
	vm10 =	vgt.f32 v63, v7;
	v26 =	vld.idx.msk [tilespmem:v30+s12+$0x0], $0xffff  }
0x1dc: {  	v7 =	vmax.f32 v7, v63;
	v15 =	vsel vm13, $0x43, v15;
	v41 =	vor.u32 $0x46, v4  }
0x1dd: {  	vm5 =	vgt.f32 v20, v8;
	v8 =	vmax.f32 v8, v20;
	v22 =	vld.idx.msk [tilespmem:v48+s12+$0x0], $0xffff;
	v51 =	vpop (erf);
	(erf) = vpow2.f32 v49  }
0x1de: {  	v48 =	vor.u32 $0x5B, v4;
	v13 =	vsel vm10, $0x40, v13;
	v19 =	vld.idx.msk [tilespmem:v36+s12+$0x0], $0xffff;
	(erf) = vpow2.f32 v50;
	v55 =	vpop (erf)  }
0x1df: {  	v15 =	vsel vm5, $0x47, v15;
	v30 =	vor.u32 $0x5F, v4;
	v57 =	vpop (erf);
	(erf) = vpow2.f32 v58  }
0x1e0: {  	v9 =	vadd.f32 v44, v9;
	v10 =	vadd.f32 v47, v10;
	v44 =	vmul.f32 $1.442695020e+00, v26  }
0x1e1: {  	v47 =	vld.idx.msk [tilespmem:v41+s12+$0x0], $0xffff;
	vm12 =	vgt.f32 v26, v6;
	v6 =	vmax.f32 v6, v26;
	v62 =	vpop (erf);
	(erf) = vpow2.f32 v60  }
0x1e2: {  	v41 =	vor.u32 $0x4F, v4;
	v11 =	vadd.f32 v51, v11;
	v51 =	vor.u32 $0x49, v4  }
0x1e3: {  	v16 =	vsel vm12, $0x42, v16;
	v12 =	vadd.f32 v55, v12;
	vm14 =	vgt.f32 v19, v7  }
0x1e4: {  	v50 =	vmul.f32 $1.442695020e+00, v19;
	v7 =	vmax.f32 v7, v19;
	v13 =	vsel vm14, $0x44, v13  }
0x1e5: {  	vm6 =	vgt.f32 v56, v7;
	v9 =	vadd.f32 v57, v9;
	(erf) = vpow2.f32 v61  }
0x1e6: {  	v55 =	vmul.f32 $1.442695020e+00, v47;
	v57 =	vor.u32 $0x4A, v4;
	vm4 =	vgt.f32 v47, v6;
	v31 =	vpop (erf)  }
0x1e7: {  	v6 =	vmax.f32 v6, v47;
	v47 =	vld.idx.msk [tilespmem:v41+s12+$0x0], $0xffff;
	v41 =	vor.u32 $0x58, v4;
	v34 =	vpop (erf);
	(erf) = vpow2.f32 v35  }
0x1e8: {  	v7 =	vmax.f32 v7, v56;
	v13 =	vsel vm6, $0x48, v13;
	v58 =	vld.idx.msk [tilespmem:v51+s12+$0x0], $0xffff;
	v39 =	vpop (erf);
	(erf) = vpow2.f32 v37  }
0x1e9: {  	v16 =	vsel vm4, $0x46, v16;
	v60 =	vmul.f32 $1.442695020e+00, v20;
	v10 =	vadd.f32 v62, v10  }
0x1ea: {  	v61 =	vor.u32 $0x4B, v4;
	v62 =	vor.u32 $0x4C, v4;
	v42 =	vpop (erf);
	(erf) = vpow2.f32 v40  }
0x1eb: {  	v11 =	vadd.f32 v31, v11;
	v31 =	vmul.f32 $1.442695020e+00, v56;
	v17 =	vld.idx.msk [tilespmem:v57+s12+$0x0], $0xffff;
	v35 =	vor.u32 $0x4D, v4  }
0x1ec: {  	v56 =	vmul.f32 $1.442695020e+00, v47;
	v57 =	vor.u32 $0x54, v4;
	v19 =	vld.idx.msk [tilespmem:v41+s12+$0x0], $0xffff;
	v41 =	vor.u32 $0x61, v4  }
0x1ed: {  	v18 =	vld.idx.msk [tilespmem:v38+s12+$0x0], $0xffff;
	v12 =	vadd.f32 v34, v12;
	v33 =	vmul.f32 $1.442695020e+00, v58;
	vm7 =	vgt.f32 v58, v5  }
0x1ee: {  	v5 =	vmax.f32 v5, v58;
	v14 =	vsel vm7, $0x49, v14;
	v43 =	vpop (erf);
	(erf) = vpow2.f32 v44  }
0x1ef: {  	v9 =	vadd.f32 v39, v9;
	v34 =	vld.idx.msk [tilespmem:v61+s12+$0x0], $0xffff;
	v61 =	vor.u32 $0x55, v4;
	(erf) = vpow2.f32 v46  }
0x1f0: {  	v37 =	vld.idx.msk [tilespmem:v62+s12+$0x0], $0xffff;
	v62 =	vmul.f32 $1.442695020e+00, v22;
	vm8 =	vgt.f32 v17, v6;
	v49 =	vpop (erf);
	(erf) = vpow2.f32 v50  }
0x1f1: {  	v26 =	vld.idx.msk [tilespmem:v35+s12+$0x0], $0xffff;
	v6 =	vmax.f32 v6, v17;
	v35 =	vor.u32 $0x57, v4;
	v52 =	vpop (erf);
	(erf) = vpow2.f32 v53  }
0x1f2: {  	v29 =	vmul.f32 $1.442695020e+00, v19;
	v16 =	vsel vm8, $0x4A, v16;
	vm12 =	vgt.f32 v18, v6  }
0x1f3: {  	v6 =	vmax.f32 v6, v18;
	v40 =	vmul.f32 $1.442695020e+00, v17;
	v54 =	vpop (erf);
	(erf) = vpow2.f32 v55  }
0x1f4: {  	v16 =	vsel vm12, $0x4E, v16;
	v10 =	vadd.f32 v42, v10;
	v11 =	vadd.f32 v43, v11  }
0x1f5: {  	v42 =	vmul.f32 $1.442695020e+00, v34;
	v44 =	vmul.f32 $1.442695020e+00, v37;
	vm9 =	vgt.f32 v34, v8  }
0x1f6: {  	v51 =	vld.idx.msk [tilespmem:v45+s12+$0x0], $0xffff;
	v8 =	vmax.f32 v8, v34;
	vm10 =	vgt.f32 v37, v7;
	v7 =	vmax.f32 v7, v37  }
0x1f7: {  	v12 =	vadd.f32 v49, v12;
	v50 =	vmul.f32 $1.442695020e+00, v26;
	v15 =	vsel vm9, $0x4B, v15;
	v59 =	vpop (erf)  }
0x1f8: {  	v9 =	vadd.f32 v52, v9;
	v52 =	vor.u32 $0x52, v4;
	v63 =	vpop (erf);
	(erf) = vpow2.f32 v60  }
0x1f9: {  	v13 =	vsel vm10, $0x4C, v13;
	vm11 =	vgt.f32 v26, v5;
	v32 =	vpop (erf);
	(erf) = vpow2.f32 v31  }
0x1fa: {  	v5 =	vmax.f32 v5, v26;
	vm13 =	vgt.f32 v47, v8;
	v36 =	vpop (erf);
	(erf) = vpow2.f32 v33  }
0x1fb: {  	v8 =	vmax.f32 v8, v47;
	vm14 =	vgt.f32 v51, v7;
	v7 =	vmax.f32 v7, v51  }
0x1fc: {  	v10 =	vadd.f32 v54, v10;
	v54 =	vor.u32 $0x53, v4;
	v39 =	vpop (erf);
	(erf) = vpow2.f32 v40  }
0x1fd: {  	v14 =	vsel vm11, $0x4D, v14;
	v15 =	vsel vm13, $0x4F, v15;
	v25 =	vld.idx.msk [tilespmem:v52+s12+$0x0], $0xffff;
	(erf) = vpow2.f32 v42  }
0x1fe: {  	v13 =	vsel vm14, $0x50, v13;
	vm15 =	vgt.f32 v22, v5;
	v12 =	vadd.f32 v63, v12;
	v63 =	vld.idx.msk [tilespmem:v57+s12+$0x0], $0xffff  }
0x1ff: {  	v5 =	vmax.f32 v5, v22;
	v53 =	vmul.f32 $1.442695020e+00, v18;
	(erf) = vpow2.f32 v44  }
0x200: {  	v14 =	vsel vm15, $0x51, v14;
	v11 =	vadd.f32 v59, v11;
	v59 =	vmul.f32 $1.442695020e+00, v51  }
0x201: {  	v52 =	vor.u32 $0x5C, v4;
	v9 =	vadd.f32 v32, v9;
	v32 =	vor.u32 $0x56, v4;
	v17 =	vld.idx.msk [tilespmem:v54+s12+$0x0], $0xffff;
	v43 =	vpop (erf)  }
0x202: {  	v10 =	vadd.f32 v36, v10;
	v36 =	vld.idx.msk [tilespmem:v61+s12+$0x0], $0xffff;
	v34 =	vmul.f32 $1.442695020e+00, v25;
	vm4 =	vgt.f32 v25, v6;
	v46 =	vpop (erf)  }
0x203: {  	v6 =	vmax.f32 v6, v25;
	vm2 =	vgt.f32 v63, v7;
	v49 =	vpop (erf);
	(erf) = vpow2.f32 v50  }
0x204: {  	v7 =	vmax.f32 v7, v63;
	v16 =	vsel vm4, $0x52, v16;
	v13 =	vsel vm2, $0x54, v13  }
0x205: {  	vm8 =	vgt.f32 v19, v7;
	v7 =	vmax.f32 v7, v19;
	v55 =	vpop (erf);
	(erf) = vpow2.f32 v53  }
0x206: {  	v11 =	vadd.f32 v39, v11;
	v39 =	vmul.f32 $1.442695020e+00, v63;
	v58 =	vpop (erf);
	(erf) = vpow2.f32 v56  }
0x207: {  	v24 =	vld.idx.msk [tilespmem:v32+s12+$0x0], $0xffff;
	v13 =	vsel vm8, $0x58, v13;
	v38 =	vmul.f32 $1.442695020e+00, v17;
	v27 =	vmul.f32 $1.442695020e+00, v36  }
0x208: {  	v44 =	vor.u32 $0x59, v4;
	vm1 =	vgt.f32 v17, v8;
	v60 =	vpop (erf);
	(erf) = vpow2.f32 v59  }
0x209: {  	v42 =	vld.idx.msk [tilespmem:v35+s12+$0x0], $0xffff;
	v8 =	vmax.f32 v8, v17;
	vm5 =	vgt.f32 v36, v5;
	(erf) = vpow2.f32 v62  }
0x20a: {  	v5 =	vmax.f32 v5, v36;
	v9 =	vadd.f32 v46, v9;
	v46 =	vor.u32 $0x5A, v4  }
0x20b: {  	v12 =	vadd.f32 v43, v12;
	v15 =	vsel vm1, $0x53, v15;
	v14 =	vsel vm5, $0x55, v14  }
0x20c: {  	v45 =	vmul.f32 $1.442695020e+00, v24;
	vm6 =	vgt.f32 v24, v6;
	v33 =	vpop (erf);
	(erf) = vpow2.f32 v34  }
0x20d: {  	v6 =	vmax.f32 v6, v24;
	v10 =	vadd.f32 v49, v10;
	v51 =	vld.idx.msk [tilespmem:v44+s12+$0x0], $0xffff;
	v53 =	vor.u32 $0x5D, v4  }
0x20e: {  	v17 =	vld.idx.msk [tilespmem:v41+s12+$0x0], $0xffff;
	v49 =	vmul.f32 $1.442695020e+00, v42;
	vm7 =	vgt.f32 v42, v8;
	v8 =	vmax.f32 v8, v42;
	v37 =	vpop (erf)  }
0x20f: {  	v16 =	vsel vm6, $0x56, v16;
	v11 =	vadd.f32 v55, v11;
	v55 =	vld.idx.msk [tilespmem:v46+s12+$0x0], $0xffff;
	v40 =	vpop (erf);
	(erf) = vpow2.f32 v38  }
0x210: {  	v15 =	vsel vm7, $0x57, v15;
	v56 =	vor.u32 $0x5E, v4;
	v59 =	vld.idx.msk [tilespmem:v52+s12+$0x0], $0xffff;
	(erf) = vpow2.f32 v39  }
0x211: {  	v12 =	vadd.f32 v58, v12;
	v9 =	vadd.f32 v60, v9;
	v43 =	vpop (erf);
	(erf) = vpow2.f32 v27  }
0x212: {  	v58 =	vmul.f32 $1.442695020e+00, v51;
	vm9 =	vgt.f32 v51, v5;
	v21 =	vld.idx.msk [tilespmem:v53+s12+$0x0], $0xffff;
	v47 =	vpop (erf);
	(erf) = vpow2.f32 v45  }
0x213: {  	v5 =	vmax.f32 v5, v51;
	v51 =	vmul.f32 $1.442695020e+00, v17;
	v14 =	vsel vm9, $0x59, v14  }
0x214: {  	v10 =	vadd.f32 v33, v10;
	v61 =	vmul.f32 $1.442695020e+00, v55;
	vm10 =	vgt.f32 v55, v6  }
0x215: {  	v6 =	vmax.f32 v6, v55;
	v35 =	vmul.f32 $1.442695020e+00, v59;
	v27 =	vld.idx.msk [tilespmem:v48+s12+$0x0], $0xffff;
	v50 =	vpop (erf);
	(erf) = vpow2.f32 v49  }
0x216: {  	v62 =	vld.idx.msk [tilespmem:v56+s12+$0x0], $0xffff;
	v16 =	vsel vm10, $0x5A, v16;
	vm12 =	vgt.f32 v59, v7;
	v7 =	vmax.f32 v7, v59  }
0x217: {  	v33 =	vld.idx.msk [tilespmem:v30+s12+$0x0], $0xffff;
	v13 =	vsel vm12, $0x5C, v13;
	v11 =	vadd.f32 v37, v11;
	v36 =	vmul.f32 $1.442695020e+00, v21  }
0x218: {  	vm13 =	vgt.f32 v21, v5;
	v5 =	vmax.f32 v5, v21;
	v12 =	vadd.f32 v40, v12;
	v54 =	vpop (erf)  }
0x219: {  	v40 =	vor.u32 $0x60, v4;
	v9 =	vadd.f32 v43, v9;
	v57 =	vpop (erf);
	(erf) = vpow2.f32 v29  }
0x21a: {  	v43 =	vor.u32 $0x62, v4;
	v32 =	vmul.f32 $1.442695020e+00, v27;
	v60 =	vpop (erf);
	(erf) = vpow2.f32 v58  }
0x21b: {  	v37 =	vmul.f32 $1.442695020e+00, v62;
	v4 =	vor.u32 $0x63, v4;
	v63 =	vpop (erf);
	(erf) = vpow2.f32 v61  }
0x21c: {  	v38 =	vmul.f32 $1.442695020e+00, v33;
	vm14 =	vgt.f32 v62, v6;
	(erf) = vpow2.f32 v32  }
0x21d: {  	v6 =	vmax.f32 v6, v62;
	v14 =	vsel vm13, $0x5D, v14;
	(erf) = vpow2.f32 v35  }
0x21e: {  	vm5 =	vgt.f32 v17, v5;
	v5 =	vmax.f32 v5, v17;
	v20 =	vld.idx.msk [tilespmem:v40+s12+$0x0], $0xffff;
	v34 =	vpop (erf);
	(erf) = vpow2.f32 v36  }
0x21f: {  	v16 =	vsel vm14, $0x5E, v16;
	v14 =	vsel vm5, $0x61, v14;
	v19 =	vld.idx.msk [tilespmem:v43+s12+$0x0], $0xffff;
	(erf) = vpow2.f32 v37  }
0x220: {  	v10 =	vadd.f32 v47, v10;
	vm11 =	vgt.f32 v27, v8;
	v8 =	vmax.f32 v8, v27;
	v4 =	vld.idx.msk [tilespmem:v4+s12+$0x0], $0xffff  }
0x221: {  	v11 =	vadd.f32 v50, v11;
	v15 =	vsel vm11, $0x5B, v15;
	vm15 =	vgt.f32 v33, v8  }
0x222: {  	v8 =	vmax.f32 v8, v33;
	v15 =	vsel vm15, $0x5F, v15;
	v12 =	vadd.f32 v54, v12;
	v39 =	vpop (erf)  }
0x223: {  	v9 =	vadd.f32 v57, v9;
	v49 =	vmul.f32 $1.442695020e+00, v20;
	vm4 =	vgt.f32 v20, v7;
	v42 =	vpop (erf)  }
0x224: {  	v7 =	vmax.f32 v7, v20;
	v10 =	vadd.f32 v60, v10;
	v52 =	vmul.f32 $1.442695020e+00, v19;
	v44 =	vpop (erf)  }
0x225: {  	v53 =	vmul.f32 $1.442695020e+00, v4;
	v13 =	vsel vm4, $0x60, v13;
	(erf) = vpow2.f32 v38;
	v45 =	vpop (erf)  }
0x226: {  	vm6 =	vgt.f32 v19, v6;
	v6 =	vmax.f32 v6, v19;
	(erf) = vpow2.f32 v49;
	v46 =	vpop (erf)  }
0x227: {  	vm7 =	vgt.f32 v4, v8;
	vm8 =	veq.f32 v5, v7;
	(erf) = vpow2.f32 v51;
	v47 =	vpop (erf)  }
0x228: {  	v4 =	vmax.f32 v8, v4;
	vm9 =	vgt.f32 v5, v7;
	v48 =	vpop (erf);
	(erf) = vpow2.f32 v52  }
0x229: {  	v11 =	vadd.f32 v63, v11;
	v16 =	vsel vm6, $0x62, v16;
	(erf) = vpow2.f32 v53  }
0x22a: {  	v15 =	vsel vm7, $0x63, v15;
	vm1 =	vlt.u32 v14, v13;
	vm10 =	veq.f32 v4, v6  }
0x22b: {  	vm12 =	vgt.f32 v4, v6;
	vm0 =	vmand vm8, vm1;
	vm11 =	vlt.u32 v15, v16  }
0x22c: {  	v12 =	vadd.f32 v34, v12;
	vm0 =	vmor vm9, vm0;
	vm1 =	vmand vm10, vm11  }
0x22d: {  	v5 =	vsel vm0, v5, v7;
	vm1 =	vmor vm12, vm1;
	v58 =	vsel vm0, v14, v13  }
0x22e: {  	v4 =	vsel vm1, v4, v6;
	v9 =	vadd.f32 v39, v9;
	v10 =	vadd.f32 v42, v10;
	v50 =	vpop (erf)  }
0x22f: {  	v59 =	vsel vm1, v15, v16;
	v11 =	vadd.f32 v44, v11;
	v12 =	vadd.f32 v45, v12;
	v54 =	vpop (erf)  }
0x230: {  	vm13 =	veq.f32 v4, v5;
	v9 =	vadd.f32 v46, v9;
	v10 =	vadd.f32 v47, v10;
	v55 =	vpop (erf)  }
0x231: {  	vm1 =	vlt.u32 v59, v58;
	v11 =	vadd.f32 v48, v11;
	v12 =	vadd.f32 v50, v12;
	v57 =	vpop (erf)  }
0x232: {  	vm14 =	vgt.f32 v4, v5;
	v8 =	vadd.f32 v54, v9;
	v56 =	vadd.f32 v55, v10;
	v60 =	vpop (erf)  }
0x233: {  	vm0 =	vmand vm13, vm1;
	v7 =	vadd.f32 v57, v11;
	v11 =	vadd.f32 v60, v12  }
0x234: {  	vm0 =	vmor vm14, vm0  }
0x235: {  	v4 =	vsel vm0, v4, v5;
	v5 =	vadd.f32 v56, v8;
	v7 =	vadd.f32 v11, v7  }
0x236: {  	v4 =	vmul.f32 $1.442695020e+00, v4  }
0x237: {  	v5 =	vadd.f32 v7, v5  }
0x238: {  	(erf) = vpow2.f32 v4  }
0x239: {  	(erf) = vrcp.f32 v5;
	_ =	sdelay $0x7  }
0x23a: {  	v4 =	vpop (erf)  }
0x23b: {  	v5 =	vpop (erf)  }
0x23c: {  	v4 =	vmul.f32 v4, v5;
	_ =	sdelay $0x1  }
0x23d: {  	v5 =	vmul.f32 $1.500000000e+01, v4;
	_ =	sdelay $0x1  }
0x23e: {  	v61 =	vtrunc.f32 v5  }
0x23f: {  	v62 =	vcvt.f32.s32 v61;
	vm15 =	veq.f32 v5, v61  }
0x240: {  	v5 =	vld [tilespmem:s21+$0x0];
	v7 =	vsel vm15, $0xFFFFFFFF, v2  }
0x241: {  	v7 =	vadd.s32 v62, v7  }
0x242: {  	v8 =	vadd.s32 $0x10, v7  }
0x243: {  	p0 =	sne.s32 s20, $0x180;
	v63 =	vadd.s32 $0x20, v7  }
.Ltmp1:
0x244: {  	v6 =	vsel vm0, v59, v58;
	(pc) =	sbr.rel @p0 .LBB2_5-.Ltmp1, $4  }
0x245: {  	vm0 =	veq.s32 v6, v5  }
0x246: {  	v5 =	vsel vm0, $0x3F800000, v0;
	[tilespmem:v7+s15+$0x0] =	vst.idx.add.f32.msk $0xffff, v3  }
0x247: {  	[tilespmem:v8+s15+$0x0] =	vst.idx.add.f32.msk $0xffff, v5  }
0x248: {  	s20 =	sadd.s32 $0x10, s20;
	s21 =	sadd.s32 $0x10, s21;
	[tilespmem:v63+s15+$0x0] =	vst.idx.add.f32.msk $0xffff, v4  }
0x249: {  	s19 =	sadd.s32 $0x1, s19  }
0x24a: {  	p0 =	sne.s32 s19, $0x5  }
.Ltmp2:
0x24b: {  	_ = 	snop;
	(pc) =	sbr.rel @p0 .LBB2_2-.Ltmp2, $1  }
0x24c: {  	_ =	sdelay $0x3  }
0x24d: {  	s18 =	sadd.s32 $0x1, s18  }
0x24e: {  	p0 =	sne.s32 s18, s10  }
.Ltmp3:
0x24f: {  	_ = 	snop;
	(pc) =	sbr.rel @p0 .LBB2_1-.Ltmp3, $4  }
0x250: {  	[hbm4b:s9+s3] =	stream.linear.scatter [tilespmem:s15], [sflag:$0x3], $0x80, $0x38;
	[tilespmem:$0x19480] =	vst v63  }
0x251: {  	_ =	swait.ge [sflag:s17], $0x80  }
0x252: {  	[sflag:s17] =	ssyncset.done $0x0  }
0x253: {  	[sflag:s17] =	ssyncadd.s32 $0xFFFFFF80  }
0x254: {  	_ =	sfence.sel $0x180000  }
0x255: {  	[bflag:$0x0] =	sbarrier.arrive $0xFFFF  }
0x256: {  	p0 =	sne.s32 s0, $0x0;
	_ =	strace $0x90000047  }
0x257: {  	s0 =	sadd.s32 @!p0 $0x100000, s1;
	[bflag:$0x2] =	sbarrier.arrive $0xFFFF  }
0x258: {  	[sflag:s0] =	ssyncadd.tile.s32 @!p0 $0x1;
	_ =	shalt  }
.Lfunc_end2:
_tile_overlayer_lowered:
.L_overlay_start_2:
0x259: {  	(tag) =	ssettag $0x2  }
0x25a: {  	s0 =	rddreg [dreg:$0x0];
	s2 =	stileid.u32  }
0x25b: {  	s1 =	rddreg [dreg:$0x1];
	p0 =	sne.s32 s2, $0x0  }
0x25c: {  	s3 =	rddreg [dreg:$0x2];
	[bflag:$0x3] =	sbarrier.arrive $0xFFFF;
	s2 =	simm.s32 @!p0 $0x1C03  }
0x25d: {  	[timem:s3], [sflag:s2] =	dma.local @!p0 [hbm:s0], s1  }
0x25e: {  	s0 =	simm.s32 @!p0 $0x3  }
0x25f: {  	_ =	swait.ge @!p0 [sflag:s0], s1  }
0x260: {  	s1 =	ssub.s32 @!p0 $0x0, s1;
	[sflag:s0] =	ssyncset.done @!p0 $0x0  }
0x261: {  	[sflag:s0] =	ssyncadd.s32 @!p0 s1  }
0x262: {  	[bflag:$0x3] =	sbarrier.arrive $0xFFFF  }
0x263: {  	_ =	shalt  }

</sc_bundles>
